<compile_context>
chip_gen: v7x
topology: tpu7x:2x2x1
jax: 0.10.2.dev20260603
libtpu: 0.0.44.dev20260713+nightly
codegen_flags: <defaults>
</compile_context>

<pallas_src>
import functools
import math

import jax
import jax.numpy as jnp
from jax import lax
from jax.experimental import pallas as pl
from jax.experimental.pallas import tpu as pltpu
from jax.experimental.pallas import tpu_sc as plsc

NPRED = 1_000_000
BATCH = 16384
DUR_N = 11
TOTAL = float(DUR_N - 1)

_PSTR = 7936
_PROWS = _PSTR * 128
_VR = 2 * _PSTR
_PW = _PSTR * 256

_NC, _NS = 2, 16
_NW = _NC * _NS
_BPW = BATCH // _NW

_EPS = float(jnp.finfo(jnp.float32).eps)
_LOGC = [
    math.lgamma(DUR_N) - math.lgamma(j + 1.0) - math.lgamma(TOTAL - j + 1.0)
    for j in range(DUR_N)
]


def _gather_sc(view1d, idx1, idx2):
    mesh = plsc.VectorSubcoreMesh(core_axis_name="c", subcore_axis_name="s")

    @functools.partial(
        pl.kernel,
        mesh=mesh,
        out_type=jax.ShapeDtypeStruct((4, 128, 128), jnp.float32),
        scratch_types=[
            pltpu.VMEM((_BPW,), jnp.int32),
            pltpu.VMEM((4, 4, 128), jnp.int32),
            pltpu.VMEM((16, 128), jnp.float32),
            pltpu.SemaphoreType.DMA,
        ],
    )
    def kg(tab, i1, i2, g_out, raw_v, adr_v, rows_v, sem):
        wid = lax.axis_index("s") * _NC + lax.axis_index("c")
        for t, src in enumerate((i1, i2)):
            pltpu.sync_copy(src.at[pl.ds(wid * _BPW, _BPW)], raw_v)
            for i in range(_BPW // 16):
                v = raw_v[pl.ds(i * 16, 16)]
                a0 = (v >> 7) * 256 + (v & 127)
                rr, cc = i // 8, (i % 8) * 16
                adr_v[2 * t, rr, pl.ds(cc, 16)] = a0
                adr_v[2 * t + 1, rr, pl.ds(cc, 16)] = a0 + 128
        gd = [
            pltpu.async_copy(tab.at[adr_v.at[r, j]], rows_v.at[4 * r + j],
                             sem)
            for r in range(4) for j in range(4)
        ]
        for d in gd:
            d.wait()
        for r in range(4):
            pltpu.sync_copy(rows_v.at[pl.ds(4 * r, 4), :],
                            g_out.at[r, pl.ds(wid * 4, 4), :])

    return kg(view1d, idx1, idx2)


def _small_body(m_ref, k_ref, g_ref,
                b1_ref, d1_ref, b2_ref, d2_ref, q1_ref, q2_ref):
    minv = m_ref[0, 0]
    kk = k_ref[0, 0]
    for t, (b_ref, d_ref, q_ref) in enumerate(
            ((b1_ref, d1_ref, q1_ref), (b2_ref, d2_ref, q2_ref))):
        a = g_ref[2 * t]
        d = g_ref[2 * t + 1]
        dur = d * d
        b_ref[...] = a * a - minv
        d_ref[...] = dur
        x = kk * jnp.log(dur)
        p = jax.nn.sigmoid(x)
        p = jnp.clip(p, _EPS, 1.0 - _EPS)
        logits = jnp.log(p) - jnp.log1p(-p)
        neg_max = jnp.minimum(logits, 0.0)
        base = TOTAL * neg_max - TOTAL * jnp.log(
            jnp.exp(neg_max) + jnp.exp(-logits + neg_max))
        for j in range(DUR_N):
            q_ref[j // 8, :, j % 8, :] = _LOGC[j] + float(j) * logits + base
        for j in range(DUR_N, 16):
            q_ref[j // 8, :, j % 8, :] = jnp.zeros_like(base)


def kernel(idx1, idx2, pred_tensor, k):
    padded = jnp.pad(pred_tensor, ((0, _PROWS - NPRED), (0, 0)),
                     constant_values=jnp.inf)
    viewp = (padded.reshape(_PSTR, 128, 2)
             .transpose(0, 2, 1)
             .reshape(_VR, 128))
    view1d = viewp.reshape(_PW)

    g = _gather_sc(view1d, idx1, idx2)

    def _minanch_one(x_ref, o_ref, mo_ref):
        x = x_ref[...]
        sq = x * x
        row = lax.broadcasted_iota(jnp.int32, x.shape, 0)
        m = jnp.min(jnp.where(row % 2 == 0, sq, jnp.inf))
        mo_ref[0, 0] = m
        o_ref[...] = jnp.where(row % 2 == 0, sq - m, sq)

    anch_v, minv = pl.pallas_call(
        _minanch_one,
        in_specs=[pl.BlockSpec((_VR, 128), lambda: (0, 0))],
        out_specs=[
            pl.BlockSpec((_VR, 128), lambda: (0, 0)),
            pl.BlockSpec(memory_space=pltpu.SMEM),
        ],
        out_shape=[
            jax.ShapeDtypeStruct((_VR, 128), jnp.float32),
            jax.ShapeDtypeStruct((1, 1), jnp.float32),
        ],
    )(viewp)

    anchored = (anch_v.reshape(_PSTR, 2, 128)
                .transpose(0, 2, 1)
                .reshape(_PROWS, 2)[:NPRED])

    k2 = k.reshape(1, 1)
    b1, d1, b2, d2, q1, q2 = pl.pallas_call(
        _small_body,
        in_specs=[
            pl.BlockSpec(memory_space=pltpu.SMEM),
            pl.BlockSpec(memory_space=pltpu.SMEM),
            pl.BlockSpec((4, 128, 128), lambda: (0, 0, 0)),
        ],
        out_specs=[
            pl.BlockSpec((128, 128), lambda: (0, 0)),
            pl.BlockSpec((128, 128), lambda: (0, 0)),
            pl.BlockSpec((128, 128), lambda: (0, 0)),
            pl.BlockSpec((128, 128), lambda: (0, 0)),
            pl.BlockSpec((2, 128, 8, 128), lambda: (0, 0, 0, 0)),
            pl.BlockSpec((2, 128, 8, 128), lambda: (0, 0, 0, 0)),
        ],
        out_shape=[
            jax.ShapeDtypeStruct((128, 128), jnp.float32),
            jax.ShapeDtypeStruct((128, 128), jnp.float32),
            jax.ShapeDtypeStruct((128, 128), jnp.float32),
            jax.ShapeDtypeStruct((128, 128), jnp.float32),
            jax.ShapeDtypeStruct((2, 128, 8, 128), jnp.float32),
            jax.ShapeDtypeStruct((2, 128, 8, 128), jnp.float32),
        ],
    )(minv, k2, g)

    p1 = (q1.transpose(0, 2, 1, 3).reshape(16, BATCH).T)[:, :DUR_N]
    p2 = (q2.transpose(0, 2, 1, 3).reshape(16, BATCH).T)[:, :DUR_N]

    return (
        b1.reshape(BATCH),
        d1.reshape(BATCH),
        b2.reshape(BATCH),
        d2.reshape(BATCH),
        p1,
        p2,
        anchored,
    )

# --- scband reference (transcript-rebuilt; emitter-appended) ---
"""Pipeline reference for scband-timeline-model-75720273429098 (READ-ONLY COPY).

The authoritative reference and input builder live on the scoring server;
editing this copy changes nothing except your own understanding.
"""

import jax, jax.numpy as jnp
import numpy as np

NUM_PREDS = 1000000
BATCH = 16384
DUR_OUT = 11


def setup_inputs(seed: int = 0) -> dict:
    key = jax.random.key(seed)
    k1, k2, k3, k4 = jax.random.split(key, 4)
    idx1 = jax.random.randint(k1, (BATCH,), 0, NUM_PREDS, dtype=jnp.int64 if jax.config.jax_enable_x64 else jnp.int32)
    idx2 = jax.random.randint(k2, (BATCH,), 0, NUM_PREDS, dtype=jnp.int64 if jax.config.jax_enable_x64 else jnp.int32)
    pred_tensor = jax.random.normal(k3, (NUM_PREDS, 2), dtype=jnp.float32)
    k = jax.random.normal(k4, (1,), dtype=jnp.float32)
    return {"idx1": idx1, "idx2": idx2, "pred_tensor": pred_tensor, "k": k}


def _binomial_log_prob(logits, total_count, value):
    # Faithful to torch.distributions.Binomial.log_prob (lgamma + log-sum-exp form)
    log_factorial_n = jax.lax.lgamma(total_count + 1.0)
    log_factorial_k = jax.lax.lgamma(value + 1.0)
    log_factorial_nmk = jax.lax.lgamma(total_count - value + 1.0)
    max_val = jnp.maximum(-logits, 0.0)
    return (log_factorial_n - log_factorial_k - log_factorial_nmk
            + value * logits + total_count * (-max_val)
            - total_count * jnp.log(jnp.exp(-max_val) + jnp.exp(-logits - max_val)))


def _binomial_dist(pred_dur, k):
    # probs = sigmoid(k * log(dur)); torch converts probs -> logits internally
    p = jax.nn.sigmoid(k * jnp.log(pred_dur))
    eps = jnp.finfo(p.dtype).eps
    p = jnp.clip(p, eps, 1.0 - eps)
    logits = jnp.log(p) - jnp.log1p(-p)
    B = logits.shape[0]
    durations = jnp.arange(DUR_OUT, dtype=jnp.float32)
    value = jnp.tile(durations[None, :], (B, 1))
    logits2 = jnp.tile(logits[:, None], (1, DUR_OUT))
    total_count = jnp.full((B, DUR_OUT), float(DUR_OUT - 1), dtype=jnp.float32)
    return _binomial_log_prob(logits2, total_count, value)


def reference(idx1, idx2, pred_tensor, k):
    t_sq = pred_tensor ** 2
    anchored = jnp.stack([t_sq[:, 0] - jnp.min(t_sq[:, 0]), t_sq[:, 1]], axis=1)
    g1 = jnp.take(anchored, idx1, axis=0)
    g2 = jnp.take(anchored, idx2, axis=0)
    b1 = g1[:, 0]
    dur1 = g1[:, 1]
    b2 = g2[:, 0]
    dur2 = g2[:, 1]
    pred1_dur = _binomial_dist(dur1, k)
    pred2_dur = _binomial_dist(dur2, k)
    return (b1, dur1, b2, dur2, pred1_dur, pred2_dur, anchored)

if __name__ == "__main__":
    import jax
    _d = setup_inputs()
    print(jax.jit(kernel)(*tuple(_d.values())))

</pallas_src>

<mosaic_0001>
#map = affine_map<(d0, d1) -> (0)>
#map1 = affine_map<(d0, d1) -> (0, 0, 0)>
module attributes {stable_mosaic.version = 14 : i64} {
  func.func @kg(%arg0: i32, %arg1: i32, %arg2: memref<2031616xf32, #tpu.memory_space<hbm>>, %arg3: memref<16384xi32, #tpu.memory_space<hbm>>, %arg4: memref<16384xi32, #tpu.memory_space<hbm>>, %arg5: memref<4x128x128xf32, #tpu.memory_space<hbm>>, %arg6: memref<512xi32, #tpu.memory_space<vmem>>, %arg7: memref<4x4x128xi32, #tpu.memory_space<vmem>>, %arg8: memref<16x128xf32, #tpu.memory_space<vmem>>, %arg9: memref<!tpu.dma_semaphore, #tpu.memory_space<semaphore_mem>>) attributes {dimension_semantics = [#tpu.dimension_semantics<core_parallel>, #tpu.dimension_semantics<subcore_parallel>], iteration_bounds = array<i64: 2, 16>, scalar_prefetch = 0 : i64, scratch_operands = 4 : i64, tpu.core_type = #tpu.core_type<sc_vector_subcore>, window_params = [{transform_indices = #map}, {transform_indices = #map}, {transform_indices = #map}, {transform_indices = #map1}]} {
    %mul3A = arith.constant 2 : i32
    %mul3A_0 = arith.muli %arg1, %mul3A : i32
    %add3A = arith.addi %mul3A_0, %arg0 : i32
    %mul3A_1 = arith.constant 512 : i32
    %mul3A_2 = arith.muli %add3A, %mul3A_1 : i32
    "tpu.region"() ({
      %run_scoped3A_2410 = tpu.sem_alloc : memref<!tpu.dma_semaphore, #tpu.memory_space<semaphore_mem>>
      %dma_start3A_2411 = tpu.memref_slice %arg3[%mul3A_2] : memref<16384xi32, #tpu.memory_space<hbm>> -> memref<512xi32, #tpu.memory_space<hbm>>
      %dma_start3A_2412 = tpu.memref_slice %arg3[%mul3A_2] : memref<16384xi32, #tpu.memory_space<hbm>> -> memref<512xi32, #tpu.memory_space<hbm>>
      tpu.enqueue_dma source(%dma_start3A_2412 : memref<512xi32, #tpu.memory_space<hbm>>) target(%arg6 : memref<512xi32, #tpu.memory_space<vmem>>) target_semaphore(%run_scoped3A_2410 : memref<!tpu.dma_semaphore, #tpu.memory_space<semaphore_mem>>)
      %dma_wait3A_2413 = tpu.memref_slice %arg3[%mul3A_2] : memref<16384xi32, #tpu.memory_space<hbm>> -> memref<512xi32, #tpu.memory_space<hbm>>
      %dma_wait3A_2414 = tpu.memref_slice %arg3[%mul3A_2] : memref<16384xi32, #tpu.memory_space<hbm>> -> memref<512xi32, #tpu.memory_space<hbm>>
      tpu.wait_dma2 semaphore(%run_scoped3A_2410 : memref<!tpu.dma_semaphore, #tpu.memory_space<semaphore_mem>>) src(%dma_wait3A_2414 : memref<512xi32, #tpu.memory_space<hbm>>) dst(%arg6 : memref<512xi32, #tpu.memory_space<vmem>>)
      tpu.yield
    }) : () -> ()
    %get3A = arith.constant 0 : index
    %get3A_3 = tpu.vector_load %arg6[%get3A] {strides = array<i32>} : memref<512xi32, #tpu.memory_space<vmem>>, vector<16xi32>,
    %get3A_4 = vector.shape_cast %get3A_3 : vector<16xi32> to vector<16xi32>
    %shift_right_arithmetic3A = arith.constant 7 : i32
    %shift_right_arithmetic3A_5 = vector.broadcast %shift_right_arithmetic3A : i32 to vector<16xi32>
    %shift_right_arithmetic3A_6 = arith.shrsi %get3A_4, %shift_right_arithmetic3A_5 : vector<16xi32>
    %mul3A_7 = arith.constant 256 : i32
    %mul3A_8 = vector.broadcast %mul3A_7 : i32 to vector<16xi32>
    %mul3A_9 = arith.muli %shift_right_arithmetic3A_6, %mul3A_8 : vector<16xi32>
    %and3A = arith.constant 127 : i32
    %and3A_10 = vector.broadcast %and3A : i32 to vector<16xi32>
    %and3A_11 = arith.andi %get3A_4, %and3A_10 : vector<16xi32>
    %add3A_12 = arith.addi %mul3A_9, %and3A_11 : vector<16xi32>
    %swap3A = arith.constant 0 : i32
    %swap3A_13 = arith.constant 0 : i32
    %swap3A_14 = arith.index_cast %swap3A : i32 to index
    %swap3A_15 = arith.index_cast %swap3A_13 : i32 to index
    %swap3A_16 = arith.constant 0 : index
    %swap3A_17 = tpu.vector_load %arg7[%swap3A_14, %swap3A_15, %swap3A_16] {strides = array<i32>} : memref<4x4x128xi32, #tpu.memory_space<vmem>>, vector<1x1x16xi32>,
    %swap3A_18 = vector.shape_cast %swap3A_17 : vector<1x1x16xi32> to vector<16xi32>
    %swap3A_19 = vector.shape_cast %add3A_12 : vector<16xi32> to vector<1x1x16xi32>
    tpu.vector_store %arg7[%swap3A_14, %swap3A_15, %swap3A_16], %swap3A_19 {strides = array<i32>} : memref<4x4x128xi32, #tpu.memory_space<vmem>>, vector<1x1x16xi32>,
    %add3A_20 = arith.constant 128 : i32
    %add3A_21 = vector.broadcast %add3A_20 : i32 to vector<16xi32>
    %add3A_22 = arith.addi %add3A_12, %add3A_21 : vector<16xi32>
    %swap3A_23 = arith.constant 1 : i32
    %swap3A_24 = arith.constant 0 : i32
    %swap3A_25 = arith.index_cast %swap3A_23 : i32 to index
    %swap3A_26 = arith.index_cast %swap3A_24 : i32 to index
    %swap3A_27 = arith.constant 0 : index
    %swap3A_28 = tpu.vector_load %arg7[%swap3A_25, %swap3A_26, %swap3A_27] {strides = array<i32>} : memref<4x4x128xi32, #tpu.memory_space<vmem>>, vector<1x1x16xi32>,
    %swap3A_29 = vector.shape_cast %swap3A_28 : vector<1x1x16xi32> to vector<16xi32>
    %swap3A_30 = vector.shape_cast %add3A_22 : vector<16xi32> to vector<1x1x16xi32>
    tpu.vector_store %arg7[%swap3A_25, %swap3A_26, %swap3A_27], %swap3A_30 {strides = array<i32>} : memref<4x4x128xi32, #tpu.memory_space<vmem>>, vector<1x1x16xi32>,
    %get3A_31 = arith.constant 16 : index
    %get3A_32 = tpu.vector_load %arg6[%get3A_31] {strides = array<i32>} : memref<512xi32, #tpu.memory_space<vmem>>, vector<16xi32>,
    %get3A_33 = vector.shape_cast %get3A_32 : vector<16xi32> to vector<16xi32>
    %shift_right_arithmetic3A_34 = arith.constant 7 : i32
    %shift_right_arithmetic3A_35 = vector.broadcast %shift_right_arithmetic3A_34 : i32 to vector<16xi32>
    %shift_right_arithmetic3A_36 = arith.shrsi %get3A_33, %shift_right_arithmetic3A_35 : vector<16xi32>
    %mul3A_37 = arith.constant 256 : i32
    %mul3A_38 = vector.broadcast %mul3A_37 : i32 to vector<16xi32>
    %mul3A_39 = arith.muli %shift_right_arithmetic3A_36, %mul3A_38 : vector<16xi32>
    %and3A_40 = arith.constant 127 : i32
    %and3A_41 = vector.broadcast %and3A_40 : i32 to vector<16xi32>
    %and3A_42 = arith.andi %get3A_33, %and3A_41 : vector<16xi32>
    %add3A_43 = arith.addi %mul3A_39, %and3A_42 : vector<16xi32>
    %swap3A_44 = arith.constant 0 : i32
    %swap3A_45 = arith.constant 0 : i32
    %swap3A_46 = arith.index_cast %swap3A_44 : i32 to index
    %swap3A_47 = arith.index_cast %swap3A_45 : i32 to index
    %swap3A_48 = arith.constant 16 : index
    %swap3A_49 = tpu.vector_load %arg7[%swap3A_46, %swap3A_47, %swap3A_48] {strides = array<i32>} : memref<4x4x128xi32, #tpu.memory_space<vmem>>, vector<1x1x16xi32>,
    %swap3A_50 = vector.shape_cast %swap3A_49 : vector<1x1x16xi32> to vector<16xi32>
    %swap3A_51 = vector.shape_cast %add3A_43 : vector<16xi32> to vector<1x1x16xi32>
    tpu.vector_store %arg7[%swap3A_46, %swap3A_47, %swap3A_48], %swap3A_51 {strides = array<i32>} : memref<4x4x128xi32, #tpu.memory_space<vmem>>, vector<1x1x16xi32>,
    %add3A_52 = arith.constant 128 : i32
    %add3A_53 = vector.broadcast %add3A_52 : i32 to vector<16xi32>
    %add3A_54 = arith.addi %add3A_43, %add3A_53 : vector<16xi32>
    %swap3A_55 = arith.constant 1 : i32
    %swap3A_56 = arith.constant 0 : i32
    %swap3A_57 = arith.index_cast %swap3A_55 : i32 to index
    %swap3A_58 = arith.index_cast %swap3A_56 : i32 to index
    %swap3A_59 = arith.constant 16 : index
    %swap3A_60 = tpu.vector_load %arg7[%swap3A_57, %swap3A_58, %swap3A_59] {strides = array<i32>} : memref<4x4x128xi32, #tpu.memory_space<vmem>>, vector<1x1x16xi32>,
    %swap3A_61 = vector.shape_cast %swap3A_60 : vector<1x1x16xi32> to vector<16xi32>
    %swap3A_62 = vector.shape_cast %add3A_54 : vector<16xi32> to vector<1x1x16xi32>
    tpu.vector_store %arg7[%swap3A_57, %swap3A_58, %swap3A_59], %swap3A_62 {strides = array<i32>} : memref<4x4x128xi32, #tpu.memory_space<vmem>>, vector<1x1x16xi32>,
    %get3A_63 = arith.constant 32 : index
    %get3A_64 = tpu.vector_load %arg6[%get3A_63] {strides = array<i32>} : memref<512xi32, #tpu.memory_space<vmem>>, vector<16xi32>,
    %get3A_65 = vector.shape_cast %get3A_64 : vector<16xi32> to vector<16xi32>
    %shift_right_arithmetic3A_66 = arith.constant 7 : i32
    %shift_right_arithmetic3A_67 = vector.broadcast %shift_right_arithmetic3A_66 : i32 to vector<16xi32>
    %shift_right_arithmetic3A_68 = arith.shrsi %get3A_65, %shift_right_arithmetic3A_67 : vector<16xi32>
    %mul3A_69 = arith.constant 256 : i32
    %mul3A_70 = vector.broadcast %mul3A_69 : i32 to vector<16xi32>
    %mul3A_71 = arith.muli %shift_right_arithmetic3A_68, %mul3A_70 : vector<16xi32>
    %and3A_72 = arith.constant 127 : i32
    %and3A_73 = vector.broadcast %and3A_72 : i32 to vector<16xi32>
    %and3A_74 = arith.andi %get3A_65, %and3A_73 : vector<16xi32>
    %add3A_75 = arith.addi %mul3A_71, %and3A_74 : vector<16xi32>
    %swap3A_76 = arith.constant 0 : i32
    %swap3A_77 = arith.constant 0 : i32
    %swap3A_78 = arith.index_cast %swap3A_76 : i32 to index
    %swap3A_79 = arith.index_cast %swap3A_77 : i32 to index
    %swap3A_80 = arith.constant 32 : index
    %swap3A_81 = tpu.vector_load %arg7[%swap3A_78, %swap3A_79, %swap3A_80] {strides = array<i32>} : memref<4x4x128xi32, #tpu.memory_space<vmem>>, vector<1x1x16xi32>,
    %swap3A_82 = vector.shape_cast %swap3A_81 : vector<1x1x16xi32> to vector<16xi32>
    %swap3A_83 = vector.shape_cast %add3A_75 : vector<16xi32> to vector<1x1x16xi32>
    tpu.vector_store %arg7[%swap3A_78, %swap3A_79, %swap3A_80], %swap3A_83 {strides = array<i32>} : memref<4x4x128xi32, #tpu.memory_space<vmem>>, vector<1x1x16xi32>,
    %add3A_84 = arith.constant 128 : i32
    %add3A_85 = vector.broadcast %add3A_84 : i32 to vector<16xi32>
    %add3A_86 = arith.addi %add3A_75, %add3A_85 : vector<16xi32>
    %swap3A_87 = arith.constant 1 : i32
    %swap3A_88 = arith.constant 0 : i32
    %swap3A_89 = arith.index_cast %swap3A_87 : i32 to index
    %swap3A_90 = arith.index_cast %swap3A_88 : i32 to index
    %swap3A_91 = arith.constant 32 : index
    %swap3A_92 = tpu.vector_load %arg7[%swap3A_89, %swap3A_90, %swap3A_91] {strides = array<i32>} : memref<4x4x128xi32, #tpu.memory_space<vmem>>, vector<1x1x16xi32>,
    %swap3A_93 = vector.shape_cast %swap3A_92 : vector<1x1x16xi32> to vector<16xi32>
    %swap3A_94 = vector.shape_cast %add3A_86 : vector<16xi32> to vector<1x1x16xi32>
    tpu.vector_store %arg7[%swap3A_89, %swap3A_90, %swap3A_91], %swap3A_94 {strides = array<i32>} : memref<4x4x128xi32, #tpu.memory_space<vmem>>, vector<1x1x16xi32>,
    %get3A_95 = arith.constant 48 : index
    %get3A_96 = tpu.vector_load %arg6[%get3A_95] {strides = array<i32>} : memref<512xi32, #tpu.memory_space<vmem>>, vector<16xi32>,
    %get3A_97 = vector.shape_cast %get3A_96 : vector<16xi32> to vector<16xi32>
    %shift_right_arithmetic3A_98 = arith.constant 7 : i32
    %shift_right_arithmetic3A_99 = vector.broadcast %shift_right_arithmetic3A_98 : i32 to vector<16xi32>
    %shift_right_arithmetic3A_100 = arith.shrsi %get3A_97, %shift_right_arithmetic3A_99 : vector<16xi32>
    %mul3A_101 = arith.constant 256 : i32
    %mul3A_102 = vector.broadcast %mul3A_101 : i32 to vector<16xi32>
    %mul3A_103 = arith.muli %shift_right_arithmetic3A_100, %mul3A_102 : vector<16xi32>
    %and3A_104 = arith.constant 127 : i32
    %and3A_105 = vector.broadcast %and3A_104 : i32 to vector<16xi32>
    %and3A_106 = arith.andi %get3A_97, %and3A_105 : vector<16xi32>
    %add3A_107 = arith.addi %mul3A_103, %and3A_106 : vector<16xi32>
    %swap3A_108 = arith.constant 0 : i32
    %swap3A_109 = arith.constant 0 : i32
    %swap3A_110 = arith.index_cast %swap3A_108 : i32 to index
    %swap3A_111 = arith.index_cast %swap3A_109 : i32 to index
    %swap3A_112 = arith.constant 48 : index
    %swap3A_113 = tpu.vector_load %arg7[%swap3A_110, %swap3A_111, %swap3A_112] {strides = array<i32>} : memref<4x4x128xi32, #tpu.memory_space<vmem>>, vector<1x1x16xi32>,
    %swap3A_114 = vector.shape_cast %swap3A_113 : vector<1x1x16xi32> to vector<16xi32>
    %swap3A_115 = vector.shape_cast %add3A_107 : vector<16xi32> to vector<1x1x16xi32>
    tpu.vector_store %arg7[%swap3A_110, %swap3A_111, %swap3A_112], %swap3A_115 {strides = array<i32>} : memref<4x4x128xi32, #tpu.memory_space<vmem>>, vector<1x1x16xi32>,
    %add3A_116 = arith.constant 128 : i32
    %add3A_117 = vector.broadcast %add3A_116 : i32 to vector<16xi32>
    %add3A_118 = arith.addi %add3A_107, %add3A_117 : vector<16xi32>
    %swap3A_119 = arith.constant 1 : i32
    %swap3A_120 = arith.constant 0 : i32
    %swap3A_121 = arith.index_cast %swap3A_119 : i32 to index
    %swap3A_122 = arith.index_cast %swap3A_120 : i32 to index
    %swap3A_123 = arith.constant 48 : index
    %swap3A_124 = tpu.vector_load %arg7[%swap3A_121, %swap3A_122, %swap3A_123] {strides = array<i32>} : memref<4x4x128xi32, #tpu.memory_space<vmem>>, vector<1x1x16xi32>,
    %swap3A_125 = vector.shape_cast %swap3A_124 : vector<1x1x16xi32> to vector<16xi32>
    %swap3A_126 = vector.shape_cast %add3A_118 : vector<16xi32> to vector<1x1x16xi32>
    tpu.vector_store %arg7[%swap3A_121, %swap3A_122, %swap3A_123], %swap3A_126 {strides = array<i32>} : memref<4x4x128xi32, #tpu.memory_space<vmem>>, vector<1x1x16xi32>,
    %get3A_127 = arith.constant 64 : index
    %get3A_128 = tpu.vector_load %arg6[%get3A_127] {strides = array<i32>} : memref<512xi32, #tpu.memory_space<vmem>>, vector<16xi32>,
    %get3A_129 = vector.shape_cast %get3A_128 : vector<16xi32> to vector<16xi32>
    %shift_right_arithmetic3A_130 = arith.constant 7 : i32
    %shift_right_arithmetic3A_131 = vector.broadcast %shift_right_arithmetic3A_130 : i32 to vector<16xi32>
    %shift_right_arithmetic3A_132 = arith.shrsi %get3A_129, %shift_right_arithmetic3A_131 : vector<16xi32>
    %mul3A_133 = arith.constant 256 : i32
    %mul3A_134 = vector.broadcast %mul3A_133 : i32 to vector<16xi32>
    %mul3A_135 = arith.muli %shift_right_arithmetic3A_132, %mul3A_134 : vector<16xi32>
    %and3A_136 = arith.constant 127 : i32
    %and3A_137 = vector.broadcast %and3A_136 : i32 to vector<16xi32>
    %and3A_138 = arith.andi %get3A_129, %and3A_137 : vector<16xi32>
    %add3A_139 = arith.addi %mul3A_135, %and3A_138 : vector<16xi32>
    %swap3A_140 = arith.constant 0 : i32
    %swap3A_141 = arith.constant 0 : i32
    %swap3A_142 = arith.index_cast %swap3A_140 : i32 to index
    %swap3A_143 = arith.index_cast %swap3A_141 : i32 to index
    %swap3A_144 = arith.constant 64 : index
    %swap3A_145 = tpu.vector_load %arg7[%swap3A_142, %swap3A_143, %swap3A_144] {strides = array<i32>} : memref<4x4x128xi32, #tpu.memory_space<vmem>>, vector<1x1x16xi32>,
    %swap3A_146 = vector.shape_cast %swap3A_145 : vector<1x1x16xi32> to vector<16xi32>
    %swap3A_147 = vector.shape_cast %add3A_139 : vector<16xi32> to vector<1x1x16xi32>
    tpu.vector_store %arg7[%swap3A_142, %swap3A_143, %swap3A_144], %swap3A_147 {strides = array<i32>} : memref<4x4x128xi32, #tpu.memory_space<vmem>>, vector<1x1x16xi32>,
    %add3A_148 = arith.constant 128 : i32
    %add3A_149 = vector.broadcast %add3A_148 : i32 to vector<16xi32>
    %add3A_150 = arith.addi %add3A_139, %add3A_149 : vector<16xi32>
    %swap3A_151 = arith.constant 1 : i32
    %swap3A_152 = arith.constant 0 : i32
    %swap3A_153 = arith.index_cast %swap3A_151 : i32 to index
    %swap3A_154 = arith.index_cast %swap3A_152 : i32 to index
    %swap3A_155 = arith.constant 64 : index
    %swap3A_156 = tpu.vector_load %arg7[%swap3A_153, %swap3A_154, %swap3A_155] {strides = array<i32>} : memref<4x4x128xi32, #tpu.memory_space<vmem>>, vector<1x1x16xi32>,
    %swap3A_157 = vector.shape_cast %swap3A_156 : vector<1x1x16xi32> to vector<16xi32>
    %swap3A_158 = vector.shape_cast %add3A_150 : vector<16xi32> to vector<1x1x16xi32>
    tpu.vector_store %arg7[%swap3A_153, %swap3A_154, %swap3A_155], %swap3A_158 {strides = array<i32>} : memref<4x4x128xi32, #tpu.memory_space<vmem>>, vector<1x1x16xi32>,
    %get3A_159 = arith.constant 80 : index
    %get3A_160 = tpu.vector_load %arg6[%get3A_159] {strides = array<i32>} : memref<512xi32, #tpu.memory_space<vmem>>, vector<16xi32>,
    %get3A_161 = vector.shape_cast %get3A_160 : vector<16xi32> to vector<16xi32>
    %shift_right_arithmetic3A_162 = arith.constant 7 : i32
    %shift_right_arithmetic3A_163 = vector.broadcast %shift_right_arithmetic3A_162 : i32 to vector<16xi32>
    %shift_right_arithmetic3A_164 = arith.shrsi %get3A_161, %shift_right_arithmetic3A_163 : vector<16xi32>
    %mul3A_165 = arith.constant 256 : i32
    %mul3A_166 = vector.broadcast %mul3A_165 : i32 to vector<16xi32>
    %mul3A_167 = arith.muli %shift_right_arithmetic3A_164, %mul3A_166 : vector<16xi32>
    %and3A_168 = arith.constant 127 : i32
    %and3A_169 = vector.broadcast %and3A_168 : i32 to vector<16xi32>
    %and3A_170 = arith.andi %get3A_161, %and3A_169 : vector<16xi32>
    %add3A_171 = arith.addi %mul3A_167, %and3A_170 : vector<16xi32>
    %swap3A_172 = arith.constant 0 : i32
    %swap3A_173 = arith.constant 0 : i32
    %swap3A_174 = arith.index_cast %swap3A_172 : i32 to index
    %swap3A_175 = arith.index_cast %swap3A_173 : i32 to index
    %swap3A_176 = arith.constant 80 : index
    %swap3A_177 = tpu.vector_load %arg7[%swap3A_174, %swap3A_175, %swap3A_176] {strides = array<i32>} : memref<4x4x128xi32, #tpu.memory_space<vmem>>, vector<1x1x16xi32>,
    %swap3A_178 = vector.shape_cast %swap3A_177 : vector<1x1x16xi32> to vector<16xi32>
    %swap3A_179 = vector.shape_cast %add3A_171 : vector<16xi32> to vector<1x1x16xi32>
    tpu.vector_store %arg7[%swap3A_174, %swap3A_175, %swap3A_176], %swap3A_179 {strides = array<i32>} : memref<4x4x128xi32, #tpu.memory_space<vmem>>, vector<1x1x16xi32>,
    %add3A_180 = arith.constant 128 : i32
    %add3A_181 = vector.broadcast %add3A_180 : i32 to vector<16xi32>
    %add3A_182 = arith.addi %add3A_171, %add3A_181 : vector<16xi32>
    %swap3A_183 = arith.constant 1 : i32
    %swap3A_184 = arith.constant 0 : i32
    %swap3A_185 = arith.index_cast %swap3A_183 : i32 to index
    %swap3A_186 = arith.index_cast %swap3A_184 : i32 to index
    %swap3A_187 = arith.constant 80 : index
    %swap3A_188 = tpu.vector_load %arg7[%swap3A_185, %swap3A_186, %swap3A_187] {strides = array<i32>} : memref<4x4x128xi32, #tpu.memory_space<vmem>>, vector<1x1x16xi32>,
    %swap3A_189 = vector.shape_cast %swap3A_188 : vector<1x1x16xi32> to vector<16xi32>
    %swap3A_190 = vector.shape_cast %add3A_182 : vector<16xi32> to vector<1x1x16xi32>
    tpu.vector_store %arg7[%swap3A_185, %swap3A_186, %swap3A_187], %swap3A_190 {strides = array<i32>} : memref<4x4x128xi32, #tpu.memory_space<vmem>>, vector<1x1x16xi32>,
    %get3A_191 = arith.constant 96 : index
    %get3A_192 = tpu.vector_load %arg6[%get3A_191] {strides = array<i32>} : memref<512xi32, #tpu.memory_space<vmem>>, vector<16xi32>,
    %get3A_193 = vector.shape_cast %get3A_192 : vector<16xi32> to vector<16xi32>
    %shift_right_arithmetic3A_194 = arith.constant 7 : i32
    %shift_right_arithmetic3A_195 = vector.broadcast %shift_right_arithmetic3A_194 : i32 to vector<16xi32>
    %shift_right_arithmetic3A_196 = arith.shrsi %get3A_193, %shift_right_arithmetic3A_195 : vector<16xi32>
    %mul3A_197 = arith.constant 256 : i32
    %mul3A_198 = vector.broadcast %mul3A_197 : i32 to vector<16xi32>
    %mul3A_199 = arith.muli %shift_right_arithmetic3A_196, %mul3A_198 : vector<16xi32>
    %and3A_200 = arith.constant 127 : i32
    %and3A_201 = vector.broadcast %and3A_200 : i32 to vector<16xi32>
    %and3A_202 = arith.andi %get3A_193, %and3A_201 : vector<16xi32>
    %add3A_203 = arith.addi %mul3A_199, %and3A_202 : vector<16xi32>
    %swap3A_204 = arith.constant 0 : i32
    %swap3A_205 = arith.constant 0 : i32
    %swap3A_206 = arith.index_cast %swap3A_204 : i32 to index
    %swap3A_207 = arith.index_cast %swap3A_205 : i32 to index
    %swap3A_208 = arith.constant 96 : index
    %swap3A_209 = tpu.vector_load %arg7[%swap3A_206, %swap3A_207, %swap3A_208] {strides = array<i32>} : memref<4x4x128xi32, #tpu.memory_space<vmem>>, vector<1x1x16xi32>,
    %swap3A_210 = vector.shape_cast %swap3A_209 : vector<1x1x16xi32> to vector<16xi32>
    %swap3A_211 = vector.shape_cast %add3A_203 : vector<16xi32> to vector<1x1x16xi32>
    tpu.vector_store %arg7[%swap3A_206, %swap3A_207, %swap3A_208], %swap3A_211 {strides = array<i32>} : memref<4x4x128xi32, #tpu.memory_space<vmem>>, vector<1x1x16xi32>,
    %add3A_212 = arith.constant 128 : i32
    %add3A_213 = vector.broadcast %add3A_212 : i32 to vector<16xi32>
    %add3A_214 = arith.addi %add3A_203, %add3A_213 : vector<16xi32>
    %swap3A_215 = arith.constant 1 : i32
    %swap3A_216 = arith.constant 0 : i32
    %swap3A_217 = arith.index_cast %swap3A_215 : i32 to index
    %swap3A_218 = arith.index_cast %swap3A_216 : i32 to index
    %swap3A_219 = arith.constant 96 : index
    %swap3A_220 = tpu.vector_load %arg7[%swap3A_217, %swap3A_218, %swap3A_219] {strides = array<i32>} : memref<4x4x128xi32, #tpu.memory_space<vmem>>, vector<1x1x16xi32>,
    %swap3A_221 = vector.shape_cast %swap3A_220 : vector<1x1x16xi32> to vector<16xi32>
    %swap3A_222 = vector.shape_cast %add3A_214 : vector<16xi32> to vector<1x1x16xi32>
    tpu.vector_store %arg7[%swap3A_217, %swap3A_218, %swap3A_219], %swap3A_222 {strides = array<i32>} : memref<4x4x128xi32, #tpu.memory_space<vmem>>, vector<1x1x16xi32>,
    %get3A_223 = arith.constant 112 : index
    %get3A_224 = tpu.vector_load %arg6[%get3A_223] {strides = array<i32>} : memref<512xi32, #tpu.memory_space<vmem>>, vector<16xi32>,
    %get3A_225 = vector.shape_cast %get3A_224 : vector<16xi32> to vector<16xi32>
    %shift_right_arithmetic3A_226 = arith.constant 7 : i32
    %shift_right_arithmetic3A_227 = vector.broadcast %shift_right_arithmetic3A_226 : i32 to vector<16xi32>
    %shift_right_arithmetic3A_228 = arith.shrsi %get3A_225, %shift_right_arithmetic3A_227 : vector<16xi32>
    %mul3A_229 = arith.constant 256 : i32
    %mul3A_230 = vector.broadcast %mul3A_229 : i32 to vector<16xi32>
    %mul3A_231 = arith.muli %shift_right_arithmetic3A_228, %mul3A_230 : vector<16xi32>
    %and3A_232 = arith.constant 127 : i32
    %and3A_233 = vector.broadcast %and3A_232 : i32 to vector<16xi32>
    %and3A_234 = arith.andi %get3A_225, %and3A_233 : vector<16xi32>
    %add3A_235 = arith.addi %mul3A_231, %and3A_234 : vector<16xi32>
    %swap3A_236 = arith.constant 0 : i32
    %swap3A_237 = arith.constant 0 : i32
    %swap3A_238 = arith.index_cast %swap3A_236 : i32 to index
    %swap3A_239 = arith.index_cast %swap3A_237 : i32 to index
    %swap3A_240 = arith.constant 112 : index
    %swap3A_241 = tpu.vector_load %arg7[%swap3A_238, %swap3A_239, %swap3A_240] {strides = array<i32>} : memref<4x4x128xi32, #tpu.memory_space<vmem>>, vector<1x1x16xi32>,
    %swap3A_242 = vector.shape_cast %swap3A_241 : vector<1x1x16xi32> to vector<16xi32>
    %swap3A_243 = vector.shape_cast %add3A_235 : vector<16xi32> to vector<1x1x16xi32>
    tpu.vector_store %arg7[%swap3A_238, %swap3A_239, %swap3A_240], %swap3A_243 {strides = array<i32>} : memref<4x4x128xi32, #tpu.memory_space<vmem>>, vector<1x1x16xi32>,
    %add3A_244 = arith.constant 128 : i32
    %add3A_245 = vector.broadcast %add3A_244 : i32 to vector<16xi32>
    %add3A_246 = arith.addi %add3A_235, %add3A_245 : vector<16xi32>
    %swap3A_247 = arith.constant 1 : i32
    %swap3A_248 = arith.constant 0 : i32
    %swap3A_249 = arith.index_cast %swap3A_247 : i32 to index
    %swap3A_250 = arith.index_cast %swap3A_248 : i32 to index
    %swap3A_251 = arith.constant 112 : index
    %swap3A_252 = tpu.vector_load %arg7[%swap3A_249, %swap3A_250, %swap3A_251] {strides = array<i32>} : memref<4x4x128xi32, #tpu.memory_space<vmem>>, vector<1x1x16xi32>,
    %swap3A_253 = vector.shape_cast %swap3A_252 : vector<1x1x16xi32> to vector<16xi32>
    %swap3A_254 = vector.shape_cast %add3A_246 : vector<16xi32> to vector<1x1x16xi32>
    tpu.vector_store %arg7[%swap3A_249, %swap3A_250, %swap3A_251], %swap3A_254 {strides = array<i32>} : memref<4x4x128xi32, #tpu.memory_space<vmem>>, vector<1x1x16xi32>,
    %get3A_255 = arith.constant 128 : index
    %get3A_256 = tpu.vector_load %arg6[%get3A_255] {strides = array<i32>} : memref<512xi32, #tpu.memory_space<vmem>>, vector<16xi32>,
    %get3A_257 = vector.shape_cast %get3A_256 : vector<16xi32> to vector<16xi32>
    %shift_right_arithmetic3A_258 = arith.constant 7 : i32
    %shift_right_arithmetic3A_259 = vector.broadcast %shift_right_arithmetic3A_258 : i32 to vector<16xi32>
    %shift_right_arithmetic3A_260 = arith.shrsi %get3A_257, %shift_right_arithmetic3A_259 : vector<16xi32>
    %mul3A_261 = arith.constant 256 : i32
    %mul3A_262 = vector.broadcast %mul3A_261 : i32 to vector<16xi32>
    %mul3A_263 = arith.muli %shift_right_arithmetic3A_260, %mul3A_262 : vector<16xi32>
    %and3A_264 = arith.constant 127 : i32
    %and3A_265 = vector.broadcast %and3A_264 : i32 to vector<16xi32>
    %and3A_266 = arith.andi %get3A_257, %and3A_265 : vector<16xi32>
    %add3A_267 = arith.addi %mul3A_263, %and3A_266 : vector<16xi32>
    %swap3A_268 = arith.constant 0 : i32
    %swap3A_269 = arith.constant 1 : i32
    %swap3A_270 = arith.index_cast %swap3A_268 : i32 to index
    %swap3A_271 = arith.index_cast %swap3A_269 : i32 to index
    %swap3A_272 = arith.constant 0 : index
    %swap3A_273 = tpu.vector_load %arg7[%swap3A_270, %swap3A_271, %swap3A_272] {strides = array<i32>} : memref<4x4x128xi32, #tpu.memory_space<vmem>>, vector<1x1x16xi32>,
    %swap3A_274 = vector.shape_cast %swap3A_273 : vector<1x1x16xi32> to vector<16xi32>
    %swap3A_275 = vector.shape_cast %add3A_267 : vector<16xi32> to vector<1x1x16xi32>
    tpu.vector_store %arg7[%swap3A_270, %swap3A_271, %swap3A_272], %swap3A_275 {strides = array<i32>} : memref<4x4x128xi32, #tpu.memory_space<vmem>>, vector<1x1x16xi32>,
    %add3A_276 = arith.constant 128 : i32
    %add3A_277 = vector.broadcast %add3A_276 : i32 to vector<16xi32>
    %add3A_278 = arith.addi %add3A_267, %add3A_277 : vector<16xi32>
    %swap3A_279 = arith.constant 1 : i32
    %swap3A_280 = arith.constant 1 : i32
    %swap3A_281 = arith.index_cast %swap3A_279 : i32 to index
    %swap3A_282 = arith.index_cast %swap3A_280 : i32 to index
    %swap3A_283 = arith.constant 0 : index
    %swap3A_284 = tpu.vector_load %arg7[%swap3A_281, %swap3A_282, %swap3A_283] {strides = array<i32>} : memref<4x4x128xi32, #tpu.memory_space<vmem>>, vector<1x1x16xi32>,
    %swap3A_285 = vector.shape_cast %swap3A_284 : vector<1x1x16xi32> to vector<16xi32>
    %swap3A_286 = vector.shape_cast %add3A_278 : vector<16xi32> to vector<1x1x16xi32>
    tpu.vector_store %arg7[%swap3A_281, %swap3A_282, %swap3A_283], %swap3A_286 {strides = array<i32>} : memref<4x4x128xi32, #tpu.memory_space<vmem>>, vector<1x1x16xi32>,
    %get3A_287 = arith.constant 144 : index
    %get3A_288 = tpu.vector_load %arg6[%get3A_287] {strides = array<i32>} : memref<512xi32, #tpu.memory_space<vmem>>, vector<16xi32>,
    %get3A_289 = vector.shape_cast %get3A_288 : vector<16xi32> to vector<16xi32>
    %shift_right_arithmetic3A_290 = arith.constant 7 : i32
    %shift_right_arithmetic3A_291 = vector.broadcast %shift_right_arithmetic3A_290 : i32 to vector<16xi32>
    %shift_right_arithmetic3A_292 = arith.shrsi %get3A_289, %shift_right_arithmetic3A_291 : vector<16xi32>
    %mul3A_293 = arith.constant 256 : i32
    %mul3A_294 = vector.broadcast %mul3A_293 : i32 to vector<16xi32>
    %mul3A_295 = arith.muli %shift_right_arithmetic3A_292, %mul3A_294 : vector<16xi32>
    %and3A_296 = arith.constant 127 : i32
    %and3A_297 = vector.broadcast %and3A_296 : i32 to vector<16xi32>
    %and3A_298 = arith.andi %get3A_289, %and3A_297 : vector<16xi32>
    %add3A_299 = arith.addi %mul3A_295, %and3A_298 : vector<16xi32>
    %swap3A_300 = arith.constant 0 : i32
    %swap3A_301 = arith.constant 1 : i32
    %swap3A_302 = arith.index_cast %swap3A_300 : i32 to index
    %swap3A_303 = arith.index_cast %swap3A_301 : i32 to index
    %swap3A_304 = arith.constant 16 : index
    %swap3A_305 = tpu.vector_load %arg7[%swap3A_302, %swap3A_303, %swap3A_304] {strides = array<i32>} : memref<4x4x128xi32, #tpu.memory_space<vmem>>, vector<1x1x16xi32>,
    %swap3A_306 = vector.shape_cast %swap3A_305 : vector<1x1x16xi32> to vector<16xi32>
    %swap3A_307 = vector.shape_cast %add3A_299 : vector<16xi32> to vector<1x1x16xi32>
    tpu.vector_store %arg7[%swap3A_302, %swap3A_303, %swap3A_304], %swap3A_307 {strides = array<i32>} : memref<4x4x128xi32, #tpu.memory_space<vmem>>, vector<1x1x16xi32>,
    %add3A_308 = arith.constant 128 : i32
    %add3A_309 = vector.broadcast %add3A_308 : i32 to vector<16xi32>
    %add3A_310 = arith.addi %add3A_299, %add3A_309 : vector<16xi32>
    %swap3A_311 = arith.constant 1 : i32
    %swap3A_312 = arith.constant 1 : i32
    %swap3A_313 = arith.index_cast %swap3A_311 : i32 to index
    %swap3A_314 = arith.index_cast %swap3A_312 : i32 to index
    %swap3A_315 = arith.constant 16 : index
    %swap3A_316 = tpu.vector_load %arg7[%swap3A_313, %swap3A_314, %swap3A_315] {strides = array<i32>} : memref<4x4x128xi32, #tpu.memory_space<vmem>>, vector<1x1x16xi32>,
    %swap3A_317 = vector.shape_cast %swap3A_316 : vector<1x1x16xi32> to vector<16xi32>
    %swap3A_318 = vector.shape_cast %add3A_310 : vector<16xi32> to vector<1x1x16xi32>
    tpu.vector_store %arg7[%swap3A_313, %swap3A_314, %swap3A_315], %swap3A_318 {strides = array<i32>} : memref<4x4x128xi32, #tpu.memory_space<vmem>>, vector<1x1x16xi32>,
    %get3A_319 = arith.constant 160 : index
    %get3A_320 = tpu.vector_load %arg6[%get3A_319] {strides = array<i32>} : memref<512xi32, #tpu.memory_space<vmem>>, vector<16xi32>,
    %get3A_321 = vector.shape_cast %get3A_320 : vector<16xi32> to vector<16xi32>
    %shift_right_arithmetic3A_322 = arith.constant 7 : i32
    %shift_right_arithmetic3A_323 = vector.broadcast %shift_right_arithmetic3A_322 : i32 to vector<16xi32>
    %shift_right_arithmetic3A_324 = arith.shrsi %get3A_321, %shift_right_arithmetic3A_323 : vector<16xi32>
    %mul3A_325 = arith.constant 256 : i32
    %mul3A_326 = vector.broadcast %mul3A_325 : i32 to vector<16xi32>
    %mul3A_327 = arith.muli %shift_right_arithmetic3A_324, %mul3A_326 : vector<16xi32>
    %and3A_328 = arith.constant 127 : i32
    %and3A_329 = vector.broadcast %and3A_328 : i32 to vector<16xi32>
    %and3A_330 = arith.andi %get3A_321, %and3A_329 : vector<16xi32>
    %add3A_331 = arith.addi %mul3A_327, %and3A_330 : vector<16xi32>
    %swap3A_332 = arith.constant 0 : i32
    %swap3A_333 = arith.constant 1 : i32
    %swap3A_334 = arith.index_cast %swap3A_332 : i32 to index
    %swap3A_335 = arith.index_cast %swap3A_333 : i32 to index
    %swap3A_336 = arith.constant 32 : index
    %swap3A_337 = tpu.vector_load %arg7[%swap3A_334, %swap3A_335, %swap3A_336] {strides = array<i32>} : memref<4x4x128xi32, #tpu.memory_space<vmem>>, vector<1x1x16xi32>,
    %swap3A_338 = vector.shape_cast %swap3A_337 : vector<1x1x16xi32> to vector<16xi32>
    %swap3A_339 = vector.shape_cast %add3A_331 : vector<16xi32> to vector<1x1x16xi32>
    tpu.vector_store %arg7[%swap3A_334, %swap3A_335, %swap3A_336], %swap3A_339 {strides = array<i32>} : memref<4x4x128xi32, #tpu.memory_space<vmem>>, vector<1x1x16xi32>,
    %add3A_340 = arith.constant 128 : i32
    %add3A_341 = vector.broadcast %add3A_340 : i32 to vector<16xi32>
    %add3A_342 = arith.addi %add3A_331, %add3A_341 : vector<16xi32>
    %swap3A_343 = arith.constant 1 : i32
    %swap3A_344 = arith.constant 1 : i32
    %swap3A_345 = arith.index_cast %swap3A_343 : i32 to index
    %swap3A_346 = arith.index_cast %swap3A_344 : i32 to index
    %swap3A_347 = arith.constant 32 : index
    %swap3A_348 = tpu.vector_load %arg7[%swap3A_345, %swap3A_346, %swap3A_347] {strides = array<i32>} : memref<4x4x128xi32, #tpu.memory_space<vmem>>, vector<1x1x16xi32>,
    %swap3A_349 = vector.shape_cast %swap3A_348 : vector<1x1x16xi32> to vector<16xi32>
    %swap3A_350 = vector.shape_cast %add3A_342 : vector<16xi32> to vector<1x1x16xi32>
    tpu.vector_store %arg7[%swap3A_345, %swap3A_346, %swap3A_347], %swap3A_350 {strides = array<i32>} : memref<4x4x128xi32, #tpu.memory_space<vmem>>, vector<1x1x16xi32>,
    %get3A_351 = arith.constant 176 : index
    %get3A_352 = tpu.vector_load %arg6[%get3A_351] {strides = array<i32>} : memref<512xi32, #tpu.memory_space<vmem>>, vector<16xi32>,
    %get3A_353 = vector.shape_cast %get3A_352 : vector<16xi32> to vector<16xi32>
    %shift_right_arithmetic3A_354 = arith.constant 7 : i32
    %shift_right_arithmetic3A_355 = vector.broadcast %shift_right_arithmetic3A_354 : i32 to vector<16xi32>
    %shift_right_arithmetic3A_356 = arith.shrsi %get3A_353, %shift_right_arithmetic3A_355 : vector<16xi32>
    %mul3A_357 = arith.constant 256 : i32
    %mul3A_358 = vector.broadcast %mul3A_357 : i32 to vector<16xi32>
    %mul3A_359 = arith.muli %shift_right_arithmetic3A_356, %mul3A_358 : vector<16xi32>
    %and3A_360 = arith.constant 127 : i32
    %and3A_361 = vector.broadcast %and3A_360 : i32 to vector<16xi32>
    %and3A_362 = arith.andi %get3A_353, %and3A_361 : vector<16xi32>
    %add3A_363 = arith.addi %mul3A_359, %and3A_362 : vector<16xi32>
    %swap3A_364 = arith.constant 0 : i32
    %swap3A_365 = arith.constant 1 : i32
    %swap3A_366 = arith.index_cast %swap3A_364 : i32 to index
    %swap3A_367 = arith.index_cast %swap3A_365 : i32 to index
    %swap3A_368 = arith.constant 48 : index
    %swap3A_369 = tpu.vector_load %arg7[%swap3A_366, %swap3A_367, %swap3A_368] {strides = array<i32>} : memref<4x4x128xi32, #tpu.memory_space<vmem>>, vector<1x1x16xi32>,
    %swap3A_370 = vector.shape_cast %swap3A_369 : vector<1x1x16xi32> to vector<16xi32>
    %swap3A_371 = vector.shape_cast %add3A_363 : vector<16xi32> to vector<1x1x16xi32>
    tpu.vector_store %arg7[%swap3A_366, %swap3A_367, %swap3A_368], %swap3A_371 {strides = array<i32>} : memref<4x4x128xi32, #tpu.memory_space<vmem>>, vector<1x1x16xi32>,
    %add3A_372 = arith.constant 128 : i32
    %add3A_373 = vector.broadcast %add3A_372 : i32 to vector<16xi32>
    %add3A_374 = arith.addi %add3A_363, %add3A_373 : vector<16xi32>
    %swap3A_375 = arith.constant 1 : i32
    %swap3A_376 = arith.constant 1 : i32
    %swap3A_377 = arith.index_cast %swap3A_375 : i32 to index
    %swap3A_378 = arith.index_cast %swap3A_376 : i32 to index
    %swap3A_379 = arith.constant 48 : index
    %swap3A_380 = tpu.vector_load %arg7[%swap3A_377, %swap3A_378, %swap3A_379] {strides = array<i32>} : memref<4x4x128xi32, #tpu.memory_space<vmem>>, vector<1x1x16xi32>,
    %swap3A_381 = vector.shape_cast %swap3A_380 : vector<1x1x16xi32> to vector<16xi32>
    %swap3A_382 = vector.shape_cast %add3A_374 : vector<16xi32> to vector<1x1x16xi32>
    tpu.vector_store %arg7[%swap3A_377, %swap3A_378, %swap3A_379], %swap3A_382 {strides = array<i32>} : memref<4x4x128xi32, #tpu.memory_space<vmem>>, vector<1x1x16xi32>,
    %get3A_383 = arith.constant 192 : index
    %get3A_384 = tpu.vector_load %arg6[%get3A_383] {strides = array<i32>} : memref<512xi32, #tpu.memory_space<vmem>>, vector<16xi32>,
    %get3A_385 = vector.shape_cast %get3A_384 : vector<16xi32> to vector<16xi32>
    %shift_right_arithmetic3A_386 = arith.constant 7 : i32
    %shift_right_arithmetic3A_387 = vector.broadcast %shift_right_arithmetic3A_386 : i32 to vector<16xi32>
    %shift_right_arithmetic3A_388 = arith.shrsi %get3A_385, %shift_right_arithmetic3A_387 : vector<16xi32>
    %mul3A_389 = arith.constant 256 : i32
    %mul3A_390 = vector.broadcast %mul3A_389 : i32 to vector<16xi32>
    %mul3A_391 = arith.muli %shift_right_arithmetic3A_388, %mul3A_390 : vector<16xi32>
    %and3A_392 = arith.constant 127 : i32
    %and3A_393 = vector.broadcast %and3A_392 : i32 to vector<16xi32>
    %and3A_394 = arith.andi %get3A_385, %and3A_393 : vector<16xi32>
    %add3A_395 = arith.addi %mul3A_391, %and3A_394 : vector<16xi32>
    %swap3A_396 = arith.constant 0 : i32
    %swap3A_397 = arith.constant 1 : i32
    %swap3A_398 = arith.index_cast %swap3A_396 : i32 to index
    %swap3A_399 = arith.index_cast %swap3A_397 : i32 to index
    %swap3A_400 = arith.constant 64 : index
    %swap3A_401 = tpu.vector_load %arg7[%swap3A_398, %swap3A_399, %swap3A_400] {strides = array<i32>} : memref<4x4x128xi32, #tpu.memory_space<vmem>>, vector<1x1x16xi32>,
    %swap3A_402 = vector.shape_cast %swap3A_401 : vector<1x1x16xi32> to vector<16xi32>
    %swap3A_403 = vector.shape_cast %add3A_395 : vector<16xi32> to vector<1x1x16xi32>
    tpu.vector_store %arg7[%swap3A_398, %swap3A_399, %swap3A_400], %swap3A_403 {strides = array<i32>} : memref<4x4x128xi32, #tpu.memory_space<vmem>>, vector<1x1x16xi32>,
    %add3A_404 = arith.constant 128 : i32
    %add3A_405 = vector.broadcast %add3A_404 : i32 to vector<16xi32>
    %add3A_406 = arith.addi %add3A_395, %add3A_405 : vector<16xi32>
    %swap3A_407 = arith.constant 1 : i32
    %swap3A_408 = arith.constant 1 : i32
    %swap3A_409 = arith.index_cast %swap3A_407 : i32 to index
    %swap3A_410 = arith.index_cast %swap3A_408 : i32 to index
    %swap3A_411 = arith.constant 64 : index
    %swap3A_412 = tpu.vector_load %arg7[%swap3A_409, %swap3A_410, %swap3A_411] {strides = array<i32>} : memref<4x4x128xi32, #tpu.memory_space<vmem>>, vector<1x1x16xi32>,
    %swap3A_413 = vector.shape_cast %swap3A_412 : vector<1x1x16xi32> to vector<16xi32>
    %swap3A_414 = vector.shape_cast %add3A_406 : vector<16xi32> to vector<1x1x16xi32>
    tpu.vector_store %arg7[%swap3A_409, %swap3A_410, %swap3A_411], %swap3A_414 {strides = array<i32>} : memref<4x4x128xi32, #tpu.memory_space<vmem>>, vector<1x1x16xi32>,
    %get3A_415 = arith.constant 208 : index
    %get3A_416 = tpu.vector_load %arg6[%get3A_415] {strides = array<i32>} : memref<512xi32, #tpu.memory_space<vmem>>, vector<16xi32>,
    %get3A_417 = vector.shape_cast %get3A_416 : vector<16xi32> to vector<16xi32>
    %shift_right_arithmetic3A_418 = arith.constant 7 : i32
    %shift_right_arithmetic3A_419 = vector.broadcast %shift_right_arithmetic3A_418 : i32 to vector<16xi32>
    %shift_right_arithmetic3A_420 = arith.shrsi %get3A_417, %shift_right_arithmetic3A_419 : vector<16xi32>
    %mul3A_421 = arith.constant 256 : i32
    %mul3A_422 = vector.broadcast %mul3A_421 : i32 to vector<16xi32>
    %mul3A_423 = arith.muli %shift_right_arithmetic3A_420, %mul3A_422 : vector<16xi32>
    %and3A_424 = arith.constant 127 : i32
    %and3A_425 = vector.broadcast %and3A_424 : i32 to vector<16xi32>
    %and3A_426 = arith.andi %get3A_417, %and3A_425 : vector<16xi32>
    %add3A_427 = arith.addi %mul3A_423, %and3A_426 : vector<16xi32>
    %swap3A_428 = arith.constant 0 : i32
    %swap3A_429 = arith.constant 1 : i32
    %swap3A_430 = arith.index_cast %swap3A_428 : i32 to index
    %swap3A_431 = arith.index_cast %swap3A_429 : i32 to index
    %swap3A_432 = arith.constant 80 : index
    %swap3A_433 = tpu.vector_load %arg7[%swap3A_430, %swap3A_431, %swap3A_432] {strides = array<i32>} : memref<4x4x128xi32, #tpu.memory_space<vmem>>, vector<1x1x16xi32>,
    %swap3A_434 = vector.shape_cast %swap3A_433 : vector<1x1x16xi32> to vector<16xi32>
    %swap3A_435 = vector.shape_cast %add3A_427 : vector<16xi32> to vector<1x1x16xi32>
    tpu.vector_store %arg7[%swap3A_430, %swap3A_431, %swap3A_432], %swap3A_435 {strides = array<i32>} : memref<4x4x128xi32, #tpu.memory_space<vmem>>, vector<1x1x16xi32>,
    %add3A_436 = arith.constant 128 : i32
    %add3A_437 = vector.broadcast %add3A_436 : i32 to vector<16xi32>
    %add3A_438 = arith.addi %add3A_427, %add3A_437 : vector<16xi32>
    %swap3A_439 = arith.constant 1 : i32
    %swap3A_440 = arith.constant 1 : i32
    %swap3A_441 = arith.index_cast %swap3A_439 : i32 to index
    %swap3A_442 = arith.index_cast %swap3A_440 : i32 to index
    %swap3A_443 = arith.constant 80 : index
    %swap3A_444 = tpu.vector_load %arg7[%swap3A_441, %swap3A_442, %swap3A_443] {strides = array<i32>} : memref<4x4x128xi32, #tpu.memory_space<vmem>>, vector<1x1x16xi32>,
    %swap3A_445 = vector.shape_cast %swap3A_444 : vector<1x1x16xi32> to vector<16xi32>
    %swap3A_446 = vector.shape_cast %add3A_438 : vector<16xi32> to vector<1x1x16xi32>
    tpu.vector_store %arg7[%swap3A_441, %swap3A_442, %swap3A_443], %swap3A_446 {strides = array<i32>} : memref<4x4x128xi32, #tpu.memory_space<vmem>>, vector<1x1x16xi32>,
    %get3A_447 = arith.constant 224 : index
    %get3A_448 = tpu.vector_load %arg6[%get3A_447] {strides = array<i32>} : memref<512xi32, #tpu.memory_space<vmem>>, vector<16xi32>,
    %get3A_449 = vector.shape_cast %get3A_448 : vector<16xi32> to vector<16xi32>
    %shift_right_arithmetic3A_450 = arith.constant 7 : i32
    %shift_right_arithmetic3A_451 = vector.broadcast %shift_right_arithmetic3A_450 : i32 to vector<16xi32>
    %shift_right_arithmetic3A_452 = arith.shrsi %get3A_449, %shift_right_arithmetic3A_451 : vector<16xi32>
    %mul3A_453 = arith.constant 256 : i32
    %mul3A_454 = vector.broadcast %mul3A_453 : i32 to vector<16xi32>
    %mul3A_455 = arith.muli %shift_right_arithmetic3A_452, %mul3A_454 : vector<16xi32>
    %and3A_456 = arith.constant 127 : i32
    %and3A_457 = vector.broadcast %and3A_456 : i32 to vector<16xi32>
    %and3A_458 = arith.andi %get3A_449, %and3A_457 : vector<16xi32>
    %add3A_459 = arith.addi %mul3A_455, %and3A_458 : vector<16xi32>
    %swap3A_460 = arith.constant 0 : i32
    %swap3A_461 = arith.constant 1 : i32
    %swap3A_462 = arith.index_cast %swap3A_460 : i32 to index
    %swap3A_463 = arith.index_cast %swap3A_461 : i32 to index
    %swap3A_464 = arith.constant 96 : index
    %swap3A_465 = tpu.vector_load %arg7[%swap3A_462, %swap3A_463, %swap3A_464] {strides = array<i32>} : memref<4x4x128xi32, #tpu.memory_space<vmem>>, vector<1x1x16xi32>,
    %swap3A_466 = vector.shape_cast %swap3A_465 : vector<1x1x16xi32> to vector<16xi32>
    %swap3A_467 = vector.shape_cast %add3A_459 : vector<16xi32> to vector<1x1x16xi32>
    tpu.vector_store %arg7[%swap3A_462, %swap3A_463, %swap3A_464], %swap3A_467 {strides = array<i32>} : memref<4x4x128xi32, #tpu.memory_space<vmem>>, vector<1x1x16xi32>,
    %add3A_468 = arith.constant 128 : i32
    %add3A_469 = vector.broadcast %add3A_468 : i32 to vector<16xi32>
    %add3A_470 = arith.addi %add3A_459, %add3A_469 : vector<16xi32>
    %swap3A_471 = arith.constant 1 : i32
    %swap3A_472 = arith.constant 1 : i32
    %swap3A_473 = arith.index_cast %swap3A_471 : i32 to index
    %swap3A_474 = arith.index_cast %swap3A_472 : i32 to index
    %swap3A_475 = arith.constant 96 : index
    %swap3A_476 = tpu.vector_load %arg7[%swap3A_473, %swap3A_474, %swap3A_475] {strides = array<i32>} : memref<4x4x128xi32, #tpu.memory_space<vmem>>, vector<1x1x16xi32>,
    %swap3A_477 = vector.shape_cast %swap3A_476 : vector<1x1x16xi32> to vector<16xi32>
    %swap3A_478 = vector.shape_cast %add3A_470 : vector<16xi32> to vector<1x1x16xi32>
    tpu.vector_store %arg7[%swap3A_473, %swap3A_474, %swap3A_475], %swap3A_478 {strides = array<i32>} : memref<4x4x128xi32, #tpu.memory_space<vmem>>, vector<1x1x16xi32>,
    %get3A_479 = arith.constant 240 : index
    %get3A_480 = tpu.vector_load %arg6[%get3A_479] {strides = array<i32>} : memref<512xi32, #tpu.memory_space<vmem>>, vector<16xi32>,
    %get3A_481 = vector.shape_cast %get3A_480 : vector<16xi32> to vector<16xi32>
    %shift_right_arithmetic3A_482 = arith.constant 7 : i32
    %shift_right_arithmetic3A_483 = vector.broadcast %shift_right_arithmetic3A_482 : i32 to vector<16xi32>
    %shift_right_arithmetic3A_484 = arith.shrsi %get3A_481, %shift_right_arithmetic3A_483 : vector<16xi32>
    %mul3A_485 = arith.constant 256 : i32
    %mul3A_486 = vector.broadcast %mul3A_485 : i32 to vector<16xi32>
    %mul3A_487 = arith.muli %shift_right_arithmetic3A_484, %mul3A_486 : vector<16xi32>
    %and3A_488 = arith.constant 127 : i32
    %and3A_489 = vector.broadcast %and3A_488 : i32 to vector<16xi32>
    %and3A_490 = arith.andi %get3A_481, %and3A_489 : vector<16xi32>
    %add3A_491 = arith.addi %mul3A_487, %and3A_490 : vector<16xi32>
    %swap3A_492 = arith.constant 0 : i32
    %swap3A_493 = arith.constant 1 : i32
    %swap3A_494 = arith.index_cast %swap3A_492 : i32 to index
    %swap3A_495 = arith.index_cast %swap3A_493 : i32 to index
    %swap3A_496 = arith.constant 112 : index
    %swap3A_497 = tpu.vector_load %arg7[%swap3A_494, %swap3A_495, %swap3A_496] {strides = array<i32>} : memref<4x4x128xi32, #tpu.memory_space<vmem>>, vector<1x1x16xi32>,
    %swap3A_498 = vector.shape_cast %swap3A_497 : vector<1x1x16xi32> to vector<16xi32>
    %swap3A_499 = vector.shape_cast %add3A_491 : vector<16xi32> to vector<1x1x16xi32>
    tpu.vector_store %arg7[%swap3A_494, %swap3A_495, %swap3A_496], %swap3A_499 {strides = array<i32>} : memref<4x4x128xi32, #tpu.memory_space<vmem>>, vector<1x1x16xi32>,
    %add3A_500 = arith.constant 128 : i32
    %add3A_501 = vector.broadcast %add3A_500 : i32 to vector<16xi32>
    %add3A_502 = arith.addi %add3A_491, %add3A_501 : vector<16xi32>
    %swap3A_503 = arith.constant 1 : i32
    %swap3A_504 = arith.constant 1 : i32
    %swap3A_505 = arith.index_cast %swap3A_503 : i32 to index
    %swap3A_506 = arith.index_cast %swap3A_504 : i32 to index
    %swap3A_507 = arith.constant 112 : index
    %swap3A_508 = tpu.vector_load %arg7[%swap3A_505, %swap3A_506, %swap3A_507] {strides = array<i32>} : memref<4x4x128xi32, #tpu.memory_space<vmem>>, vector<1x1x16xi32>,
    %swap3A_509 = vector.shape_cast %swap3A_508 : vector<1x1x16xi32> to vector<16xi32>
    %swap3A_510 = vector.shape_cast %add3A_502 : vector<16xi32> to vector<1x1x16xi32>
    tpu.vector_store %arg7[%swap3A_505, %swap3A_506, %swap3A_507], %swap3A_510 {strides = array<i32>} : memref<4x4x128xi32, #tpu.memory_space<vmem>>, vector<1x1x16xi32>,
    %get3A_511 = arith.constant 256 : index
    %get3A_512 = tpu.vector_load %arg6[%get3A_511] {strides = array<i32>} : memref<512xi32, #tpu.memory_space<vmem>>, vector<16xi32>,
    %get3A_513 = vector.shape_cast %get3A_512 : vector<16xi32> to vector<16xi32>
    %shift_right_arithmetic3A_514 = arith.constant 7 : i32
    %shift_right_arithmetic3A_515 = vector.broadcast %shift_right_arithmetic3A_514 : i32 to vector<16xi32>
    %shift_right_arithmetic3A_516 = arith.shrsi %get3A_513, %shift_right_arithmetic3A_515 : vector<16xi32>
    %mul3A_517 = arith.constant 256 : i32
    %mul3A_518 = vector.broadcast %mul3A_517 : i32 to vector<16xi32>
    %mul3A_519 = arith.muli %shift_right_arithmetic3A_516, %mul3A_518 : vector<16xi32>
    %and3A_520 = arith.constant 127 : i32
    %and3A_521 = vector.broadcast %and3A_520 : i32 to vector<16xi32>
    %and3A_522 = arith.andi %get3A_513, %and3A_521 : vector<16xi32>
    %add3A_523 = arith.addi %mul3A_519, %and3A_522 : vector<16xi32>
    %swap3A_524 = arith.constant 0 : i32
    %swap3A_525 = arith.constant 2 : i32
    %swap3A_526 = arith.index_cast %swap3A_524 : i32 to index
    %swap3A_527 = arith.index_cast %swap3A_525 : i32 to index
    %swap3A_528 = arith.constant 0 : index
    %swap3A_529 = tpu.vector_load %arg7[%swap3A_526, %swap3A_527, %swap3A_528] {strides = array<i32>} : memref<4x4x128xi32, #tpu.memory_space<vmem>>, vector<1x1x16xi32>,
    %swap3A_530 = vector.shape_cast %swap3A_529 : vector<1x1x16xi32> to vector<16xi32>
    %swap3A_531 = vector.shape_cast %add3A_523 : vector<16xi32> to vector<1x1x16xi32>
    tpu.vector_store %arg7[%swap3A_526, %swap3A_527, %swap3A_528], %swap3A_531 {strides = array<i32>} : memref<4x4x128xi32, #tpu.memory_space<vmem>>, vector<1x1x16xi32>,
    %add3A_532 = arith.constant 128 : i32
    %add3A_533 = vector.broadcast %add3A_532 : i32 to vector<16xi32>
    %add3A_534 = arith.addi %add3A_523, %add3A_533 : vector<16xi32>
    %swap3A_535 = arith.constant 1 : i32
    %swap3A_536 = arith.constant 2 : i32
    %swap3A_537 = arith.index_cast %swap3A_535 : i32 to index
    %swap3A_538 = arith.index_cast %swap3A_536 : i32 to index
    %swap3A_539 = arith.constant 0 : index
    %swap3A_540 = tpu.vector_load %arg7[%swap3A_537, %swap3A_538, %swap3A_539] {strides = array<i32>} : memref<4x4x128xi32, #tpu.memory_space<vmem>>, vector<1x1x16xi32>,
    %swap3A_541 = vector.shape_cast %swap3A_540 : vector<1x1x16xi32> to vector<16xi32>
    %swap3A_542 = vector.shape_cast %add3A_534 : vector<16xi32> to vector<1x1x16xi32>
    tpu.vector_store %arg7[%swap3A_537, %swap3A_538, %swap3A_539], %swap3A_542 {strides = array<i32>} : memref<4x4x128xi32, #tpu.memory_space<vmem>>, vector<1x1x16xi32>,
    %get3A_543 = arith.constant 272 : index
    %get3A_544 = tpu.vector_load %arg6[%get3A_543] {strides = array<i32>} : memref<512xi32, #tpu.memory_space<vmem>>, vector<16xi32>,
    %get3A_545 = vector.shape_cast %get3A_544 : vector<16xi32> to vector<16xi32>
    %shift_right_arithmetic3A_546 = arith.constant 7 : i32
    %shift_right_arithmetic3A_547 = vector.broadcast %shift_right_arithmetic3A_546 : i32 to vector<16xi32>
    %shift_right_arithmetic3A_548 = arith.shrsi %get3A_545, %shift_right_arithmetic3A_547 : vector<16xi32>
    %mul3A_549 = arith.constant 256 : i32
    %mul3A_550 = vector.broadcast %mul3A_549 : i32 to vector<16xi32>
    %mul3A_551 = arith.muli %shift_right_arithmetic3A_548, %mul3A_550 : vector<16xi32>
    %and3A_552 = arith.constant 127 : i32
    %and3A_553 = vector.broadcast %and3A_552 : i32 to vector<16xi32>
    %and3A_554 = arith.andi %get3A_545, %and3A_553 : vector<16xi32>
    %add3A_555 = arith.addi %mul3A_551, %and3A_554 : vector<16xi32>
    %swap3A_556 = arith.constant 0 : i32
    %swap3A_557 = arith.constant 2 : i32
    %swap3A_558 = arith.index_cast %swap3A_556 : i32 to index
    %swap3A_559 = arith.index_cast %swap3A_557 : i32 to index
    %swap3A_560 = arith.constant 16 : index
    %swap3A_561 = tpu.vector_load %arg7[%swap3A_558, %swap3A_559, %swap3A_560] {strides = array<i32>} : memref<4x4x128xi32, #tpu.memory_space<vmem>>, vector<1x1x16xi32>,
    %swap3A_562 = vector.shape_cast %swap3A_561 : vector<1x1x16xi32> to vector<16xi32>
    %swap3A_563 = vector.shape_cast %add3A_555 : vector<16xi32> to vector<1x1x16xi32>
    tpu.vector_store %arg7[%swap3A_558, %swap3A_559, %swap3A_560], %swap3A_563 {strides = array<i32>} : memref<4x4x128xi32, #tpu.memory_space<vmem>>, vector<1x1x16xi32>,
    %add3A_564 = arith.constant 128 : i32
    %add3A_565 = vector.broadcast %add3A_564 : i32 to vector<16xi32>
    %add3A_566 = arith.addi %add3A_555, %add3A_565 : vector<16xi32>
    %swap3A_567 = arith.constant 1 : i32
    %swap3A_568 = arith.constant 2 : i32
    %swap3A_569 = arith.index_cast %swap3A_567 : i32 to index
    %swap3A_570 = arith.index_cast %swap3A_568 : i32 to index
    %swap3A_571 = arith.constant 16 : index
    %swap3A_572 = tpu.vector_load %arg7[%swap3A_569, %swap3A_570, %swap3A_571] {strides = array<i32>} : memref<4x4x128xi32, #tpu.memory_space<vmem>>, vector<1x1x16xi32>,
    %swap3A_573 = vector.shape_cast %swap3A_572 : vector<1x1x16xi32> to vector<16xi32>
    %swap3A_574 = vector.shape_cast %add3A_566 : vector<16xi32> to vector<1x1x16xi32>
    tpu.vector_store %arg7[%swap3A_569, %swap3A_570, %swap3A_571], %swap3A_574 {strides = array<i32>} : memref<4x4x128xi32, #tpu.memory_space<vmem>>, vector<1x1x16xi32>,
    %get3A_575 = arith.constant 288 : index
    %get3A_576 = tpu.vector_load %arg6[%get3A_575] {strides = array<i32>} : memref<512xi32, #tpu.memory_space<vmem>>, vector<16xi32>,
    %get3A_577 = vector.shape_cast %get3A_576 : vector<16xi32> to vector<16xi32>
    %shift_right_arithmetic3A_578 = arith.constant 7 : i32
    %shift_right_arithmetic3A_579 = vector.broadcast %shift_right_arithmetic3A_578 : i32 to vector<16xi32>
    %shift_right_arithmetic3A_580 = arith.shrsi %get3A_577, %shift_right_arithmetic3A_579 : vector<16xi32>
    %mul3A_581 = arith.constant 256 : i32
    %mul3A_582 = vector.broadcast %mul3A_581 : i32 to vector<16xi32>
    %mul3A_583 = arith.muli %shift_right_arithmetic3A_580, %mul3A_582 : vector<16xi32>
    %and3A_584 = arith.constant 127 : i32
    %and3A_585 = vector.broadcast %and3A_584 : i32 to vector<16xi32>
    %and3A_586 = arith.andi %get3A_577, %and3A_585 : vector<16xi32>
    %add3A_587 = arith.addi %mul3A_583, %and3A_586 : vector<16xi32>
    %swap3A_588 = arith.constant 0 : i32
    %swap3A_589 = arith.constant 2 : i32
    %swap3A_590 = arith.index_cast %swap3A_588 : i32 to index
    %swap3A_591 = arith.index_cast %swap3A_589 : i32 to index
    %swap3A_592 = arith.constant 32 : index
    %swap3A_593 = tpu.vector_load %arg7[%swap3A_590, %swap3A_591, %swap3A_592] {strides = array<i32>} : memref<4x4x128xi32, #tpu.memory_space<vmem>>, vector<1x1x16xi32>,
    %swap3A_594 = vector.shape_cast %swap3A_593 : vector<1x1x16xi32> to vector<16xi32>
    %swap3A_595 = vector.shape_cast %add3A_587 : vector<16xi32> to vector<1x1x16xi32>
    tpu.vector_store %arg7[%swap3A_590, %swap3A_591, %swap3A_592], %swap3A_595 {strides = array<i32>} : memref<4x4x128xi32, #tpu.memory_space<vmem>>, vector<1x1x16xi32>,
    %add3A_596 = arith.constant 128 : i32
    %add3A_597 = vector.broadcast %add3A_596 : i32 to vector<16xi32>
    %add3A_598 = arith.addi %add3A_587, %add3A_597 : vector<16xi32>
    %swap3A_599 = arith.constant 1 : i32
    %swap3A_600 = arith.constant 2 : i32
    %swap3A_601 = arith.index_cast %swap3A_599 : i32 to index
    %swap3A_602 = arith.index_cast %swap3A_600 : i32 to index
    %swap3A_603 = arith.constant 32 : index
    %swap3A_604 = tpu.vector_load %arg7[%swap3A_601, %swap3A_602, %swap3A_603] {strides = array<i32>} : memref<4x4x128xi32, #tpu.memory_space<vmem>>, vector<1x1x16xi32>,
    %swap3A_605 = vector.shape_cast %swap3A_604 : vector<1x1x16xi32> to vector<16xi32>
    %swap3A_606 = vector.shape_cast %add3A_598 : vector<16xi32> to vector<1x1x16xi32>
    tpu.vector_store %arg7[%swap3A_601, %swap3A_602, %swap3A_603], %swap3A_606 {strides = array<i32>} : memref<4x4x128xi32, #tpu.memory_space<vmem>>, vector<1x1x16xi32>,
    %get3A_607 = arith.constant 304 : index
    %get3A_608 = tpu.vector_load %arg6[%get3A_607] {strides = array<i32>} : memref<512xi32, #tpu.memory_space<vmem>>, vector<16xi32>,
    %get3A_609 = vector.shape_cast %get3A_608 : vector<16xi32> to vector<16xi32>
    %shift_right_arithmetic3A_610 = arith.constant 7 : i32
    %shift_right_arithmetic3A_611 = vector.broadcast %shift_right_arithmetic3A_610 : i32 to vector<16xi32>
    %shift_right_arithmetic3A_612 = arith.shrsi %get3A_609, %shift_right_arithmetic3A_611 : vector<16xi32>
    %mul3A_613 = arith.constant 256 : i32
    %mul3A_614 = vector.broadcast %mul3A_613 : i32 to vector<16xi32>
    %mul3A_615 = arith.muli %shift_right_arithmetic3A_612, %mul3A_614 : vector<16xi32>
    %and3A_616 = arith.constant 127 : i32
    %and3A_617 = vector.broadcast %and3A_616 : i32 to vector<16xi32>
    %and3A_618 = arith.andi %get3A_609, %and3A_617 : vector<16xi32>
    %add3A_619 = arith.addi %mul3A_615, %and3A_618 : vector<16xi32>
    %swap3A_620 = arith.constant 0 : i32
    %swap3A_621 = arith.constant 2 : i32
    %swap3A_622 = arith.index_cast %swap3A_620 : i32 to index
    %swap3A_623 = arith.index_cast %swap3A_621 : i32 to index
    %swap3A_624 = arith.constant 48 : index
    %swap3A_625 = tpu.vector_load %arg7[%swap3A_622, %swap3A_623, %swap3A_624] {strides = array<i32>} : memref<4x4x128xi32, #tpu.memory_space<vmem>>, vector<1x1x16xi32>,
    %swap3A_626 = vector.shape_cast %swap3A_625 : vector<1x1x16xi32> to vector<16xi32>
    %swap3A_627 = vector.shape_cast %add3A_619 : vector<16xi32> to vector<1x1x16xi32>
    tpu.vector_store %arg7[%swap3A_622, %swap3A_623, %swap3A_624], %swap3A_627 {strides = array<i32>} : memref<4x4x128xi32, #tpu.memory_space<vmem>>, vector<1x1x16xi32>,
    %add3A_628 = arith.constant 128 : i32
    %add3A_629 = vector.broadcast %add3A_628 : i32 to vector<16xi32>
    %add3A_630 = arith.addi %add3A_619, %add3A_629 : vector<16xi32>
    %swap3A_631 = arith.constant 1 : i32
    %swap3A_632 = arith.constant 2 : i32
    %swap3A_633 = arith.index_cast %swap3A_631 : i32 to index
    %swap3A_634 = arith.index_cast %swap3A_632 : i32 to index
    %swap3A_635 = arith.constant 48 : index
    %swap3A_636 = tpu.vector_load %arg7[%swap3A_633, %swap3A_634, %swap3A_635] {strides = array<i32>} : memref<4x4x128xi32, #tpu.memory_space<vmem>>, vector<1x1x16xi32>,
    %swap3A_637 = vector.shape_cast %swap3A_636 : vector<1x1x16xi32> to vector<16xi32>
    %swap3A_638 = vector.shape_cast %add3A_630 : vector<16xi32> to vector<1x1x16xi32>
    tpu.vector_store %arg7[%swap3A_633, %swap3A_634, %swap3A_635], %swap3A_638 {strides = array<i32>} : memref<4x4x128xi32, #tpu.memory_space<vmem>>, vector<1x1x16xi32>,
    %get3A_639 = arith.constant 320 : index
    %get3A_640 = tpu.vector_load %arg6[%get3A_639] {strides = array<i32>} : memref<512xi32, #tpu.memory_space<vmem>>, vector<16xi32>,
    %get3A_641 = vector.shape_cast %get3A_640 : vector<16xi32> to vector<16xi32>
    %shift_right_arithmetic3A_642 = arith.constant 7 : i32
    %shift_right_arithmetic3A_643 = vector.broadcast %shift_right_arithmetic3A_642 : i32 to vector<16xi32>
    %shift_right_arithmetic3A_644 = arith.shrsi %get3A_641, %shift_right_arithmetic3A_643 : vector<16xi32>
    %mul3A_645 = arith.constant 256 : i32
    %mul3A_646 = vector.broadcast %mul3A_645 : i32 to vector<16xi32>
    %mul3A_647 = arith.muli %shift_right_arithmetic3A_644, %mul3A_646 : vector<16xi32>
    %and3A_648 = arith.constant 127 : i32
    %and3A_649 = vector.broadcast %and3A_648 : i32 to vector<16xi32>
    %and3A_650 = arith.andi %get3A_641, %and3A_649 : vector<16xi32>
    %add3A_651 = arith.addi %mul3A_647, %and3A_650 : vector<16xi32>
    %swap3A_652 = arith.constant 0 : i32
    %swap3A_653 = arith.constant 2 : i32
    %swap3A_654 = arith.index_cast %swap3A_652 : i32 to index
    %swap3A_655 = arith.index_cast %swap3A_653 : i32 to index
    %swap3A_656 = arith.constant 64 : index
    %swap3A_657 = tpu.vector_load %arg7[%swap3A_654, %swap3A_655, %swap3A_656] {strides = array<i32>} : memref<4x4x128xi32, #tpu.memory_space<vmem>>, vector<1x1x16xi32>,
    %swap3A_658 = vector.shape_cast %swap3A_657 : vector<1x1x16xi32> to vector<16xi32>
    %swap3A_659 = vector.shape_cast %add3A_651 : vector<16xi32> to vector<1x1x16xi32>
    tpu.vector_store %arg7[%swap3A_654, %swap3A_655, %swap3A_656], %swap3A_659 {strides = array<i32>} : memref<4x4x128xi32, #tpu.memory_space<vmem>>, vector<1x1x16xi32>,
    %add3A_660 = arith.constant 128 : i32
    %add3A_661 = vector.broadcast %add3A_660 : i32 to vector<16xi32>
    %add3A_662 = arith.addi %add3A_651, %add3A_661 : vector<16xi32>
    %swap3A_663 = arith.constant 1 : i32
    %swap3A_664 = arith.constant 2 : i32
    %swap3A_665 = arith.index_cast %swap3A_663 : i32 to index
    %swap3A_666 = arith.index_cast %swap3A_664 : i32 to index
    %swap3A_667 = arith.constant 64 : index
    %swap3A_668 = tpu.vector_load %arg7[%swap3A_665, %swap3A_666, %swap3A_667] {strides = array<i32>} : memref<4x4x128xi32, #tpu.memory_space<vmem>>, vector<1x1x16xi32>,
    %swap3A_669 = vector.shape_cast %swap3A_668 : vector<1x1x16xi32> to vector<16xi32>
    %swap3A_670 = vector.shape_cast %add3A_662 : vector<16xi32> to vector<1x1x16xi32>
    tpu.vector_store %arg7[%swap3A_665, %swap3A_666, %swap3A_667], %swap3A_670 {strides = array<i32>} : memref<4x4x128xi32, #tpu.memory_space<vmem>>, vector<1x1x16xi32>,
    %get3A_671 = arith.constant 336 : index
    %get3A_672 = tpu.vector_load %arg6[%get3A_671] {strides = array<i32>} : memref<512xi32, #tpu.memory_space<vmem>>, vector<16xi32>,
    %get3A_673 = vector.shape_cast %get3A_672 : vector<16xi32> to vector<16xi32>
    %shift_right_arithmetic3A_674 = arith.constant 7 : i32
    %shift_right_arithmetic3A_675 = vector.broadcast %shift_right_arithmetic3A_674 : i32 to vector<16xi32>
    %shift_right_arithmetic3A_676 = arith.shrsi %get3A_673, %shift_right_arithmetic3A_675 : vector<16xi32>
    %mul3A_677 = arith.constant 256 : i32
    %mul3A_678 = vector.broadcast %mul3A_677 : i32 to vector<16xi32>
    %mul3A_679 = arith.muli %shift_right_arithmetic3A_676, %mul3A_678 : vector<16xi32>
    %and3A_680 = arith.constant 127 : i32
    %and3A_681 = vector.broadcast %and3A_680 : i32 to vector<16xi32>
    %and3A_682 = arith.andi %get3A_673, %and3A_681 : vector<16xi32>
    %add3A_683 = arith.addi %mul3A_679, %and3A_682 : vector<16xi32>
    %swap3A_684 = arith.constant 0 : i32
    %swap3A_685 = arith.constant 2 : i32
    %swap3A_686 = arith.index_cast %swap3A_684 : i32 to index
    %swap3A_687 = arith.index_cast %swap3A_685 : i32 to index
    %swap3A_688 = arith.constant 80 : index
    %swap3A_689 = tpu.vector_load %arg7[%swap3A_686, %swap3A_687, %swap3A_688] {strides = array<i32>} : memref<4x4x128xi32, #tpu.memory_space<vmem>>, vector<1x1x16xi32>,
    %swap3A_690 = vector.shape_cast %swap3A_689 : vector<1x1x16xi32> to vector<16xi32>
    %swap3A_691 = vector.shape_cast %add3A_683 : vector<16xi32> to vector<1x1x16xi32>
    tpu.vector_store %arg7[%swap3A_686, %swap3A_687, %swap3A_688], %swap3A_691 {strides = array<i32>} : memref<4x4x128xi32, #tpu.memory_space<vmem>>, vector<1x1x16xi32>,
    %add3A_692 = arith.constant 128 : i32
    %add3A_693 = vector.broadcast %add3A_692 : i32 to vector<16xi32>
    %add3A_694 = arith.addi %add3A_683, %add3A_693 : vector<16xi32>
    %swap3A_695 = arith.constant 1 : i32
    %swap3A_696 = arith.constant 2 : i32
    %swap3A_697 = arith.index_cast %swap3A_695 : i32 to index
    %swap3A_698 = arith.index_cast %swap3A_696 : i32 to index
    %swap3A_699 = arith.constant 80 : index
    %swap3A_700 = tpu.vector_load %arg7[%swap3A_697, %swap3A_698, %swap3A_699] {strides = array<i32>} : memref<4x4x128xi32, #tpu.memory_space<vmem>>, vector<1x1x16xi32>,
    %swap3A_701 = vector.shape_cast %swap3A_700 : vector<1x1x16xi32> to vector<16xi32>
    %swap3A_702 = vector.shape_cast %add3A_694 : vector<16xi32> to vector<1x1x16xi32>
    tpu.vector_store %arg7[%swap3A_697, %swap3A_698, %swap3A_699], %swap3A_702 {strides = array<i32>} : memref<4x4x128xi32, #tpu.memory_space<vmem>>, vector<1x1x16xi32>,
    %get3A_703 = arith.constant 352 : index
    %get3A_704 = tpu.vector_load %arg6[%get3A_703] {strides = array<i32>} : memref<512xi32, #tpu.memory_space<vmem>>, vector<16xi32>,
    %get3A_705 = vector.shape_cast %get3A_704 : vector<16xi32> to vector<16xi32>
    %shift_right_arithmetic3A_706 = arith.constant 7 : i32
    %shift_right_arithmetic3A_707 = vector.broadcast %shift_right_arithmetic3A_706 : i32 to vector<16xi32>
    %shift_right_arithmetic3A_708 = arith.shrsi %get3A_705, %shift_right_arithmetic3A_707 : vector<16xi32>
    %mul3A_709 = arith.constant 256 : i32
    %mul3A_710 = vector.broadcast %mul3A_709 : i32 to vector<16xi32>
    %mul3A_711 = arith.muli %shift_right_arithmetic3A_708, %mul3A_710 : vector<16xi32>
    %and3A_712 = arith.constant 127 : i32
    %and3A_713 = vector.broadcast %and3A_712 : i32 to vector<16xi32>
    %and3A_714 = arith.andi %get3A_705, %and3A_713 : vector<16xi32>
    %add3A_715 = arith.addi %mul3A_711, %and3A_714 : vector<16xi32>
    %swap3A_716 = arith.constant 0 : i32
    %swap3A_717 = arith.constant 2 : i32
    %swap3A_718 = arith.index_cast %swap3A_716 : i32 to index
    %swap3A_719 = arith.index_cast %swap3A_717 : i32 to index
    %swap3A_720 = arith.constant 96 : index
    %swap3A_721 = tpu.vector_load %arg7[%swap3A_718, %swap3A_719, %swap3A_720] {strides = array<i32>} : memref<4x4x128xi32, #tpu.memory_space<vmem>>, vector<1x1x16xi32>,
    %swap3A_722 = vector.shape_cast %swap3A_721 : vector<1x1x16xi32> to vector<16xi32>
    %swap3A_723 = vector.shape_cast %add3A_715 : vector<16xi32> to vector<1x1x16xi32>
    tpu.vector_store %arg7[%swap3A_718, %swap3A_719, %swap3A_720], %swap3A_723 {strides = array<i32>} : memref<4x4x128xi32, #tpu.memory_space<vmem>>, vector<1x1x16xi32>,
    %add3A_724 = arith.constant 128 : i32
    %add3A_725 = vector.broadcast %add3A_724 : i32 to vector<16xi32>
    %add3A_726 = arith.addi %add3A_715, %add3A_725 : vector<16xi32>
    %swap3A_727 = arith.constant 1 : i32
    %swap3A_728 = arith.constant 2 : i32
    %swap3A_729 = arith.index_cast %swap3A_727 : i32 to index
    %swap3A_730 = arith.index_cast %swap3A_728 : i32 to index
    %swap3A_731 = arith.constant 96 : index
    %swap3A_732 = tpu.vector_load %arg7[%swap3A_729, %swap3A_730, %swap3A_731] {strides = array<i32>} : memref<4x4x128xi32, #tpu.memory_space<vmem>>, vector<1x1x16xi32>,
    %swap3A_733 = vector.shape_cast %swap3A_732 : vector<1x1x16xi32> to vector<16xi32>
    %swap3A_734 = vector.shape_cast %add3A_726 : vector<16xi32> to vector<1x1x16xi32>
    tpu.vector_store %arg7[%swap3A_729, %swap3A_730, %swap3A_731], %swap3A_734 {strides = array<i32>} : memref<4x4x128xi32, #tpu.memory_space<vmem>>, vector<1x1x16xi32>,
    %get3A_735 = arith.constant 368 : index
    %get3A_736 = tpu.vector_load %arg6[%get3A_735] {strides = array<i32>} : memref<512xi32, #tpu.memory_space<vmem>>, vector<16xi32>,
    %get3A_737 = vector.shape_cast %get3A_736 : vector<16xi32> to vector<16xi32>
    %shift_right_arithmetic3A_738 = arith.constant 7 : i32
    %shift_right_arithmetic3A_739 = vector.broadcast %shift_right_arithmetic3A_738 : i32 to vector<16xi32>
    %shift_right_arithmetic3A_740 = arith.shrsi %get3A_737, %shift_right_arithmetic3A_739 : vector<16xi32>
    %mul3A_741 = arith.constant 256 : i32
    %mul3A_742 = vector.broadcast %mul3A_741 : i32 to vector<16xi32>
    %mul3A_743 = arith.muli %shift_right_arithmetic3A_740, %mul3A_742 : vector<16xi32>
    %and3A_744 = arith.constant 127 : i32
    %and3A_745 = vector.broadcast %and3A_744 : i32 to vector<16xi32>
    %and3A_746 = arith.andi %get3A_737, %and3A_745 : vector<16xi32>
    %add3A_747 = arith.addi %mul3A_743, %and3A_746 : vector<16xi32>
    %swap3A_748 = arith.constant 0 : i32
    %swap3A_749 = arith.constant 2 : i32
    %swap3A_750 = arith.index_cast %swap3A_748 : i32 to index
    %swap3A_751 = arith.index_cast %swap3A_749 : i32 to index
    %swap3A_752 = arith.constant 112 : index
    %swap3A_753 = tpu.vector_load %arg7[%swap3A_750, %swap3A_751, %swap3A_752] {strides = array<i32>} : memref<4x4x128xi32, #tpu.memory_space<vmem>>, vector<1x1x16xi32>,
    %swap3A_754 = vector.shape_cast %swap3A_753 : vector<1x1x16xi32> to vector<16xi32>
    %swap3A_755 = vector.shape_cast %add3A_747 : vector<16xi32> to vector<1x1x16xi32>
    tpu.vector_store %arg7[%swap3A_750, %swap3A_751, %swap3A_752], %swap3A_755 {strides = array<i32>} : memref<4x4x128xi32, #tpu.memory_space<vmem>>, vector<1x1x16xi32>,
    %add3A_756 = arith.constant 128 : i32
    %add3A_757 = vector.broadcast %add3A_756 : i32 to vector<16xi32>
    %add3A_758 = arith.addi %add3A_747, %add3A_757 : vector<16xi32>
    %swap3A_759 = arith.constant 1 : i32
    %swap3A_760 = arith.constant 2 : i32
    %swap3A_761 = arith.index_cast %swap3A_759 : i32 to index
    %swap3A_762 = arith.index_cast %swap3A_760 : i32 to index
    %swap3A_763 = arith.constant 112 : index
    %swap3A_764 = tpu.vector_load %arg7[%swap3A_761, %swap3A_762, %swap3A_763] {strides = array<i32>} : memref<4x4x128xi32, #tpu.memory_space<vmem>>, vector<1x1x16xi32>,
    %swap3A_765 = vector.shape_cast %swap3A_764 : vector<1x1x16xi32> to vector<16xi32>
    %swap3A_766 = vector.shape_cast %add3A_758 : vector<16xi32> to vector<1x1x16xi32>
    tpu.vector_store %arg7[%swap3A_761, %swap3A_762, %swap3A_763], %swap3A_766 {strides = array<i32>} : memref<4x4x128xi32, #tpu.memory_space<vmem>>, vector<1x1x16xi32>,
    %get3A_767 = arith.constant 384 : index
    %get3A_768 = tpu.vector_load %arg6[%get3A_767] {strides = array<i32>} : memref<512xi32, #tpu.memory_space<vmem>>, vector<16xi32>,
    %get3A_769 = vector.shape_cast %get3A_768 : vector<16xi32> to vector<16xi32>
    %shift_right_arithmetic3A_770 = arith.constant 7 : i32
    %shift_right_arithmetic3A_771 = vector.broadcast %shift_right_arithmetic3A_770 : i32 to vector<16xi32>
    %shift_right_arithmetic3A_772 = arith.shrsi %get3A_769, %shift_right_arithmetic3A_771 : vector<16xi32>
    %mul3A_773 = arith.constant 256 : i32
    %mul3A_774 = vector.broadcast %mul3A_773 : i32 to vector<16xi32>
    %mul3A_775 = arith.muli %shift_right_arithmetic3A_772, %mul3A_774 : vector<16xi32>
    %and3A_776 = arith.constant 127 : i32
    %and3A_777 = vector.broadcast %and3A_776 : i32 to vector<16xi32>
    %and3A_778 = arith.andi %get3A_769, %and3A_777 : vector<16xi32>
    %add3A_779 = arith.addi %mul3A_775, %and3A_778 : vector<16xi32>
    %swap3A_780 = arith.constant 0 : i32
    %swap3A_781 = arith.constant 3 : i32
    %swap3A_782 = arith.index_cast %swap3A_780 : i32 to index
    %swap3A_783 = arith.index_cast %swap3A_781 : i32 to index
    %swap3A_784 = arith.constant 0 : index
    %swap3A_785 = tpu.vector_load %arg7[%swap3A_782, %swap3A_783, %swap3A_784] {strides = array<i32>} : memref<4x4x128xi32, #tpu.memory_space<vmem>>, vector<1x1x16xi32>,
    %swap3A_786 = vector.shape_cast %swap3A_785 : vector<1x1x16xi32> to vector<16xi32>
    %swap3A_787 = vector.shape_cast %add3A_779 : vector<16xi32> to vector<1x1x16xi32>
    tpu.vector_store %arg7[%swap3A_782, %swap3A_783, %swap3A_784], %swap3A_787 {strides = array<i32>} : memref<4x4x128xi32, #tpu.memory_space<vmem>>, vector<1x1x16xi32>,
    %add3A_788 = arith.constant 128 : i32
    %add3A_789 = vector.broadcast %add3A_788 : i32 to vector<16xi32>
    %add3A_790 = arith.addi %add3A_779, %add3A_789 : vector<16xi32>
    %swap3A_791 = arith.constant 1 : i32
    %swap3A_792 = arith.constant 3 : i32
    %swap3A_793 = arith.index_cast %swap3A_791 : i32 to index
    %swap3A_794 = arith.index_cast %swap3A_792 : i32 to index
    %swap3A_795 = arith.constant 0 : index
    %swap3A_796 = tpu.vector_load %arg7[%swap3A_793, %swap3A_794, %swap3A_795] {strides = array<i32>} : memref<4x4x128xi32, #tpu.memory_space<vmem>>, vector<1x1x16xi32>,
    %swap3A_797 = vector.shape_cast %swap3A_796 : vector<1x1x16xi32> to vector<16xi32>
    %swap3A_798 = vector.shape_cast %add3A_790 : vector<16xi32> to vector<1x1x16xi32>
    tpu.vector_store %arg7[%swap3A_793, %swap3A_794, %swap3A_795], %swap3A_798 {strides = array<i32>} : memref<4x4x128xi32, #tpu.memory_space<vmem>>, vector<1x1x16xi32>,
    %get3A_799 = arith.constant 400 : index
    %get3A_800 = tpu.vector_load %arg6[%get3A_799] {strides = array<i32>} : memref<512xi32, #tpu.memory_space<vmem>>, vector<16xi32>,
    %get3A_801 = vector.shape_cast %get3A_800 : vector<16xi32> to vector<16xi32>
    %shift_right_arithmetic3A_802 = arith.constant 7 : i32
    %shift_right_arithmetic3A_803 = vector.broadcast %shift_right_arithmetic3A_802 : i32 to vector<16xi32>
    %shift_right_arithmetic3A_804 = arith.shrsi %get3A_801, %shift_right_arithmetic3A_803 : vector<16xi32>
    %mul3A_805 = arith.constant 256 : i32
    %mul3A_806 = vector.broadcast %mul3A_805 : i32 to vector<16xi32>
    %mul3A_807 = arith.muli %shift_right_arithmetic3A_804, %mul3A_806 : vector<16xi32>
    %and3A_808 = arith.constant 127 : i32
    %and3A_809 = vector.broadcast %and3A_808 : i32 to vector<16xi32>
    %and3A_810 = arith.andi %get3A_801, %and3A_809 : vector<16xi32>
    %add3A_811 = arith.addi %mul3A_807, %and3A_810 : vector<16xi32>
    %swap3A_812 = arith.constant 0 : i32
    %swap3A_813 = arith.constant 3 : i32
    %swap3A_814 = arith.index_cast %swap3A_812 : i32 to index
    %swap3A_815 = arith.index_cast %swap3A_813 : i32 to index
    %swap3A_816 = arith.constant 16 : index
    %swap3A_817 = tpu.vector_load %arg7[%swap3A_814, %swap3A_815, %swap3A_816] {strides = array<i32>} : memref<4x4x128xi32, #tpu.memory_space<vmem>>, vector<1x1x16xi32>,
    %swap3A_818 = vector.shape_cast %swap3A_817 : vector<1x1x16xi32> to vector<16xi32>
    %swap3A_819 = vector.shape_cast %add3A_811 : vector<16xi32> to vector<1x1x16xi32>
    tpu.vector_store %arg7[%swap3A_814, %swap3A_815, %swap3A_816], %swap3A_819 {strides = array<i32>} : memref<4x4x128xi32, #tpu.memory_space<vmem>>, vector<1x1x16xi32>,
    %add3A_820 = arith.constant 128 : i32
    %add3A_821 = vector.broadcast %add3A_820 : i32 to vector<16xi32>
    %add3A_822 = arith.addi %add3A_811, %add3A_821 : vector<16xi32>
    %swap3A_823 = arith.constant 1 : i32
    %swap3A_824 = arith.constant 3 : i32
    %swap3A_825 = arith.index_cast %swap3A_823 : i32 to index
    %swap3A_826 = arith.index_cast %swap3A_824 : i32 to index
    %swap3A_827 = arith.constant 16 : index
    %swap3A_828 = tpu.vector_load %arg7[%swap3A_825, %swap3A_826, %swap3A_827] {strides = array<i32>} : memref<4x4x128xi32, #tpu.memory_space<vmem>>, vector<1x1x16xi32>,
    %swap3A_829 = vector.shape_cast %swap3A_828 : vector<1x1x16xi32> to vector<16xi32>
    %swap3A_830 = vector.shape_cast %add3A_822 : vector<16xi32> to vector<1x1x16xi32>
    tpu.vector_store %arg7[%swap3A_825, %swap3A_826, %swap3A_827], %swap3A_830 {strides = array<i32>} : memref<4x4x128xi32, #tpu.memory_space<vmem>>, vector<1x1x16xi32>,
    %get3A_831 = arith.constant 416 : index
    %get3A_832 = tpu.vector_load %arg6[%get3A_831] {strides = array<i32>} : memref<512xi32, #tpu.memory_space<vmem>>, vector<16xi32>,
    %get3A_833 = vector.shape_cast %get3A_832 : vector<16xi32> to vector<16xi32>
    %shift_right_arithmetic3A_834 = arith.constant 7 : i32
    %shift_right_arithmetic3A_835 = vector.broadcast %shift_right_arithmetic3A_834 : i32 to vector<16xi32>
    %shift_right_arithmetic3A_836 = arith.shrsi %get3A_833, %shift_right_arithmetic3A_835 : vector<16xi32>
    %mul3A_837 = arith.constant 256 : i32
    %mul3A_838 = vector.broadcast %mul3A_837 : i32 to vector<16xi32>
    %mul3A_839 = arith.muli %shift_right_arithmetic3A_836, %mul3A_838 : vector<16xi32>
    %and3A_840 = arith.constant 127 : i32
    %and3A_841 = vector.broadcast %and3A_840 : i32 to vector<16xi32>
    %and3A_842 = arith.andi %get3A_833, %and3A_841 : vector<16xi32>
    %add3A_843 = arith.addi %mul3A_839, %and3A_842 : vector<16xi32>
    %swap3A_844 = arith.constant 0 : i32
    %swap3A_845 = arith.constant 3 : i32
    %swap3A_846 = arith.index_cast %swap3A_844 : i32 to index
    %swap3A_847 = arith.index_cast %swap3A_845 : i32 to index
    %swap3A_848 = arith.constant 32 : index
    %swap3A_849 = tpu.vector_load %arg7[%swap3A_846, %swap3A_847, %swap3A_848] {strides = array<i32>} : memref<4x4x128xi32, #tpu.memory_space<vmem>>, vector<1x1x16xi32>,
    %swap3A_850 = vector.shape_cast %swap3A_849 : vector<1x1x16xi32> to vector<16xi32>
    %swap3A_851 = vector.shape_cast %add3A_843 : vector<16xi32> to vector<1x1x16xi32>
    tpu.vector_store %arg7[%swap3A_846, %swap3A_847, %swap3A_848], %swap3A_851 {strides = array<i32>} : memref<4x4x128xi32, #tpu.memory_space<vmem>>, vector<1x1x16xi32>,
    %add3A_852 = arith.constant 128 : i32
    %add3A_853 = vector.broadcast %add3A_852 : i32 to vector<16xi32>
    %add3A_854 = arith.addi %add3A_843, %add3A_853 : vector<16xi32>
    %swap3A_855 = arith.constant 1 : i32
    %swap3A_856 = arith.constant 3 : i32
    %swap3A_857 = arith.index_cast %swap3A_855 : i32 to index
    %swap3A_858 = arith.index_cast %swap3A_856 : i32 to index
    %swap3A_859 = arith.constant 32 : index
    %swap3A_860 = tpu.vector_load %arg7[%swap3A_857, %swap3A_858, %swap3A_859] {strides = array<i32>} : memref<4x4x128xi32, #tpu.memory_space<vmem>>, vector<1x1x16xi32>,
    %swap3A_861 = vector.shape_cast %swap3A_860 : vector<1x1x16xi32> to vector<16xi32>
    %swap3A_862 = vector.shape_cast %add3A_854 : vector<16xi32> to vector<1x1x16xi32>
    tpu.vector_store %arg7[%swap3A_857, %swap3A_858, %swap3A_859], %swap3A_862 {strides = array<i32>} : memref<4x4x128xi32, #tpu.memory_space<vmem>>, vector<1x1x16xi32>,
    %get3A_863 = arith.constant 432 : index
    %get3A_864 = tpu.vector_load %arg6[%get3A_863] {strides = array<i32>} : memref<512xi32, #tpu.memory_space<vmem>>, vector<16xi32>,
    %get3A_865 = vector.shape_cast %get3A_864 : vector<16xi32> to vector<16xi32>
    %shift_right_arithmetic3A_866 = arith.constant 7 : i32
    %shift_right_arithmetic3A_867 = vector.broadcast %shift_right_arithmetic3A_866 : i32 to vector<16xi32>
    %shift_right_arithmetic3A_868 = arith.shrsi %get3A_865, %shift_right_arithmetic3A_867 : vector<16xi32>
    %mul3A_869 = arith.constant 256 : i32
    %mul3A_870 = vector.broadcast %mul3A_869 : i32 to vector<16xi32>
    %mul3A_871 = arith.muli %shift_right_arithmetic3A_868, %mul3A_870 : vector<16xi32>
    %and3A_872 = arith.constant 127 : i32
    %and3A_873 = vector.broadcast %and3A_872 : i32 to vector<16xi32>
    %and3A_874 = arith.andi %get3A_865, %and3A_873 : vector<16xi32>
    %add3A_875 = arith.addi %mul3A_871, %and3A_874 : vector<16xi32>
    %swap3A_876 = arith.constant 0 : i32
    %swap3A_877 = arith.constant 3 : i32
    %swap3A_878 = arith.index_cast %swap3A_876 : i32 to index
    %swap3A_879 = arith.index_cast %swap3A_877 : i32 to index
    %swap3A_880 = arith.constant 48 : index
    %swap3A_881 = tpu.vector_load %arg7[%swap3A_878, %swap3A_879, %swap3A_880] {strides = array<i32>} : memref<4x4x128xi32, #tpu.memory_space<vmem>>, vector<1x1x16xi32>,
    %swap3A_882 = vector.shape_cast %swap3A_881 : vector<1x1x16xi32> to vector<16xi32>
    %swap3A_883 = vector.shape_cast %add3A_875 : vector<16xi32> to vector<1x1x16xi32>
    tpu.vector_store %arg7[%swap3A_878, %swap3A_879, %swap3A_880], %swap3A_883 {strides = array<i32>} : memref<4x4x128xi32, #tpu.memory_space<vmem>>, vector<1x1x16xi32>,
    %add3A_884 = arith.constant 128 : i32
    %add3A_885 = vector.broadcast %add3A_884 : i32 to vector<16xi32>
    %add3A_886 = arith.addi %add3A_875, %add3A_885 : vector<16xi32>
    %swap3A_887 = arith.constant 1 : i32
    %swap3A_888 = arith.constant 3 : i32
    %swap3A_889 = arith.index_cast %swap3A_887 : i32 to index
    %swap3A_890 = arith.index_cast %swap3A_888 : i32 to index
    %swap3A_891 = arith.constant 48 : index
    %swap3A_892 = tpu.vector_load %arg7[%swap3A_889, %swap3A_890, %swap3A_891] {strides = array<i32>} : memref<4x4x128xi32, #tpu.memory_space<vmem>>, vector<1x1x16xi32>,
    %swap3A_893 = vector.shape_cast %swap3A_892 : vector<1x1x16xi32> to vector<16xi32>
    %swap3A_894 = vector.shape_cast %add3A_886 : vector<16xi32> to vector<1x1x16xi32>
    tpu.vector_store %arg7[%swap3A_889, %swap3A_890, %swap3A_891], %swap3A_894 {strides = array<i32>} : memref<4x4x128xi32, #tpu.memory_space<vmem>>, vector<1x1x16xi32>,
    %get3A_895 = arith.constant 448 : index
    %get3A_896 = tpu.vector_load %arg6[%get3A_895] {strides = array<i32>} : memref<512xi32, #tpu.memory_space<vmem>>, vector<16xi32>,
    %get3A_897 = vector.shape_cast %get3A_896 : vector<16xi32> to vector<16xi32>
    %shift_right_arithmetic3A_898 = arith.constant 7 : i32
    %shift_right_arithmetic3A_899 = vector.broadcast %shift_right_arithmetic3A_898 : i32 to vector<16xi32>
    %shift_right_arithmetic3A_900 = arith.shrsi %get3A_897, %shift_right_arithmetic3A_899 : vector<16xi32>
    %mul3A_901 = arith.constant 256 : i32
    %mul3A_902 = vector.broadcast %mul3A_901 : i32 to vector<16xi32>
    %mul3A_903 = arith.muli %shift_right_arithmetic3A_900, %mul3A_902 : vector<16xi32>
    %and3A_904 = arith.constant 127 : i32
    %and3A_905 = vector.broadcast %and3A_904 : i32 to vector<16xi32>
    %and3A_906 = arith.andi %get3A_897, %and3A_905 : vector<16xi32>
    %add3A_907 = arith.addi %mul3A_903, %and3A_906 : vector<16xi32>
    %swap3A_908 = arith.constant 0 : i32
    %swap3A_909 = arith.constant 3 : i32
    %swap3A_910 = arith.index_cast %swap3A_908 : i32 to index
    %swap3A_911 = arith.index_cast %swap3A_909 : i32 to index
    %swap3A_912 = arith.constant 64 : index
    %swap3A_913 = tpu.vector_load %arg7[%swap3A_910, %swap3A_911, %swap3A_912] {strides = array<i32>} : memref<4x4x128xi32, #tpu.memory_space<vmem>>, vector<1x1x16xi32>,
    %swap3A_914 = vector.shape_cast %swap3A_913 : vector<1x1x16xi32> to vector<16xi32>
    %swap3A_915 = vector.shape_cast %add3A_907 : vector<16xi32> to vector<1x1x16xi32>
    tpu.vector_store %arg7[%swap3A_910, %swap3A_911, %swap3A_912], %swap3A_915 {strides = array<i32>} : memref<4x4x128xi32, #tpu.memory_space<vmem>>, vector<1x1x16xi32>,
    %add3A_916 = arith.constant 128 : i32
    %add3A_917 = vector.broadcast %add3A_916 : i32 to vector<16xi32>
    %add3A_918 = arith.addi %add3A_907, %add3A_917 : vector<16xi32>
    %swap3A_919 = arith.constant 1 : i32
    %swap3A_920 = arith.constant 3 : i32
    %swap3A_921 = arith.index_cast %swap3A_919 : i32 to index
    %swap3A_922 = arith.index_cast %swap3A_920 : i32 to index
    %swap3A_923 = arith.constant 64 : index
    %swap3A_924 = tpu.vector_load %arg7[%swap3A_921, %swap3A_922, %swap3A_923] {strides = array<i32>} : memref<4x4x128xi32, #tpu.memory_space<vmem>>, vector<1x1x16xi32>,
    %swap3A_925 = vector.shape_cast %swap3A_924 : vector<1x1x16xi32> to vector<16xi32>
    %swap3A_926 = vector.shape_cast %add3A_918 : vector<16xi32> to vector<1x1x16xi32>
    tpu.vector_store %arg7[%swap3A_921, %swap3A_922, %swap3A_923], %swap3A_926 {strides = array<i32>} : memref<4x4x128xi32, #tpu.memory_space<vmem>>, vector<1x1x16xi32>,
    %get3A_927 = arith.constant 464 : index
    %get3A_928 = tpu.vector_load %arg6[%get3A_927] {strides = array<i32>} : memref<512xi32, #tpu.memory_space<vmem>>, vector<16xi32>,
    %get3A_929 = vector.shape_cast %get3A_928 : vector<16xi32> to vector<16xi32>
    %shift_right_arithmetic3A_930 = arith.constant 7 : i32
    %shift_right_arithmetic3A_931 = vector.broadcast %shift_right_arithmetic3A_930 : i32 to vector<16xi32>
    %shift_right_arithmetic3A_932 = arith.shrsi %get3A_929, %shift_right_arithmetic3A_931 : vector<16xi32>
    %mul3A_933 = arith.constant 256 : i32
    %mul3A_934 = vector.broadcast %mul3A_933 : i32 to vector<16xi32>
    %mul3A_935 = arith.muli %shift_right_arithmetic3A_932, %mul3A_934 : vector<16xi32>
    %and3A_936 = arith.constant 127 : i32
    %and3A_937 = vector.broadcast %and3A_936 : i32 to vector<16xi32>
    %and3A_938 = arith.andi %get3A_929, %and3A_937 : vector<16xi32>
    %add3A_939 = arith.addi %mul3A_935, %and3A_938 : vector<16xi32>
    %swap3A_940 = arith.constant 0 : i32
    %swap3A_941 = arith.constant 3 : i32
    %swap3A_942 = arith.index_cast %swap3A_940 : i32 to index
    %swap3A_943 = arith.index_cast %swap3A_941 : i32 to index
    %swap3A_944 = arith.constant 80 : index
    %swap3A_945 = tpu.vector_load %arg7[%swap3A_942, %swap3A_943, %swap3A_944] {strides = array<i32>} : memref<4x4x128xi32, #tpu.memory_space<vmem>>, vector<1x1x16xi32>,
    %swap3A_946 = vector.shape_cast %swap3A_945 : vector<1x1x16xi32> to vector<16xi32>
    %swap3A_947 = vector.shape_cast %add3A_939 : vector<16xi32> to vector<1x1x16xi32>
    tpu.vector_store %arg7[%swap3A_942, %swap3A_943, %swap3A_944], %swap3A_947 {strides = array<i32>} : memref<4x4x128xi32, #tpu.memory_space<vmem>>, vector<1x1x16xi32>,
    %add3A_948 = arith.constant 128 : i32
    %add3A_949 = vector.broadcast %add3A_948 : i32 to vector<16xi32>
    %add3A_950 = arith.addi %add3A_939, %add3A_949 : vector<16xi32>
    %swap3A_951 = arith.constant 1 : i32
    %swap3A_952 = arith.constant 3 : i32
    %swap3A_953 = arith.index_cast %swap3A_951 : i32 to index
    %swap3A_954 = arith.index_cast %swap3A_952 : i32 to index
    %swap3A_955 = arith.constant 80 : index
    %swap3A_956 = tpu.vector_load %arg7[%swap3A_953, %swap3A_954, %swap3A_955] {strides = array<i32>} : memref<4x4x128xi32, #tpu.memory_space<vmem>>, vector<1x1x16xi32>,
    %swap3A_957 = vector.shape_cast %swap3A_956 : vector<1x1x16xi32> to vector<16xi32>
    %swap3A_958 = vector.shape_cast %add3A_950 : vector<16xi32> to vector<1x1x16xi32>
    tpu.vector_store %arg7[%swap3A_953, %swap3A_954, %swap3A_955], %swap3A_958 {strides = array<i32>} : memref<4x4x128xi32, #tpu.memory_space<vmem>>, vector<1x1x16xi32>,
    %get3A_959 = arith.constant 480 : index
    %get3A_960 = tpu.vector_load %arg6[%get3A_959] {strides = array<i32>} : memref<512xi32, #tpu.memory_space<vmem>>, vector<16xi32>,
    %get3A_961 = vector.shape_cast %get3A_960 : vector<16xi32> to vector<16xi32>
    %shift_right_arithmetic3A_962 = arith.constant 7 : i32
    %shift_right_arithmetic3A_963 = vector.broadcast %shift_right_arithmetic3A_962 : i32 to vector<16xi32>
    %shift_right_arithmetic3A_964 = arith.shrsi %get3A_961, %shift_right_arithmetic3A_963 : vector<16xi32>
    %mul3A_965 = arith.constant 256 : i32
    %mul3A_966 = vector.broadcast %mul3A_965 : i32 to vector<16xi32>
    %mul3A_967 = arith.muli %shift_right_arithmetic3A_964, %mul3A_966 : vector<16xi32>
    %and3A_968 = arith.constant 127 : i32
    %and3A_969 = vector.broadcast %and3A_968 : i32 to vector<16xi32>
    %and3A_970 = arith.andi %get3A_961, %and3A_969 : vector<16xi32>
    %add3A_971 = arith.addi %mul3A_967, %and3A_970 : vector<16xi32>
    %swap3A_972 = arith.constant 0 : i32
    %swap3A_973 = arith.constant 3 : i32
    %swap3A_974 = arith.index_cast %swap3A_972 : i32 to index
    %swap3A_975 = arith.index_cast %swap3A_973 : i32 to index
    %swap3A_976 = arith.constant 96 : index
    %swap3A_977 = tpu.vector_load %arg7[%swap3A_974, %swap3A_975, %swap3A_976] {strides = array<i32>} : memref<4x4x128xi32, #tpu.memory_space<vmem>>, vector<1x1x16xi32>,
    %swap3A_978 = vector.shape_cast %swap3A_977 : vector<1x1x16xi32> to vector<16xi32>
    %swap3A_979 = vector.shape_cast %add3A_971 : vector<16xi32> to vector<1x1x16xi32>
    tpu.vector_store %arg7[%swap3A_974, %swap3A_975, %swap3A_976], %swap3A_979 {strides = array<i32>} : memref<4x4x128xi32, #tpu.memory_space<vmem>>, vector<1x1x16xi32>,
    %add3A_980 = arith.constant 128 : i32
    %add3A_981 = vector.broadcast %add3A_980 : i32 to vector<16xi32>
    %add3A_982 = arith.addi %add3A_971, %add3A_981 : vector<16xi32>
    %swap3A_983 = arith.constant 1 : i32
    %swap3A_984 = arith.constant 3 : i32
    %swap3A_985 = arith.index_cast %swap3A_983 : i32 to index
    %swap3A_986 = arith.index_cast %swap3A_984 : i32 to index
    %swap3A_987 = arith.constant 96 : index
    %swap3A_988 = tpu.vector_load %arg7[%swap3A_985, %swap3A_986, %swap3A_987] {strides = array<i32>} : memref<4x4x128xi32, #tpu.memory_space<vmem>>, vector<1x1x16xi32>,
    %swap3A_989 = vector.shape_cast %swap3A_988 : vector<1x1x16xi32> to vector<16xi32>
    %swap3A_990 = vector.shape_cast %add3A_982 : vector<16xi32> to vector<1x1x16xi32>
    tpu.vector_store %arg7[%swap3A_985, %swap3A_986, %swap3A_987], %swap3A_990 {strides = array<i32>} : memref<4x4x128xi32, #tpu.memory_space<vmem>>, vector<1x1x16xi32>,
    %get3A_991 = arith.constant 496 : index
    %get3A_992 = tpu.vector_load %arg6[%get3A_991] {strides = array<i32>} : memref<512xi32, #tpu.memory_space<vmem>>, vector<16xi32>,
    %get3A_993 = vector.shape_cast %get3A_992 : vector<16xi32> to vector<16xi32>
    %shift_right_arithmetic3A_994 = arith.constant 7 : i32
    %shift_right_arithmetic3A_995 = vector.broadcast %shift_right_arithmetic3A_994 : i32 to vector<16xi32>
    %shift_right_arithmetic3A_996 = arith.shrsi %get3A_993, %shift_right_arithmetic3A_995 : vector<16xi32>
    %mul3A_997 = arith.constant 256 : i32
    %mul3A_998 = vector.broadcast %mul3A_997 : i32 to vector<16xi32>
    %mul3A_999 = arith.muli %shift_right_arithmetic3A_996, %mul3A_998 : vector<16xi32>
    %and3A_1000 = arith.constant 127 : i32
    %and3A_1001 = vector.broadcast %and3A_1000 : i32 to vector<16xi32>
    %and3A_1002 = arith.andi %get3A_993, %and3A_1001 : vector<16xi32>
    %add3A_1003 = arith.addi %mul3A_999, %and3A_1002 : vector<16xi32>
    %swap3A_1004 = arith.constant 0 : i32
    %swap3A_1005 = arith.constant 3 : i32
    %swap3A_1006 = arith.index_cast %swap3A_1004 : i32 to index
    %swap3A_1007 = arith.index_cast %swap3A_1005 : i32 to index
    %swap3A_1008 = arith.constant 112 : index
    %swap3A_1009 = tpu.vector_load %arg7[%swap3A_1006, %swap3A_1007, %swap3A_1008] {strides = array<i32>} : memref<4x4x128xi32, #tpu.memory_space<vmem>>, vector<1x1x16xi32>,
    %swap3A_1010 = vector.shape_cast %swap3A_1009 : vector<1x1x16xi32> to vector<16xi32>
    %swap3A_1011 = vector.shape_cast %add3A_1003 : vector<16xi32> to vector<1x1x16xi32>
    tpu.vector_store %arg7[%swap3A_1006, %swap3A_1007, %swap3A_1008], %swap3A_1011 {strides = array<i32>} : memref<4x4x128xi32, #tpu.memory_space<vmem>>, vector<1x1x16xi32>,
    %add3A_1012 = arith.constant 128 : i32
    %add3A_1013 = vector.broadcast %add3A_1012 : i32 to vector<16xi32>
    %add3A_1014 = arith.addi %add3A_1003, %add3A_1013 : vector<16xi32>
    %swap3A_1015 = arith.constant 1 : i32
    %swap3A_1016 = arith.constant 3 : i32
    %swap3A_1017 = arith.index_cast %swap3A_1015 : i32 to index
    %swap3A_1018 = arith.index_cast %swap3A_1016 : i32 to index
    %swap3A_1019 = arith.constant 112 : index
    %swap3A_1020 = tpu.vector_load %arg7[%swap3A_1017, %swap3A_1018, %swap3A_1019] {strides = array<i32>} : memref<4x4x128xi32, #tpu.memory_space<vmem>>, vector<1x1x16xi32>,
    %swap3A_1021 = vector.shape_cast %swap3A_1020 : vector<1x1x16xi32> to vector<16xi32>
    %swap3A_1022 = vector.shape_cast %add3A_1014 : vector<16xi32> to vector<1x1x16xi32>
    tpu.vector_store %arg7[%swap3A_1017, %swap3A_1018, %swap3A_1019], %swap3A_1022 {strides = array<i32>} : memref<4x4x128xi32, #tpu.memory_space<vmem>>, vector<1x1x16xi32>,
    %mul3A_1023 = arith.constant 512 : i32
    %mul3A_1024 = arith.muli %add3A, %mul3A_1023 : i32
    "tpu.region"() ({
      %run_scoped3A_2410 = tpu.sem_alloc : memref<!tpu.dma_semaphore, #tpu.memory_space<semaphore_mem>>
      %dma_start3A_2411 = tpu.memref_slice %arg4[%mul3A_1024] : memref<16384xi32, #tpu.memory_space<hbm>> -> memref<512xi32, #tpu.memory_space<hbm>>
      %dma_start3A_2412 = tpu.memref_slice %arg4[%mul3A_1024] : memref<16384xi32, #tpu.memory_space<hbm>> -> memref<512xi32, #tpu.memory_space<hbm>>
      tpu.enqueue_dma source(%dma_start3A_2412 : memref<512xi32, #tpu.memory_space<hbm>>) target(%arg6 : memref<512xi32, #tpu.memory_space<vmem>>) target_semaphore(%run_scoped3A_2410 : memref<!tpu.dma_semaphore, #tpu.memory_space<semaphore_mem>>)
      %dma_wait3A_2413 = tpu.memref_slice %arg4[%mul3A_1024] : memref<16384xi32, #tpu.memory_space<hbm>> -> memref<512xi32, #tpu.memory_space<hbm>>
      %dma_wait3A_2414 = tpu.memref_slice %arg4[%mul3A_1024] : memref<16384xi32, #tpu.memory_space<hbm>> -> memref<512xi32, #tpu.memory_space<hbm>>
      tpu.wait_dma2 semaphore(%run_scoped3A_2410 : memref<!tpu.dma_semaphore, #tpu.memory_space<semaphore_mem>>) src(%dma_wait3A_2414 : memref<512xi32, #tpu.memory_space<hbm>>) dst(%arg6 : memref<512xi32, #tpu.memory_space<vmem>>)
      tpu.yield
    }) : () -> ()
    %get3A_1025 = arith.constant 0 : index
    %get3A_1026 = tpu.vector_load %arg6[%get3A_1025] {strides = array<i32>} : memref<512xi32, #tpu.memory_space<vmem>>, vector<16xi32>,
    %get3A_1027 = vector.shape_cast %get3A_1026 : vector<16xi32> to vector<16xi32>
    %shift_right_arithmetic3A_1028 = arith.constant 7 : i32
    %shift_right_arithmetic3A_1029 = vector.broadcast %shift_right_arithmetic3A_1028 : i32 to vector<16xi32>
    %shift_right_arithmetic3A_1030 = arith.shrsi %get3A_1027, %shift_right_arithmetic3A_1029 : vector<16xi32>
    %mul3A_1031 = arith.constant 256 : i32
    %mul3A_1032 = vector.broadcast %mul3A_1031 : i32 to vector<16xi32>
    %mul3A_1033 = arith.muli %shift_right_arithmetic3A_1030, %mul3A_1032 : vector<16xi32>
    %and3A_1034 = arith.constant 127 : i32
    %and3A_1035 = vector.broadcast %and3A_1034 : i32 to vector<16xi32>
    %and3A_1036 = arith.andi %get3A_1027, %and3A_1035 : vector<16xi32>
    %add3A_1037 = arith.addi %mul3A_1033, %and3A_1036 : vector<16xi32>
    %swap3A_1038 = arith.constant 2 : i32
    %swap3A_1039 = arith.constant 0 : i32
    %swap3A_1040 = arith.index_cast %swap3A_1038 : i32 to index
    %swap3A_1041 = arith.index_cast %swap3A_1039 : i32 to index
    %swap3A_1042 = arith.constant 0 : index
    %swap3A_1043 = tpu.vector_load %arg7[%swap3A_1040, %swap3A_1041, %swap3A_1042] {strides = array<i32>} : memref<4x4x128xi32, #tpu.memory_space<vmem>>, vector<1x1x16xi32>,
    %swap3A_1044 = vector.shape_cast %swap3A_1043 : vector<1x1x16xi32> to vector<16xi32>
    %swap3A_1045 = vector.shape_cast %add3A_1037 : vector<16xi32> to vector<1x1x16xi32>
    tpu.vector_store %arg7[%swap3A_1040, %swap3A_1041, %swap3A_1042], %swap3A_1045 {strides = array<i32>} : memref<4x4x128xi32, #tpu.memory_space<vmem>>, vector<1x1x16xi32>,
    %add3A_1046 = arith.constant 128 : i32
    %add3A_1047 = vector.broadcast %add3A_1046 : i32 to vector<16xi32>
    %add3A_1048 = arith.addi %add3A_1037, %add3A_1047 : vector<16xi32>
    %swap3A_1049 = arith.constant 3 : i32
    %swap3A_1050 = arith.constant 0 : i32
    %swap3A_1051 = arith.index_cast %swap3A_1049 : i32 to index
    %swap3A_1052 = arith.index_cast %swap3A_1050 : i32 to index
    %swap3A_1053 = arith.constant 0 : index
    %swap3A_1054 = tpu.vector_load %arg7[%swap3A_1051, %swap3A_1052, %swap3A_1053] {strides = array<i32>} : memref<4x4x128xi32, #tpu.memory_space<vmem>>, vector<1x1x16xi32>,
    %swap3A_1055 = vector.shape_cast %swap3A_1054 : vector<1x1x16xi32> to vector<16xi32>
    %swap3A_1056 = vector.shape_cast %add3A_1048 : vector<16xi32> to vector<1x1x16xi32>
    tpu.vector_store %arg7[%swap3A_1051, %swap3A_1052, %swap3A_1053], %swap3A_1056 {strides = array<i32>} : memref<4x4x128xi32, #tpu.memory_space<vmem>>, vector<1x1x16xi32>,
    %get3A_1057 = arith.constant 16 : index
    %get3A_1058 = tpu.vector_load %arg6[%get3A_1057] {strides = array<i32>} : memref<512xi32, #tpu.memory_space<vmem>>, vector<16xi32>,
    %get3A_1059 = vector.shape_cast %get3A_1058 : vector<16xi32> to vector<16xi32>
    %shift_right_arithmetic3A_1060 = arith.constant 7 : i32
    %shift_right_arithmetic3A_1061 = vector.broadcast %shift_right_arithmetic3A_1060 : i32 to vector<16xi32>
    %shift_right_arithmetic3A_1062 = arith.shrsi %get3A_1059, %shift_right_arithmetic3A_1061 : vector<16xi32>
    %mul3A_1063 = arith.constant 256 : i32
    %mul3A_1064 = vector.broadcast %mul3A_1063 : i32 to vector<16xi32>
    %mul3A_1065 = arith.muli %shift_right_arithmetic3A_1062, %mul3A_1064 : vector<16xi32>
    %and3A_1066 = arith.constant 127 : i32
    %and3A_1067 = vector.broadcast %and3A_1066 : i32 to vector<16xi32>
    %and3A_1068 = arith.andi %get3A_1059, %and3A_1067 : vector<16xi32>
    %add3A_1069 = arith.addi %mul3A_1065, %and3A_1068 : vector<16xi32>
    %swap3A_1070 = arith.constant 2 : i32
    %swap3A_1071 = arith.constant 0 : i32
    %swap3A_1072 = arith.index_cast %swap3A_1070 : i32 to index
    %swap3A_1073 = arith.index_cast %swap3A_1071 : i32 to index
    %swap3A_1074 = arith.constant 16 : index
    %swap3A_1075 = tpu.vector_load %arg7[%swap3A_1072, %swap3A_1073, %swap3A_1074] {strides = array<i32>} : memref<4x4x128xi32, #tpu.memory_space<vmem>>, vector<1x1x16xi32>,
    %swap3A_1076 = vector.shape_cast %swap3A_1075 : vector<1x1x16xi32> to vector<16xi32>
    %swap3A_1077 = vector.shape_cast %add3A_1069 : vector<16xi32> to vector<1x1x16xi32>
    tpu.vector_store %arg7[%swap3A_1072, %swap3A_1073, %swap3A_1074], %swap3A_1077 {strides = array<i32>} : memref<4x4x128xi32, #tpu.memory_space<vmem>>, vector<1x1x16xi32>,
    %add3A_1078 = arith.constant 128 : i32
    %add3A_1079 = vector.broadcast %add3A_1078 : i32 to vector<16xi32>
    %add3A_1080 = arith.addi %add3A_1069, %add3A_1079 : vector<16xi32>
    %swap3A_1081 = arith.constant 3 : i32
    %swap3A_1082 = arith.constant 0 : i32
    %swap3A_1083 = arith.index_cast %swap3A_1081 : i32 to index
    %swap3A_1084 = arith.index_cast %swap3A_1082 : i32 to index
    %swap3A_1085 = arith.constant 16 : index
    %swap3A_1086 = tpu.vector_load %arg7[%swap3A_1083, %swap3A_1084, %swap3A_1085] {strides = array<i32>} : memref<4x4x128xi32, #tpu.memory_space<vmem>>, vector<1x1x16xi32>,
    %swap3A_1087 = vector.shape_cast %swap3A_1086 : vector<1x1x16xi32> to vector<16xi32>
    %swap3A_1088 = vector.shape_cast %add3A_1080 : vector<16xi32> to vector<1x1x16xi32>
    tpu.vector_store %arg7[%swap3A_1083, %swap3A_1084, %swap3A_1085], %swap3A_1088 {strides = array<i32>} : memref<4x4x128xi32, #tpu.memory_space<vmem>>, vector<1x1x16xi32>,
    %get3A_1089 = arith.constant 32 : index
    %get3A_1090 = tpu.vector_load %arg6[%get3A_1089] {strides = array<i32>} : memref<512xi32, #tpu.memory_space<vmem>>, vector<16xi32>,
    %get3A_1091 = vector.shape_cast %get3A_1090 : vector<16xi32> to vector<16xi32>
    %shift_right_arithmetic3A_1092 = arith.constant 7 : i32
    %shift_right_arithmetic3A_1093 = vector.broadcast %shift_right_arithmetic3A_1092 : i32 to vector<16xi32>
    %shift_right_arithmetic3A_1094 = arith.shrsi %get3A_1091, %shift_right_arithmetic3A_1093 : vector<16xi32>
    %mul3A_1095 = arith.constant 256 : i32
    %mul3A_1096 = vector.broadcast %mul3A_1095 : i32 to vector<16xi32>
    %mul3A_1097 = arith.muli %shift_right_arithmetic3A_1094, %mul3A_1096 : vector<16xi32>
    %and3A_1098 = arith.constant 127 : i32
    %and3A_1099 = vector.broadcast %and3A_1098 : i32 to vector<16xi32>
    %and3A_1100 = arith.andi %get3A_1091, %and3A_1099 : vector<16xi32>
    %add3A_1101 = arith.addi %mul3A_1097, %and3A_1100 : vector<16xi32>
    %swap3A_1102 = arith.constant 2 : i32
    %swap3A_1103 = arith.constant 0 : i32
    %swap3A_1104 = arith.index_cast %swap3A_1102 : i32 to index
    %swap3A_1105 = arith.index_cast %swap3A_1103 : i32 to index
    %swap3A_1106 = arith.constant 32 : index
    %swap3A_1107 = tpu.vector_load %arg7[%swap3A_1104, %swap3A_1105, %swap3A_1106] {strides = array<i32>} : memref<4x4x128xi32, #tpu.memory_space<vmem>>, vector<1x1x16xi32>,
    %swap3A_1108 = vector.shape_cast %swap3A_1107 : vector<1x1x16xi32> to vector<16xi32>
    %swap3A_1109 = vector.shape_cast %add3A_1101 : vector<16xi32> to vector<1x1x16xi32>
    tpu.vector_store %arg7[%swap3A_1104, %swap3A_1105, %swap3A_1106], %swap3A_1109 {strides = array<i32>} : memref<4x4x128xi32, #tpu.memory_space<vmem>>, vector<1x1x16xi32>,
    %add3A_1110 = arith.constant 128 : i32
    %add3A_1111 = vector.broadcast %add3A_1110 : i32 to vector<16xi32>
    %add3A_1112 = arith.addi %add3A_1101, %add3A_1111 : vector<16xi32>
    %swap3A_1113 = arith.constant 3 : i32
    %swap3A_1114 = arith.constant 0 : i32
    %swap3A_1115 = arith.index_cast %swap3A_1113 : i32 to index
    %swap3A_1116 = arith.index_cast %swap3A_1114 : i32 to index
    %swap3A_1117 = arith.constant 32 : index
    %swap3A_1118 = tpu.vector_load %arg7[%swap3A_1115, %swap3A_1116, %swap3A_1117] {strides = array<i32>} : memref<4x4x128xi32, #tpu.memory_space<vmem>>, vector<1x1x16xi32>,
    %swap3A_1119 = vector.shape_cast %swap3A_1118 : vector<1x1x16xi32> to vector<16xi32>
    %swap3A_1120 = vector.shape_cast %add3A_1112 : vector<16xi32> to vector<1x1x16xi32>
    tpu.vector_store %arg7[%swap3A_1115, %swap3A_1116, %swap3A_1117], %swap3A_1120 {strides = array<i32>} : memref<4x4x128xi32, #tpu.memory_space<vmem>>, vector<1x1x16xi32>,
    %get3A_1121 = arith.constant 48 : index
    %get3A_1122 = tpu.vector_load %arg6[%get3A_1121] {strides = array<i32>} : memref<512xi32, #tpu.memory_space<vmem>>, vector<16xi32>,
    %get3A_1123 = vector.shape_cast %get3A_1122 : vector<16xi32> to vector<16xi32>
    %shift_right_arithmetic3A_1124 = arith.constant 7 : i32
    %shift_right_arithmetic3A_1125 = vector.broadcast %shift_right_arithmetic3A_1124 : i32 to vector<16xi32>
    %shift_right_arithmetic3A_1126 = arith.shrsi %get3A_1123, %shift_right_arithmetic3A_1125 : vector<16xi32>
    %mul3A_1127 = arith.constant 256 : i32
    %mul3A_1128 = vector.broadcast %mul3A_1127 : i32 to vector<16xi32>
    %mul3A_1129 = arith.muli %shift_right_arithmetic3A_1126, %mul3A_1128 : vector<16xi32>
    %and3A_1130 = arith.constant 127 : i32
    %and3A_1131 = vector.broadcast %and3A_1130 : i32 to vector<16xi32>
    %and3A_1132 = arith.andi %get3A_1123, %and3A_1131 : vector<16xi32>
    %add3A_1133 = arith.addi %mul3A_1129, %and3A_1132 : vector<16xi32>
    %swap3A_1134 = arith.constant 2 : i32
    %swap3A_1135 = arith.constant 0 : i32
    %swap3A_1136 = arith.index_cast %swap3A_1134 : i32 to index
    %swap3A_1137 = arith.index_cast %swap3A_1135 : i32 to index
    %swap3A_1138 = arith.constant 48 : index
    %swap3A_1139 = tpu.vector_load %arg7[%swap3A_1136, %swap3A_1137, %swap3A_1138] {strides = array<i32>} : memref<4x4x128xi32, #tpu.memory_space<vmem>>, vector<1x1x16xi32>,
    %swap3A_1140 = vector.shape_cast %swap3A_1139 : vector<1x1x16xi32> to vector<16xi32>
    %swap3A_1141 = vector.shape_cast %add3A_1133 : vector<16xi32> to vector<1x1x16xi32>
    tpu.vector_store %arg7[%swap3A_1136, %swap3A_1137, %swap3A_1138], %swap3A_1141 {strides = array<i32>} : memref<4x4x128xi32, #tpu.memory_space<vmem>>, vector<1x1x16xi32>,
    %add3A_1142 = arith.constant 128 : i32
    %add3A_1143 = vector.broadcast %add3A_1142 : i32 to vector<16xi32>
    %add3A_1144 = arith.addi %add3A_1133, %add3A_1143 : vector<16xi32>
    %swap3A_1145 = arith.constant 3 : i32
    %swap3A_1146 = arith.constant 0 : i32
    %swap3A_1147 = arith.index_cast %swap3A_1145 : i32 to index
    %swap3A_1148 = arith.index_cast %swap3A_1146 : i32 to index
    %swap3A_1149 = arith.constant 48 : index
    %swap3A_1150 = tpu.vector_load %arg7[%swap3A_1147, %swap3A_1148, %swap3A_1149] {strides = array<i32>} : memref<4x4x128xi32, #tpu.memory_space<vmem>>, vector<1x1x16xi32>,
    %swap3A_1151 = vector.shape_cast %swap3A_1150 : vector<1x1x16xi32> to vector<16xi32>
    %swap3A_1152 = vector.shape_cast %add3A_1144 : vector<16xi32> to vector<1x1x16xi32>
    tpu.vector_store %arg7[%swap3A_1147, %swap3A_1148, %swap3A_1149], %swap3A_1152 {strides = array<i32>} : memref<4x4x128xi32, #tpu.memory_space<vmem>>, vector<1x1x16xi32>,
    %get3A_1153 = arith.constant 64 : index
    %get3A_1154 = tpu.vector_load %arg6[%get3A_1153] {strides = array<i32>} : memref<512xi32, #tpu.memory_space<vmem>>, vector<16xi32>,
    %get3A_1155 = vector.shape_cast %get3A_1154 : vector<16xi32> to vector<16xi32>
    %shift_right_arithmetic3A_1156 = arith.constant 7 : i32
    %shift_right_arithmetic3A_1157 = vector.broadcast %shift_right_arithmetic3A_1156 : i32 to vector<16xi32>
    %shift_right_arithmetic3A_1158 = arith.shrsi %get3A_1155, %shift_right_arithmetic3A_1157 : vector<16xi32>
    %mul3A_1159 = arith.constant 256 : i32
    %mul3A_1160 = vector.broadcast %mul3A_1159 : i32 to vector<16xi32>
    %mul3A_1161 = arith.muli %shift_right_arithmetic3A_1158, %mul3A_1160 : vector<16xi32>
    %and3A_1162 = arith.constant 127 : i32
    %and3A_1163 = vector.broadcast %and3A_1162 : i32 to vector<16xi32>
    %and3A_1164 = arith.andi %get3A_1155, %and3A_1163 : vector<16xi32>
    %add3A_1165 = arith.addi %mul3A_1161, %and3A_1164 : vector<16xi32>
    %swap3A_1166 = arith.constant 2 : i32
    %swap3A_1167 = arith.constant 0 : i32
    %swap3A_1168 = arith.index_cast %swap3A_1166 : i32 to index
    %swap3A_1169 = arith.index_cast %swap3A_1167 : i32 to index
    %swap3A_1170 = arith.constant 64 : index
    %swap3A_1171 = tpu.vector_load %arg7[%swap3A_1168, %swap3A_1169, %swap3A_1170] {strides = array<i32>} : memref<4x4x128xi32, #tpu.memory_space<vmem>>, vector<1x1x16xi32>,
    %swap3A_1172 = vector.shape_cast %swap3A_1171 : vector<1x1x16xi32> to vector<16xi32>
    %swap3A_1173 = vector.shape_cast %add3A_1165 : vector<16xi32> to vector<1x1x16xi32>
    tpu.vector_store %arg7[%swap3A_1168, %swap3A_1169, %swap3A_1170], %swap3A_1173 {strides = array<i32>} : memref<4x4x128xi32, #tpu.memory_space<vmem>>, vector<1x1x16xi32>,
    %add3A_1174 = arith.constant 128 : i32
    %add3A_1175 = vector.broadcast %add3A_1174 : i32 to vector<16xi32>
    %add3A_1176 = arith.addi %add3A_1165, %add3A_1175 : vector<16xi32>
    %swap3A_1177 = arith.constant 3 : i32
    %swap3A_1178 = arith.constant 0 : i32
    %swap3A_1179 = arith.index_cast %swap3A_1177 : i32 to index
    %swap3A_1180 = arith.index_cast %swap3A_1178 : i32 to index
    %swap3A_1181 = arith.constant 64 : index
    %swap3A_1182 = tpu.vector_load %arg7[%swap3A_1179, %swap3A_1180, %swap3A_1181] {strides = array<i32>} : memref<4x4x128xi32, #tpu.memory_space<vmem>>, vector<1x1x16xi32>,
    %swap3A_1183 = vector.shape_cast %swap3A_1182 : vector<1x1x16xi32> to vector<16xi32>
    %swap3A_1184 = vector.shape_cast %add3A_1176 : vector<16xi32> to vector<1x1x16xi32>
    tpu.vector_store %arg7[%swap3A_1179, %swap3A_1180, %swap3A_1181], %swap3A_1184 {strides = array<i32>} : memref<4x4x128xi32, #tpu.memory_space<vmem>>, vector<1x1x16xi32>,
    %get3A_1185 = arith.constant 80 : index
    %get3A_1186 = tpu.vector_load %arg6[%get3A_1185] {strides = array<i32>} : memref<512xi32, #tpu.memory_space<vmem>>, vector<16xi32>,
    %get3A_1187 = vector.shape_cast %get3A_1186 : vector<16xi32> to vector<16xi32>
    %shift_right_arithmetic3A_1188 = arith.constant 7 : i32
    %shift_right_arithmetic3A_1189 = vector.broadcast %shift_right_arithmetic3A_1188 : i32 to vector<16xi32>
    %shift_right_arithmetic3A_1190 = arith.shrsi %get3A_1187, %shift_right_arithmetic3A_1189 : vector<16xi32>
    %mul3A_1191 = arith.constant 256 : i32
    %mul3A_1192 = vector.broadcast %mul3A_1191 : i32 to vector<16xi32>
    %mul3A_1193 = arith.muli %shift_right_arithmetic3A_1190, %mul3A_1192 : vector<16xi32>
    %and3A_1194 = arith.constant 127 : i32
    %and3A_1195 = vector.broadcast %and3A_1194 : i32 to vector<16xi32>
    %and3A_1196 = arith.andi %get3A_1187, %and3A_1195 : vector<16xi32>
    %add3A_1197 = arith.addi %mul3A_1193, %and3A_1196 : vector<16xi32>
    %swap3A_1198 = arith.constant 2 : i32
    %swap3A_1199 = arith.constant 0 : i32
    %swap3A_1200 = arith.index_cast %swap3A_1198 : i32 to index
    %swap3A_1201 = arith.index_cast %swap3A_1199 : i32 to index
    %swap3A_1202 = arith.constant 80 : index
    %swap3A_1203 = tpu.vector_load %arg7[%swap3A_1200, %swap3A_1201, %swap3A_1202] {strides = array<i32>} : memref<4x4x128xi32, #tpu.memory_space<vmem>>, vector<1x1x16xi32>,
    %swap3A_1204 = vector.shape_cast %swap3A_1203 : vector<1x1x16xi32> to vector<16xi32>
    %swap3A_1205 = vector.shape_cast %add3A_1197 : vector<16xi32> to vector<1x1x16xi32>
    tpu.vector_store %arg7[%swap3A_1200, %swap3A_1201, %swap3A_1202], %swap3A_1205 {strides = array<i32>} : memref<4x4x128xi32, #tpu.memory_space<vmem>>, vector<1x1x16xi32>,
    %add3A_1206 = arith.constant 128 : i32
    %add3A_1207 = vector.broadcast %add3A_1206 : i32 to vector<16xi32>
    %add3A_1208 = arith.addi %add3A_1197, %add3A_1207 : vector<16xi32>
    %swap3A_1209 = arith.constant 3 : i32
    %swap3A_1210 = arith.constant 0 : i32
    %swap3A_1211 = arith.index_cast %swap3A_1209 : i32 to index
    %swap3A_1212 = arith.index_cast %swap3A_1210 : i32 to index
    %swap3A_1213 = arith.constant 80 : index
    %swap3A_1214 = tpu.vector_load %arg7[%swap3A_1211, %swap3A_1212, %swap3A_1213] {strides = array<i32>} : memref<4x4x128xi32, #tpu.memory_space<vmem>>, vector<1x1x16xi32>,
    %swap3A_1215 = vector.shape_cast %swap3A_1214 : vector<1x1x16xi32> to vector<16xi32>
    %swap3A_1216 = vector.shape_cast %add3A_1208 : vector<16xi32> to vector<1x1x16xi32>
    tpu.vector_store %arg7[%swap3A_1211, %swap3A_1212, %swap3A_1213], %swap3A_1216 {strides = array<i32>} : memref<4x4x128xi32, #tpu.memory_space<vmem>>, vector<1x1x16xi32>,
    %get3A_1217 = arith.constant 96 : index
    %get3A_1218 = tpu.vector_load %arg6[%get3A_1217] {strides = array<i32>} : memref<512xi32, #tpu.memory_space<vmem>>, vector<16xi32>,
    %get3A_1219 = vector.shape_cast %get3A_1218 : vector<16xi32> to vector<16xi32>
    %shift_right_arithmetic3A_1220 = arith.constant 7 : i32
    %shift_right_arithmetic3A_1221 = vector.broadcast %shift_right_arithmetic3A_1220 : i32 to vector<16xi32>
    %shift_right_arithmetic3A_1222 = arith.shrsi %get3A_1219, %shift_right_arithmetic3A_1221 : vector<16xi32>
    %mul3A_1223 = arith.constant 256 : i32
    %mul3A_1224 = vector.broadcast %mul3A_1223 : i32 to vector<16xi32>
    %mul3A_1225 = arith.muli %shift_right_arithmetic3A_1222, %mul3A_1224 : vector<16xi32>
    %and3A_1226 = arith.constant 127 : i32
    %and3A_1227 = vector.broadcast %and3A_1226 : i32 to vector<16xi32>
    %and3A_1228 = arith.andi %get3A_1219, %and3A_1227 : vector<16xi32>
    %add3A_1229 = arith.addi %mul3A_1225, %and3A_1228 : vector<16xi32>
    %swap3A_1230 = arith.constant 2 : i32
    %swap3A_1231 = arith.constant 0 : i32
    %swap3A_1232 = arith.index_cast %swap3A_1230 : i32 to index
    %swap3A_1233 = arith.index_cast %swap3A_1231 : i32 to index
    %swap3A_1234 = arith.constant 96 : index
    %swap3A_1235 = tpu.vector_load %arg7[%swap3A_1232, %swap3A_1233, %swap3A_1234] {strides = array<i32>} : memref<4x4x128xi32, #tpu.memory_space<vmem>>, vector<1x1x16xi32>,
    %swap3A_1236 = vector.shape_cast %swap3A_1235 : vector<1x1x16xi32> to vector<16xi32>
    %swap3A_1237 = vector.shape_cast %add3A_1229 : vector<16xi32> to vector<1x1x16xi32>
    tpu.vector_store %arg7[%swap3A_1232, %swap3A_1233, %swap3A_1234], %swap3A_1237 {strides = array<i32>} : memref<4x4x128xi32, #tpu.memory_space<vmem>>, vector<1x1x16xi32>,
    %add3A_1238 = arith.constant 128 : i32
    %add3A_1239 = vector.broadcast %add3A_1238 : i32 to vector<16xi32>
    %add3A_1240 = arith.addi %add3A_1229, %add3A_1239 : vector<16xi32>
    %swap3A_1241 = arith.constant 3 : i32
    %swap3A_1242 = arith.constant 0 : i32
    %swap3A_1243 = arith.index_cast %swap3A_1241 : i32 to index
    %swap3A_1244 = arith.index_cast %swap3A_1242 : i32 to index
    %swap3A_1245 = arith.constant 96 : index
    %swap3A_1246 = tpu.vector_load %arg7[%swap3A_1243, %swap3A_1244, %swap3A_1245] {strides = array<i32>} : memref<4x4x128xi32, #tpu.memory_space<vmem>>, vector<1x1x16xi32>,
    %swap3A_1247 = vector.shape_cast %swap3A_1246 : vector<1x1x16xi32> to vector<16xi32>
    %swap3A_1248 = vector.shape_cast %add3A_1240 : vector<16xi32> to vector<1x1x16xi32>
    tpu.vector_store %arg7[%swap3A_1243, %swap3A_1244, %swap3A_1245], %swap3A_1248 {strides = array<i32>} : memref<4x4x128xi32, #tpu.memory_space<vmem>>, vector<1x1x16xi32>,
    %get3A_1249 = arith.constant 112 : index
    %get3A_1250 = tpu.vector_load %arg6[%get3A_1249] {strides = array<i32>} : memref<512xi32, #tpu.memory_space<vmem>>, vector<16xi32>,
    %get3A_1251 = vector.shape_cast %get3A_1250 : vector<16xi32> to vector<16xi32>
    %shift_right_arithmetic3A_1252 = arith.constant 7 : i32
    %shift_right_arithmetic3A_1253 = vector.broadcast %shift_right_arithmetic3A_1252 : i32 to vector<16xi32>
    %shift_right_arithmetic3A_1254 = arith.shrsi %get3A_1251, %shift_right_arithmetic3A_1253 : vector<16xi32>
    %mul3A_1255 = arith.constant 256 : i32
    %mul3A_1256 = vector.broadcast %mul3A_1255 : i32 to vector<16xi32>
    %mul3A_1257 = arith.muli %shift_right_arithmetic3A_1254, %mul3A_1256 : vector<16xi32>
    %and3A_1258 = arith.constant 127 : i32
    %and3A_1259 = vector.broadcast %and3A_1258 : i32 to vector<16xi32>
    %and3A_1260 = arith.andi %get3A_1251, %and3A_1259 : vector<16xi32>
    %add3A_1261 = arith.addi %mul3A_1257, %and3A_1260 : vector<16xi32>
    %swap3A_1262 = arith.constant 2 : i32
    %swap3A_1263 = arith.constant 0 : i32
    %swap3A_1264 = arith.index_cast %swap3A_1262 : i32 to index
    %swap3A_1265 = arith.index_cast %swap3A_1263 : i32 to index
    %swap3A_1266 = arith.constant 112 : index
    %swap3A_1267 = tpu.vector_load %arg7[%swap3A_1264, %swap3A_1265, %swap3A_1266] {strides = array<i32>} : memref<4x4x128xi32, #tpu.memory_space<vmem>>, vector<1x1x16xi32>,
    %swap3A_1268 = vector.shape_cast %swap3A_1267 : vector<1x1x16xi32> to vector<16xi32>
    %swap3A_1269 = vector.shape_cast %add3A_1261 : vector<16xi32> to vector<1x1x16xi32>
    tpu.vector_store %arg7[%swap3A_1264, %swap3A_1265, %swap3A_1266], %swap3A_1269 {strides = array<i32>} : memref<4x4x128xi32, #tpu.memory_space<vmem>>, vector<1x1x16xi32>,
    %add3A_1270 = arith.constant 128 : i32
    %add3A_1271 = vector.broadcast %add3A_1270 : i32 to vector<16xi32>
    %add3A_1272 = arith.addi %add3A_1261, %add3A_1271 : vector<16xi32>
    %swap3A_1273 = arith.constant 3 : i32
    %swap3A_1274 = arith.constant 0 : i32
    %swap3A_1275 = arith.index_cast %swap3A_1273 : i32 to index
    %swap3A_1276 = arith.index_cast %swap3A_1274 : i32 to index
    %swap3A_1277 = arith.constant 112 : index
    %swap3A_1278 = tpu.vector_load %arg7[%swap3A_1275, %swap3A_1276, %swap3A_1277] {strides = array<i32>} : memref<4x4x128xi32, #tpu.memory_space<vmem>>, vector<1x1x16xi32>,
    %swap3A_1279 = vector.shape_cast %swap3A_1278 : vector<1x1x16xi32> to vector<16xi32>
    %swap3A_1280 = vector.shape_cast %add3A_1272 : vector<16xi32> to vector<1x1x16xi32>
    tpu.vector_store %arg7[%swap3A_1275, %swap3A_1276, %swap3A_1277], %swap3A_1280 {strides = array<i32>} : memref<4x4x128xi32, #tpu.memory_space<vmem>>, vector<1x1x16xi32>,
    %get3A_1281 = arith.constant 128 : index
    %get3A_1282 = tpu.vector_load %arg6[%get3A_1281] {strides = array<i32>} : memref<512xi32, #tpu.memory_space<vmem>>, vector<16xi32>,
    %get3A_1283 = vector.shape_cast %get3A_1282 : vector<16xi32> to vector<16xi32>
    %shift_right_arithmetic3A_1284 = arith.constant 7 : i32
    %shift_right_arithmetic3A_1285 = vector.broadcast %shift_right_arithmetic3A_1284 : i32 to vector<16xi32>
    %shift_right_arithmetic3A_1286 = arith.shrsi %get3A_1283, %shift_right_arithmetic3A_1285 : vector<16xi32>
    %mul3A_1287 = arith.constant 256 : i32
    %mul3A_1288 = vector.broadcast %mul3A_1287 : i32 to vector<16xi32>
    %mul3A_1289 = arith.muli %shift_right_arithmetic3A_1286, %mul3A_1288 : vector<16xi32>
    %and3A_1290 = arith.constant 127 : i32
    %and3A_1291 = vector.broadcast %and3A_1290 : i32 to vector<16xi32>
    %and3A_1292 = arith.andi %get3A_1283, %and3A_1291 : vector<16xi32>
    %add3A_1293 = arith.addi %mul3A_1289, %and3A_1292 : vector<16xi32>
    %swap3A_1294 = arith.constant 2 : i32
    %swap3A_1295 = arith.constant 1 : i32
    %swap3A_1296 = arith.index_cast %swap3A_1294 : i32 to index
    %swap3A_1297 = arith.index_cast %swap3A_1295 : i32 to index
    %swap3A_1298 = arith.constant 0 : index
    %swap3A_1299 = tpu.vector_load %arg7[%swap3A_1296, %swap3A_1297, %swap3A_1298] {strides = array<i32>} : memref<4x4x128xi32, #tpu.memory_space<vmem>>, vector<1x1x16xi32>,
    %swap3A_1300 = vector.shape_cast %swap3A_1299 : vector<1x1x16xi32> to vector<16xi32>
    %swap3A_1301 = vector.shape_cast %add3A_1293 : vector<16xi32> to vector<1x1x16xi32>
    tpu.vector_store %arg7[%swap3A_1296, %swap3A_1297, %swap3A_1298], %swap3A_1301 {strides = array<i32>} : memref<4x4x128xi32, #tpu.memory_space<vmem>>, vector<1x1x16xi32>,
    %add3A_1302 = arith.constant 128 : i32
    %add3A_1303 = vector.broadcast %add3A_1302 : i32 to vector<16xi32>
    %add3A_1304 = arith.addi %add3A_1293, %add3A_1303 : vector<16xi32>
    %swap3A_1305 = arith.constant 3 : i32
    %swap3A_1306 = arith.constant 1 : i32
    %swap3A_1307 = arith.index_cast %swap3A_1305 : i32 to index
    %swap3A_1308 = arith.index_cast %swap3A_1306 : i32 to index
    %swap3A_1309 = arith.constant 0 : index
    %swap3A_1310 = tpu.vector_load %arg7[%swap3A_1307, %swap3A_1308, %swap3A_1309] {strides = array<i32>} : memref<4x4x128xi32, #tpu.memory_space<vmem>>, vector<1x1x16xi32>,
    %swap3A_1311 = vector.shape_cast %swap3A_1310 : vector<1x1x16xi32> to vector<16xi32>
    %swap3A_1312 = vector.shape_cast %add3A_1304 : vector<16xi32> to vector<1x1x16xi32>
    tpu.vector_store %arg7[%swap3A_1307, %swap3A_1308, %swap3A_1309], %swap3A_1312 {strides = array<i32>} : memref<4x4x128xi32, #tpu.memory_space<vmem>>, vector<1x1x16xi32>,
    %get3A_1313 = arith.constant 144 : index
    %get3A_1314 = tpu.vector_load %arg6[%get3A_1313] {strides = array<i32>} : memref<512xi32, #tpu.memory_space<vmem>>, vector<16xi32>,
    %get3A_1315 = vector.shape_cast %get3A_1314 : vector<16xi32> to vector<16xi32>
    %shift_right_arithmetic3A_1316 = arith.constant 7 : i32
    %shift_right_arithmetic3A_1317 = vector.broadcast %shift_right_arithmetic3A_1316 : i32 to vector<16xi32>
    %shift_right_arithmetic3A_1318 = arith.shrsi %get3A_1315, %shift_right_arithmetic3A_1317 : vector<16xi32>
    %mul3A_1319 = arith.constant 256 : i32
    %mul3A_1320 = vector.broadcast %mul3A_1319 : i32 to vector<16xi32>
    %mul3A_1321 = arith.muli %shift_right_arithmetic3A_1318, %mul3A_1320 : vector<16xi32>
    %and3A_1322 = arith.constant 127 : i32
    %and3A_1323 = vector.broadcast %and3A_1322 : i32 to vector<16xi32>
    %and3A_1324 = arith.andi %get3A_1315, %and3A_1323 : vector<16xi32>
    %add3A_1325 = arith.addi %mul3A_1321, %and3A_1324 : vector<16xi32>
    %swap3A_1326 = arith.constant 2 : i32
    %swap3A_1327 = arith.constant 1 : i32
    %swap3A_1328 = arith.index_cast %swap3A_1326 : i32 to index
    %swap3A_1329 = arith.index_cast %swap3A_1327 : i32 to index
    %swap3A_1330 = arith.constant 16 : index
    %swap3A_1331 = tpu.vector_load %arg7[%swap3A_1328, %swap3A_1329, %swap3A_1330] {strides = array<i32>} : memref<4x4x128xi32, #tpu.memory_space<vmem>>, vector<1x1x16xi32>,
    %swap3A_1332 = vector.shape_cast %swap3A_1331 : vector<1x1x16xi32> to vector<16xi32>
    %swap3A_1333 = vector.shape_cast %add3A_1325 : vector<16xi32> to vector<1x1x16xi32>
    tpu.vector_store %arg7[%swap3A_1328, %swap3A_1329, %swap3A_1330], %swap3A_1333 {strides = array<i32>} : memref<4x4x128xi32, #tpu.memory_space<vmem>>, vector<1x1x16xi32>,
    %add3A_1334 = arith.constant 128 : i32
    %add3A_1335 = vector.broadcast %add3A_1334 : i32 to vector<16xi32>
    %add3A_1336 = arith.addi %add3A_1325, %add3A_1335 : vector<16xi32>
    %swap3A_1337 = arith.constant 3 : i32
    %swap3A_1338 = arith.constant 1 : i32
    %swap3A_1339 = arith.index_cast %swap3A_1337 : i32 to index
    %swap3A_1340 = arith.index_cast %swap3A_1338 : i32 to index
    %swap3A_1341 = arith.constant 16 : index
    %swap3A_1342 = tpu.vector_load %arg7[%swap3A_1339, %swap3A_1340, %swap3A_1341] {strides = array<i32>} : memref<4x4x128xi32, #tpu.memory_space<vmem>>, vector<1x1x16xi32>,
    %swap3A_1343 = vector.shape_cast %swap3A_1342 : vector<1x1x16xi32> to vector<16xi32>
    %swap3A_1344 = vector.shape_cast %add3A_1336 : vector<16xi32> to vector<1x1x16xi32>
    tpu.vector_store %arg7[%swap3A_1339, %swap3A_1340, %swap3A_1341], %swap3A_1344 {strides = array<i32>} : memref<4x4x128xi32, #tpu.memory_space<vmem>>, vector<1x1x16xi32>,
    %get3A_1345 = arith.constant 160 : index
    %get3A_1346 = tpu.vector_load %arg6[%get3A_1345] {strides = array<i32>} : memref<512xi32, #tpu.memory_space<vmem>>, vector<16xi32>,
    %get3A_1347 = vector.shape_cast %get3A_1346 : vector<16xi32> to vector<16xi32>
    %shift_right_arithmetic3A_1348 = arith.constant 7 : i32
    %shift_right_arithmetic3A_1349 = vector.broadcast %shift_right_arithmetic3A_1348 : i32 to vector<16xi32>
    %shift_right_arithmetic3A_1350 = arith.shrsi %get3A_1347, %shift_right_arithmetic3A_1349 : vector<16xi32>
    %mul3A_1351 = arith.constant 256 : i32
    %mul3A_1352 = vector.broadcast %mul3A_1351 : i32 to vector<16xi32>
    %mul3A_1353 = arith.muli %shift_right_arithmetic3A_1350, %mul3A_1352 : vector<16xi32>
    %and3A_1354 = arith.constant 127 : i32
    %and3A_1355 = vector.broadcast %and3A_1354 : i32 to vector<16xi32>
    %and3A_1356 = arith.andi %get3A_1347, %and3A_1355 : vector<16xi32>
    %add3A_1357 = arith.addi %mul3A_1353, %and3A_1356 : vector<16xi32>
    %swap3A_1358 = arith.constant 2 : i32
    %swap3A_1359 = arith.constant 1 : i32
    %swap3A_1360 = arith.index_cast %swap3A_1358 : i32 to index
    %swap3A_1361 = arith.index_cast %swap3A_1359 : i32 to index
    %swap3A_1362 = arith.constant 32 : index
    %swap3A_1363 = tpu.vector_load %arg7[%swap3A_1360, %swap3A_1361, %swap3A_1362] {strides = array<i32>} : memref<4x4x128xi32, #tpu.memory_space<vmem>>, vector<1x1x16xi32>,
    %swap3A_1364 = vector.shape_cast %swap3A_1363 : vector<1x1x16xi32> to vector<16xi32>
    %swap3A_1365 = vector.shape_cast %add3A_1357 : vector<16xi32> to vector<1x1x16xi32>
    tpu.vector_store %arg7[%swap3A_1360, %swap3A_1361, %swap3A_1362], %swap3A_1365 {strides = array<i32>} : memref<4x4x128xi32, #tpu.memory_space<vmem>>, vector<1x1x16xi32>,
    %add3A_1366 = arith.constant 128 : i32
    %add3A_1367 = vector.broadcast %add3A_1366 : i32 to vector<16xi32>
    %add3A_1368 = arith.addi %add3A_1357, %add3A_1367 : vector<16xi32>
    %swap3A_1369 = arith.constant 3 : i32
    %swap3A_1370 = arith.constant 1 : i32
    %swap3A_1371 = arith.index_cast %swap3A_1369 : i32 to index
    %swap3A_1372 = arith.index_cast %swap3A_1370 : i32 to index
    %swap3A_1373 = arith.constant 32 : index
    %swap3A_1374 = tpu.vector_load %arg7[%swap3A_1371, %swap3A_1372, %swap3A_1373] {strides = array<i32>} : memref<4x4x128xi32, #tpu.memory_space<vmem>>, vector<1x1x16xi32>,
    %swap3A_1375 = vector.shape_cast %swap3A_1374 : vector<1x1x16xi32> to vector<16xi32>
    %swap3A_1376 = vector.shape_cast %add3A_1368 : vector<16xi32> to vector<1x1x16xi32>
    tpu.vector_store %arg7[%swap3A_1371, %swap3A_1372, %swap3A_1373], %swap3A_1376 {strides = array<i32>} : memref<4x4x128xi32, #tpu.memory_space<vmem>>, vector<1x1x16xi32>,
    %get3A_1377 = arith.constant 176 : index
    %get3A_1378 = tpu.vector_load %arg6[%get3A_1377] {strides = array<i32>} : memref<512xi32, #tpu.memory_space<vmem>>, vector<16xi32>,
    %get3A_1379 = vector.shape_cast %get3A_1378 : vector<16xi32> to vector<16xi32>
    %shift_right_arithmetic3A_1380 = arith.constant 7 : i32
    %shift_right_arithmetic3A_1381 = vector.broadcast %shift_right_arithmetic3A_1380 : i32 to vector<16xi32>
    %shift_right_arithmetic3A_1382 = arith.shrsi %get3A_1379, %shift_right_arithmetic3A_1381 : vector<16xi32>
    %mul3A_1383 = arith.constant 256 : i32
    %mul3A_1384 = vector.broadcast %mul3A_1383 : i32 to vector<16xi32>
    %mul3A_1385 = arith.muli %shift_right_arithmetic3A_1382, %mul3A_1384 : vector<16xi32>
    %and3A_1386 = arith.constant 127 : i32
    %and3A_1387 = vector.broadcast %and3A_1386 : i32 to vector<16xi32>
    %and3A_1388 = arith.andi %get3A_1379, %and3A_1387 : vector<16xi32>
    %add3A_1389 = arith.addi %mul3A_1385, %and3A_1388 : vector<16xi32>
    %swap3A_1390 = arith.constant 2 : i32
    %swap3A_1391 = arith.constant 1 : i32
    %swap3A_1392 = arith.index_cast %swap3A_1390 : i32 to index
    %swap3A_1393 = arith.index_cast %swap3A_1391 : i32 to index
    %swap3A_1394 = arith.constant 48 : index
    %swap3A_1395 = tpu.vector_load %arg7[%swap3A_1392, %swap3A_1393, %swap3A_1394] {strides = array<i32>} : memref<4x4x128xi32, #tpu.memory_space<vmem>>, vector<1x1x16xi32>,
    %swap3A_1396 = vector.shape_cast %swap3A_1395 : vector<1x1x16xi32> to vector<16xi32>
    %swap3A_1397 = vector.shape_cast %add3A_1389 : vector<16xi32> to vector<1x1x16xi32>
    tpu.vector_store %arg7[%swap3A_1392, %swap3A_1393, %swap3A_1394], %swap3A_1397 {strides = array<i32>} : memref<4x4x128xi32, #tpu.memory_space<vmem>>, vector<1x1x16xi32>,
    %add3A_1398 = arith.constant 128 : i32
    %add3A_1399 = vector.broadcast %add3A_1398 : i32 to vector<16xi32>
    %add3A_1400 = arith.addi %add3A_1389, %add3A_1399 : vector<16xi32>
    %swap3A_1401 = arith.constant 3 : i32
    %swap3A_1402 = arith.constant 1 : i32
    %swap3A_1403 = arith.index_cast %swap3A_1401 : i32 to index
    %swap3A_1404 = arith.index_cast %swap3A_1402 : i32 to index
    %swap3A_1405 = arith.constant 48 : index
    %swap3A_1406 = tpu.vector_load %arg7[%swap3A_1403, %swap3A_1404, %swap3A_1405] {strides = array<i32>} : memref<4x4x128xi32, #tpu.memory_space<vmem>>, vector<1x1x16xi32>,
    %swap3A_1407 = vector.shape_cast %swap3A_1406 : vector<1x1x16xi32> to vector<16xi32>
    %swap3A_1408 = vector.shape_cast %add3A_1400 : vector<16xi32> to vector<1x1x16xi32>
    tpu.vector_store %arg7[%swap3A_1403, %swap3A_1404, %swap3A_1405], %swap3A_1408 {strides = array<i32>} : memref<4x4x128xi32, #tpu.memory_space<vmem>>, vector<1x1x16xi32>,
    %get3A_1409 = arith.constant 192 : index
    %get3A_1410 = tpu.vector_load %arg6[%get3A_1409] {strides = array<i32>} : memref<512xi32, #tpu.memory_space<vmem>>, vector<16xi32>,
    %get3A_1411 = vector.shape_cast %get3A_1410 : vector<16xi32> to vector<16xi32>
    %shift_right_arithmetic3A_1412 = arith.constant 7 : i32
    %shift_right_arithmetic3A_1413 = vector.broadcast %shift_right_arithmetic3A_1412 : i32 to vector<16xi32>
    %shift_right_arithmetic3A_1414 = arith.shrsi %get3A_1411, %shift_right_arithmetic3A_1413 : vector<16xi32>
    %mul3A_1415 = arith.constant 256 : i32
    %mul3A_1416 = vector.broadcast %mul3A_1415 : i32 to vector<16xi32>
    %mul3A_1417 = arith.muli %shift_right_arithmetic3A_1414, %mul3A_1416 : vector<16xi32>
    %and3A_1418 = arith.constant 127 : i32
    %and3A_1419 = vector.broadcast %and3A_1418 : i32 to vector<16xi32>
    %and3A_1420 = arith.andi %get3A_1411, %and3A_1419 : vector<16xi32>
    %add3A_1421 = arith.addi %mul3A_1417, %and3A_1420 : vector<16xi32>
    %swap3A_1422 = arith.constant 2 : i32
    %swap3A_1423 = arith.constant 1 : i32
    %swap3A_1424 = arith.index_cast %swap3A_1422 : i32 to index
    %swap3A_1425 = arith.index_cast %swap3A_1423 : i32 to index
    %swap3A_1426 = arith.constant 64 : index
    %swap3A_1427 = tpu.vector_load %arg7[%swap3A_1424, %swap3A_1425, %swap3A_1426] {strides = array<i32>} : memref<4x4x128xi32, #tpu.memory_space<vmem>>, vector<1x1x16xi32>,
    %swap3A_1428 = vector.shape_cast %swap3A_1427 : vector<1x1x16xi32> to vector<16xi32>
    %swap3A_1429 = vector.shape_cast %add3A_1421 : vector<16xi32> to vector<1x1x16xi32>
    tpu.vector_store %arg7[%swap3A_1424, %swap3A_1425, %swap3A_1426], %swap3A_1429 {strides = array<i32>} : memref<4x4x128xi32, #tpu.memory_space<vmem>>, vector<1x1x16xi32>,
    %add3A_1430 = arith.constant 128 : i32
    %add3A_1431 = vector.broadcast %add3A_1430 : i32 to vector<16xi32>
    %add3A_1432 = arith.addi %add3A_1421, %add3A_1431 : vector<16xi32>
    %swap3A_1433 = arith.constant 3 : i32
    %swap3A_1434 = arith.constant 1 : i32
    %swap3A_1435 = arith.index_cast %swap3A_1433 : i32 to index
    %swap3A_1436 = arith.index_cast %swap3A_1434 : i32 to index
    %swap3A_1437 = arith.constant 64 : index
    %swap3A_1438 = tpu.vector_load %arg7[%swap3A_1435, %swap3A_1436, %swap3A_1437] {strides = array<i32>} : memref<4x4x128xi32, #tpu.memory_space<vmem>>, vector<1x1x16xi32>,
    %swap3A_1439 = vector.shape_cast %swap3A_1438 : vector<1x1x16xi32> to vector<16xi32>
    %swap3A_1440 = vector.shape_cast %add3A_1432 : vector<16xi32> to vector<1x1x16xi32>
    tpu.vector_store %arg7[%swap3A_1435, %swap3A_1436, %swap3A_1437], %swap3A_1440 {strides = array<i32>} : memref<4x4x128xi32, #tpu.memory_space<vmem>>, vector<1x1x16xi32>,
    %get3A_1441 = arith.constant 208 : index
    %get3A_1442 = tpu.vector_load %arg6[%get3A_1441] {strides = array<i32>} : memref<512xi32, #tpu.memory_space<vmem>>, vector<16xi32>,
    %get3A_1443 = vector.shape_cast %get3A_1442 : vector<16xi32> to vector<16xi32>
    %shift_right_arithmetic3A_1444 = arith.constant 7 : i32
    %shift_right_arithmetic3A_1445 = vector.broadcast %shift_right_arithmetic3A_1444 : i32 to vector<16xi32>
    %shift_right_arithmetic3A_1446 = arith.shrsi %get3A_1443, %shift_right_arithmetic3A_1445 : vector<16xi32>
    %mul3A_1447 = arith.constant 256 : i32
    %mul3A_1448 = vector.broadcast %mul3A_1447 : i32 to vector<16xi32>
    %mul3A_1449 = arith.muli %shift_right_arithmetic3A_1446, %mul3A_1448 : vector<16xi32>
    %and3A_1450 = arith.constant 127 : i32
    %and3A_1451 = vector.broadcast %and3A_1450 : i32 to vector<16xi32>
    %and3A_1452 = arith.andi %get3A_1443, %and3A_1451 : vector<16xi32>
    %add3A_1453 = arith.addi %mul3A_1449, %and3A_1452 : vector<16xi32>
    %swap3A_1454 = arith.constant 2 : i32
    %swap3A_1455 = arith.constant 1 : i32
    %swap3A_1456 = arith.index_cast %swap3A_1454 : i32 to index
    %swap3A_1457 = arith.index_cast %swap3A_1455 : i32 to index
    %swap3A_1458 = arith.constant 80 : index
    %swap3A_1459 = tpu.vector_load %arg7[%swap3A_1456, %swap3A_1457, %swap3A_1458] {strides = array<i32>} : memref<4x4x128xi32, #tpu.memory_space<vmem>>, vector<1x1x16xi32>,
    %swap3A_1460 = vector.shape_cast %swap3A_1459 : vector<1x1x16xi32> to vector<16xi32>
    %swap3A_1461 = vector.shape_cast %add3A_1453 : vector<16xi32> to vector<1x1x16xi32>
    tpu.vector_store %arg7[%swap3A_1456, %swap3A_1457, %swap3A_1458], %swap3A_1461 {strides = array<i32>} : memref<4x4x128xi32, #tpu.memory_space<vmem>>, vector<1x1x16xi32>,
    %add3A_1462 = arith.constant 128 : i32
    %add3A_1463 = vector.broadcast %add3A_1462 : i32 to vector<16xi32>
    %add3A_1464 = arith.addi %add3A_1453, %add3A_1463 : vector<16xi32>
    %swap3A_1465 = arith.constant 3 : i32
    %swap3A_1466 = arith.constant 1 : i32
    %swap3A_1467 = arith.index_cast %swap3A_1465 : i32 to index
    %swap3A_1468 = arith.index_cast %swap3A_1466 : i32 to index
    %swap3A_1469 = arith.constant 80 : index
    %swap3A_1470 = tpu.vector_load %arg7[%swap3A_1467, %swap3A_1468, %swap3A_1469] {strides = array<i32>} : memref<4x4x128xi32, #tpu.memory_space<vmem>>, vector<1x1x16xi32>,
    %swap3A_1471 = vector.shape_cast %swap3A_1470 : vector<1x1x16xi32> to vector<16xi32>
    %swap3A_1472 = vector.shape_cast %add3A_1464 : vector<16xi32> to vector<1x1x16xi32>
    tpu.vector_store %arg7[%swap3A_1467, %swap3A_1468, %swap3A_1469], %swap3A_1472 {strides = array<i32>} : memref<4x4x128xi32, #tpu.memory_space<vmem>>, vector<1x1x16xi32>,
    %get3A_1473 = arith.constant 224 : index
    %get3A_1474 = tpu.vector_load %arg6[%get3A_1473] {strides = array<i32>} : memref<512xi32, #tpu.memory_space<vmem>>, vector<16xi32>,
    %get3A_1475 = vector.shape_cast %get3A_1474 : vector<16xi32> to vector<16xi32>
    %shift_right_arithmetic3A_1476 = arith.constant 7 : i32
    %shift_right_arithmetic3A_1477 = vector.broadcast %shift_right_arithmetic3A_1476 : i32 to vector<16xi32>
    %shift_right_arithmetic3A_1478 = arith.shrsi %get3A_1475, %shift_right_arithmetic3A_1477 : vector<16xi32>
    %mul3A_1479 = arith.constant 256 : i32
    %mul3A_1480 = vector.broadcast %mul3A_1479 : i32 to vector<16xi32>
    %mul3A_1481 = arith.muli %shift_right_arithmetic3A_1478, %mul3A_1480 : vector<16xi32>
    %and3A_1482 = arith.constant 127 : i32
    %and3A_1483 = vector.broadcast %and3A_1482 : i32 to vector<16xi32>
    %and3A_1484 = arith.andi %get3A_1475, %and3A_1483 : vector<16xi32>
    %add3A_1485 = arith.addi %mul3A_1481, %and3A_1484 : vector<16xi32>
    %swap3A_1486 = arith.constant 2 : i32
    %swap3A_1487 = arith.constant 1 : i32
    %swap3A_1488 = arith.index_cast %swap3A_1486 : i32 to index
    %swap3A_1489 = arith.index_cast %swap3A_1487 : i32 to index
    %swap3A_1490 = arith.constant 96 : index
    %swap3A_1491 = tpu.vector_load %arg7[%swap3A_1488, %swap3A_1489, %swap3A_1490] {strides = array<i32>} : memref<4x4x128xi32, #tpu.memory_space<vmem>>, vector<1x1x16xi32>,
    %swap3A_1492 = vector.shape_cast %swap3A_1491 : vector<1x1x16xi32> to vector<16xi32>
    %swap3A_1493 = vector.shape_cast %add3A_1485 : vector<16xi32> to vector<1x1x16xi32>
    tpu.vector_store %arg7[%swap3A_1488, %swap3A_1489, %swap3A_1490], %swap3A_1493 {strides = array<i32>} : memref<4x4x128xi32, #tpu.memory_space<vmem>>, vector<1x1x16xi32>,
    %add3A_1494 = arith.constant 128 : i32
    %add3A_1495 = vector.broadcast %add3A_1494 : i32 to vector<16xi32>
    %add3A_1496 = arith.addi %add3A_1485, %add3A_1495 : vector<16xi32>
    %swap3A_1497 = arith.constant 3 : i32
    %swap3A_1498 = arith.constant 1 : i32
    %swap3A_1499 = arith.index_cast %swap3A_1497 : i32 to index
    %swap3A_1500 = arith.index_cast %swap3A_1498 : i32 to index
    %swap3A_1501 = arith.constant 96 : index
    %swap3A_1502 = tpu.vector_load %arg7[%swap3A_1499, %swap3A_1500, %swap3A_1501] {strides = array<i32>} : memref<4x4x128xi32, #tpu.memory_space<vmem>>, vector<1x1x16xi32>,
    %swap3A_1503 = vector.shape_cast %swap3A_1502 : vector<1x1x16xi32> to vector<16xi32>
    %swap3A_1504 = vector.shape_cast %add3A_1496 : vector<16xi32> to vector<1x1x16xi32>
    tpu.vector_store %arg7[%swap3A_1499, %swap3A_1500, %swap3A_1501], %swap3A_1504 {strides = array<i32>} : memref<4x4x128xi32, #tpu.memory_space<vmem>>, vector<1x1x16xi32>,
    %get3A_1505 = arith.constant 240 : index
    %get3A_1506 = tpu.vector_load %arg6[%get3A_1505] {strides = array<i32>} : memref<512xi32, #tpu.memory_space<vmem>>, vector<16xi32>,
    %get3A_1507 = vector.shape_cast %get3A_1506 : vector<16xi32> to vector<16xi32>
    %shift_right_arithmetic3A_1508 = arith.constant 7 : i32
    %shift_right_arithmetic3A_1509 = vector.broadcast %shift_right_arithmetic3A_1508 : i32 to vector<16xi32>
    %shift_right_arithmetic3A_1510 = arith.shrsi %get3A_1507, %shift_right_arithmetic3A_1509 : vector<16xi32>
    %mul3A_1511 = arith.constant 256 : i32
    %mul3A_1512 = vector.broadcast %mul3A_1511 : i32 to vector<16xi32>
    %mul3A_1513 = arith.muli %shift_right_arithmetic3A_1510, %mul3A_1512 : vector<16xi32>
    %and3A_1514 = arith.constant 127 : i32
    %and3A_1515 = vector.broadcast %and3A_1514 : i32 to vector<16xi32>
    %and3A_1516 = arith.andi %get3A_1507, %and3A_1515 : vector<16xi32>
    %add3A_1517 = arith.addi %mul3A_1513, %and3A_1516 : vector<16xi32>
    %swap3A_1518 = arith.constant 2 : i32
    %swap3A_1519 = arith.constant 1 : i32
    %swap3A_1520 = arith.index_cast %swap3A_1518 : i32 to index
    %swap3A_1521 = arith.index_cast %swap3A_1519 : i32 to index
    %swap3A_1522 = arith.constant 112 : index
    %swap3A_1523 = tpu.vector_load %arg7[%swap3A_1520, %swap3A_1521, %swap3A_1522] {strides = array<i32>} : memref<4x4x128xi32, #tpu.memory_space<vmem>>, vector<1x1x16xi32>,
    %swap3A_1524 = vector.shape_cast %swap3A_1523 : vector<1x1x16xi32> to vector<16xi32>
    %swap3A_1525 = vector.shape_cast %add3A_1517 : vector<16xi32> to vector<1x1x16xi32>
    tpu.vector_store %arg7[%swap3A_1520, %swap3A_1521, %swap3A_1522], %swap3A_1525 {strides = array<i32>} : memref<4x4x128xi32, #tpu.memory_space<vmem>>, vector<1x1x16xi32>,
    %add3A_1526 = arith.constant 128 : i32
    %add3A_1527 = vector.broadcast %add3A_1526 : i32 to vector<16xi32>
    %add3A_1528 = arith.addi %add3A_1517, %add3A_1527 : vector<16xi32>
    %swap3A_1529 = arith.constant 3 : i32
    %swap3A_1530 = arith.constant 1 : i32
    %swap3A_1531 = arith.index_cast %swap3A_1529 : i32 to index
    %swap3A_1532 = arith.index_cast %swap3A_1530 : i32 to index
    %swap3A_1533 = arith.constant 112 : index
    %swap3A_1534 = tpu.vector_load %arg7[%swap3A_1531, %swap3A_1532, %swap3A_1533] {strides = array<i32>} : memref<4x4x128xi32, #tpu.memory_space<vmem>>, vector<1x1x16xi32>,
    %swap3A_1535 = vector.shape_cast %swap3A_1534 : vector<1x1x16xi32> to vector<16xi32>
    %swap3A_1536 = vector.shape_cast %add3A_1528 : vector<16xi32> to vector<1x1x16xi32>
    tpu.vector_store %arg7[%swap3A_1531, %swap3A_1532, %swap3A_1533], %swap3A_1536 {strides = array<i32>} : memref<4x4x128xi32, #tpu.memory_space<vmem>>, vector<1x1x16xi32>,
    %get3A_1537 = arith.constant 256 : index
    %get3A_1538 = tpu.vector_load %arg6[%get3A_1537] {strides = array<i32>} : memref<512xi32, #tpu.memory_space<vmem>>, vector<16xi32>,
    %get3A_1539 = vector.shape_cast %get3A_1538 : vector<16xi32> to vector<16xi32>
    %shift_right_arithmetic3A_1540 = arith.constant 7 : i32
    %shift_right_arithmetic3A_1541 = vector.broadcast %shift_right_arithmetic3A_1540 : i32 to vector<16xi32>
    %shift_right_arithmetic3A_1542 = arith.shrsi %get3A_1539, %shift_right_arithmetic3A_1541 : vector<16xi32>
    %mul3A_1543 = arith.constant 256 : i32
    %mul3A_1544 = vector.broadcast %mul3A_1543 : i32 to vector<16xi32>
    %mul3A_1545 = arith.muli %shift_right_arithmetic3A_1542, %mul3A_1544 : vector<16xi32>
    %and3A_1546 = arith.constant 127 : i32
    %and3A_1547 = vector.broadcast %and3A_1546 : i32 to vector<16xi32>
    %and3A_1548 = arith.andi %get3A_1539, %and3A_1547 : vector<16xi32>
    %add3A_1549 = arith.addi %mul3A_1545, %and3A_1548 : vector<16xi32>
    %swap3A_1550 = arith.constant 2 : i32
    %swap3A_1551 = arith.constant 2 : i32
    %swap3A_1552 = arith.index_cast %swap3A_1550 : i32 to index
    %swap3A_1553 = arith.index_cast %swap3A_1551 : i32 to index
    %swap3A_1554 = arith.constant 0 : index
    %swap3A_1555 = tpu.vector_load %arg7[%swap3A_1552, %swap3A_1553, %swap3A_1554] {strides = array<i32>} : memref<4x4x128xi32, #tpu.memory_space<vmem>>, vector<1x1x16xi32>,
    %swap3A_1556 = vector.shape_cast %swap3A_1555 : vector<1x1x16xi32> to vector<16xi32>
    %swap3A_1557 = vector.shape_cast %add3A_1549 : vector<16xi32> to vector<1x1x16xi32>
    tpu.vector_store %arg7[%swap3A_1552, %swap3A_1553, %swap3A_1554], %swap3A_1557 {strides = array<i32>} : memref<4x4x128xi32, #tpu.memory_space<vmem>>, vector<1x1x16xi32>,
    %add3A_1558 = arith.constant 128 : i32
    %add3A_1559 = vector.broadcast %add3A_1558 : i32 to vector<16xi32>
    %add3A_1560 = arith.addi %add3A_1549, %add3A_1559 : vector<16xi32>
    %swap3A_1561 = arith.constant 3 : i32
    %swap3A_1562 = arith.constant 2 : i32
    %swap3A_1563 = arith.index_cast %swap3A_1561 : i32 to index
    %swap3A_1564 = arith.index_cast %swap3A_1562 : i32 to index
    %swap3A_1565 = arith.constant 0 : index
    %swap3A_1566 = tpu.vector_load %arg7[%swap3A_1563, %swap3A_1564, %swap3A_1565] {strides = array<i32>} : memref<4x4x128xi32, #tpu.memory_space<vmem>>, vector<1x1x16xi32>,
    %swap3A_1567 = vector.shape_cast %swap3A_1566 : vector<1x1x16xi32> to vector<16xi32>
    %swap3A_1568 = vector.shape_cast %add3A_1560 : vector<16xi32> to vector<1x1x16xi32>
    tpu.vector_store %arg7[%swap3A_1563, %swap3A_1564, %swap3A_1565], %swap3A_1568 {strides = array<i32>} : memref<4x4x128xi32, #tpu.memory_space<vmem>>, vector<1x1x16xi32>,
    %get3A_1569 = arith.constant 272 : index
    %get3A_1570 = tpu.vector_load %arg6[%get3A_1569] {strides = array<i32>} : memref<512xi32, #tpu.memory_space<vmem>>, vector<16xi32>,
    %get3A_1571 = vector.shape_cast %get3A_1570 : vector<16xi32> to vector<16xi32>
    %shift_right_arithmetic3A_1572 = arith.constant 7 : i32
    %shift_right_arithmetic3A_1573 = vector.broadcast %shift_right_arithmetic3A_1572 : i32 to vector<16xi32>
    %shift_right_arithmetic3A_1574 = arith.shrsi %get3A_1571, %shift_right_arithmetic3A_1573 : vector<16xi32>
    %mul3A_1575 = arith.constant 256 : i32
    %mul3A_1576 = vector.broadcast %mul3A_1575 : i32 to vector<16xi32>
    %mul3A_1577 = arith.muli %shift_right_arithmetic3A_1574, %mul3A_1576 : vector<16xi32>
    %and3A_1578 = arith.constant 127 : i32
    %and3A_1579 = vector.broadcast %and3A_1578 : i32 to vector<16xi32>
    %and3A_1580 = arith.andi %get3A_1571, %and3A_1579 : vector<16xi32>
    %add3A_1581 = arith.addi %mul3A_1577, %and3A_1580 : vector<16xi32>
    %swap3A_1582 = arith.constant 2 : i32
    %swap3A_1583 = arith.constant 2 : i32
    %swap3A_1584 = arith.index_cast %swap3A_1582 : i32 to index
    %swap3A_1585 = arith.index_cast %swap3A_1583 : i32 to index
    %swap3A_1586 = arith.constant 16 : index
    %swap3A_1587 = tpu.vector_load %arg7[%swap3A_1584, %swap3A_1585, %swap3A_1586] {strides = array<i32>} : memref<4x4x128xi32, #tpu.memory_space<vmem>>, vector<1x1x16xi32>,
    %swap3A_1588 = vector.shape_cast %swap3A_1587 : vector<1x1x16xi32> to vector<16xi32>
    %swap3A_1589 = vector.shape_cast %add3A_1581 : vector<16xi32> to vector<1x1x16xi32>
    tpu.vector_store %arg7[%swap3A_1584, %swap3A_1585, %swap3A_1586], %swap3A_1589 {strides = array<i32>} : memref<4x4x128xi32, #tpu.memory_space<vmem>>, vector<1x1x16xi32>,
    %add3A_1590 = arith.constant 128 : i32
    %add3A_1591 = vector.broadcast %add3A_1590 : i32 to vector<16xi32>
    %add3A_1592 = arith.addi %add3A_1581, %add3A_1591 : vector<16xi32>
    %swap3A_1593 = arith.constant 3 : i32
    %swap3A_1594 = arith.constant 2 : i32
    %swap3A_1595 = arith.index_cast %swap3A_1593 : i32 to index
    %swap3A_1596 = arith.index_cast %swap3A_1594 : i32 to index
    %swap3A_1597 = arith.constant 16 : index
    %swap3A_1598 = tpu.vector_load %arg7[%swap3A_1595, %swap3A_1596, %swap3A_1597] {strides = array<i32>} : memref<4x4x128xi32, #tpu.memory_space<vmem>>, vector<1x1x16xi32>,
    %swap3A_1599 = vector.shape_cast %swap3A_1598 : vector<1x1x16xi32> to vector<16xi32>
    %swap3A_1600 = vector.shape_cast %add3A_1592 : vector<16xi32> to vector<1x1x16xi32>
    tpu.vector_store %arg7[%swap3A_1595, %swap3A_1596, %swap3A_1597], %swap3A_1600 {strides = array<i32>} : memref<4x4x128xi32, #tpu.memory_space<vmem>>, vector<1x1x16xi32>,
    %get3A_1601 = arith.constant 288 : index
    %get3A_1602 = tpu.vector_load %arg6[%get3A_1601] {strides = array<i32>} : memref<512xi32, #tpu.memory_space<vmem>>, vector<16xi32>,
    %get3A_1603 = vector.shape_cast %get3A_1602 : vector<16xi32> to vector<16xi32>
    %shift_right_arithmetic3A_1604 = arith.constant 7 : i32
    %shift_right_arithmetic3A_1605 = vector.broadcast %shift_right_arithmetic3A_1604 : i32 to vector<16xi32>
    %shift_right_arithmetic3A_1606 = arith.shrsi %get3A_1603, %shift_right_arithmetic3A_1605 : vector<16xi32>
    %mul3A_1607 = arith.constant 256 : i32
    %mul3A_1608 = vector.broadcast %mul3A_1607 : i32 to vector<16xi32>
    %mul3A_1609 = arith.muli %shift_right_arithmetic3A_1606, %mul3A_1608 : vector<16xi32>
    %and3A_1610 = arith.constant 127 : i32
    %and3A_1611 = vector.broadcast %and3A_1610 : i32 to vector<16xi32>
    %and3A_1612 = arith.andi %get3A_1603, %and3A_1611 : vector<16xi32>
    %add3A_1613 = arith.addi %mul3A_1609, %and3A_1612 : vector<16xi32>
    %swap3A_1614 = arith.constant 2 : i32
    %swap3A_1615 = arith.constant 2 : i32
    %swap3A_1616 = arith.index_cast %swap3A_1614 : i32 to index
    %swap3A_1617 = arith.index_cast %swap3A_1615 : i32 to index
    %swap3A_1618 = arith.constant 32 : index
    %swap3A_1619 = tpu.vector_load %arg7[%swap3A_1616, %swap3A_1617, %swap3A_1618] {strides = array<i32>} : memref<4x4x128xi32, #tpu.memory_space<vmem>>, vector<1x1x16xi32>,
    %swap3A_1620 = vector.shape_cast %swap3A_1619 : vector<1x1x16xi32> to vector<16xi32>
    %swap3A_1621 = vector.shape_cast %add3A_1613 : vector<16xi32> to vector<1x1x16xi32>
    tpu.vector_store %arg7[%swap3A_1616, %swap3A_1617, %swap3A_1618], %swap3A_1621 {strides = array<i32>} : memref<4x4x128xi32, #tpu.memory_space<vmem>>, vector<1x1x16xi32>,
    %add3A_1622 = arith.constant 128 : i32
    %add3A_1623 = vector.broadcast %add3A_1622 : i32 to vector<16xi32>
    %add3A_1624 = arith.addi %add3A_1613, %add3A_1623 : vector<16xi32>
    %swap3A_1625 = arith.constant 3 : i32
    %swap3A_1626 = arith.constant 2 : i32
    %swap3A_1627 = arith.index_cast %swap3A_1625 : i32 to index
    %swap3A_1628 = arith.index_cast %swap3A_1626 : i32 to index
    %swap3A_1629 = arith.constant 32 : index
    %swap3A_1630 = tpu.vector_load %arg7[%swap3A_1627, %swap3A_1628, %swap3A_1629] {strides = array<i32>} : memref<4x4x128xi32, #tpu.memory_space<vmem>>, vector<1x1x16xi32>,
    %swap3A_1631 = vector.shape_cast %swap3A_1630 : vector<1x1x16xi32> to vector<16xi32>
    %swap3A_1632 = vector.shape_cast %add3A_1624 : vector<16xi32> to vector<1x1x16xi32>
    tpu.vector_store %arg7[%swap3A_1627, %swap3A_1628, %swap3A_1629], %swap3A_1632 {strides = array<i32>} : memref<4x4x128xi32, #tpu.memory_space<vmem>>, vector<1x1x16xi32>,
    %get3A_1633 = arith.constant 304 : index
    %get3A_1634 = tpu.vector_load %arg6[%get3A_1633] {strides = array<i32>} : memref<512xi32, #tpu.memory_space<vmem>>, vector<16xi32>,
    %get3A_1635 = vector.shape_cast %get3A_1634 : vector<16xi32> to vector<16xi32>
    %shift_right_arithmetic3A_1636 = arith.constant 7 : i32
    %shift_right_arithmetic3A_1637 = vector.broadcast %shift_right_arithmetic3A_1636 : i32 to vector<16xi32>
    %shift_right_arithmetic3A_1638 = arith.shrsi %get3A_1635, %shift_right_arithmetic3A_1637 : vector<16xi32>
    %mul3A_1639 = arith.constant 256 : i32
    %mul3A_1640 = vector.broadcast %mul3A_1639 : i32 to vector<16xi32>
    %mul3A_1641 = arith.muli %shift_right_arithmetic3A_1638, %mul3A_1640 : vector<16xi32>
    %and3A_1642 = arith.constant 127 : i32
    %and3A_1643 = vector.broadcast %and3A_1642 : i32 to vector<16xi32>
    %and3A_1644 = arith.andi %get3A_1635, %and3A_1643 : vector<16xi32>
    %add3A_1645 = arith.addi %mul3A_1641, %and3A_1644 : vector<16xi32>
    %swap3A_1646 = arith.constant 2 : i32
    %swap3A_1647 = arith.constant 2 : i32
    %swap3A_1648 = arith.index_cast %swap3A_1646 : i32 to index
    %swap3A_1649 = arith.index_cast %swap3A_1647 : i32 to index
    %swap3A_1650 = arith.constant 48 : index
    %swap3A_1651 = tpu.vector_load %arg7[%swap3A_1648, %swap3A_1649, %swap3A_1650] {strides = array<i32>} : memref<4x4x128xi32, #tpu.memory_space<vmem>>, vector<1x1x16xi32>,
    %swap3A_1652 = vector.shape_cast %swap3A_1651 : vector<1x1x16xi32> to vector<16xi32>
    %swap3A_1653 = vector.shape_cast %add3A_1645 : vector<16xi32> to vector<1x1x16xi32>
    tpu.vector_store %arg7[%swap3A_1648, %swap3A_1649, %swap3A_1650], %swap3A_1653 {strides = array<i32>} : memref<4x4x128xi32, #tpu.memory_space<vmem>>, vector<1x1x16xi32>,
    %add3A_1654 = arith.constant 128 : i32
    %add3A_1655 = vector.broadcast %add3A_1654 : i32 to vector<16xi32>
    %add3A_1656 = arith.addi %add3A_1645, %add3A_1655 : vector<16xi32>
    %swap3A_1657 = arith.constant 3 : i32
    %swap3A_1658 = arith.constant 2 : i32
    %swap3A_1659 = arith.index_cast %swap3A_1657 : i32 to index
    %swap3A_1660 = arith.index_cast %swap3A_1658 : i32 to index
    %swap3A_1661 = arith.constant 48 : index
    %swap3A_1662 = tpu.vector_load %arg7[%swap3A_1659, %swap3A_1660, %swap3A_1661] {strides = array<i32>} : memref<4x4x128xi32, #tpu.memory_space<vmem>>, vector<1x1x16xi32>,
    %swap3A_1663 = vector.shape_cast %swap3A_1662 : vector<1x1x16xi32> to vector<16xi32>
    %swap3A_1664 = vector.shape_cast %add3A_1656 : vector<16xi32> to vector<1x1x16xi32>
    tpu.vector_store %arg7[%swap3A_1659, %swap3A_1660, %swap3A_1661], %swap3A_1664 {strides = array<i32>} : memref<4x4x128xi32, #tpu.memory_space<vmem>>, vector<1x1x16xi32>,
    %get3A_1665 = arith.constant 320 : index
    %get3A_1666 = tpu.vector_load %arg6[%get3A_1665] {strides = array<i32>} : memref<512xi32, #tpu.memory_space<vmem>>, vector<16xi32>,
    %get3A_1667 = vector.shape_cast %get3A_1666 : vector<16xi32> to vector<16xi32>
    %shift_right_arithmetic3A_1668 = arith.constant 7 : i32
    %shift_right_arithmetic3A_1669 = vector.broadcast %shift_right_arithmetic3A_1668 : i32 to vector<16xi32>
    %shift_right_arithmetic3A_1670 = arith.shrsi %get3A_1667, %shift_right_arithmetic3A_1669 : vector<16xi32>
    %mul3A_1671 = arith.constant 256 : i32
    %mul3A_1672 = vector.broadcast %mul3A_1671 : i32 to vector<16xi32>
    %mul3A_1673 = arith.muli %shift_right_arithmetic3A_1670, %mul3A_1672 : vector<16xi32>
    %and3A_1674 = arith.constant 127 : i32
    %and3A_1675 = vector.broadcast %and3A_1674 : i32 to vector<16xi32>
    %and3A_1676 = arith.andi %get3A_1667, %and3A_1675 : vector<16xi32>
    %add3A_1677 = arith.addi %mul3A_1673, %and3A_1676 : vector<16xi32>
    %swap3A_1678 = arith.constant 2 : i32
    %swap3A_1679 = arith.constant 2 : i32
    %swap3A_1680 = arith.index_cast %swap3A_1678 : i32 to index
    %swap3A_1681 = arith.index_cast %swap3A_1679 : i32 to index
    %swap3A_1682 = arith.constant 64 : index
    %swap3A_1683 = tpu.vector_load %arg7[%swap3A_1680, %swap3A_1681, %swap3A_1682] {strides = array<i32>} : memref<4x4x128xi32, #tpu.memory_space<vmem>>, vector<1x1x16xi32>,
    %swap3A_1684 = vector.shape_cast %swap3A_1683 : vector<1x1x16xi32> to vector<16xi32>
    %swap3A_1685 = vector.shape_cast %add3A_1677 : vector<16xi32> to vector<1x1x16xi32>
    tpu.vector_store %arg7[%swap3A_1680, %swap3A_1681, %swap3A_1682], %swap3A_1685 {strides = array<i32>} : memref<4x4x128xi32, #tpu.memory_space<vmem>>, vector<1x1x16xi32>,
    %add3A_1686 = arith.constant 128 : i32
    %add3A_1687 = vector.broadcast %add3A_1686 : i32 to vector<16xi32>
    %add3A_1688 = arith.addi %add3A_1677, %add3A_1687 : vector<16xi32>
    %swap3A_1689 = arith.constant 3 : i32
    %swap3A_1690 = arith.constant 2 : i32
    %swap3A_1691 = arith.index_cast %swap3A_1689 : i32 to index
    %swap3A_1692 = arith.index_cast %swap3A_1690 : i32 to index
    %swap3A_1693 = arith.constant 64 : index
    %swap3A_1694 = tpu.vector_load %arg7[%swap3A_1691, %swap3A_1692, %swap3A_1693] {strides = array<i32>} : memref<4x4x128xi32, #tpu.memory_space<vmem>>, vector<1x1x16xi32>,
    %swap3A_1695 = vector.shape_cast %swap3A_1694 : vector<1x1x16xi32> to vector<16xi32>
    %swap3A_1696 = vector.shape_cast %add3A_1688 : vector<16xi32> to vector<1x1x16xi32>
    tpu.vector_store %arg7[%swap3A_1691, %swap3A_1692, %swap3A_1693], %swap3A_1696 {strides = array<i32>} : memref<4x4x128xi32, #tpu.memory_space<vmem>>, vector<1x1x16xi32>,
    %get3A_1697 = arith.constant 336 : index
    %get3A_1698 = tpu.vector_load %arg6[%get3A_1697] {strides = array<i32>} : memref<512xi32, #tpu.memory_space<vmem>>, vector<16xi32>,
    %get3A_1699 = vector.shape_cast %get3A_1698 : vector<16xi32> to vector<16xi32>
    %shift_right_arithmetic3A_1700 = arith.constant 7 : i32
    %shift_right_arithmetic3A_1701 = vector.broadcast %shift_right_arithmetic3A_1700 : i32 to vector<16xi32>
    %shift_right_arithmetic3A_1702 = arith.shrsi %get3A_1699, %shift_right_arithmetic3A_1701 : vector<16xi32>
    %mul3A_1703 = arith.constant 256 : i32
    %mul3A_1704 = vector.broadcast %mul3A_1703 : i32 to vector<16xi32>
    %mul3A_1705 = arith.muli %shift_right_arithmetic3A_1702, %mul3A_1704 : vector<16xi32>
    %and3A_1706 = arith.constant 127 : i32
    %and3A_1707 = vector.broadcast %and3A_1706 : i32 to vector<16xi32>
    %and3A_1708 = arith.andi %get3A_1699, %and3A_1707 : vector<16xi32>
    %add3A_1709 = arith.addi %mul3A_1705, %and3A_1708 : vector<16xi32>
    %swap3A_1710 = arith.constant 2 : i32
    %swap3A_1711 = arith.constant 2 : i32
    %swap3A_1712 = arith.index_cast %swap3A_1710 : i32 to index
    %swap3A_1713 = arith.index_cast %swap3A_1711 : i32 to index
    %swap3A_1714 = arith.constant 80 : index
    %swap3A_1715 = tpu.vector_load %arg7[%swap3A_1712, %swap3A_1713, %swap3A_1714] {strides = array<i32>} : memref<4x4x128xi32, #tpu.memory_space<vmem>>, vector<1x1x16xi32>,
    %swap3A_1716 = vector.shape_cast %swap3A_1715 : vector<1x1x16xi32> to vector<16xi32>
    %swap3A_1717 = vector.shape_cast %add3A_1709 : vector<16xi32> to vector<1x1x16xi32>
    tpu.vector_store %arg7[%swap3A_1712, %swap3A_1713, %swap3A_1714], %swap3A_1717 {strides = array<i32>} : memref<4x4x128xi32, #tpu.memory_space<vmem>>, vector<1x1x16xi32>,
    %add3A_1718 = arith.constant 128 : i32
    %add3A_1719 = vector.broadcast %add3A_1718 : i32 to vector<16xi32>
    %add3A_1720 = arith.addi %add3A_1709, %add3A_1719 : vector<16xi32>
    %swap3A_1721 = arith.constant 3 : i32
    %swap3A_1722 = arith.constant 2 : i32
    %swap3A_1723 = arith.index_cast %swap3A_1721 : i32 to index
    %swap3A_1724 = arith.index_cast %swap3A_1722 : i32 to index
    %swap3A_1725 = arith.constant 80 : index
    %swap3A_1726 = tpu.vector_load %arg7[%swap3A_1723, %swap3A_1724, %swap3A_1725] {strides = array<i32>} : memref<4x4x128xi32, #tpu.memory_space<vmem>>, vector<1x1x16xi32>,
    %swap3A_1727 = vector.shape_cast %swap3A_1726 : vector<1x1x16xi32> to vector<16xi32>
    %swap3A_1728 = vector.shape_cast %add3A_1720 : vector<16xi32> to vector<1x1x16xi32>
    tpu.vector_store %arg7[%swap3A_1723, %swap3A_1724, %swap3A_1725], %swap3A_1728 {strides = array<i32>} : memref<4x4x128xi32, #tpu.memory_space<vmem>>, vector<1x1x16xi32>,
    %get3A_1729 = arith.constant 352 : index
    %get3A_1730 = tpu.vector_load %arg6[%get3A_1729] {strides = array<i32>} : memref<512xi32, #tpu.memory_space<vmem>>, vector<16xi32>,
    %get3A_1731 = vector.shape_cast %get3A_1730 : vector<16xi32> to vector<16xi32>
    %shift_right_arithmetic3A_1732 = arith.constant 7 : i32
    %shift_right_arithmetic3A_1733 = vector.broadcast %shift_right_arithmetic3A_1732 : i32 to vector<16xi32>
    %shift_right_arithmetic3A_1734 = arith.shrsi %get3A_1731, %shift_right_arithmetic3A_1733 : vector<16xi32>
    %mul3A_1735 = arith.constant 256 : i32
    %mul3A_1736 = vector.broadcast %mul3A_1735 : i32 to vector<16xi32>
    %mul3A_1737 = arith.muli %shift_right_arithmetic3A_1734, %mul3A_1736 : vector<16xi32>
    %and3A_1738 = arith.constant 127 : i32
    %and3A_1739 = vector.broadcast %and3A_1738 : i32 to vector<16xi32>
    %and3A_1740 = arith.andi %get3A_1731, %and3A_1739 : vector<16xi32>
    %add3A_1741 = arith.addi %mul3A_1737, %and3A_1740 : vector<16xi32>
    %swap3A_1742 = arith.constant 2 : i32
    %swap3A_1743 = arith.constant 2 : i32
    %swap3A_1744 = arith.index_cast %swap3A_1742 : i32 to index
    %swap3A_1745 = arith.index_cast %swap3A_1743 : i32 to index
    %swap3A_1746 = arith.constant 96 : index
    %swap3A_1747 = tpu.vector_load %arg7[%swap3A_1744, %swap3A_1745, %swap3A_1746] {strides = array<i32>} : memref<4x4x128xi32, #tpu.memory_space<vmem>>, vector<1x1x16xi32>,
    %swap3A_1748 = vector.shape_cast %swap3A_1747 : vector<1x1x16xi32> to vector<16xi32>
    %swap3A_1749 = vector.shape_cast %add3A_1741 : vector<16xi32> to vector<1x1x16xi32>
    tpu.vector_store %arg7[%swap3A_1744, %swap3A_1745, %swap3A_1746], %swap3A_1749 {strides = array<i32>} : memref<4x4x128xi32, #tpu.memory_space<vmem>>, vector<1x1x16xi32>,
    %add3A_1750 = arith.constant 128 : i32
    %add3A_1751 = vector.broadcast %add3A_1750 : i32 to vector<16xi32>
    %add3A_1752 = arith.addi %add3A_1741, %add3A_1751 : vector<16xi32>
    %swap3A_1753 = arith.constant 3 : i32
    %swap3A_1754 = arith.constant 2 : i32
    %swap3A_1755 = arith.index_cast %swap3A_1753 : i32 to index
    %swap3A_1756 = arith.index_cast %swap3A_1754 : i32 to index
    %swap3A_1757 = arith.constant 96 : index
    %swap3A_1758 = tpu.vector_load %arg7[%swap3A_1755, %swap3A_1756, %swap3A_1757] {strides = array<i32>} : memref<4x4x128xi32, #tpu.memory_space<vmem>>, vector<1x1x16xi32>,
    %swap3A_1759 = vector.shape_cast %swap3A_1758 : vector<1x1x16xi32> to vector<16xi32>
    %swap3A_1760 = vector.shape_cast %add3A_1752 : vector<16xi32> to vector<1x1x16xi32>
    tpu.vector_store %arg7[%swap3A_1755, %swap3A_1756, %swap3A_1757], %swap3A_1760 {strides = array<i32>} : memref<4x4x128xi32, #tpu.memory_space<vmem>>, vector<1x1x16xi32>,
    %get3A_1761 = arith.constant 368 : index
    %get3A_1762 = tpu.vector_load %arg6[%get3A_1761] {strides = array<i32>} : memref<512xi32, #tpu.memory_space<vmem>>, vector<16xi32>,
    %get3A_1763 = vector.shape_cast %get3A_1762 : vector<16xi32> to vector<16xi32>
    %shift_right_arithmetic3A_1764 = arith.constant 7 : i32
    %shift_right_arithmetic3A_1765 = vector.broadcast %shift_right_arithmetic3A_1764 : i32 to vector<16xi32>
    %shift_right_arithmetic3A_1766 = arith.shrsi %get3A_1763, %shift_right_arithmetic3A_1765 : vector<16xi32>
    %mul3A_1767 = arith.constant 256 : i32
    %mul3A_1768 = vector.broadcast %mul3A_1767 : i32 to vector<16xi32>
    %mul3A_1769 = arith.muli %shift_right_arithmetic3A_1766, %mul3A_1768 : vector<16xi32>
    %and3A_1770 = arith.constant 127 : i32
    %and3A_1771 = vector.broadcast %and3A_1770 : i32 to vector<16xi32>
    %and3A_1772 = arith.andi %get3A_1763, %and3A_1771 : vector<16xi32>
    %add3A_1773 = arith.addi %mul3A_1769, %and3A_1772 : vector<16xi32>
    %swap3A_1774 = arith.constant 2 : i32
    %swap3A_1775 = arith.constant 2 : i32
    %swap3A_1776 = arith.index_cast %swap3A_1774 : i32 to index
    %swap3A_1777 = arith.index_cast %swap3A_1775 : i32 to index
    %swap3A_1778 = arith.constant 112 : index
    %swap3A_1779 = tpu.vector_load %arg7[%swap3A_1776, %swap3A_1777, %swap3A_1778] {strides = array<i32>} : memref<4x4x128xi32, #tpu.memory_space<vmem>>, vector<1x1x16xi32>,
    %swap3A_1780 = vector.shape_cast %swap3A_1779 : vector<1x1x16xi32> to vector<16xi32>
    %swap3A_1781 = vector.shape_cast %add3A_1773 : vector<16xi32> to vector<1x1x16xi32>
    tpu.vector_store %arg7[%swap3A_1776, %swap3A_1777, %swap3A_1778], %swap3A_1781 {strides = array<i32>} : memref<4x4x128xi32, #tpu.memory_space<vmem>>, vector<1x1x16xi32>,
    %add3A_1782 = arith.constant 128 : i32
    %add3A_1783 = vector.broadcast %add3A_1782 : i32 to vector<16xi32>
    %add3A_1784 = arith.addi %add3A_1773, %add3A_1783 : vector<16xi32>
    %swap3A_1785 = arith.constant 3 : i32
    %swap3A_1786 = arith.constant 2 : i32
    %swap3A_1787 = arith.index_cast %swap3A_1785 : i32 to index
    %swap3A_1788 = arith.index_cast %swap3A_1786 : i32 to index
    %swap3A_1789 = arith.constant 112 : index
    %swap3A_1790 = tpu.vector_load %arg7[%swap3A_1787, %swap3A_1788, %swap3A_1789] {strides = array<i32>} : memref<4x4x128xi32, #tpu.memory_space<vmem>>, vector<1x1x16xi32>,
    %swap3A_1791 = vector.shape_cast %swap3A_1790 : vector<1x1x16xi32> to vector<16xi32>
    %swap3A_1792 = vector.shape_cast %add3A_1784 : vector<16xi32> to vector<1x1x16xi32>
    tpu.vector_store %arg7[%swap3A_1787, %swap3A_1788, %swap3A_1789], %swap3A_1792 {strides = array<i32>} : memref<4x4x128xi32, #tpu.memory_space<vmem>>, vector<1x1x16xi32>,
    %get3A_1793 = arith.constant 384 : index
    %get3A_1794 = tpu.vector_load %arg6[%get3A_1793] {strides = array<i32>} : memref<512xi32, #tpu.memory_space<vmem>>, vector<16xi32>,
    %get3A_1795 = vector.shape_cast %get3A_1794 : vector<16xi32> to vector<16xi32>
    %shift_right_arithmetic3A_1796 = arith.constant 7 : i32
    %shift_right_arithmetic3A_1797 = vector.broadcast %shift_right_arithmetic3A_1796 : i32 to vector<16xi32>
    %shift_right_arithmetic3A_1798 = arith.shrsi %get3A_1795, %shift_right_arithmetic3A_1797 : vector<16xi32>
    %mul3A_1799 = arith.constant 256 : i32
    %mul3A_1800 = vector.broadcast %mul3A_1799 : i32 to vector<16xi32>
    %mul3A_1801 = arith.muli %shift_right_arithmetic3A_1798, %mul3A_1800 : vector<16xi32>
    %and3A_1802 = arith.constant 127 : i32
    %and3A_1803 = vector.broadcast %and3A_1802 : i32 to vector<16xi32>
    %and3A_1804 = arith.andi %get3A_1795, %and3A_1803 : vector<16xi32>
    %add3A_1805 = arith.addi %mul3A_1801, %and3A_1804 : vector<16xi32>
    %swap3A_1806 = arith.constant 2 : i32
    %swap3A_1807 = arith.constant 3 : i32
    %swap3A_1808 = arith.index_cast %swap3A_1806 : i32 to index
    %swap3A_1809 = arith.index_cast %swap3A_1807 : i32 to index
    %swap3A_1810 = arith.constant 0 : index
    %swap3A_1811 = tpu.vector_load %arg7[%swap3A_1808, %swap3A_1809, %swap3A_1810] {strides = array<i32>} : memref<4x4x128xi32, #tpu.memory_space<vmem>>, vector<1x1x16xi32>,
    %swap3A_1812 = vector.shape_cast %swap3A_1811 : vector<1x1x16xi32> to vector<16xi32>
    %swap3A_1813 = vector.shape_cast %add3A_1805 : vector<16xi32> to vector<1x1x16xi32>
    tpu.vector_store %arg7[%swap3A_1808, %swap3A_1809, %swap3A_1810], %swap3A_1813 {strides = array<i32>} : memref<4x4x128xi32, #tpu.memory_space<vmem>>, vector<1x1x16xi32>,
    %add3A_1814 = arith.constant 128 : i32
    %add3A_1815 = vector.broadcast %add3A_1814 : i32 to vector<16xi32>
    %add3A_1816 = arith.addi %add3A_1805, %add3A_1815 : vector<16xi32>
    %swap3A_1817 = arith.constant 3 : i32
    %swap3A_1818 = arith.constant 3 : i32
    %swap3A_1819 = arith.index_cast %swap3A_1817 : i32 to index
    %swap3A_1820 = arith.index_cast %swap3A_1818 : i32 to index
    %swap3A_1821 = arith.constant 0 : index
    %swap3A_1822 = tpu.vector_load %arg7[%swap3A_1819, %swap3A_1820, %swap3A_1821] {strides = array<i32>} : memref<4x4x128xi32, #tpu.memory_space<vmem>>, vector<1x1x16xi32>,
    %swap3A_1823 = vector.shape_cast %swap3A_1822 : vector<1x1x16xi32> to vector<16xi32>
    %swap3A_1824 = vector.shape_cast %add3A_1816 : vector<16xi32> to vector<1x1x16xi32>
    tpu.vector_store %arg7[%swap3A_1819, %swap3A_1820, %swap3A_1821], %swap3A_1824 {strides = array<i32>} : memref<4x4x128xi32, #tpu.memory_space<vmem>>, vector<1x1x16xi32>,
    %get3A_1825 = arith.constant 400 : index
    %get3A_1826 = tpu.vector_load %arg6[%get3A_1825] {strides = array<i32>} : memref<512xi32, #tpu.memory_space<vmem>>, vector<16xi32>,
    %get3A_1827 = vector.shape_cast %get3A_1826 : vector<16xi32> to vector<16xi32>
    %shift_right_arithmetic3A_1828 = arith.constant 7 : i32
    %shift_right_arithmetic3A_1829 = vector.broadcast %shift_right_arithmetic3A_1828 : i32 to vector<16xi32>
    %shift_right_arithmetic3A_1830 = arith.shrsi %get3A_1827, %shift_right_arithmetic3A_1829 : vector<16xi32>
    %mul3A_1831 = arith.constant 256 : i32
    %mul3A_1832 = vector.broadcast %mul3A_1831 : i32 to vector<16xi32>
    %mul3A_1833 = arith.muli %shift_right_arithmetic3A_1830, %mul3A_1832 : vector<16xi32>
    %and3A_1834 = arith.constant 127 : i32
    %and3A_1835 = vector.broadcast %and3A_1834 : i32 to vector<16xi32>
    %and3A_1836 = arith.andi %get3A_1827, %and3A_1835 : vector<16xi32>
    %add3A_1837 = arith.addi %mul3A_1833, %and3A_1836 : vector<16xi32>
    %swap3A_1838 = arith.constant 2 : i32
    %swap3A_1839 = arith.constant 3 : i32
    %swap3A_1840 = arith.index_cast %swap3A_1838 : i32 to index
    %swap3A_1841 = arith.index_cast %swap3A_1839 : i32 to index
    %swap3A_1842 = arith.constant 16 : index
    %swap3A_1843 = tpu.vector_load %arg7[%swap3A_1840, %swap3A_1841, %swap3A_1842] {strides = array<i32>} : memref<4x4x128xi32, #tpu.memory_space<vmem>>, vector<1x1x16xi32>,
    %swap3A_1844 = vector.shape_cast %swap3A_1843 : vector<1x1x16xi32> to vector<16xi32>
    %swap3A_1845 = vector.shape_cast %add3A_1837 : vector<16xi32> to vector<1x1x16xi32>
    tpu.vector_store %arg7[%swap3A_1840, %swap3A_1841, %swap3A_1842], %swap3A_1845 {strides = array<i32>} : memref<4x4x128xi32, #tpu.memory_space<vmem>>, vector<1x1x16xi32>,
    %add3A_1846 = arith.constant 128 : i32
    %add3A_1847 = vector.broadcast %add3A_1846 : i32 to vector<16xi32>
    %add3A_1848 = arith.addi %add3A_1837, %add3A_1847 : vector<16xi32>
    %swap3A_1849 = arith.constant 3 : i32
    %swap3A_1850 = arith.constant 3 : i32
    %swap3A_1851 = arith.index_cast %swap3A_1849 : i32 to index
    %swap3A_1852 = arith.index_cast %swap3A_1850 : i32 to index
    %swap3A_1853 = arith.constant 16 : index
    %swap3A_1854 = tpu.vector_load %arg7[%swap3A_1851, %swap3A_1852, %swap3A_1853] {strides = array<i32>} : memref<4x4x128xi32, #tpu.memory_space<vmem>>, vector<1x1x16xi32>,
    %swap3A_1855 = vector.shape_cast %swap3A_1854 : vector<1x1x16xi32> to vector<16xi32>
    %swap3A_1856 = vector.shape_cast %add3A_1848 : vector<16xi32> to vector<1x1x16xi32>
    tpu.vector_store %arg7[%swap3A_1851, %swap3A_1852, %swap3A_1853], %swap3A_1856 {strides = array<i32>} : memref<4x4x128xi32, #tpu.memory_space<vmem>>, vector<1x1x16xi32>,
    %get3A_1857 = arith.constant 416 : index
    %get3A_1858 = tpu.vector_load %arg6[%get3A_1857] {strides = array<i32>} : memref<512xi32, #tpu.memory_space<vmem>>, vector<16xi32>,
    %get3A_1859 = vector.shape_cast %get3A_1858 : vector<16xi32> to vector<16xi32>
    %shift_right_arithmetic3A_1860 = arith.constant 7 : i32
    %shift_right_arithmetic3A_1861 = vector.broadcast %shift_right_arithmetic3A_1860 : i32 to vector<16xi32>
    %shift_right_arithmetic3A_1862 = arith.shrsi %get3A_1859, %shift_right_arithmetic3A_1861 : vector<16xi32>
    %mul3A_1863 = arith.constant 256 : i32
    %mul3A_1864 = vector.broadcast %mul3A_1863 : i32 to vector<16xi32>
    %mul3A_1865 = arith.muli %shift_right_arithmetic3A_1862, %mul3A_1864 : vector<16xi32>
    %and3A_1866 = arith.constant 127 : i32
    %and3A_1867 = vector.broadcast %and3A_1866 : i32 to vector<16xi32>
    %and3A_1868 = arith.andi %get3A_1859, %and3A_1867 : vector<16xi32>
    %add3A_1869 = arith.addi %mul3A_1865, %and3A_1868 : vector<16xi32>
    %swap3A_1870 = arith.constant 2 : i32
    %swap3A_1871 = arith.constant 3 : i32
    %swap3A_1872 = arith.index_cast %swap3A_1870 : i32 to index
    %swap3A_1873 = arith.index_cast %swap3A_1871 : i32 to index
    %swap3A_1874 = arith.constant 32 : index
    %swap3A_1875 = tpu.vector_load %arg7[%swap3A_1872, %swap3A_1873, %swap3A_1874] {strides = array<i32>} : memref<4x4x128xi32, #tpu.memory_space<vmem>>, vector<1x1x16xi32>,
    %swap3A_1876 = vector.shape_cast %swap3A_1875 : vector<1x1x16xi32> to vector<16xi32>
    %swap3A_1877 = vector.shape_cast %add3A_1869 : vector<16xi32> to vector<1x1x16xi32>
    tpu.vector_store %arg7[%swap3A_1872, %swap3A_1873, %swap3A_1874], %swap3A_1877 {strides = array<i32>} : memref<4x4x128xi32, #tpu.memory_space<vmem>>, vector<1x1x16xi32>,
    %add3A_1878 = arith.constant 128 : i32
    %add3A_1879 = vector.broadcast %add3A_1878 : i32 to vector<16xi32>
    %add3A_1880 = arith.addi %add3A_1869, %add3A_1879 : vector<16xi32>
    %swap3A_1881 = arith.constant 3 : i32
    %swap3A_1882 = arith.constant 3 : i32
    %swap3A_1883 = arith.index_cast %swap3A_1881 : i32 to index
    %swap3A_1884 = arith.index_cast %swap3A_1882 : i32 to index
    %swap3A_1885 = arith.constant 32 : index
    %swap3A_1886 = tpu.vector_load %arg7[%swap3A_1883, %swap3A_1884, %swap3A_1885] {strides = array<i32>} : memref<4x4x128xi32, #tpu.memory_space<vmem>>, vector<1x1x16xi32>,
    %swap3A_1887 = vector.shape_cast %swap3A_1886 : vector<1x1x16xi32> to vector<16xi32>
    %swap3A_1888 = vector.shape_cast %add3A_1880 : vector<16xi32> to vector<1x1x16xi32>
    tpu.vector_store %arg7[%swap3A_1883, %swap3A_1884, %swap3A_1885], %swap3A_1888 {strides = array<i32>} : memref<4x4x128xi32, #tpu.memory_space<vmem>>, vector<1x1x16xi32>,
    %get3A_1889 = arith.constant 432 : index
    %get3A_1890 = tpu.vector_load %arg6[%get3A_1889] {strides = array<i32>} : memref<512xi32, #tpu.memory_space<vmem>>, vector<16xi32>,
    %get3A_1891 = vector.shape_cast %get3A_1890 : vector<16xi32> to vector<16xi32>
    %shift_right_arithmetic3A_1892 = arith.constant 7 : i32
    %shift_right_arithmetic3A_1893 = vector.broadcast %shift_right_arithmetic3A_1892 : i32 to vector<16xi32>
    %shift_right_arithmetic3A_1894 = arith.shrsi %get3A_1891, %shift_right_arithmetic3A_1893 : vector<16xi32>
    %mul3A_1895 = arith.constant 256 : i32
    %mul3A_1896 = vector.broadcast %mul3A_1895 : i32 to vector<16xi32>
    %mul3A_1897 = arith.muli %shift_right_arithmetic3A_1894, %mul3A_1896 : vector<16xi32>
    %and3A_1898 = arith.constant 127 : i32
    %and3A_1899 = vector.broadcast %and3A_1898 : i32 to vector<16xi32>
    %and3A_1900 = arith.andi %get3A_1891, %and3A_1899 : vector<16xi32>
    %add3A_1901 = arith.addi %mul3A_1897, %and3A_1900 : vector<16xi32>
    %swap3A_1902 = arith.constant 2 : i32
    %swap3A_1903 = arith.constant 3 : i32
    %swap3A_1904 = arith.index_cast %swap3A_1902 : i32 to index
    %swap3A_1905 = arith.index_cast %swap3A_1903 : i32 to index
    %swap3A_1906 = arith.constant 48 : index
    %swap3A_1907 = tpu.vector_load %arg7[%swap3A_1904, %swap3A_1905, %swap3A_1906] {strides = array<i32>} : memref<4x4x128xi32, #tpu.memory_space<vmem>>, vector<1x1x16xi32>,
    %swap3A_1908 = vector.shape_cast %swap3A_1907 : vector<1x1x16xi32> to vector<16xi32>
    %swap3A_1909 = vector.shape_cast %add3A_1901 : vector<16xi32> to vector<1x1x16xi32>
    tpu.vector_store %arg7[%swap3A_1904, %swap3A_1905, %swap3A_1906], %swap3A_1909 {strides = array<i32>} : memref<4x4x128xi32, #tpu.memory_space<vmem>>, vector<1x1x16xi32>,
    %add3A_1910 = arith.constant 128 : i32
    %add3A_1911 = vector.broadcast %add3A_1910 : i32 to vector<16xi32>
    %add3A_1912 = arith.addi %add3A_1901, %add3A_1911 : vector<16xi32>
    %swap3A_1913 = arith.constant 3 : i32
    %swap3A_1914 = arith.constant 3 : i32
    %swap3A_1915 = arith.index_cast %swap3A_1913 : i32 to index
    %swap3A_1916 = arith.index_cast %swap3A_1914 : i32 to index
    %swap3A_1917 = arith.constant 48 : index
    %swap3A_1918 = tpu.vector_load %arg7[%swap3A_1915, %swap3A_1916, %swap3A_1917] {strides = array<i32>} : memref<4x4x128xi32, #tpu.memory_space<vmem>>, vector<1x1x16xi32>,
    %swap3A_1919 = vector.shape_cast %swap3A_1918 : vector<1x1x16xi32> to vector<16xi32>
    %swap3A_1920 = vector.shape_cast %add3A_1912 : vector<16xi32> to vector<1x1x16xi32>
    tpu.vector_store %arg7[%swap3A_1915, %swap3A_1916, %swap3A_1917], %swap3A_1920 {strides = array<i32>} : memref<4x4x128xi32, #tpu.memory_space<vmem>>, vector<1x1x16xi32>,
    %get3A_1921 = arith.constant 448 : index
    %get3A_1922 = tpu.vector_load %arg6[%get3A_1921] {strides = array<i32>} : memref<512xi32, #tpu.memory_space<vmem>>, vector<16xi32>,
    %get3A_1923 = vector.shape_cast %get3A_1922 : vector<16xi32> to vector<16xi32>
    %shift_right_arithmetic3A_1924 = arith.constant 7 : i32
    %shift_right_arithmetic3A_1925 = vector.broadcast %shift_right_arithmetic3A_1924 : i32 to vector<16xi32>
    %shift_right_arithmetic3A_1926 = arith.shrsi %get3A_1923, %shift_right_arithmetic3A_1925 : vector<16xi32>
    %mul3A_1927 = arith.constant 256 : i32
    %mul3A_1928 = vector.broadcast %mul3A_1927 : i32 to vector<16xi32>
    %mul3A_1929 = arith.muli %shift_right_arithmetic3A_1926, %mul3A_1928 : vector<16xi32>
    %and3A_1930 = arith.constant 127 : i32
    %and3A_1931 = vector.broadcast %and3A_1930 : i32 to vector<16xi32>
    %and3A_1932 = arith.andi %get3A_1923, %and3A_1931 : vector<16xi32>
    %add3A_1933 = arith.addi %mul3A_1929, %and3A_1932 : vector<16xi32>
    %swap3A_1934 = arith.constant 2 : i32
    %swap3A_1935 = arith.constant 3 : i32
    %swap3A_1936 = arith.index_cast %swap3A_1934 : i32 to index
    %swap3A_1937 = arith.index_cast %swap3A_1935 : i32 to index
    %swap3A_1938 = arith.constant 64 : index
    %swap3A_1939 = tpu.vector_load %arg7[%swap3A_1936, %swap3A_1937, %swap3A_1938] {strides = array<i32>} : memref<4x4x128xi32, #tpu.memory_space<vmem>>, vector<1x1x16xi32>,
    %swap3A_1940 = vector.shape_cast %swap3A_1939 : vector<1x1x16xi32> to vector<16xi32>
    %swap3A_1941 = vector.shape_cast %add3A_1933 : vector<16xi32> to vector<1x1x16xi32>
    tpu.vector_store %arg7[%swap3A_1936, %swap3A_1937, %swap3A_1938], %swap3A_1941 {strides = array<i32>} : memref<4x4x128xi32, #tpu.memory_space<vmem>>, vector<1x1x16xi32>,
    %add3A_1942 = arith.constant 128 : i32
    %add3A_1943 = vector.broadcast %add3A_1942 : i32 to vector<16xi32>
    %add3A_1944 = arith.addi %add3A_1933, %add3A_1943 : vector<16xi32>
    %swap3A_1945 = arith.constant 3 : i32
    %swap3A_1946 = arith.constant 3 : i32
    %swap3A_1947 = arith.index_cast %swap3A_1945 : i32 to index
    %swap3A_1948 = arith.index_cast %swap3A_1946 : i32 to index
    %swap3A_1949 = arith.constant 64 : index
    %swap3A_1950 = tpu.vector_load %arg7[%swap3A_1947, %swap3A_1948, %swap3A_1949] {strides = array<i32>} : memref<4x4x128xi32, #tpu.memory_space<vmem>>, vector<1x1x16xi32>,
    %swap3A_1951 = vector.shape_cast %swap3A_1950 : vector<1x1x16xi32> to vector<16xi32>
    %swap3A_1952 = vector.shape_cast %add3A_1944 : vector<16xi32> to vector<1x1x16xi32>
    tpu.vector_store %arg7[%swap3A_1947, %swap3A_1948, %swap3A_1949], %swap3A_1952 {strides = array<i32>} : memref<4x4x128xi32, #tpu.memory_space<vmem>>, vector<1x1x16xi32>,
    %get3A_1953 = arith.constant 464 : index
    %get3A_1954 = tpu.vector_load %arg6[%get3A_1953] {strides = array<i32>} : memref<512xi32, #tpu.memory_space<vmem>>, vector<16xi32>,
    %get3A_1955 = vector.shape_cast %get3A_1954 : vector<16xi32> to vector<16xi32>
    %shift_right_arithmetic3A_1956 = arith.constant 7 : i32
    %shift_right_arithmetic3A_1957 = vector.broadcast %shift_right_arithmetic3A_1956 : i32 to vector<16xi32>
    %shift_right_arithmetic3A_1958 = arith.shrsi %get3A_1955, %shift_right_arithmetic3A_1957 : vector<16xi32>
    %mul3A_1959 = arith.constant 256 : i32
    %mul3A_1960 = vector.broadcast %mul3A_1959 : i32 to vector<16xi32>
    %mul3A_1961 = arith.muli %shift_right_arithmetic3A_1958, %mul3A_1960 : vector<16xi32>
    %and3A_1962 = arith.constant 127 : i32
    %and3A_1963 = vector.broadcast %and3A_1962 : i32 to vector<16xi32>
    %and3A_1964 = arith.andi %get3A_1955, %and3A_1963 : vector<16xi32>
    %add3A_1965 = arith.addi %mul3A_1961, %and3A_1964 : vector<16xi32>
    %swap3A_1966 = arith.constant 2 : i32
    %swap3A_1967 = arith.constant 3 : i32
    %swap3A_1968 = arith.index_cast %swap3A_1966 : i32 to index
    %swap3A_1969 = arith.index_cast %swap3A_1967 : i32 to index
    %swap3A_1970 = arith.constant 80 : index
    %swap3A_1971 = tpu.vector_load %arg7[%swap3A_1968, %swap3A_1969, %swap3A_1970] {strides = array<i32>} : memref<4x4x128xi32, #tpu.memory_space<vmem>>, vector<1x1x16xi32>,
    %swap3A_1972 = vector.shape_cast %swap3A_1971 : vector<1x1x16xi32> to vector<16xi32>
    %swap3A_1973 = vector.shape_cast %add3A_1965 : vector<16xi32> to vector<1x1x16xi32>
    tpu.vector_store %arg7[%swap3A_1968, %swap3A_1969, %swap3A_1970], %swap3A_1973 {strides = array<i32>} : memref<4x4x128xi32, #tpu.memory_space<vmem>>, vector<1x1x16xi32>,
    %add3A_1974 = arith.constant 128 : i32
    %add3A_1975 = vector.broadcast %add3A_1974 : i32 to vector<16xi32>
    %add3A_1976 = arith.addi %add3A_1965, %add3A_1975 : vector<16xi32>
    %swap3A_1977 = arith.constant 3 : i32
    %swap3A_1978 = arith.constant 3 : i32
    %swap3A_1979 = arith.index_cast %swap3A_1977 : i32 to index
    %swap3A_1980 = arith.index_cast %swap3A_1978 : i32 to index
    %swap3A_1981 = arith.constant 80 : index
    %swap3A_1982 = tpu.vector_load %arg7[%swap3A_1979, %swap3A_1980, %swap3A_1981] {strides = array<i32>} : memref<4x4x128xi32, #tpu.memory_space<vmem>>, vector<1x1x16xi32>,
    %swap3A_1983 = vector.shape_cast %swap3A_1982 : vector<1x1x16xi32> to vector<16xi32>
    %swap3A_1984 = vector.shape_cast %add3A_1976 : vector<16xi32> to vector<1x1x16xi32>
    tpu.vector_store %arg7[%swap3A_1979, %swap3A_1980, %swap3A_1981], %swap3A_1984 {strides = array<i32>} : memref<4x4x128xi32, #tpu.memory_space<vmem>>, vector<1x1x16xi32>,
    %get3A_1985 = arith.constant 480 : index
    %get3A_1986 = tpu.vector_load %arg6[%get3A_1985] {strides = array<i32>} : memref<512xi32, #tpu.memory_space<vmem>>, vector<16xi32>,
    %get3A_1987 = vector.shape_cast %get3A_1986 : vector<16xi32> to vector<16xi32>
    %shift_right_arithmetic3A_1988 = arith.constant 7 : i32
    %shift_right_arithmetic3A_1989 = vector.broadcast %shift_right_arithmetic3A_1988 : i32 to vector<16xi32>
    %shift_right_arithmetic3A_1990 = arith.shrsi %get3A_1987, %shift_right_arithmetic3A_1989 : vector<16xi32>
    %mul3A_1991 = arith.constant 256 : i32
    %mul3A_1992 = vector.broadcast %mul3A_1991 : i32 to vector<16xi32>
    %mul3A_1993 = arith.muli %shift_right_arithmetic3A_1990, %mul3A_1992 : vector<16xi32>
    %and3A_1994 = arith.constant 127 : i32
    %and3A_1995 = vector.broadcast %and3A_1994 : i32 to vector<16xi32>
    %and3A_1996 = arith.andi %get3A_1987, %and3A_1995 : vector<16xi32>
    %add3A_1997 = arith.addi %mul3A_1993, %and3A_1996 : vector<16xi32>
    %swap3A_1998 = arith.constant 2 : i32
    %swap3A_1999 = arith.constant 3 : i32
    %swap3A_2000 = arith.index_cast %swap3A_1998 : i32 to index
    %swap3A_2001 = arith.index_cast %swap3A_1999 : i32 to index
    %swap3A_2002 = arith.constant 96 : index
    %swap3A_2003 = tpu.vector_load %arg7[%swap3A_2000, %swap3A_2001, %swap3A_2002] {strides = array<i32>} : memref<4x4x128xi32, #tpu.memory_space<vmem>>, vector<1x1x16xi32>,
    %swap3A_2004 = vector.shape_cast %swap3A_2003 : vector<1x1x16xi32> to vector<16xi32>
    %swap3A_2005 = vector.shape_cast %add3A_1997 : vector<16xi32> to vector<1x1x16xi32>
    tpu.vector_store %arg7[%swap3A_2000, %swap3A_2001, %swap3A_2002], %swap3A_2005 {strides = array<i32>} : memref<4x4x128xi32, #tpu.memory_space<vmem>>, vector<1x1x16xi32>,
    %add3A_2006 = arith.constant 128 : i32
    %add3A_2007 = vector.broadcast %add3A_2006 : i32 to vector<16xi32>
    %add3A_2008 = arith.addi %add3A_1997, %add3A_2007 : vector<16xi32>
    %swap3A_2009 = arith.constant 3 : i32
    %swap3A_2010 = arith.constant 3 : i32
    %swap3A_2011 = arith.index_cast %swap3A_2009 : i32 to index
    %swap3A_2012 = arith.index_cast %swap3A_2010 : i32 to index
    %swap3A_2013 = arith.constant 96 : index
    %swap3A_2014 = tpu.vector_load %arg7[%swap3A_2011, %swap3A_2012, %swap3A_2013] {strides = array<i32>} : memref<4x4x128xi32, #tpu.memory_space<vmem>>, vector<1x1x16xi32>,
    %swap3A_2015 = vector.shape_cast %swap3A_2014 : vector<1x1x16xi32> to vector<16xi32>
    %swap3A_2016 = vector.shape_cast %add3A_2008 : vector<16xi32> to vector<1x1x16xi32>
    tpu.vector_store %arg7[%swap3A_2011, %swap3A_2012, %swap3A_2013], %swap3A_2016 {strides = array<i32>} : memref<4x4x128xi32, #tpu.memory_space<vmem>>, vector<1x1x16xi32>,
    %get3A_2017 = arith.constant 496 : index
    %get3A_2018 = tpu.vector_load %arg6[%get3A_2017] {strides = array<i32>} : memref<512xi32, #tpu.memory_space<vmem>>, vector<16xi32>,
    %get3A_2019 = vector.shape_cast %get3A_2018 : vector<16xi32> to vector<16xi32>
    %shift_right_arithmetic3A_2020 = arith.constant 7 : i32
    %shift_right_arithmetic3A_2021 = vector.broadcast %shift_right_arithmetic3A_2020 : i32 to vector<16xi32>
    %shift_right_arithmetic3A_2022 = arith.shrsi %get3A_2019, %shift_right_arithmetic3A_2021 : vector<16xi32>
    %mul3A_2023 = arith.constant 256 : i32
    %mul3A_2024 = vector.broadcast %mul3A_2023 : i32 to vector<16xi32>
    %mul3A_2025 = arith.muli %shift_right_arithmetic3A_2022, %mul3A_2024 : vector<16xi32>
    %and3A_2026 = arith.constant 127 : i32
    %and3A_2027 = vector.broadcast %and3A_2026 : i32 to vector<16xi32>
    %and3A_2028 = arith.andi %get3A_2019, %and3A_2027 : vector<16xi32>
    %add3A_2029 = arith.addi %mul3A_2025, %and3A_2028 : vector<16xi32>
    %swap3A_2030 = arith.constant 2 : i32
    %swap3A_2031 = arith.constant 3 : i32
    %swap3A_2032 = arith.index_cast %swap3A_2030 : i32 to index
    %swap3A_2033 = arith.index_cast %swap3A_2031 : i32 to index
    %swap3A_2034 = arith.constant 112 : index
    %swap3A_2035 = tpu.vector_load %arg7[%swap3A_2032, %swap3A_2033, %swap3A_2034] {strides = array<i32>} : memref<4x4x128xi32, #tpu.memory_space<vmem>>, vector<1x1x16xi32>,
    %swap3A_2036 = vector.shape_cast %swap3A_2035 : vector<1x1x16xi32> to vector<16xi32>
    %swap3A_2037 = vector.shape_cast %add3A_2029 : vector<16xi32> to vector<1x1x16xi32>
    tpu.vector_store %arg7[%swap3A_2032, %swap3A_2033, %swap3A_2034], %swap3A_2037 {strides = array<i32>} : memref<4x4x128xi32, #tpu.memory_space<vmem>>, vector<1x1x16xi32>,
    %add3A_2038 = arith.constant 128 : i32
    %add3A_2039 = vector.broadcast %add3A_2038 : i32 to vector<16xi32>
    %add3A_2040 = arith.addi %add3A_2029, %add3A_2039 : vector<16xi32>
    %swap3A_2041 = arith.constant 3 : i32
    %swap3A_2042 = arith.constant 3 : i32
    %swap3A_2043 = arith.index_cast %swap3A_2041 : i32 to index
    %swap3A_2044 = arith.index_cast %swap3A_2042 : i32 to index
    %swap3A_2045 = arith.constant 112 : index
    %swap3A_2046 = tpu.vector_load %arg7[%swap3A_2043, %swap3A_2044, %swap3A_2045] {strides = array<i32>} : memref<4x4x128xi32, #tpu.memory_space<vmem>>, vector<1x1x16xi32>,
    %swap3A_2047 = vector.shape_cast %swap3A_2046 : vector<1x1x16xi32> to vector<16xi32>
    %swap3A_2048 = vector.shape_cast %add3A_2040 : vector<16xi32> to vector<1x1x16xi32>
    tpu.vector_store %arg7[%swap3A_2043, %swap3A_2044, %swap3A_2045], %swap3A_2048 {strides = array<i32>} : memref<4x4x128xi32, #tpu.memory_space<vmem>>, vector<1x1x16xi32>,
    %dma_start3A = arith.constant 0 : i32
    %dma_start3A_2049 = arith.constant 0 : i32
    %dma_start3A_2050 = arith.constant 0 : i32
    %dma_start3A_2051 = arith.constant 0 : i32
    %dma_start3A_2052 = tpu.memref_slice %arg8[%dma_start3A_2050, %dma_start3A_2051] : memref<16x128xf32, #tpu.memory_space<vmem>> -> memref<1x128xf32, #tpu.memory_space<vmem>>
    %dma_start3A_2053 = tpu.memref_squeeze %dma_start3A_2052 : memref<1x128xf32, #tpu.memory_space<vmem>> -> memref<128xf32, #tpu.memory_space<vmem>>
    %dma_start3A_2054 = arith.constant 0 : i32
    %dma_start3A_2055 = tpu.memref_slice %arg7[%dma_start3A, %dma_start3A_2049, %dma_start3A_2054] : memref<4x4x128xi32, #tpu.memory_space<vmem>> -> memref<1x1x128xi32, #tpu.memory_space<vmem>>
    %dma_start3A_2056 = tpu.memref_squeeze %dma_start3A_2055 : memref<1x1x128xi32, #tpu.memory_space<vmem>> -> memref<128xi32, #tpu.memory_space<vmem>>
    %dma_start3A_2057 = arith.constant 0 : i32
    %dma_start3A_2058 = tpu.memref_slice %arg2[%dma_start3A_2057] : memref<2031616xf32, #tpu.memory_space<hbm>> -> memref<2031616xf32, #tpu.memory_space<hbm>>
    tpu.enqueue_indirect_dma source(%dma_start3A_2058 : memref<2031616xf32, #tpu.memory_space<hbm>>) target(%dma_start3A_2053 : memref<128xf32, #tpu.memory_space<vmem>>) offsets(%dma_start3A_2056 : memref<128xi32, #tpu.memory_space<vmem>>) semaphore(%arg9 : memref<!tpu.dma_semaphore, #tpu.memory_space<semaphore_mem>>)
    %dma_start3A_2059 = arith.constant 0 : i32
    %dma_start3A_2060 = arith.constant 1 : i32
    %dma_start3A_2061 = arith.constant 1 : i32
    %dma_start3A_2062 = arith.constant 0 : i32
    %dma_start3A_2063 = tpu.memref_slice %arg8[%dma_start3A_2061, %dma_start3A_2062] : memref<16x128xf32, #tpu.memory_space<vmem>> -> memref<1x128xf32, #tpu.memory_space<vmem>>
    %dma_start3A_2064 = tpu.memref_squeeze %dma_start3A_2063 : memref<1x128xf32, #tpu.memory_space<vmem>> -> memref<128xf32, #tpu.memory_space<vmem>>
    %dma_start3A_2065 = arith.constant 0 : i32
    %dma_start3A_2066 = tpu.memref_slice %arg7[%dma_start3A_2059, %dma_start3A_2060, %dma_start3A_2065] : memref<4x4x128xi32, #tpu.memory_space<vmem>> -> memref<1x1x128xi32, #tpu.memory_space<vmem>>
    %dma_start3A_2067 = tpu.memref_squeeze %dma_start3A_2066 : memref<1x1x128xi32, #tpu.memory_space<vmem>> -> memref<128xi32, #tpu.memory_space<vmem>>
    %dma_start3A_2068 = arith.constant 0 : i32
    %dma_start3A_2069 = tpu.memref_slice %arg2[%dma_start3A_2068] : memref<2031616xf32, #tpu.memory_space<hbm>> -> memref<2031616xf32, #tpu.memory_space<hbm>>
    tpu.enqueue_indirect_dma source(%dma_start3A_2069 : memref<2031616xf32, #tpu.memory_space<hbm>>) target(%dma_start3A_2064 : memref<128xf32, #tpu.memory_space<vmem>>) offsets(%dma_start3A_2067 : memref<128xi32, #tpu.memory_space<vmem>>) semaphore(%arg9 : memref<!tpu.dma_semaphore, #tpu.memory_space<semaphore_mem>>)
    %dma_start3A_2070 = arith.constant 0 : i32
    %dma_start3A_2071 = arith.constant 2 : i32
    %dma_start3A_2072 = arith.constant 2 : i32
    %dma_start3A_2073 = arith.constant 0 : i32
    %dma_start3A_2074 = tpu.memref_slice %arg8[%dma_start3A_2072, %dma_start3A_2073] : memref<16x128xf32, #tpu.memory_space<vmem>> -> memref<1x128xf32, #tpu.memory_space<vmem>>
    %dma_start3A_2075 = tpu.memref_squeeze %dma_start3A_2074 : memref<1x128xf32, #tpu.memory_space<vmem>> -> memref<128xf32, #tpu.memory_space<vmem>>
    %dma_start3A_2076 = arith.constant 0 : i32
    %dma_start3A_2077 = tpu.memref_slice %arg7[%dma_start3A_2070, %dma_start3A_2071, %dma_start3A_2076] : memref<4x4x128xi32, #tpu.memory_space<vmem>> -> memref<1x1x128xi32, #tpu.memory_space<vmem>>
    %dma_start3A_2078 = tpu.memref_squeeze %dma_start3A_2077 : memref<1x1x128xi32, #tpu.memory_space<vmem>> -> memref<128xi32, #tpu.memory_space<vmem>>
    %dma_start3A_2079 = arith.constant 0 : i32
    %dma_start3A_2080 = tpu.memref_slice %arg2[%dma_start3A_2079] : memref<2031616xf32, #tpu.memory_space<hbm>> -> memref<2031616xf32, #tpu.memory_space<hbm>>
    tpu.enqueue_indirect_dma source(%dma_start3A_2080 : memref<2031616xf32, #tpu.memory_space<hbm>>) target(%dma_start3A_2075 : memref<128xf32, #tpu.memory_space<vmem>>) offsets(%dma_start3A_2078 : memref<128xi32, #tpu.memory_space<vmem>>) semaphore(%arg9 : memref<!tpu.dma_semaphore, #tpu.memory_space<semaphore_mem>>)
    %dma_start3A_2081 = arith.constant 0 : i32
    %dma_start3A_2082 = arith.constant 3 : i32
    %dma_start3A_2083 = arith.constant 3 : i32
    %dma_start3A_2084 = arith.constant 0 : i32
    %dma_start3A_2085 = tpu.memref_slice %arg8[%dma_start3A_2083, %dma_start3A_2084] : memref<16x128xf32, #tpu.memory_space<vmem>> -> memref<1x128xf32, #tpu.memory_space<vmem>>
    %dma_start3A_2086 = tpu.memref_squeeze %dma_start3A_2085 : memref<1x128xf32, #tpu.memory_space<vmem>> -> memref<128xf32, #tpu.memory_space<vmem>>
    %dma_start3A_2087 = arith.constant 0 : i32
    %dma_start3A_2088 = tpu.memref_slice %arg7[%dma_start3A_2081, %dma_start3A_2082, %dma_start3A_2087] : memref<4x4x128xi32, #tpu.memory_space<vmem>> -> memref<1x1x128xi32, #tpu.memory_space<vmem>>
    %dma_start3A_2089 = tpu.memref_squeeze %dma_start3A_2088 : memref<1x1x128xi32, #tpu.memory_space<vmem>> -> memref<128xi32, #tpu.memory_space<vmem>>
    %dma_start3A_2090 = arith.constant 0 : i32
    %dma_start3A_2091 = tpu.memref_slice %arg2[%dma_start3A_2090] : memref<2031616xf32, #tpu.memory_space<hbm>> -> memref<2031616xf32, #tpu.memory_space<hbm>>
    tpu.enqueue_indirect_dma source(%dma_start3A_2091 : memref<2031616xf32, #tpu.memory_space<hbm>>) target(%dma_start3A_2086 : memref<128xf32, #tpu.memory_space<vmem>>) offsets(%dma_start3A_2089 : memref<128xi32, #tpu.memory_space<vmem>>) semaphore(%arg9 : memref<!tpu.dma_semaphore, #tpu.memory_space<semaphore_mem>>)
    %dma_start3A_2092 = arith.constant 1 : i32
    %dma_start3A_2093 = arith.constant 0 : i32
    %dma_start3A_2094 = arith.constant 4 : i32
    %dma_start3A_2095 = arith.constant 0 : i32
    %dma_start3A_2096 = tpu.memref_slice %arg8[%dma_start3A_2094, %dma_start3A_2095] : memref<16x128xf32, #tpu.memory_space<vmem>> -> memref<1x128xf32, #tpu.memory_space<vmem>>
    %dma_start3A_2097 = tpu.memref_squeeze %dma_start3A_2096 : memref<1x128xf32, #tpu.memory_space<vmem>> -> memref<128xf32, #tpu.memory_space<vmem>>
    %dma_start3A_2098 = arith.constant 0 : i32
    %dma_start3A_2099 = tpu.memref_slice %arg7[%dma_start3A_2092, %dma_start3A_2093, %dma_start3A_2098] : memref<4x4x128xi32, #tpu.memory_space<vmem>> -> memref<1x1x128xi32, #tpu.memory_space<vmem>>
    %dma_start3A_2100 = tpu.memref_squeeze %dma_start3A_2099 : memref<1x1x128xi32, #tpu.memory_space<vmem>> -> memref<128xi32, #tpu.memory_space<vmem>>
    %dma_start3A_2101 = arith.constant 0 : i32
    %dma_start3A_2102 = tpu.memref_slice %arg2[%dma_start3A_2101] : memref<2031616xf32, #tpu.memory_space<hbm>> -> memref<2031616xf32, #tpu.memory_space<hbm>>
    tpu.enqueue_indirect_dma source(%dma_start3A_2102 : memref<2031616xf32, #tpu.memory_space<hbm>>) target(%dma_start3A_2097 : memref<128xf32, #tpu.memory_space<vmem>>) offsets(%dma_start3A_2100 : memref<128xi32, #tpu.memory_space<vmem>>) semaphore(%arg9 : memref<!tpu.dma_semaphore, #tpu.memory_space<semaphore_mem>>)
    %dma_start3A_2103 = arith.constant 1 : i32
    %dma_start3A_2104 = arith.constant 1 : i32
    %dma_start3A_2105 = arith.constant 5 : i32
    %dma_start3A_2106 = arith.constant 0 : i32
    %dma_start3A_2107 = tpu.memref_slice %arg8[%dma_start3A_2105, %dma_start3A_2106] : memref<16x128xf32, #tpu.memory_space<vmem>> -> memref<1x128xf32, #tpu.memory_space<vmem>>
    %dma_start3A_2108 = tpu.memref_squeeze %dma_start3A_2107 : memref<1x128xf32, #tpu.memory_space<vmem>> -> memref<128xf32, #tpu.memory_space<vmem>>
    %dma_start3A_2109 = arith.constant 0 : i32
    %dma_start3A_2110 = tpu.memref_slice %arg7[%dma_start3A_2103, %dma_start3A_2104, %dma_start3A_2109] : memref<4x4x128xi32, #tpu.memory_space<vmem>> -> memref<1x1x128xi32, #tpu.memory_space<vmem>>
    %dma_start3A_2111 = tpu.memref_squeeze %dma_start3A_2110 : memref<1x1x128xi32, #tpu.memory_space<vmem>> -> memref<128xi32, #tpu.memory_space<vmem>>
    %dma_start3A_2112 = arith.constant 0 : i32
    %dma_start3A_2113 = tpu.memref_slice %arg2[%dma_start3A_2112] : memref<2031616xf32, #tpu.memory_space<hbm>> -> memref<2031616xf32, #tpu.memory_space<hbm>>
    tpu.enqueue_indirect_dma source(%dma_start3A_2113 : memref<2031616xf32, #tpu.memory_space<hbm>>) target(%dma_start3A_2108 : memref<128xf32, #tpu.memory_space<vmem>>) offsets(%dma_start3A_2111 : memref<128xi32, #tpu.memory_space<vmem>>) semaphore(%arg9 : memref<!tpu.dma_semaphore, #tpu.memory_space<semaphore_mem>>)
    %dma_start3A_2114 = arith.constant 1 : i32
    %dma_start3A_2115 = arith.constant 2 : i32
    %dma_start3A_2116 = arith.constant 6 : i32
    %dma_start3A_2117 = arith.constant 0 : i32
    %dma_start3A_2118 = tpu.memref_slice %arg8[%dma_start3A_2116, %dma_start3A_2117] : memref<16x128xf32, #tpu.memory_space<vmem>> -> memref<1x128xf32, #tpu.memory_space<vmem>>
    %dma_start3A_2119 = tpu.memref_squeeze %dma_start3A_2118 : memref<1x128xf32, #tpu.memory_space<vmem>> -> memref<128xf32, #tpu.memory_space<vmem>>
    %dma_start3A_2120 = arith.constant 0 : i32
    %dma_start3A_2121 = tpu.memref_slice %arg7[%dma_start3A_2114, %dma_start3A_2115, %dma_start3A_2120] : memref<4x4x128xi32, #tpu.memory_space<vmem>> -> memref<1x1x128xi32, #tpu.memory_space<vmem>>
    %dma_start3A_2122 = tpu.memref_squeeze %dma_start3A_2121 : memref<1x1x128xi32, #tpu.memory_space<vmem>> -> memref<128xi32, #tpu.memory_space<vmem>>
    %dma_start3A_2123 = arith.constant 0 : i32
    %dma_start3A_2124 = tpu.memref_slice %arg2[%dma_start3A_2123] : memref<2031616xf32, #tpu.memory_space<hbm>> -> memref<2031616xf32, #tpu.memory_space<hbm>>
    tpu.enqueue_indirect_dma source(%dma_start3A_2124 : memref<2031616xf32, #tpu.memory_space<hbm>>) target(%dma_start3A_2119 : memref<128xf32, #tpu.memory_space<vmem>>) offsets(%dma_start3A_2122 : memref<128xi32, #tpu.memory_space<vmem>>) semaphore(%arg9 : memref<!tpu.dma_semaphore, #tpu.memory_space<semaphore_mem>>)
    %dma_start3A_2125 = arith.constant 1 : i32
    %dma_start3A_2126 = arith.constant 3 : i32
    %dma_start3A_2127 = arith.constant 7 : i32
    %dma_start3A_2128 = arith.constant 0 : i32
    %dma_start3A_2129 = tpu.memref_slice %arg8[%dma_start3A_2127, %dma_start3A_2128] : memref<16x128xf32, #tpu.memory_space<vmem>> -> memref<1x128xf32, #tpu.memory_space<vmem>>
    %dma_start3A_2130 = tpu.memref_squeeze %dma_start3A_2129 : memref<1x128xf32, #tpu.memory_space<vmem>> -> memref<128xf32, #tpu.memory_space<vmem>>
    %dma_start3A_2131 = arith.constant 0 : i32
    %dma_start3A_2132 = tpu.memref_slice %arg7[%dma_start3A_2125, %dma_start3A_2126, %dma_start3A_2131] : memref<4x4x128xi32, #tpu.memory_space<vmem>> -> memref<1x1x128xi32, #tpu.memory_space<vmem>>
    %dma_start3A_2133 = tpu.memref_squeeze %dma_start3A_2132 : memref<1x1x128xi32, #tpu.memory_space<vmem>> -> memref<128xi32, #tpu.memory_space<vmem>>
    %dma_start3A_2134 = arith.constant 0 : i32
    %dma_start3A_2135 = tpu.memref_slice %arg2[%dma_start3A_2134] : memref<2031616xf32, #tpu.memory_space<hbm>> -> memref<2031616xf32, #tpu.memory_space<hbm>>
    tpu.enqueue_indirect_dma source(%dma_start3A_2135 : memref<2031616xf32, #tpu.memory_space<hbm>>) target(%dma_start3A_2130 : memref<128xf32, #tpu.memory_space<vmem>>) offsets(%dma_start3A_2133 : memref<128xi32, #tpu.memory_space<vmem>>) semaphore(%arg9 : memref<!tpu.dma_semaphore, #tpu.memory_space<semaphore_mem>>)
    %dma_start3A_2136 = arith.constant 2 : i32
    %dma_start3A_2137 = arith.constant 0 : i32
    %dma_start3A_2138 = arith.constant 8 : i32
    %dma_start3A_2139 = arith.constant 0 : i32
    %dma_start3A_2140 = tpu.memref_slice %arg8[%dma_start3A_2138, %dma_start3A_2139] : memref<16x128xf32, #tpu.memory_space<vmem>> -> memref<1x128xf32, #tpu.memory_space<vmem>>
    %dma_start3A_2141 = tpu.memref_squeeze %dma_start3A_2140 : memref<1x128xf32, #tpu.memory_space<vmem>> -> memref<128xf32, #tpu.memory_space<vmem>>
    %dma_start3A_2142 = arith.constant 0 : i32
    %dma_start3A_2143 = tpu.memref_slice %arg7[%dma_start3A_2136, %dma_start3A_2137, %dma_start3A_2142] : memref<4x4x128xi32, #tpu.memory_space<vmem>> -> memref<1x1x128xi32, #tpu.memory_space<vmem>>
    %dma_start3A_2144 = tpu.memref_squeeze %dma_start3A_2143 : memref<1x1x128xi32, #tpu.memory_space<vmem>> -> memref<128xi32, #tpu.memory_space<vmem>>
    %dma_start3A_2145 = arith.constant 0 : i32
    %dma_start3A_2146 = tpu.memref_slice %arg2[%dma_start3A_2145] : memref<2031616xf32, #tpu.memory_space<hbm>> -> memref<2031616xf32, #tpu.memory_space<hbm>>
    tpu.enqueue_indirect_dma source(%dma_start3A_2146 : memref<2031616xf32, #tpu.memory_space<hbm>>) target(%dma_start3A_2141 : memref<128xf32, #tpu.memory_space<vmem>>) offsets(%dma_start3A_2144 : memref<128xi32, #tpu.memory_space<vmem>>) semaphore(%arg9 : memref<!tpu.dma_semaphore, #tpu.memory_space<semaphore_mem>>)
    %dma_start3A_2147 = arith.constant 2 : i32
    %dma_start3A_2148 = arith.constant 1 : i32
    %dma_start3A_2149 = arith.constant 9 : i32
    %dma_start3A_2150 = arith.constant 0 : i32
    %dma_start3A_2151 = tpu.memref_slice %arg8[%dma_start3A_2149, %dma_start3A_2150] : memref<16x128xf32, #tpu.memory_space<vmem>> -> memref<1x128xf32, #tpu.memory_space<vmem>>
    %dma_start3A_2152 = tpu.memref_squeeze %dma_start3A_2151 : memref<1x128xf32, #tpu.memory_space<vmem>> -> memref<128xf32, #tpu.memory_space<vmem>>
    %dma_start3A_2153 = arith.constant 0 : i32
    %dma_start3A_2154 = tpu.memref_slice %arg7[%dma_start3A_2147, %dma_start3A_2148, %dma_start3A_2153] : memref<4x4x128xi32, #tpu.memory_space<vmem>> -> memref<1x1x128xi32, #tpu.memory_space<vmem>>
    %dma_start3A_2155 = tpu.memref_squeeze %dma_start3A_2154 : memref<1x1x128xi32, #tpu.memory_space<vmem>> -> memref<128xi32, #tpu.memory_space<vmem>>
    %dma_start3A_2156 = arith.constant 0 : i32
    %dma_start3A_2157 = tpu.memref_slice %arg2[%dma_start3A_2156] : memref<2031616xf32, #tpu.memory_space<hbm>> -> memref<2031616xf32, #tpu.memory_space<hbm>>
    tpu.enqueue_indirect_dma source(%dma_start3A_2157 : memref<2031616xf32, #tpu.memory_space<hbm>>) target(%dma_start3A_2152 : memref<128xf32, #tpu.memory_space<vmem>>) offsets(%dma_start3A_2155 : memref<128xi32, #tpu.memory_space<vmem>>) semaphore(%arg9 : memref<!tpu.dma_semaphore, #tpu.memory_space<semaphore_mem>>)
    %dma_start3A_2158 = arith.constant 2 : i32
    %dma_start3A_2159 = arith.constant 2 : i32
    %dma_start3A_2160 = arith.constant 10 : i32
    %dma_start3A_2161 = arith.constant 0 : i32
    %dma_start3A_2162 = tpu.memref_slice %arg8[%dma_start3A_2160, %dma_start3A_2161] : memref<16x128xf32, #tpu.memory_space<vmem>> -> memref<1x128xf32, #tpu.memory_space<vmem>>
    %dma_start3A_2163 = tpu.memref_squeeze %dma_start3A_2162 : memref<1x128xf32, #tpu.memory_space<vmem>> -> memref<128xf32, #tpu.memory_space<vmem>>
    %dma_start3A_2164 = arith.constant 0 : i32
    %dma_start3A_2165 = tpu.memref_slice %arg7[%dma_start3A_2158, %dma_start3A_2159, %dma_start3A_2164] : memref<4x4x128xi32, #tpu.memory_space<vmem>> -> memref<1x1x128xi32, #tpu.memory_space<vmem>>
    %dma_start3A_2166 = tpu.memref_squeeze %dma_start3A_2165 : memref<1x1x128xi32, #tpu.memory_space<vmem>> -> memref<128xi32, #tpu.memory_space<vmem>>
    %dma_start3A_2167 = arith.constant 0 : i32
    %dma_start3A_2168 = tpu.memref_slice %arg2[%dma_start3A_2167] : memref<2031616xf32, #tpu.memory_space<hbm>> -> memref<2031616xf32, #tpu.memory_space<hbm>>
    tpu.enqueue_indirect_dma source(%dma_start3A_2168 : memref<2031616xf32, #tpu.memory_space<hbm>>) target(%dma_start3A_2163 : memref<128xf32, #tpu.memory_space<vmem>>) offsets(%dma_start3A_2166 : memref<128xi32, #tpu.memory_space<vmem>>) semaphore(%arg9 : memref<!tpu.dma_semaphore, #tpu.memory_space<semaphore_mem>>)
    %dma_start3A_2169 = arith.constant 2 : i32
    %dma_start3A_2170 = arith.constant 3 : i32
    %dma_start3A_2171 = arith.constant 11 : i32
    %dma_start3A_2172 = arith.constant 0 : i32
    %dma_start3A_2173 = tpu.memref_slice %arg8[%dma_start3A_2171, %dma_start3A_2172] : memref<16x128xf32, #tpu.memory_space<vmem>> -> memref<1x128xf32, #tpu.memory_space<vmem>>
    %dma_start3A_2174 = tpu.memref_squeeze %dma_start3A_2173 : memref<1x128xf32, #tpu.memory_space<vmem>> -> memref<128xf32, #tpu.memory_space<vmem>>
    %dma_start3A_2175 = arith.constant 0 : i32
    %dma_start3A_2176 = tpu.memref_slice %arg7[%dma_start3A_2169, %dma_start3A_2170, %dma_start3A_2175] : memref<4x4x128xi32, #tpu.memory_space<vmem>> -> memref<1x1x128xi32, #tpu.memory_space<vmem>>
    %dma_start3A_2177 = tpu.memref_squeeze %dma_start3A_2176 : memref<1x1x128xi32, #tpu.memory_space<vmem>> -> memref<128xi32, #tpu.memory_space<vmem>>
    %dma_start3A_2178 = arith.constant 0 : i32
    %dma_start3A_2179 = tpu.memref_slice %arg2[%dma_start3A_2178] : memref<2031616xf32, #tpu.memory_space<hbm>> -> memref<2031616xf32, #tpu.memory_space<hbm>>
    tpu.enqueue_indirect_dma source(%dma_start3A_2179 : memref<2031616xf32, #tpu.memory_space<hbm>>) target(%dma_start3A_2174 : memref<128xf32, #tpu.memory_space<vmem>>) offsets(%dma_start3A_2177 : memref<128xi32, #tpu.memory_space<vmem>>) semaphore(%arg9 : memref<!tpu.dma_semaphore, #tpu.memory_space<semaphore_mem>>)
    %dma_start3A_2180 = arith.constant 3 : i32
    %dma_start3A_2181 = arith.constant 0 : i32
    %dma_start3A_2182 = arith.constant 12 : i32
    %dma_start3A_2183 = arith.constant 0 : i32
    %dma_start3A_2184 = tpu.memref_slice %arg8[%dma_start3A_2182, %dma_start3A_2183] : memref<16x128xf32, #tpu.memory_space<vmem>> -> memref<1x128xf32, #tpu.memory_space<vmem>>
    %dma_start3A_2185 = tpu.memref_squeeze %dma_start3A_2184 : memref<1x128xf32, #tpu.memory_space<vmem>> -> memref<128xf32, #tpu.memory_space<vmem>>
    %dma_start3A_2186 = arith.constant 0 : i32
    %dma_start3A_2187 = tpu.memref_slice %arg7[%dma_start3A_2180, %dma_start3A_2181, %dma_start3A_2186] : memref<4x4x128xi32, #tpu.memory_space<vmem>> -> memref<1x1x128xi32, #tpu.memory_space<vmem>>
    %dma_start3A_2188 = tpu.memref_squeeze %dma_start3A_2187 : memref<1x1x128xi32, #tpu.memory_space<vmem>> -> memref<128xi32, #tpu.memory_space<vmem>>
    %dma_start3A_2189 = arith.constant 0 : i32
    %dma_start3A_2190 = tpu.memref_slice %arg2[%dma_start3A_2189] : memref<2031616xf32, #tpu.memory_space<hbm>> -> memref<2031616xf32, #tpu.memory_space<hbm>>
    tpu.enqueue_indirect_dma source(%dma_start3A_2190 : memref<2031616xf32, #tpu.memory_space<hbm>>) target(%dma_start3A_2185 : memref<128xf32, #tpu.memory_space<vmem>>) offsets(%dma_start3A_2188 : memref<128xi32, #tpu.memory_space<vmem>>) semaphore(%arg9 : memref<!tpu.dma_semaphore, #tpu.memory_space<semaphore_mem>>)
    %dma_start3A_2191 = arith.constant 3 : i32
    %dma_start3A_2192 = arith.constant 1 : i32
    %dma_start3A_2193 = arith.constant 13 : i32
    %dma_start3A_2194 = arith.constant 0 : i32
    %dma_start3A_2195 = tpu.memref_slice %arg8[%dma_start3A_2193, %dma_start3A_2194] : memref<16x128xf32, #tpu.memory_space<vmem>> -> memref<1x128xf32, #tpu.memory_space<vmem>>
    %dma_start3A_2196 = tpu.memref_squeeze %dma_start3A_2195 : memref<1x128xf32, #tpu.memory_space<vmem>> -> memref<128xf32, #tpu.memory_space<vmem>>
    %dma_start3A_2197 = arith.constant 0 : i32
    %dma_start3A_2198 = tpu.memref_slice %arg7[%dma_start3A_2191, %dma_start3A_2192, %dma_start3A_2197] : memref<4x4x128xi32, #tpu.memory_space<vmem>> -> memref<1x1x128xi32, #tpu.memory_space<vmem>>
    %dma_start3A_2199 = tpu.memref_squeeze %dma_start3A_2198 : memref<1x1x128xi32, #tpu.memory_space<vmem>> -> memref<128xi32, #tpu.memory_space<vmem>>
    %dma_start3A_2200 = arith.constant 0 : i32
    %dma_start3A_2201 = tpu.memref_slice %arg2[%dma_start3A_2200] : memref<2031616xf32, #tpu.memory_space<hbm>> -> memref<2031616xf32, #tpu.memory_space<hbm>>
    tpu.enqueue_indirect_dma source(%dma_start3A_2201 : memref<2031616xf32, #tpu.memory_space<hbm>>) target(%dma_start3A_2196 : memref<128xf32, #tpu.memory_space<vmem>>) offsets(%dma_start3A_2199 : memref<128xi32, #tpu.memory_space<vmem>>) semaphore(%arg9 : memref<!tpu.dma_semaphore, #tpu.memory_space<semaphore_mem>>)
    %dma_start3A_2202 = arith.constant 3 : i32
    %dma_start3A_2203 = arith.constant 2 : i32
    %dma_start3A_2204 = arith.constant 14 : i32
    %dma_start3A_2205 = arith.constant 0 : i32
    %dma_start3A_2206 = tpu.memref_slice %arg8[%dma_start3A_2204, %dma_start3A_2205] : memref<16x128xf32, #tpu.memory_space<vmem>> -> memref<1x128xf32, #tpu.memory_space<vmem>>
    %dma_start3A_2207 = tpu.memref_squeeze %dma_start3A_2206 : memref<1x128xf32, #tpu.memory_space<vmem>> -> memref<128xf32, #tpu.memory_space<vmem>>
    %dma_start3A_2208 = arith.constant 0 : i32
    %dma_start3A_2209 = tpu.memref_slice %arg7[%dma_start3A_2202, %dma_start3A_2203, %dma_start3A_2208] : memref<4x4x128xi32, #tpu.memory_space<vmem>> -> memref<1x1x128xi32, #tpu.memory_space<vmem>>
    %dma_start3A_2210 = tpu.memref_squeeze %dma_start3A_2209 : memref<1x1x128xi32, #tpu.memory_space<vmem>> -> memref<128xi32, #tpu.memory_space<vmem>>
    %dma_start3A_2211 = arith.constant 0 : i32
    %dma_start3A_2212 = tpu.memref_slice %arg2[%dma_start3A_2211] : memref<2031616xf32, #tpu.memory_space<hbm>> -> memref<2031616xf32, #tpu.memory_space<hbm>>
    tpu.enqueue_indirect_dma source(%dma_start3A_2212 : memref<2031616xf32, #tpu.memory_space<hbm>>) target(%dma_start3A_2207 : memref<128xf32, #tpu.memory_space<vmem>>) offsets(%dma_start3A_2210 : memref<128xi32, #tpu.memory_space<vmem>>) semaphore(%arg9 : memref<!tpu.dma_semaphore, #tpu.memory_space<semaphore_mem>>)
    %dma_start3A_2213 = arith.constant 3 : i32
    %dma_start3A_2214 = arith.constant 3 : i32
    %dma_start3A_2215 = arith.constant 15 : i32
    %dma_start3A_2216 = arith.constant 0 : i32
    %dma_start3A_2217 = tpu.memref_slice %arg8[%dma_start3A_2215, %dma_start3A_2216] : memref<16x128xf32, #tpu.memory_space<vmem>> -> memref<1x128xf32, #tpu.memory_space<vmem>>
    %dma_start3A_2218 = tpu.memref_squeeze %dma_start3A_2217 : memref<1x128xf32, #tpu.memory_space<vmem>> -> memref<128xf32, #tpu.memory_space<vmem>>
    %dma_start3A_2219 = arith.constant 0 : i32
    %dma_start3A_2220 = tpu.memref_slice %arg7[%dma_start3A_2213, %dma_start3A_2214, %dma_start3A_2219] : memref<4x4x128xi32, #tpu.memory_space<vmem>> -> memref<1x1x128xi32, #tpu.memory_space<vmem>>
    %dma_start3A_2221 = tpu.memref_squeeze %dma_start3A_2220 : memref<1x1x128xi32, #tpu.memory_space<vmem>> -> memref<128xi32, #tpu.memory_space<vmem>>
    %dma_start3A_2222 = arith.constant 0 : i32
    %dma_start3A_2223 = tpu.memref_slice %arg2[%dma_start3A_2222] : memref<2031616xf32, #tpu.memory_space<hbm>> -> memref<2031616xf32, #tpu.memory_space<hbm>>
    tpu.enqueue_indirect_dma source(%dma_start3A_2223 : memref<2031616xf32, #tpu.memory_space<hbm>>) target(%dma_start3A_2218 : memref<128xf32, #tpu.memory_space<vmem>>) offsets(%dma_start3A_2221 : memref<128xi32, #tpu.memory_space<vmem>>) semaphore(%arg9 : memref<!tpu.dma_semaphore, #tpu.memory_space<semaphore_mem>>)
    %dma_wait3A = arith.constant 0 : i32
    %dma_wait3A_2224 = arith.constant 0 : i32
    %dma_wait3A_2225 = arith.constant 0 : i32
    %dma_wait3A_2226 = arith.constant 0 : i32
    %dma_wait3A_2227 = tpu.memref_slice %arg8[%dma_wait3A_2225, %dma_wait3A_2226] : memref<16x128xf32, #tpu.memory_space<vmem>> -> memref<1x128xf32, #tpu.memory_space<vmem>>
    %dma_wait3A_2228 = tpu.memref_squeeze %dma_wait3A_2227 : memref<1x128xf32, #tpu.memory_space<vmem>> -> memref<128xf32, #tpu.memory_space<vmem>>
    %dma_wait3A_2229 = arith.constant 0 : i32
    %dma_wait3A_2230 = tpu.memref_slice %arg7[%dma_wait3A, %dma_wait3A_2224, %dma_wait3A_2229] : memref<4x4x128xi32, #tpu.memory_space<vmem>> -> memref<1x1x128xi32, #tpu.memory_space<vmem>>
    %dma_wait3A_2231 = tpu.memref_squeeze %dma_wait3A_2230 : memref<1x1x128xi32, #tpu.memory_space<vmem>> -> memref<128xi32, #tpu.memory_space<vmem>>
    %dma_wait3A_2232 = arith.constant 0 : i32
    %dma_wait3A_2233 = tpu.memref_slice %arg2[%dma_wait3A_2232] : memref<2031616xf32, #tpu.memory_space<hbm>> -> memref<2031616xf32, #tpu.memory_space<hbm>>
    tpu.wait_indirect_dma semaphore(%arg9 : memref<!tpu.dma_semaphore, #tpu.memory_space<semaphore_mem>>) src(%dma_wait3A_2233 : memref<2031616xf32, #tpu.memory_space<hbm>>) dst(%dma_wait3A_2228 : memref<128xf32, #tpu.memory_space<vmem>>)
    %dma_wait3A_2234 = arith.constant 0 : i32
    %dma_wait3A_2235 = arith.constant 1 : i32
    %dma_wait3A_2236 = arith.constant 1 : i32
    %dma_wait3A_2237 = arith.constant 0 : i32
    %dma_wait3A_2238 = tpu.memref_slice %arg8[%dma_wait3A_2236, %dma_wait3A_2237] : memref<16x128xf32, #tpu.memory_space<vmem>> -> memref<1x128xf32, #tpu.memory_space<vmem>>
    %dma_wait3A_2239 = tpu.memref_squeeze %dma_wait3A_2238 : memref<1x128xf32, #tpu.memory_space<vmem>> -> memref<128xf32, #tpu.memory_space<vmem>>
    %dma_wait3A_2240 = arith.constant 0 : i32
    %dma_wait3A_2241 = tpu.memref_slice %arg7[%dma_wait3A_2234, %dma_wait3A_2235, %dma_wait3A_2240] : memref<4x4x128xi32, #tpu.memory_space<vmem>> -> memref<1x1x128xi32, #tpu.memory_space<vmem>>
    %dma_wait3A_2242 = tpu.memref_squeeze %dma_wait3A_2241 : memref<1x1x128xi32, #tpu.memory_space<vmem>> -> memref<128xi32, #tpu.memory_space<vmem>>
    %dma_wait3A_2243 = arith.constant 0 : i32
    %dma_wait3A_2244 = tpu.memref_slice %arg2[%dma_wait3A_2243] : memref<2031616xf32, #tpu.memory_space<hbm>> -> memref<2031616xf32, #tpu.memory_space<hbm>>
    tpu.wait_indirect_dma semaphore(%arg9 : memref<!tpu.dma_semaphore, #tpu.memory_space<semaphore_mem>>) src(%dma_wait3A_2244 : memref<2031616xf32, #tpu.memory_space<hbm>>) dst(%dma_wait3A_2239 : memref<128xf32, #tpu.memory_space<vmem>>)
    %dma_wait3A_2245 = arith.constant 0 : i32
    %dma_wait3A_2246 = arith.constant 2 : i32
    %dma_wait3A_2247 = arith.constant 2 : i32
    %dma_wait3A_2248 = arith.constant 0 : i32
    %dma_wait3A_2249 = tpu.memref_slice %arg8[%dma_wait3A_2247, %dma_wait3A_2248] : memref<16x128xf32, #tpu.memory_space<vmem>> -> memref<1x128xf32, #tpu.memory_space<vmem>>
    %dma_wait3A_2250 = tpu.memref_squeeze %dma_wait3A_2249 : memref<1x128xf32, #tpu.memory_space<vmem>> -> memref<128xf32, #tpu.memory_space<vmem>>
    %dma_wait3A_2251 = arith.constant 0 : i32
    %dma_wait3A_2252 = tpu.memref_slice %arg7[%dma_wait3A_2245, %dma_wait3A_2246, %dma_wait3A_2251] : memref<4x4x128xi32, #tpu.memory_space<vmem>> -> memref<1x1x128xi32, #tpu.memory_space<vmem>>
    %dma_wait3A_2253 = tpu.memref_squeeze %dma_wait3A_2252 : memref<1x1x128xi32, #tpu.memory_space<vmem>> -> memref<128xi32, #tpu.memory_space<vmem>>
    %dma_wait3A_2254 = arith.constant 0 : i32
    %dma_wait3A_2255 = tpu.memref_slice %arg2[%dma_wait3A_2254] : memref<2031616xf32, #tpu.memory_space<hbm>> -> memref<2031616xf32, #tpu.memory_space<hbm>>
    tpu.wait_indirect_dma semaphore(%arg9 : memref<!tpu.dma_semaphore, #tpu.memory_space<semaphore_mem>>) src(%dma_wait3A_2255 : memref<2031616xf32, #tpu.memory_space<hbm>>) dst(%dma_wait3A_2250 : memref<128xf32, #tpu.memory_space<vmem>>)
    %dma_wait3A_2256 = arith.constant 0 : i32
    %dma_wait3A_2257 = arith.constant 3 : i32
    %dma_wait3A_2258 = arith.constant 3 : i32
    %dma_wait3A_2259 = arith.constant 0 : i32
    %dma_wait3A_2260 = tpu.memref_slice %arg8[%dma_wait3A_2258, %dma_wait3A_2259] : memref<16x128xf32, #tpu.memory_space<vmem>> -> memref<1x128xf32, #tpu.memory_space<vmem>>
    %dma_wait3A_2261 = tpu.memref_squeeze %dma_wait3A_2260 : memref<1x128xf32, #tpu.memory_space<vmem>> -> memref<128xf32, #tpu.memory_space<vmem>>
    %dma_wait3A_2262 = arith.constant 0 : i32
    %dma_wait3A_2263 = tpu.memref_slice %arg7[%dma_wait3A_2256, %dma_wait3A_2257, %dma_wait3A_2262] : memref<4x4x128xi32, #tpu.memory_space<vmem>> -> memref<1x1x128xi32, #tpu.memory_space<vmem>>
    %dma_wait3A_2264 = tpu.memref_squeeze %dma_wait3A_2263 : memref<1x1x128xi32, #tpu.memory_space<vmem>> -> memref<128xi32, #tpu.memory_space<vmem>>
    %dma_wait3A_2265 = arith.constant 0 : i32
    %dma_wait3A_2266 = tpu.memref_slice %arg2[%dma_wait3A_2265] : memref<2031616xf32, #tpu.memory_space<hbm>> -> memref<2031616xf32, #tpu.memory_space<hbm>>
    tpu.wait_indirect_dma semaphore(%arg9 : memref<!tpu.dma_semaphore, #tpu.memory_space<semaphore_mem>>) src(%dma_wait3A_2266 : memref<2031616xf32, #tpu.memory_space<hbm>>) dst(%dma_wait3A_2261 : memref<128xf32, #tpu.memory_space<vmem>>)
    %dma_wait3A_2267 = arith.constant 1 : i32
    %dma_wait3A_2268 = arith.constant 0 : i32
    %dma_wait3A_2269 = arith.constant 4 : i32
    %dma_wait3A_2270 = arith.constant 0 : i32
    %dma_wait3A_2271 = tpu.memref_slice %arg8[%dma_wait3A_2269, %dma_wait3A_2270] : memref<16x128xf32, #tpu.memory_space<vmem>> -> memref<1x128xf32, #tpu.memory_space<vmem>>
    %dma_wait3A_2272 = tpu.memref_squeeze %dma_wait3A_2271 : memref<1x128xf32, #tpu.memory_space<vmem>> -> memref<128xf32, #tpu.memory_space<vmem>>
    %dma_wait3A_2273 = arith.constant 0 : i32
    %dma_wait3A_2274 = tpu.memref_slice %arg7[%dma_wait3A_2267, %dma_wait3A_2268, %dma_wait3A_2273] : memref<4x4x128xi32, #tpu.memory_space<vmem>> -> memref<1x1x128xi32, #tpu.memory_space<vmem>>
    %dma_wait3A_2275 = tpu.memref_squeeze %dma_wait3A_2274 : memref<1x1x128xi32, #tpu.memory_space<vmem>> -> memref<128xi32, #tpu.memory_space<vmem>>
    %dma_wait3A_2276 = arith.constant 0 : i32
    %dma_wait3A_2277 = tpu.memref_slice %arg2[%dma_wait3A_2276] : memref<2031616xf32, #tpu.memory_space<hbm>> -> memref<2031616xf32, #tpu.memory_space<hbm>>
    tpu.wait_indirect_dma semaphore(%arg9 : memref<!tpu.dma_semaphore, #tpu.memory_space<semaphore_mem>>) src(%dma_wait3A_2277 : memref<2031616xf32, #tpu.memory_space<hbm>>) dst(%dma_wait3A_2272 : memref<128xf32, #tpu.memory_space<vmem>>)
    %dma_wait3A_2278 = arith.constant 1 : i32
    %dma_wait3A_2279 = arith.constant 1 : i32
    %dma_wait3A_2280 = arith.constant 5 : i32
    %dma_wait3A_2281 = arith.constant 0 : i32
    %dma_wait3A_2282 = tpu.memref_slice %arg8[%dma_wait3A_2280, %dma_wait3A_2281] : memref<16x128xf32, #tpu.memory_space<vmem>> -> memref<1x128xf32, #tpu.memory_space<vmem>>
    %dma_wait3A_2283 = tpu.memref_squeeze %dma_wait3A_2282 : memref<1x128xf32, #tpu.memory_space<vmem>> -> memref<128xf32, #tpu.memory_space<vmem>>
    %dma_wait3A_2284 = arith.constant 0 : i32
    %dma_wait3A_2285 = tpu.memref_slice %arg7[%dma_wait3A_2278, %dma_wait3A_2279, %dma_wait3A_2284] : memref<4x4x128xi32, #tpu.memory_space<vmem>> -> memref<1x1x128xi32, #tpu.memory_space<vmem>>
    %dma_wait3A_2286 = tpu.memref_squeeze %dma_wait3A_2285 : memref<1x1x128xi32, #tpu.memory_space<vmem>> -> memref<128xi32, #tpu.memory_space<vmem>>
    %dma_wait3A_2287 = arith.constant 0 : i32
    %dma_wait3A_2288 = tpu.memref_slice %arg2[%dma_wait3A_2287] : memref<2031616xf32, #tpu.memory_space<hbm>> -> memref<2031616xf32, #tpu.memory_space<hbm>>
    tpu.wait_indirect_dma semaphore(%arg9 : memref<!tpu.dma_semaphore, #tpu.memory_space<semaphore_mem>>) src(%dma_wait3A_2288 : memref<2031616xf32, #tpu.memory_space<hbm>>) dst(%dma_wait3A_2283 : memref<128xf32, #tpu.memory_space<vmem>>)
    %dma_wait3A_2289 = arith.constant 1 : i32
    %dma_wait3A_2290 = arith.constant 2 : i32
    %dma_wait3A_2291 = arith.constant 6 : i32
    %dma_wait3A_2292 = arith.constant 0 : i32
    %dma_wait3A_2293 = tpu.memref_slice %arg8[%dma_wait3A_2291, %dma_wait3A_2292] : memref<16x128xf32, #tpu.memory_space<vmem>> -> memref<1x128xf32, #tpu.memory_space<vmem>>
    %dma_wait3A_2294 = tpu.memref_squeeze %dma_wait3A_2293 : memref<1x128xf32, #tpu.memory_space<vmem>> -> memref<128xf32, #tpu.memory_space<vmem>>
    %dma_wait3A_2295 = arith.constant 0 : i32
    %dma_wait3A_2296 = tpu.memref_slice %arg7[%dma_wait3A_2289, %dma_wait3A_2290, %dma_wait3A_2295] : memref<4x4x128xi32, #tpu.memory_space<vmem>> -> memref<1x1x128xi32, #tpu.memory_space<vmem>>
    %dma_wait3A_2297 = tpu.memref_squeeze %dma_wait3A_2296 : memref<1x1x128xi32, #tpu.memory_space<vmem>> -> memref<128xi32, #tpu.memory_space<vmem>>
    %dma_wait3A_2298 = arith.constant 0 : i32
    %dma_wait3A_2299 = tpu.memref_slice %arg2[%dma_wait3A_2298] : memref<2031616xf32, #tpu.memory_space<hbm>> -> memref<2031616xf32, #tpu.memory_space<hbm>>
    tpu.wait_indirect_dma semaphore(%arg9 : memref<!tpu.dma_semaphore, #tpu.memory_space<semaphore_mem>>) src(%dma_wait3A_2299 : memref<2031616xf32, #tpu.memory_space<hbm>>) dst(%dma_wait3A_2294 : memref<128xf32, #tpu.memory_space<vmem>>)
    %dma_wait3A_2300 = arith.constant 1 : i32
    %dma_wait3A_2301 = arith.constant 3 : i32
    %dma_wait3A_2302 = arith.constant 7 : i32
    %dma_wait3A_2303 = arith.constant 0 : i32
    %dma_wait3A_2304 = tpu.memref_slice %arg8[%dma_wait3A_2302, %dma_wait3A_2303] : memref<16x128xf32, #tpu.memory_space<vmem>> -> memref<1x128xf32, #tpu.memory_space<vmem>>
    %dma_wait3A_2305 = tpu.memref_squeeze %dma_wait3A_2304 : memref<1x128xf32, #tpu.memory_space<vmem>> -> memref<128xf32, #tpu.memory_space<vmem>>
    %dma_wait3A_2306 = arith.constant 0 : i32
    %dma_wait3A_2307 = tpu.memref_slice %arg7[%dma_wait3A_2300, %dma_wait3A_2301, %dma_wait3A_2306] : memref<4x4x128xi32, #tpu.memory_space<vmem>> -> memref<1x1x128xi32, #tpu.memory_space<vmem>>
    %dma_wait3A_2308 = tpu.memref_squeeze %dma_wait3A_2307 : memref<1x1x128xi32, #tpu.memory_space<vmem>> -> memref<128xi32, #tpu.memory_space<vmem>>
    %dma_wait3A_2309 = arith.constant 0 : i32
    %dma_wait3A_2310 = tpu.memref_slice %arg2[%dma_wait3A_2309] : memref<2031616xf32, #tpu.memory_space<hbm>> -> memref<2031616xf32, #tpu.memory_space<hbm>>
    tpu.wait_indirect_dma semaphore(%arg9 : memref<!tpu.dma_semaphore, #tpu.memory_space<semaphore_mem>>) src(%dma_wait3A_2310 : memref<2031616xf32, #tpu.memory_space<hbm>>) dst(%dma_wait3A_2305 : memref<128xf32, #tpu.memory_space<vmem>>)
    %dma_wait3A_2311 = arith.constant 2 : i32
    %dma_wait3A_2312 = arith.constant 0 : i32
    %dma_wait3A_2313 = arith.constant 8 : i32
    %dma_wait3A_2314 = arith.constant 0 : i32
    %dma_wait3A_2315 = tpu.memref_slice %arg8[%dma_wait3A_2313, %dma_wait3A_2314] : memref<16x128xf32, #tpu.memory_space<vmem>> -> memref<1x128xf32, #tpu.memory_space<vmem>>
    %dma_wait3A_2316 = tpu.memref_squeeze %dma_wait3A_2315 : memref<1x128xf32, #tpu.memory_space<vmem>> -> memref<128xf32, #tpu.memory_space<vmem>>
    %dma_wait3A_2317 = arith.constant 0 : i32
    %dma_wait3A_2318 = tpu.memref_slice %arg7[%dma_wait3A_2311, %dma_wait3A_2312, %dma_wait3A_2317] : memref<4x4x128xi32, #tpu.memory_space<vmem>> -> memref<1x1x128xi32, #tpu.memory_space<vmem>>
    %dma_wait3A_2319 = tpu.memref_squeeze %dma_wait3A_2318 : memref<1x1x128xi32, #tpu.memory_space<vmem>> -> memref<128xi32, #tpu.memory_space<vmem>>
    %dma_wait3A_2320 = arith.constant 0 : i32
    %dma_wait3A_2321 = tpu.memref_slice %arg2[%dma_wait3A_2320] : memref<2031616xf32, #tpu.memory_space<hbm>> -> memref<2031616xf32, #tpu.memory_space<hbm>>
    tpu.wait_indirect_dma semaphore(%arg9 : memref<!tpu.dma_semaphore, #tpu.memory_space<semaphore_mem>>) src(%dma_wait3A_2321 : memref<2031616xf32, #tpu.memory_space<hbm>>) dst(%dma_wait3A_2316 : memref<128xf32, #tpu.memory_space<vmem>>)
    %dma_wait3A_2322 = arith.constant 2 : i32
    %dma_wait3A_2323 = arith.constant 1 : i32
    %dma_wait3A_2324 = arith.constant 9 : i32
    %dma_wait3A_2325 = arith.constant 0 : i32
    %dma_wait3A_2326 = tpu.memref_slice %arg8[%dma_wait3A_2324, %dma_wait3A_2325] : memref<16x128xf32, #tpu.memory_space<vmem>> -> memref<1x128xf32, #tpu.memory_space<vmem>>
    %dma_wait3A_2327 = tpu.memref_squeeze %dma_wait3A_2326 : memref<1x128xf32, #tpu.memory_space<vmem>> -> memref<128xf32, #tpu.memory_space<vmem>>
    %dma_wait3A_2328 = arith.constant 0 : i32
    %dma_wait3A_2329 = tpu.memref_slice %arg7[%dma_wait3A_2322, %dma_wait3A_2323, %dma_wait3A_2328] : memref<4x4x128xi32, #tpu.memory_space<vmem>> -> memref<1x1x128xi32, #tpu.memory_space<vmem>>
    %dma_wait3A_2330 = tpu.memref_squeeze %dma_wait3A_2329 : memref<1x1x128xi32, #tpu.memory_space<vmem>> -> memref<128xi32, #tpu.memory_space<vmem>>
    %dma_wait3A_2331 = arith.constant 0 : i32
    %dma_wait3A_2332 = tpu.memref_slice %arg2[%dma_wait3A_2331] : memref<2031616xf32, #tpu.memory_space<hbm>> -> memref<2031616xf32, #tpu.memory_space<hbm>>
    tpu.wait_indirect_dma semaphore(%arg9 : memref<!tpu.dma_semaphore, #tpu.memory_space<semaphore_mem>>) src(%dma_wait3A_2332 : memref<2031616xf32, #tpu.memory_space<hbm>>) dst(%dma_wait3A_2327 : memref<128xf32, #tpu.memory_space<vmem>>)
    %dma_wait3A_2333 = arith.constant 2 : i32
    %dma_wait3A_2334 = arith.constant 2 : i32
    %dma_wait3A_2335 = arith.constant 10 : i32
    %dma_wait3A_2336 = arith.constant 0 : i32
    %dma_wait3A_2337 = tpu.memref_slice %arg8[%dma_wait3A_2335, %dma_wait3A_2336] : memref<16x128xf32, #tpu.memory_space<vmem>> -> memref<1x128xf32, #tpu.memory_space<vmem>>
    %dma_wait3A_2338 = tpu.memref_squeeze %dma_wait3A_2337 : memref<1x128xf32, #tpu.memory_space<vmem>> -> memref<128xf32, #tpu.memory_space<vmem>>
    %dma_wait3A_2339 = arith.constant 0 : i32
    %dma_wait3A_2340 = tpu.memref_slice %arg7[%dma_wait3A_2333, %dma_wait3A_2334, %dma_wait3A_2339] : memref<4x4x128xi32, #tpu.memory_space<vmem>> -> memref<1x1x128xi32, #tpu.memory_space<vmem>>
    %dma_wait3A_2341 = tpu.memref_squeeze %dma_wait3A_2340 : memref<1x1x128xi32, #tpu.memory_space<vmem>> -> memref<128xi32, #tpu.memory_space<vmem>>
    %dma_wait3A_2342 = arith.constant 0 : i32
    %dma_wait3A_2343 = tpu.memref_slice %arg2[%dma_wait3A_2342] : memref<2031616xf32, #tpu.memory_space<hbm>> -> memref<2031616xf32, #tpu.memory_space<hbm>>
    tpu.wait_indirect_dma semaphore(%arg9 : memref<!tpu.dma_semaphore, #tpu.memory_space<semaphore_mem>>) src(%dma_wait3A_2343 : memref<2031616xf32, #tpu.memory_space<hbm>>) dst(%dma_wait3A_2338 : memref<128xf32, #tpu.memory_space<vmem>>)
    %dma_wait3A_2344 = arith.constant 2 : i32
    %dma_wait3A_2345 = arith.constant 3 : i32
    %dma_wait3A_2346 = arith.constant 11 : i32
    %dma_wait3A_2347 = arith.constant 0 : i32
    %dma_wait3A_2348 = tpu.memref_slice %arg8[%dma_wait3A_2346, %dma_wait3A_2347] : memref<16x128xf32, #tpu.memory_space<vmem>> -> memref<1x128xf32, #tpu.memory_space<vmem>>
    %dma_wait3A_2349 = tpu.memref_squeeze %dma_wait3A_2348 : memref<1x128xf32, #tpu.memory_space<vmem>> -> memref<128xf32, #tpu.memory_space<vmem>>
    %dma_wait3A_2350 = arith.constant 0 : i32
    %dma_wait3A_2351 = tpu.memref_slice %arg7[%dma_wait3A_2344, %dma_wait3A_2345, %dma_wait3A_2350] : memref<4x4x128xi32, #tpu.memory_space<vmem>> -> memref<1x1x128xi32, #tpu.memory_space<vmem>>
    %dma_wait3A_2352 = tpu.memref_squeeze %dma_wait3A_2351 : memref<1x1x128xi32, #tpu.memory_space<vmem>> -> memref<128xi32, #tpu.memory_space<vmem>>
    %dma_wait3A_2353 = arith.constant 0 : i32
    %dma_wait3A_2354 = tpu.memref_slice %arg2[%dma_wait3A_2353] : memref<2031616xf32, #tpu.memory_space<hbm>> -> memref<2031616xf32, #tpu.memory_space<hbm>>
    tpu.wait_indirect_dma semaphore(%arg9 : memref<!tpu.dma_semaphore, #tpu.memory_space<semaphore_mem>>) src(%dma_wait3A_2354 : memref<2031616xf32, #tpu.memory_space<hbm>>) dst(%dma_wait3A_2349 : memref<128xf32, #tpu.memory_space<vmem>>)
    %dma_wait3A_2355 = arith.constant 3 : i32
    %dma_wait3A_2356 = arith.constant 0 : i32
    %dma_wait3A_2357 = arith.constant 12 : i32
    %dma_wait3A_2358 = arith.constant 0 : i32
    %dma_wait3A_2359 = tpu.memref_slice %arg8[%dma_wait3A_2357, %dma_wait3A_2358] : memref<16x128xf32, #tpu.memory_space<vmem>> -> memref<1x128xf32, #tpu.memory_space<vmem>>
    %dma_wait3A_2360 = tpu.memref_squeeze %dma_wait3A_2359 : memref<1x128xf32, #tpu.memory_space<vmem>> -> memref<128xf32, #tpu.memory_space<vmem>>
    %dma_wait3A_2361 = arith.constant 0 : i32
    %dma_wait3A_2362 = tpu.memref_slice %arg7[%dma_wait3A_2355, %dma_wait3A_2356, %dma_wait3A_2361] : memref<4x4x128xi32, #tpu.memory_space<vmem>> -> memref<1x1x128xi32, #tpu.memory_space<vmem>>
    %dma_wait3A_2363 = tpu.memref_squeeze %dma_wait3A_2362 : memref<1x1x128xi32, #tpu.memory_space<vmem>> -> memref<128xi32, #tpu.memory_space<vmem>>
    %dma_wait3A_2364 = arith.constant 0 : i32
    %dma_wait3A_2365 = tpu.memref_slice %arg2[%dma_wait3A_2364] : memref<2031616xf32, #tpu.memory_space<hbm>> -> memref<2031616xf32, #tpu.memory_space<hbm>>
    tpu.wait_indirect_dma semaphore(%arg9 : memref<!tpu.dma_semaphore, #tpu.memory_space<semaphore_mem>>) src(%dma_wait3A_2365 : memref<2031616xf32, #tpu.memory_space<hbm>>) dst(%dma_wait3A_2360 : memref<128xf32, #tpu.memory_space<vmem>>)
    %dma_wait3A_2366 = arith.constant 3 : i32
    %dma_wait3A_2367 = arith.constant 1 : i32
    %dma_wait3A_2368 = arith.constant 13 : i32
    %dma_wait3A_2369 = arith.constant 0 : i32
    %dma_wait3A_2370 = tpu.memref_slice %arg8[%dma_wait3A_2368, %dma_wait3A_2369] : memref<16x128xf32, #tpu.memory_space<vmem>> -> memref<1x128xf32, #tpu.memory_space<vmem>>
    %dma_wait3A_2371 = tpu.memref_squeeze %dma_wait3A_2370 : memref<1x128xf32, #tpu.memory_space<vmem>> -> memref<128xf32, #tpu.memory_space<vmem>>
    %dma_wait3A_2372 = arith.constant 0 : i32
    %dma_wait3A_2373 = tpu.memref_slice %arg7[%dma_wait3A_2366, %dma_wait3A_2367, %dma_wait3A_2372] : memref<4x4x128xi32, #tpu.memory_space<vmem>> -> memref<1x1x128xi32, #tpu.memory_space<vmem>>
    %dma_wait3A_2374 = tpu.memref_squeeze %dma_wait3A_2373 : memref<1x1x128xi32, #tpu.memory_space<vmem>> -> memref<128xi32, #tpu.memory_space<vmem>>
    %dma_wait3A_2375 = arith.constant 0 : i32
    %dma_wait3A_2376 = tpu.memref_slice %arg2[%dma_wait3A_2375] : memref<2031616xf32, #tpu.memory_space<hbm>> -> memref<2031616xf32, #tpu.memory_space<hbm>>
    tpu.wait_indirect_dma semaphore(%arg9 : memref<!tpu.dma_semaphore, #tpu.memory_space<semaphore_mem>>) src(%dma_wait3A_2376 : memref<2031616xf32, #tpu.memory_space<hbm>>) dst(%dma_wait3A_2371 : memref<128xf32, #tpu.memory_space<vmem>>)
    %dma_wait3A_2377 = arith.constant 3 : i32
    %dma_wait3A_2378 = arith.constant 2 : i32
    %dma_wait3A_2379 = arith.constant 14 : i32
    %dma_wait3A_2380 = arith.constant 0 : i32
    %dma_wait3A_2381 = tpu.memref_slice %arg8[%dma_wait3A_2379, %dma_wait3A_2380] : memref<16x128xf32, #tpu.memory_space<vmem>> -> memref<1x128xf32, #tpu.memory_space<vmem>>
    %dma_wait3A_2382 = tpu.memref_squeeze %dma_wait3A_2381 : memref<1x128xf32, #tpu.memory_space<vmem>> -> memref<128xf32, #tpu.memory_space<vmem>>
    %dma_wait3A_2383 = arith.constant 0 : i32
    %dma_wait3A_2384 = tpu.memref_slice %arg7[%dma_wait3A_2377, %dma_wait3A_2378, %dma_wait3A_2383] : memref<4x4x128xi32, #tpu.memory_space<vmem>> -> memref<1x1x128xi32, #tpu.memory_space<vmem>>
    %dma_wait3A_2385 = tpu.memref_squeeze %dma_wait3A_2384 : memref<1x1x128xi32, #tpu.memory_space<vmem>> -> memref<128xi32, #tpu.memory_space<vmem>>
    %dma_wait3A_2386 = arith.constant 0 : i32
    %dma_wait3A_2387 = tpu.memref_slice %arg2[%dma_wait3A_2386] : memref<2031616xf32, #tpu.memory_space<hbm>> -> memref<2031616xf32, #tpu.memory_space<hbm>>
    tpu.wait_indirect_dma semaphore(%arg9 : memref<!tpu.dma_semaphore, #tpu.memory_space<semaphore_mem>>) src(%dma_wait3A_2387 : memref<2031616xf32, #tpu.memory_space<hbm>>) dst(%dma_wait3A_2382 : memref<128xf32, #tpu.memory_space<vmem>>)
    %dma_wait3A_2388 = arith.constant 3 : i32
    %dma_wait3A_2389 = arith.constant 3 : i32
    %dma_wait3A_2390 = arith.constant 15 : i32
    %dma_wait3A_2391 = arith.constant 0 : i32
    %dma_wait3A_2392 = tpu.memref_slice %arg8[%dma_wait3A_2390, %dma_wait3A_2391] : memref<16x128xf32, #tpu.memory_space<vmem>> -> memref<1x128xf32, #tpu.memory_space<vmem>>
    %dma_wait3A_2393 = tpu.memref_squeeze %dma_wait3A_2392 : memref<1x128xf32, #tpu.memory_space<vmem>> -> memref<128xf32, #tpu.memory_space<vmem>>
    %dma_wait3A_2394 = arith.constant 0 : i32
    %dma_wait3A_2395 = tpu.memref_slice %arg7[%dma_wait3A_2388, %dma_wait3A_2389, %dma_wait3A_2394] : memref<4x4x128xi32, #tpu.memory_space<vmem>> -> memref<1x1x128xi32, #tpu.memory_space<vmem>>
    %dma_wait3A_2396 = tpu.memref_squeeze %dma_wait3A_2395 : memref<1x1x128xi32, #tpu.memory_space<vmem>> -> memref<128xi32, #tpu.memory_space<vmem>>
    %dma_wait3A_2397 = arith.constant 0 : i32
    %dma_wait3A_2398 = tpu.memref_slice %arg2[%dma_wait3A_2397] : memref<2031616xf32, #tpu.memory_space<hbm>> -> memref<2031616xf32, #tpu.memory_space<hbm>>
    tpu.wait_indirect_dma semaphore(%arg9 : memref<!tpu.dma_semaphore, #tpu.memory_space<semaphore_mem>>) src(%dma_wait3A_2398 : memref<2031616xf32, #tpu.memory_space<hbm>>) dst(%dma_wait3A_2393 : memref<128xf32, #tpu.memory_space<vmem>>)
    %mul3A_2399 = arith.constant 4 : i32
    %mul3A_2400 = arith.muli %add3A, %mul3A_2399 : i32
    %run_scoped3A = arith.constant 0 : i32
    "tpu.region"() ({
      %run_scoped3A_2410 = tpu.sem_alloc : memref<!tpu.dma_semaphore, #tpu.memory_space<semaphore_mem>>
      %dma_start3A_2411 = arith.constant 0 : i32
      %dma_start3A_2412 = arith.constant 0 : i32
      %dma_start3A_2413 = tpu.memref_slice %arg8[%dma_start3A_2411, %dma_start3A_2412] : memref<16x128xf32, #tpu.memory_space<vmem>> -> memref<4x128xf32, #tpu.memory_space<vmem>>
      %dma_start3A_2414 = arith.constant 0 : i32
      %dma_start3A_2415 = tpu.memref_slice %arg5[%run_scoped3A, %mul3A_2400, %dma_start3A_2414] : memref<4x128x128xf32, #tpu.memory_space<hbm>> -> memref<1x4x128xf32, #tpu.memory_space<hbm>>
      %dma_start3A_2416 = tpu.memref_squeeze %dma_start3A_2415 : memref<1x4x128xf32, #tpu.memory_space<hbm>> -> memref<4x128xf32, #tpu.memory_space<hbm>>
      %dma_start3A_2417 = arith.constant 0 : i32
      %dma_start3A_2418 = tpu.memref_slice %arg5[%run_scoped3A, %mul3A_2400, %dma_start3A_2417] : memref<4x128x128xf32, #tpu.memory_space<hbm>> -> memref<1x4x128xf32, #tpu.memory_space<hbm>>
      %dma_start3A_2419 = tpu.memref_squeeze %dma_start3A_2418 : memref<1x4x128xf32, #tpu.memory_space<hbm>> -> memref<4x128xf32, #tpu.memory_space<hbm>>
      %dma_start3A_2420 = arith.constant 0 : i32
      %dma_start3A_2421 = arith.constant 0 : i32
      %dma_start3A_2422 = tpu.memref_slice %arg8[%dma_start3A_2420, %dma_start3A_2421] : memref<16x128xf32, #tpu.memory_space<vmem>> -> memref<4x128xf32, #tpu.memory_space<vmem>>
      tpu.enqueue_dma source(%dma_start3A_2422 : memref<4x128xf32, #tpu.memory_space<vmem>>) target(%dma_start3A_2419 : memref<4x128xf32, #tpu.memory_space<hbm>>) target_semaphore(%run_scoped3A_2410 : memref<!tpu.dma_semaphore, #tpu.memory_space<semaphore_mem>>)
      %dma_wait3A_2423 = arith.constant 0 : i32
      %dma_wait3A_2424 = arith.constant 0 : i32
      %dma_wait3A_2425 = tpu.memref_slice %arg8[%dma_wait3A_2423, %dma_wait3A_2424] : memref<16x128xf32, #tpu.memory_space<vmem>> -> memref<4x128xf32, #tpu.memory_space<vmem>>
      %dma_wait3A_2426 = arith.constant 0 : i32
      %dma_wait3A_2427 = tpu.memref_slice %arg5[%run_scoped3A, %mul3A_2400, %dma_wait3A_2426] : memref<4x128x128xf32, #tpu.memory_space<hbm>> -> memref<1x4x128xf32, #tpu.memory_space<hbm>>
      %dma_wait3A_2428 = tpu.memref_squeeze %dma_wait3A_2427 : memref<1x4x128xf32, #tpu.memory_space<hbm>> -> memref<4x128xf32, #tpu.memory_space<hbm>>
      %dma_wait3A_2429 = arith.constant 0 : i32
      %dma_wait3A_2430 = tpu.memref_slice %arg5[%run_scoped3A, %mul3A_2400, %dma_wait3A_2429] : memref<4x128x128xf32, #tpu.memory_space<hbm>> -> memref<1x4x128xf32, #tpu.memory_space<hbm>>
      %dma_wait3A_2431 = tpu.memref_squeeze %dma_wait3A_2430 : memref<1x4x128xf32, #tpu.memory_space<hbm>> -> memref<4x128xf32, #tpu.memory_space<hbm>>
      %dma_wait3A_2432 = arith.constant 0 : i32
      %dma_wait3A_2433 = arith.constant 0 : i32
      %dma_wait3A_2434 = tpu.memref_slice %arg8[%dma_wait3A_2432, %dma_wait3A_2433] : memref<16x128xf32, #tpu.memory_space<vmem>> -> memref<4x128xf32, #tpu.memory_space<vmem>>
      tpu.wait_dma2 semaphore(%run_scoped3A_2410 : memref<!tpu.dma_semaphore, #tpu.memory_space<semaphore_mem>>) src(%dma_wait3A_2434 : memref<4x128xf32, #tpu.memory_space<vmem>>) dst(%dma_wait3A_2431 : memref<4x128xf32, #tpu.memory_space<hbm>>)
      tpu.yield
    }) : () -> ()
    %mul3A_2401 = arith.constant 4 : i32
    %mul3A_2402 = arith.muli %add3A, %mul3A_2401 : i32
    %run_scoped3A_2403 = arith.constant 1 : i32
    "tpu.region"() ({
      %run_scoped3A_2410 = tpu.sem_alloc : memref<!tpu.dma_semaphore, #tpu.memory_space<semaphore_mem>>
      %dma_start3A_2411 = arith.constant 4 : i32
      %dma_start3A_2412 = arith.constant 0 : i32
      %dma_start3A_2413 = tpu.memref_slice %arg8[%dma_start3A_2411, %dma_start3A_2412] : memref<16x128xf32, #tpu.memory_space<vmem>> -> memref<4x128xf32, #tpu.memory_space<vmem>>
      %dma_start3A_2414 = arith.constant 0 : i32
      %dma_start3A_2415 = tpu.memref_slice %arg5[%run_scoped3A_2403, %mul3A_2402, %dma_start3A_2414] : memref<4x128x128xf32, #tpu.memory_space<hbm>> -> memref<1x4x128xf32, #tpu.memory_space<hbm>>
      %dma_start3A_2416 = tpu.memref_squeeze %dma_start3A_2415 : memref<1x4x128xf32, #tpu.memory_space<hbm>> -> memref<4x128xf32, #tpu.memory_space<hbm>>
      %dma_start3A_2417 = arith.constant 0 : i32
      %dma_start3A_2418 = tpu.memref_slice %arg5[%run_scoped3A_2403, %mul3A_2402, %dma_start3A_2417] : memref<4x128x128xf32, #tpu.memory_space<hbm>> -> memref<1x4x128xf32, #tpu.memory_space<hbm>>
      %dma_start3A_2419 = tpu.memref_squeeze %dma_start3A_2418 : memref<1x4x128xf32, #tpu.memory_space<hbm>> -> memref<4x128xf32, #tpu.memory_space<hbm>>
      %dma_start3A_2420 = arith.constant 4 : i32
      %dma_start3A_2421 = arith.constant 0 : i32
      %dma_start3A_2422 = tpu.memref_slice %arg8[%dma_start3A_2420, %dma_start3A_2421] : memref<16x128xf32, #tpu.memory_space<vmem>> -> memref<4x128xf32, #tpu.memory_space<vmem>>
      tpu.enqueue_dma source(%dma_start3A_2422 : memref<4x128xf32, #tpu.memory_space<vmem>>) target(%dma_start3A_2419 : memref<4x128xf32, #tpu.memory_space<hbm>>) target_semaphore(%run_scoped3A_2410 : memref<!tpu.dma_semaphore, #tpu.memory_space<semaphore_mem>>)
      %dma_wait3A_2423 = arith.constant 4 : i32
      %dma_wait3A_2424 = arith.constant 0 : i32
      %dma_wait3A_2425 = tpu.memref_slice %arg8[%dma_wait3A_2423, %dma_wait3A_2424] : memref<16x128xf32, #tpu.memory_space<vmem>> -> memref<4x128xf32, #tpu.memory_space<vmem>>
      %dma_wait3A_2426 = arith.constant 0 : i32
      %dma_wait3A_2427 = tpu.memref_slice %arg5[%run_scoped3A_2403, %mul3A_2402, %dma_wait3A_2426] : memref<4x128x128xf32, #tpu.memory_space<hbm>> -> memref<1x4x128xf32, #tpu.memory_space<hbm>>
      %dma_wait3A_2428 = tpu.memref_squeeze %dma_wait3A_2427 : memref<1x4x128xf32, #tpu.memory_space<hbm>> -> memref<4x128xf32, #tpu.memory_space<hbm>>
      %dma_wait3A_2429 = arith.constant 0 : i32
      %dma_wait3A_2430 = tpu.memref_slice %arg5[%run_scoped3A_2403, %mul3A_2402, %dma_wait3A_2429] : memref<4x128x128xf32, #tpu.memory_space<hbm>> -> memref<1x4x128xf32, #tpu.memory_space<hbm>>
      %dma_wait3A_2431 = tpu.memref_squeeze %dma_wait3A_2430 : memref<1x4x128xf32, #tpu.memory_space<hbm>> -> memref<4x128xf32, #tpu.memory_space<hbm>>
      %dma_wait3A_2432 = arith.constant 4 : i32
      %dma_wait3A_2433 = arith.constant 0 : i32
      %dma_wait3A_2434 = tpu.memref_slice %arg8[%dma_wait3A_2432, %dma_wait3A_2433] : memref<16x128xf32, #tpu.memory_space<vmem>> -> memref<4x128xf32, #tpu.memory_space<vmem>>
      tpu.wait_dma2 semaphore(%run_scoped3A_2410 : memref<!tpu.dma_semaphore, #tpu.memory_space<semaphore_mem>>) src(%dma_wait3A_2434 : memref<4x128xf32, #tpu.memory_space<vmem>>) dst(%dma_wait3A_2431 : memref<4x128xf32, #tpu.memory_space<hbm>>)
      tpu.yield
    }) : () -> ()
    %mul3A_2404 = arith.constant 4 : i32
    %mul3A_2405 = arith.muli %add3A, %mul3A_2404 : i32
    %run_scoped3A_2406 = arith.constant 2 : i32
    "tpu.region"() ({
      %run_scoped3A_2410 = tpu.sem_alloc : memref<!tpu.dma_semaphore, #tpu.memory_space<semaphore_mem>>
      %dma_start3A_2411 = arith.constant 8 : i32
      %dma_start3A_2412 = arith.constant 0 : i32
      %dma_start3A_2413 = tpu.memref_slice %arg8[%dma_start3A_2411, %dma_start3A_2412] : memref<16x128xf32, #tpu.memory_space<vmem>> -> memref<4x128xf32, #tpu.memory_space<vmem>>
      %dma_start3A_2414 = arith.constant 0 : i32
      %dma_start3A_2415 = tpu.memref_slice %arg5[%run_scoped3A_2406, %mul3A_2405, %dma_start3A_2414] : memref<4x128x128xf32, #tpu.memory_space<hbm>> -> memref<1x4x128xf32, #tpu.memory_space<hbm>>
      %dma_start3A_2416 = tpu.memref_squeeze %dma_start3A_2415 : memref<1x4x128xf32, #tpu.memory_space<hbm>> -> memref<4x128xf32, #tpu.memory_space<hbm>>
      %dma_start3A_2417 = arith.constant 0 : i32
      %dma_start3A_2418 = tpu.memref_slice %arg5[%run_scoped3A_2406, %mul3A_2405, %dma_start3A_2417] : memref<4x128x128xf32, #tpu.memory_space<hbm>> -> memref<1x4x128xf32, #tpu.memory_space<hbm>>
      %dma_start3A_2419 = tpu.memref_squeeze %dma_start3A_2418 : memref<1x4x128xf32, #tpu.memory_space<hbm>> -> memref<4x128xf32, #tpu.memory_space<hbm>>
      %dma_start3A_2420 = arith.constant 8 : i32
      %dma_start3A_2421 = arith.constant 0 : i32
      %dma_start3A_2422 = tpu.memref_slice %arg8[%dma_start3A_2420, %dma_start3A_2421] : memref<16x128xf32, #tpu.memory_space<vmem>> -> memref<4x128xf32, #tpu.memory_space<vmem>>
      tpu.enqueue_dma source(%dma_start3A_2422 : memref<4x128xf32, #tpu.memory_space<vmem>>) target(%dma_start3A_2419 : memref<4x128xf32, #tpu.memory_space<hbm>>) target_semaphore(%run_scoped3A_2410 : memref<!tpu.dma_semaphore, #tpu.memory_space<semaphore_mem>>)
      %dma_wait3A_2423 = arith.constant 8 : i32
      %dma_wait3A_2424 = arith.constant 0 : i32
      %dma_wait3A_2425 = tpu.memref_slice %arg8[%dma_wait3A_2423, %dma_wait3A_2424] : memref<16x128xf32, #tpu.memory_space<vmem>> -> memref<4x128xf32, #tpu.memory_space<vmem>>
      %dma_wait3A_2426 = arith.constant 0 : i32
      %dma_wait3A_2427 = tpu.memref_slice %arg5[%run_scoped3A_2406, %mul3A_2405, %dma_wait3A_2426] : memref<4x128x128xf32, #tpu.memory_space<hbm>> -> memref<1x4x128xf32, #tpu.memory_space<hbm>>
      %dma_wait3A_2428 = tpu.memref_squeeze %dma_wait3A_2427 : memref<1x4x128xf32, #tpu.memory_space<hbm>> -> memref<4x128xf32, #tpu.memory_space<hbm>>
      %dma_wait3A_2429 = arith.constant 0 : i32
      %dma_wait3A_2430 = tpu.memref_slice %arg5[%run_scoped3A_2406, %mul3A_2405, %dma_wait3A_2429] : memref<4x128x128xf32, #tpu.memory_space<hbm>> -> memref<1x4x128xf32, #tpu.memory_space<hbm>>
      %dma_wait3A_2431 = tpu.memref_squeeze %dma_wait3A_2430 : memref<1x4x128xf32, #tpu.memory_space<hbm>> -> memref<4x128xf32, #tpu.memory_space<hbm>>
      %dma_wait3A_2432 = arith.constant 8 : i32
      %dma_wait3A_2433 = arith.constant 0 : i32
      %dma_wait3A_2434 = tpu.memref_slice %arg8[%dma_wait3A_2432, %dma_wait3A_2433] : memref<16x128xf32, #tpu.memory_space<vmem>> -> memref<4x128xf32, #tpu.memory_space<vmem>>
      tpu.wait_dma2 semaphore(%run_scoped3A_2410 : memref<!tpu.dma_semaphore, #tpu.memory_space<semaphore_mem>>) src(%dma_wait3A_2434 : memref<4x128xf32, #tpu.memory_space<vmem>>) dst(%dma_wait3A_2431 : memref<4x128xf32, #tpu.memory_space<hbm>>)
      tpu.yield
    }) : () -> ()
    %mul3A_2407 = arith.constant 4 : i32
    %mul3A_2408 = arith.muli %add3A, %mul3A_2407 : i32
    %run_scoped3A_2409 = arith.constant 3 : i32
    "tpu.region"() ({
      %run_scoped3A_2410 = tpu.sem_alloc : memref<!tpu.dma_semaphore, #tpu.memory_space<semaphore_mem>>
      %dma_start3A_2411 = arith.constant 12 : i32
      %dma_start3A_2412 = arith.constant 0 : i32
      %dma_start3A_2413 = tpu.memref_slice %arg8[%dma_start3A_2411, %dma_start3A_2412] : memref<16x128xf32, #tpu.memory_space<vmem>> -> memref<4x128xf32, #tpu.memory_space<vmem>>
      %dma_start3A_2414 = arith.constant 0 : i32
      %dma_start3A_2415 = tpu.memref_slice %arg5[%run_scoped3A_2409, %mul3A_2408, %dma_start3A_2414] : memref<4x128x128xf32, #tpu.memory_space<hbm>> -> memref<1x4x128xf32, #tpu.memory_space<hbm>>
      %dma_start3A_2416 = tpu.memref_squeeze %dma_start3A_2415 : memref<1x4x128xf32, #tpu.memory_space<hbm>> -> memref<4x128xf32, #tpu.memory_space<hbm>>
      %dma_start3A_2417 = arith.constant 0 : i32
      %dma_start3A_2418 = tpu.memref_slice %arg5[%run_scoped3A_2409, %mul3A_2408, %dma_start3A_2417] : memref<4x128x128xf32, #tpu.memory_space<hbm>> -> memref<1x4x128xf32, #tpu.memory_space<hbm>>
      %dma_start3A_2419 = tpu.memref_squeeze %dma_start3A_2418 : memref<1x4x128xf32, #tpu.memory_space<hbm>> -> memref<4x128xf32, #tpu.memory_space<hbm>>
      %dma_start3A_2420 = arith.constant 12 : i32
      %dma_start3A_2421 = arith.constant 0 : i32
      %dma_start3A_2422 = tpu.memref_slice %arg8[%dma_start3A_2420, %dma_start3A_2421] : memref<16x128xf32, #tpu.memory_space<vmem>> -> memref<4x128xf32, #tpu.memory_space<vmem>>
      tpu.enqueue_dma source(%dma_start3A_2422 : memref<4x128xf32, #tpu.memory_space<vmem>>) target(%dma_start3A_2419 : memref<4x128xf32, #tpu.memory_space<hbm>>) target_semaphore(%run_scoped3A_2410 : memref<!tpu.dma_semaphore, #tpu.memory_space<semaphore_mem>>)
      %dma_wait3A_2423 = arith.constant 12 : i32
      %dma_wait3A_2424 = arith.constant 0 : i32
      %dma_wait3A_2425 = tpu.memref_slice %arg8[%dma_wait3A_2423, %dma_wait3A_2424] : memref<16x128xf32, #tpu.memory_space<vmem>> -> memref<4x128xf32, #tpu.memory_space<vmem>>
      %dma_wait3A_2426 = arith.constant 0 : i32
      %dma_wait3A_2427 = tpu.memref_slice %arg5[%run_scoped3A_2409, %mul3A_2408, %dma_wait3A_2426] : memref<4x128x128xf32, #tpu.memory_space<hbm>> -> memref<1x4x128xf32, #tpu.memory_space<hbm>>
      %dma_wait3A_2428 = tpu.memref_squeeze %dma_wait3A_2427 : memref<1x4x128xf32, #tpu.memory_space<hbm>> -> memref<4x128xf32, #tpu.memory_space<hbm>>
      %dma_wait3A_2429 = arith.constant 0 : i32
      %dma_wait3A_2430 = tpu.memref_slice %arg5[%run_scoped3A_2409, %mul3A_2408, %dma_wait3A_2429] : memref<4x128x128xf32, #tpu.memory_space<hbm>> -> memref<1x4x128xf32, #tpu.memory_space<hbm>>
      %dma_wait3A_2431 = tpu.memref_squeeze %dma_wait3A_2430 : memref<1x4x128xf32, #tpu.memory_space<hbm>> -> memref<4x128xf32, #tpu.memory_space<hbm>>
      %dma_wait3A_2432 = arith.constant 12 : i32
      %dma_wait3A_2433 = arith.constant 0 : i32
      %dma_wait3A_2434 = tpu.memref_slice %arg8[%dma_wait3A_2432, %dma_wait3A_2433] : memref<16x128xf32, #tpu.memory_space<vmem>> -> memref<4x128xf32, #tpu.memory_space<vmem>>
      tpu.wait_dma2 semaphore(%run_scoped3A_2410 : memref<!tpu.dma_semaphore, #tpu.memory_space<semaphore_mem>>) src(%dma_wait3A_2434 : memref<4x128xf32, #tpu.memory_space<vmem>>) dst(%dma_wait3A_2431 : memref<4x128xf32, #tpu.memory_space<hbm>>)
      tpu.yield
    }) : () -> ()
    return
  }
}

module attributes {stable_mosaic.version = 14 : i64} {
  func.func @_minanch_one(%arg0: memref<15872x128xf32, #tpu.memory_space<vmem>>, %arg1: memref<15872x128xf32, #tpu.memory_space<vmem>>, %arg2: memref<1x1xf32, #tpu.memory_space<smem>>) attributes {dimension_semantics = [], scalar_prefetch = 0 : i64, scratch_operands = 0 : i64, tpu.core_type = #tpu.core_type<tc>} {
    %get3A = arith.constant 0 : index
    %get3A_0 = arith.constant 0 : index
    %get3A_1 = vector.load %arg0[%get3A, %get3A_0] : memref<15872x128xf32, #tpu.memory_space<vmem>>, vector<15872x128xf32>
    %mul3A = arith.mulf %get3A_1, %get3A_1 : vector<15872x128xf32>
    %iota3A = tpu.iota {dimensions = array<i32: 0>} : vector<15872x128xi32>
    %jit3A = arith.constant 2 : i32
    %eq3A = arith.constant 0 : i32
    %eq3A_2 = arith.cmpi eq, %jit3A, %eq3A : i32
    %jit3A_3 = arith.constant 1 : i32
    %select_n3A = arith.select %eq3A_2, %jit3A_3, %jit3A : i32
    %rem3A = vector.broadcast %select_n3A : i32 to vector<15872x128xi32>
    %rem3A_4 = arith.remsi %iota3A, %rem3A : vector<15872x128xi32>
    %ne3A = arith.constant 0 : i32
    %ne3A_5 = vector.broadcast %ne3A : i32 to vector<15872x128xi32>
    %ne3A_6 = arith.cmpi ne, %rem3A_4, %ne3A_5 : vector<15872x128xi32>
    %lt3A = arith.constant 0 : i32
    %lt3A_7 = vector.broadcast %lt3A : i32 to vector<15872x128xi32>
    %lt3A_8 = arith.cmpi slt, %rem3A_4, %lt3A_7 : vector<15872x128xi32>
    %lt3A_9 = arith.constant 0 : i32
    %lt3A_10 = arith.cmpi slt, %select_n3A, %lt3A_9 : i32
    %ne3A_11 = vector.broadcast %lt3A_10 : i1 to vector<15872x128xi1>
    %ne3A_12 = vector.broadcast %ne3A_11 : vector<15872x128xi1> to vector<15872x128xi1>
    %ne3A_13 = arith.xori %lt3A_8, %ne3A_12 : vector<15872x128xi1>
    %and3A = arith.andi %ne3A_13, %ne3A_6 : vector<15872x128xi1>
    %add3A = vector.broadcast %select_n3A : i32 to vector<15872x128xi32>
    %add3A_14 = arith.addi %rem3A_4, %add3A : vector<15872x128xi32>
    %select_n3A_15 = arith.select %and3A, %add3A_14, %rem3A_4 : vector<15872x128xi1>, vector<15872x128xi32>
    %eq3A_16 = arith.constant 0 : i32
    %eq3A_17 = vector.broadcast %eq3A_16 : i32 to vector<15872x128xi32>
    %eq3A_18 = arith.cmpi eq, %select_n3A_15, %eq3A_17 : vector<15872x128xi32>
    %jit3A_19 = arith.constant 0x7F800000 : f32
    %broadcast_in_dim3A = vector.broadcast %jit3A_19 : f32 to vector<15872x128xf32>
    %select_n3A_20 = arith.select %eq3A_18, %mul3A, %broadcast_in_dim3A : vector<15872x128xi1>, vector<15872x128xf32>
    %reduce_min3A = vector.shape_cast %select_n3A_20 : vector<15872x128xf32> to vector<1x15872x128xf32>
    %reduce_min3A_21 = arith.constant dense<0x7F800000> : vector<1xf32>
    %reduce_min3A_22 = vector.multi_reduction <minimumf>, %reduce_min3A, %reduce_min3A_21 [1, 2] : vector<1x15872x128xf32> to vector<1xf32>
    %reduce_min3A_23 = vector.shape_cast %reduce_min3A_22 : vector<1xf32> to vector<1x1x1xf32>
    %reduce_min3A_24 = vector.extract %reduce_min3A_23[0, 0, 0] : f32 from vector<1x1x1xf32>
    %swap3A = arith.constant 0 : index
    %swap3A_25 = arith.constant 0 : index
    %swap3A_26 = memref.load %arg2[%swap3A, %swap3A_25] : memref<1x1xf32, #tpu.memory_space<smem>>
    memref.store %reduce_min3A_24, %arg2[%swap3A, %swap3A_25] : memref<1x1xf32, #tpu.memory_space<smem>>
    %jit3A_27 = arith.constant 2 : i32
    %eq3A_28 = arith.constant 0 : i32
    %eq3A_29 = arith.cmpi eq, %jit3A_27, %eq3A_28 : i32
    %jit3A_30 = arith.constant 1 : i32
    %select_n3A_31 = arith.select %eq3A_29, %jit3A_30, %jit3A_27 : i32
    %rem3A_32 = vector.broadcast %select_n3A_31 : i32 to vector<15872x128xi32>
    %rem3A_33 = arith.remsi %iota3A, %rem3A_32 : vector<15872x128xi32>
    %ne3A_34 = arith.constant 0 : i32
    %ne3A_35 = vector.broadcast %ne3A_34 : i32 to vector<15872x128xi32>
    %ne3A_36 = arith.cmpi ne, %rem3A_33, %ne3A_35 : vector<15872x128xi32>
    %lt3A_37 = arith.constant 0 : i32
    %lt3A_38 = vector.broadcast %lt3A_37 : i32 to vector<15872x128xi32>
    %lt3A_39 = arith.cmpi slt, %rem3A_33, %lt3A_38 : vector<15872x128xi32>
    %lt3A_40 = arith.constant 0 : i32
    %lt3A_41 = arith.cmpi slt, %select_n3A_31, %lt3A_40 : i32
    %ne3A_42 = vector.broadcast %lt3A_41 : i1 to vector<15872x128xi1>
    %ne3A_43 = vector.broadcast %ne3A_42 : vector<15872x128xi1> to vector<15872x128xi1>
    %ne3A_44 = arith.xori %lt3A_39, %ne3A_43 : vector<15872x128xi1>
    %and3A_45 = arith.andi %ne3A_44, %ne3A_36 : vector<15872x128xi1>
    %add3A_46 = vector.broadcast %select_n3A_31 : i32 to vector<15872x128xi32>
    %add3A_47 = arith.addi %rem3A_33, %add3A_46 : vector<15872x128xi32>
    %select_n3A_48 = arith.select %and3A_45, %add3A_47, %rem3A_33 : vector<15872x128xi1>, vector<15872x128xi32>
    %eq3A_49 = arith.constant 0 : i32
    %eq3A_50 = vector.broadcast %eq3A_49 : i32 to vector<15872x128xi32>
    %eq3A_51 = arith.cmpi eq, %select_n3A_48, %eq3A_50 : vector<15872x128xi32>
    %sub3A = vector.broadcast %reduce_min3A_24 : f32 to vector<15872x128xf32>
    %sub3A_52 = arith.subf %mul3A, %sub3A : vector<15872x128xf32>
    %select_n3A_53 = arith.select %eq3A_51, %sub3A_52, %mul3A : vector<15872x128xi1>, vector<15872x128xf32>
    %swap3A_54 = arith.constant 0 : index
    %swap3A_55 = arith.constant 0 : index
    %swap3A_56 = vector.load %arg1[%swap3A_54, %swap3A_55] : memref<15872x128xf32, #tpu.memory_space<vmem>>, vector<15872x128xf32>
    tpu.vector_store %arg1[%swap3A_54, %swap3A_55], %select_n3A_53 {strides = array<i32>} : memref<15872x128xf32, #tpu.memory_space<vmem>>, vector<15872x128xf32>,
    return
  }
}

module attributes {stable_mosaic.version = 14 : i64} {
  func.func @_small_body(%arg0: memref<1x1xf32, #tpu.memory_space<smem>>, %arg1: memref<1x1xf32, #tpu.memory_space<smem>>, %arg2: memref<4x128x128xf32, #tpu.memory_space<vmem>>, %arg3: memref<128x128xf32, #tpu.memory_space<vmem>>, %arg4: memref<128x128xf32, #tpu.memory_space<vmem>>, %arg5: memref<128x128xf32, #tpu.memory_space<vmem>>, %arg6: memref<128x128xf32, #tpu.memory_space<vmem>>, %arg7: memref<2x128x8x128xf32, #tpu.memory_space<vmem>>, %arg8: memref<2x128x8x128xf32, #tpu.memory_space<vmem>>) attributes {dimension_semantics = [], scalar_prefetch = 0 : i64, scratch_operands = 0 : i64, tpu.core_type = #tpu.core_type<tc>} {
    %get3A = arith.constant 0 : index
    %get3A_0 = arith.constant 0 : index
    %get3A_1 = memref.load %arg0[%get3A, %get3A_0] : memref<1x1xf32, #tpu.memory_space<smem>>
    %get3A_2 = arith.constant 0 : index
    %get3A_3 = arith.constant 0 : index
    %get3A_4 = memref.load %arg1[%get3A_2, %get3A_3] : memref<1x1xf32, #tpu.memory_space<smem>>
    %get3A_5 = arith.constant 0 : index
    %get3A_6 = arith.constant 0 : index
    %get3A_7 = arith.constant 0 : index
    %get3A_8 = vector.load %arg2[%get3A_5, %get3A_6, %get3A_7] : memref<4x128x128xf32, #tpu.memory_space<vmem>>, vector<1x128x128xf32>
    %get3A_9 = vector.shape_cast %get3A_8 : vector<1x128x128xf32> to vector<128x128xf32>
    %get3A_10 = arith.constant 1 : index
    %get3A_11 = arith.constant 0 : index
    %get3A_12 = arith.constant 0 : index
    %get3A_13 = vector.load %arg2[%get3A_10, %get3A_11, %get3A_12] : memref<4x128x128xf32, #tpu.memory_space<vmem>>, vector<1x128x128xf32>
    %get3A_14 = vector.shape_cast %get3A_13 : vector<1x128x128xf32> to vector<128x128xf32>
    %mul3A = arith.mulf %get3A_14, %get3A_14 : vector<128x128xf32>
    %mul3A_15 = arith.mulf %get3A_9, %get3A_9 : vector<128x128xf32>
    %sub3A = vector.broadcast %get3A_1 : f32 to vector<128x128xf32>
    %sub3A_16 = arith.subf %mul3A_15, %sub3A : vector<128x128xf32>
    %swap3A = arith.constant 0 : index
    %swap3A_17 = arith.constant 0 : index
    %swap3A_18 = vector.load %arg3[%swap3A, %swap3A_17] : memref<128x128xf32, #tpu.memory_space<vmem>>, vector<128x128xf32>
    tpu.vector_store %arg3[%swap3A, %swap3A_17], %sub3A_16 {strides = array<i32>} : memref<128x128xf32, #tpu.memory_space<vmem>>, vector<128x128xf32>,
    %swap3A_19 = arith.constant 0 : index
    %swap3A_20 = arith.constant 0 : index
    %swap3A_21 = vector.load %arg4[%swap3A_19, %swap3A_20] : memref<128x128xf32, #tpu.memory_space<vmem>>, vector<128x128xf32>
    tpu.vector_store %arg4[%swap3A_19, %swap3A_20], %mul3A {strides = array<i32>} : memref<128x128xf32, #tpu.memory_space<vmem>>, vector<128x128xf32>,
    %log3A = math.log %mul3A : vector<128x128xf32>
    %mul3A_22 = vector.broadcast %get3A_4 : f32 to vector<128x128xf32>
    %mul3A_23 = arith.mulf %mul3A_22, %log3A : vector<128x128xf32>
    %logistic3A = arith.negf %mul3A_23 : vector<128x128xf32>
    %logistic3A_24 = math.exp %logistic3A : vector<128x128xf32>
    %logistic3A_25 = arith.constant 1.000000e+00 : f32
    %logistic3A_26 = vector.broadcast %logistic3A_25 : f32 to vector<128x128xf32>
    %logistic3A_27 = arith.addf %logistic3A_26, %logistic3A_24 : vector<128x128xf32>
    %logistic3A_28 = arith.divf %logistic3A_26, %logistic3A_27 : vector<128x128xf32>
    %jit3A = arith.constant 1.1920929E-7 : f32
    %jit3A_29 = arith.constant 0.99999988 : f32
    %max3A = vector.broadcast %jit3A : f32 to vector<128x128xf32>
    %max3A_30 = arith.maximumf %max3A, %logistic3A_28 : vector<128x128xf32>
    %min3A = vector.broadcast %jit3A_29 : f32 to vector<128x128xf32>
    %min3A_31 = arith.minimumf %min3A, %max3A_30 : vector<128x128xf32>
    %log3A_32 = math.log %min3A_31 : vector<128x128xf32>
    %neg3A = arith.constant 0.000000e+00 : f32
    %neg3A_33 = vector.broadcast %neg3A : f32 to vector<128x128xf32>
    %neg3A_34 = arith.subf %neg3A_33, %min3A_31 : vector<128x128xf32>
    %log1p3A = math.log1p %neg3A_34 : vector<128x128xf32>
    %sub3A_35 = arith.subf %log3A_32, %log1p3A : vector<128x128xf32>
    %min3A_36 = arith.constant 0.000000e+00 : f32
    %min3A_37 = vector.broadcast %min3A_36 : f32 to vector<128x128xf32>
    %min3A_38 = arith.minimumf %sub3A_35, %min3A_37 : vector<128x128xf32>
    %mul3A_39 = arith.constant 1.000000e+01 : f32
    %mul3A_40 = vector.broadcast %mul3A_39 : f32 to vector<128x128xf32>
    %mul3A_41 = arith.mulf %mul3A_40, %min3A_38 : vector<128x128xf32>
    %exp3A = math.exp %min3A_38 : vector<128x128xf32>
    %neg3A_42 = arith.constant 0.000000e+00 : f32
    %neg3A_43 = vector.broadcast %neg3A_42 : f32 to vector<128x128xf32>
    %neg3A_44 = arith.subf %neg3A_43, %sub3A_35 : vector<128x128xf32>
    %add3A = arith.addf %neg3A_44, %min3A_38 : vector<128x128xf32>
    %exp3A_45 = math.exp %add3A : vector<128x128xf32>
    %add3A_46 = arith.addf %exp3A, %exp3A_45 : vector<128x128xf32>
    %log3A_47 = math.log %add3A_46 : vector<128x128xf32>
    %mul3A_48 = arith.constant 1.000000e+01 : f32
    %mul3A_49 = vector.broadcast %mul3A_48 : f32 to vector<128x128xf32>
    %mul3A_50 = arith.mulf %mul3A_49, %log3A_47 : vector<128x128xf32>
    %sub3A_51 = arith.subf %mul3A_41, %mul3A_50 : vector<128x128xf32>
    %mul3A_52 = arith.constant 0.000000e+00 : f32
    %mul3A_53 = vector.broadcast %mul3A_52 : f32 to vector<128x128xf32>
    %mul3A_54 = arith.mulf %mul3A_53, %sub3A_35 : vector<128x128xf32>
    %add3A_55 = arith.constant 0.000000e+00 : f32
    %add3A_56 = vector.broadcast %add3A_55 : f32 to vector<128x128xf32>
    %add3A_57 = arith.addf %add3A_56, %mul3A_54 : vector<128x128xf32>
    %add3A_58 = arith.addf %add3A_57, %sub3A_51 : vector<128x128xf32>
    %swap3A_59 = arith.constant 0 : index
    %swap3A_60 = arith.constant 0 : index
    %swap3A_61 = arith.constant 0 : index
    %swap3A_62 = arith.constant 0 : index
    %swap3A_63 = vector.load %arg7[%swap3A_59, %swap3A_60, %swap3A_61, %swap3A_62] : memref<2x128x8x128xf32, #tpu.memory_space<vmem>>, vector<1x128x1x128xf32>
    %swap3A_64 = vector.shape_cast %swap3A_63 : vector<1x128x1x128xf32> to vector<128x128xf32>
    %swap3A_65 = vector.shape_cast %add3A_58 : vector<128x128xf32> to vector<1x128x1x128xf32>
    tpu.vector_store %arg7[%swap3A_59, %swap3A_60, %swap3A_61, %swap3A_62], %swap3A_65 {strides = array<i32>} : memref<2x128x8x128xf32, #tpu.memory_space<vmem>>, vector<1x128x1x128xf32>,
    %mul3A_66 = arith.constant 1.000000e+00 : f32
    %mul3A_67 = vector.broadcast %mul3A_66 : f32 to vector<128x128xf32>
    %mul3A_68 = arith.mulf %mul3A_67, %sub3A_35 : vector<128x128xf32>
    %add3A_69 = arith.constant 2.30258512 : f32
    %add3A_70 = vector.broadcast %add3A_69 : f32 to vector<128x128xf32>
    %add3A_71 = arith.addf %add3A_70, %mul3A_68 : vector<128x128xf32>
    %add3A_72 = arith.addf %add3A_71, %sub3A_51 : vector<128x128xf32>
    %swap3A_73 = arith.constant 0 : index
    %swap3A_74 = arith.constant 0 : index
    %swap3A_75 = arith.constant 1 : index
    %swap3A_76 = arith.constant 0 : index
    %swap3A_77 = vector.load %arg7[%swap3A_73, %swap3A_74, %swap3A_75, %swap3A_76] : memref<2x128x8x128xf32, #tpu.memory_space<vmem>>, vector<1x128x1x128xf32>
    %swap3A_78 = vector.shape_cast %swap3A_77 : vector<1x128x1x128xf32> to vector<128x128xf32>
    %swap3A_79 = vector.shape_cast %add3A_72 : vector<128x128xf32> to vector<1x128x1x128xf32>
    tpu.vector_store %arg7[%swap3A_73, %swap3A_74, %swap3A_75, %swap3A_76], %swap3A_79 {strides = array<i32>} : memref<2x128x8x128xf32, #tpu.memory_space<vmem>>, vector<1x128x1x128xf32>,
    %mul3A_80 = arith.constant 2.000000e+00 : f32
    %mul3A_81 = vector.broadcast %mul3A_80 : f32 to vector<128x128xf32>
    %mul3A_82 = arith.mulf %mul3A_81, %sub3A_35 : vector<128x128xf32>
    %add3A_83 = arith.constant 3.80666256 : f32
    %add3A_84 = vector.broadcast %add3A_83 : f32 to vector<128x128xf32>
    %add3A_85 = arith.addf %add3A_84, %mul3A_82 : vector<128x128xf32>
    %add3A_86 = arith.addf %add3A_85, %sub3A_51 : vector<128x128xf32>
    %swap3A_87 = arith.constant 0 : index
    %swap3A_88 = arith.constant 0 : index
    %swap3A_89 = arith.constant 2 : index
    %swap3A_90 = arith.constant 0 : index
    %swap3A_91 = vector.load %arg7[%swap3A_87, %swap3A_88, %swap3A_89, %swap3A_90] : memref<2x128x8x128xf32, #tpu.memory_space<vmem>>, vector<1x128x1x128xf32>
    %swap3A_92 = vector.shape_cast %swap3A_91 : vector<1x128x1x128xf32> to vector<128x128xf32>
    %swap3A_93 = vector.shape_cast %add3A_86 : vector<128x128xf32> to vector<1x128x1x128xf32>
    tpu.vector_store %arg7[%swap3A_87, %swap3A_88, %swap3A_89, %swap3A_90], %swap3A_93 {strides = array<i32>} : memref<2x128x8x128xf32, #tpu.memory_space<vmem>>, vector<1x128x1x128xf32>,
    %mul3A_94 = arith.constant 3.000000e+00 : f32
    %mul3A_95 = vector.broadcast %mul3A_94 : f32 to vector<128x128xf32>
    %mul3A_96 = arith.mulf %mul3A_95, %sub3A_35 : vector<128x128xf32>
    %add3A_97 = arith.constant 4.7874918 : f32
    %add3A_98 = vector.broadcast %add3A_97 : f32 to vector<128x128xf32>
    %add3A_99 = arith.addf %add3A_98, %mul3A_96 : vector<128x128xf32>
    %add3A_100 = arith.addf %add3A_99, %sub3A_51 : vector<128x128xf32>
    %swap3A_101 = arith.constant 0 : index
    %swap3A_102 = arith.constant 0 : index
    %swap3A_103 = arith.constant 3 : index
    %swap3A_104 = arith.constant 0 : index
    %swap3A_105 = vector.load %arg7[%swap3A_101, %swap3A_102, %swap3A_103, %swap3A_104] : memref<2x128x8x128xf32, #tpu.memory_space<vmem>>, vector<1x128x1x128xf32>
    %swap3A_106 = vector.shape_cast %swap3A_105 : vector<1x128x1x128xf32> to vector<128x128xf32>
    %swap3A_107 = vector.shape_cast %add3A_100 : vector<128x128xf32> to vector<1x128x1x128xf32>
    tpu.vector_store %arg7[%swap3A_101, %swap3A_102, %swap3A_103, %swap3A_104], %swap3A_107 {strides = array<i32>} : memref<2x128x8x128xf32, #tpu.memory_space<vmem>>, vector<1x128x1x128xf32>,
    %mul3A_108 = arith.constant 4.000000e+00 : f32
    %mul3A_109 = vector.broadcast %mul3A_108 : f32 to vector<128x128xf32>
    %mul3A_110 = arith.mulf %mul3A_109, %sub3A_35 : vector<128x128xf32>
    %add3A_111 = arith.constant 5.34710741 : f32
    %add3A_112 = vector.broadcast %add3A_111 : f32 to vector<128x128xf32>
    %add3A_113 = arith.addf %add3A_112, %mul3A_110 : vector<128x128xf32>
    %add3A_114 = arith.addf %add3A_113, %sub3A_51 : vector<128x128xf32>
    %swap3A_115 = arith.constant 0 : index
    %swap3A_116 = arith.constant 0 : index
    %swap3A_117 = arith.constant 4 : index
    %swap3A_118 = arith.constant 0 : index
    %swap3A_119 = vector.load %arg7[%swap3A_115, %swap3A_116, %swap3A_117, %swap3A_118] : memref<2x128x8x128xf32, #tpu.memory_space<vmem>>, vector<1x128x1x128xf32>
    %swap3A_120 = vector.shape_cast %swap3A_119 : vector<1x128x1x128xf32> to vector<128x128xf32>
    %swap3A_121 = vector.shape_cast %add3A_114 : vector<128x128xf32> to vector<1x128x1x128xf32>
    tpu.vector_store %arg7[%swap3A_115, %swap3A_116, %swap3A_117, %swap3A_118], %swap3A_121 {strides = array<i32>} : memref<2x128x8x128xf32, #tpu.memory_space<vmem>>, vector<1x128x1x128xf32>,
    %mul3A_122 = arith.constant 5.000000e+00 : f32
    %mul3A_123 = vector.broadcast %mul3A_122 : f32 to vector<128x128xf32>
    %mul3A_124 = arith.mulf %mul3A_123, %sub3A_35 : vector<128x128xf32>
    %add3A_125 = arith.constant 5.52942896 : f32
    %add3A_126 = vector.broadcast %add3A_125 : f32 to vector<128x128xf32>
    %add3A_127 = arith.addf %add3A_126, %mul3A_124 : vector<128x128xf32>
    %add3A_128 = arith.addf %add3A_127, %sub3A_51 : vector<128x128xf32>
    %swap3A_129 = arith.constant 0 : index
    %swap3A_130 = arith.constant 0 : index
    %swap3A_131 = arith.constant 5 : index
    %swap3A_132 = arith.constant 0 : index
    %swap3A_133 = vector.load %arg7[%swap3A_129, %swap3A_130, %swap3A_131, %swap3A_132] : memref<2x128x8x128xf32, #tpu.memory_space<vmem>>, vector<1x128x1x128xf32>
    %swap3A_134 = vector.shape_cast %swap3A_133 : vector<1x128x1x128xf32> to vector<128x128xf32>
    %swap3A_135 = vector.shape_cast %add3A_128 : vector<128x128xf32> to vector<1x128x1x128xf32>
    tpu.vector_store %arg7[%swap3A_129, %swap3A_130, %swap3A_131, %swap3A_132], %swap3A_135 {strides = array<i32>} : memref<2x128x8x128xf32, #tpu.memory_space<vmem>>, vector<1x128x1x128xf32>,
    %mul3A_136 = arith.constant 6.000000e+00 : f32
    %mul3A_137 = vector.broadcast %mul3A_136 : f32 to vector<128x128xf32>
    %mul3A_138 = arith.mulf %mul3A_137, %sub3A_35 : vector<128x128xf32>
    %add3A_139 = arith.constant 5.34710741 : f32
    %add3A_140 = vector.broadcast %add3A_139 : f32 to vector<128x128xf32>
    %add3A_141 = arith.addf %add3A_140, %mul3A_138 : vector<128x128xf32>
    %add3A_142 = arith.addf %add3A_141, %sub3A_51 : vector<128x128xf32>
    %swap3A_143 = arith.constant 0 : index
    %swap3A_144 = arith.constant 0 : index
    %swap3A_145 = arith.constant 6 : index
    %swap3A_146 = arith.constant 0 : index
    %swap3A_147 = vector.load %arg7[%swap3A_143, %swap3A_144, %swap3A_145, %swap3A_146] : memref<2x128x8x128xf32, #tpu.memory_space<vmem>>, vector<1x128x1x128xf32>
    %swap3A_148 = vector.shape_cast %swap3A_147 : vector<1x128x1x128xf32> to vector<128x128xf32>
    %swap3A_149 = vector.shape_cast %add3A_142 : vector<128x128xf32> to vector<1x128x1x128xf32>
    tpu.vector_store %arg7[%swap3A_143, %swap3A_144, %swap3A_145, %swap3A_146], %swap3A_149 {strides = array<i32>} : memref<2x128x8x128xf32, #tpu.memory_space<vmem>>, vector<1x128x1x128xf32>,
    %mul3A_150 = arith.constant 7.000000e+00 : f32
    %mul3A_151 = vector.broadcast %mul3A_150 : f32 to vector<128x128xf32>
    %mul3A_152 = arith.mulf %mul3A_151, %sub3A_35 : vector<128x128xf32>
    %add3A_153 = arith.constant 4.7874918 : f32
    %add3A_154 = vector.broadcast %add3A_153 : f32 to vector<128x128xf32>
    %add3A_155 = arith.addf %add3A_154, %mul3A_152 : vector<128x128xf32>
    %add3A_156 = arith.addf %add3A_155, %sub3A_51 : vector<128x128xf32>
    %swap3A_157 = arith.constant 0 : index
    %swap3A_158 = arith.constant 0 : index
    %swap3A_159 = arith.constant 7 : index
    %swap3A_160 = arith.constant 0 : index
    %swap3A_161 = vector.load %arg7[%swap3A_157, %swap3A_158, %swap3A_159, %swap3A_160] : memref<2x128x8x128xf32, #tpu.memory_space<vmem>>, vector<1x128x1x128xf32>
    %swap3A_162 = vector.shape_cast %swap3A_161 : vector<1x128x1x128xf32> to vector<128x128xf32>
    %swap3A_163 = vector.shape_cast %add3A_156 : vector<128x128xf32> to vector<1x128x1x128xf32>
    tpu.vector_store %arg7[%swap3A_157, %swap3A_158, %swap3A_159, %swap3A_160], %swap3A_163 {strides = array<i32>} : memref<2x128x8x128xf32, #tpu.memory_space<vmem>>, vector<1x128x1x128xf32>,
    %mul3A_164 = arith.constant 8.000000e+00 : f32
    %mul3A_165 = vector.broadcast %mul3A_164 : f32 to vector<128x128xf32>
    %mul3A_166 = arith.mulf %mul3A_165, %sub3A_35 : vector<128x128xf32>
    %add3A_167 = arith.constant 3.80666256 : f32
    %add3A_168 = vector.broadcast %add3A_167 : f32 to vector<128x128xf32>
    %add3A_169 = arith.addf %add3A_168, %mul3A_166 : vector<128x128xf32>
    %add3A_170 = arith.addf %add3A_169, %sub3A_51 : vector<128x128xf32>
    %swap3A_171 = arith.constant 1 : index
    %swap3A_172 = arith.constant 0 : index
    %swap3A_173 = arith.constant 0 : index
    %swap3A_174 = arith.constant 0 : index
    %swap3A_175 = vector.load %arg7[%swap3A_171, %swap3A_172, %swap3A_173, %swap3A_174] : memref<2x128x8x128xf32, #tpu.memory_space<vmem>>, vector<1x128x1x128xf32>
    %swap3A_176 = vector.shape_cast %swap3A_175 : vector<1x128x1x128xf32> to vector<128x128xf32>
    %swap3A_177 = vector.shape_cast %add3A_170 : vector<128x128xf32> to vector<1x128x1x128xf32>
    tpu.vector_store %arg7[%swap3A_171, %swap3A_172, %swap3A_173, %swap3A_174], %swap3A_177 {strides = array<i32>} : memref<2x128x8x128xf32, #tpu.memory_space<vmem>>, vector<1x128x1x128xf32>,
    %mul3A_178 = arith.constant 9.000000e+00 : f32
    %mul3A_179 = vector.broadcast %mul3A_178 : f32 to vector<128x128xf32>
    %mul3A_180 = arith.mulf %mul3A_179, %sub3A_35 : vector<128x128xf32>
    %add3A_181 = arith.constant 2.30258512 : f32
    %add3A_182 = vector.broadcast %add3A_181 : f32 to vector<128x128xf32>
    %add3A_183 = arith.addf %add3A_182, %mul3A_180 : vector<128x128xf32>
    %add3A_184 = arith.addf %add3A_183, %sub3A_51 : vector<128x128xf32>
    %swap3A_185 = arith.constant 1 : index
    %swap3A_186 = arith.constant 0 : index
    %swap3A_187 = arith.constant 1 : index
    %swap3A_188 = arith.constant 0 : index
    %swap3A_189 = vector.load %arg7[%swap3A_185, %swap3A_186, %swap3A_187, %swap3A_188] : memref<2x128x8x128xf32, #tpu.memory_space<vmem>>, vector<1x128x1x128xf32>
    %swap3A_190 = vector.shape_cast %swap3A_189 : vector<1x128x1x128xf32> to vector<128x128xf32>
    %swap3A_191 = vector.shape_cast %add3A_184 : vector<128x128xf32> to vector<1x128x1x128xf32>
    tpu.vector_store %arg7[%swap3A_185, %swap3A_186, %swap3A_187, %swap3A_188], %swap3A_191 {strides = array<i32>} : memref<2x128x8x128xf32, #tpu.memory_space<vmem>>, vector<1x128x1x128xf32>,
    %mul3A_192 = arith.constant 1.000000e+01 : f32
    %mul3A_193 = vector.broadcast %mul3A_192 : f32 to vector<128x128xf32>
    %mul3A_194 = arith.mulf %mul3A_193, %sub3A_35 : vector<128x128xf32>
    %add3A_195 = arith.constant 0.000000e+00 : f32
    %add3A_196 = vector.broadcast %add3A_195 : f32 to vector<128x128xf32>
    %add3A_197 = arith.addf %add3A_196, %mul3A_194 : vector<128x128xf32>
    %add3A_198 = arith.addf %add3A_197, %sub3A_51 : vector<128x128xf32>
    %swap3A_199 = arith.constant 1 : index
    %swap3A_200 = arith.constant 0 : index
    %swap3A_201 = arith.constant 2 : index
    %swap3A_202 = arith.constant 0 : index
    %swap3A_203 = vector.load %arg7[%swap3A_199, %swap3A_200, %swap3A_201, %swap3A_202] : memref<2x128x8x128xf32, #tpu.memory_space<vmem>>, vector<1x128x1x128xf32>
    %swap3A_204 = vector.shape_cast %swap3A_203 : vector<1x128x1x128xf32> to vector<128x128xf32>
    %swap3A_205 = vector.shape_cast %add3A_198 : vector<128x128xf32> to vector<1x128x1x128xf32>
    tpu.vector_store %arg7[%swap3A_199, %swap3A_200, %swap3A_201, %swap3A_202], %swap3A_205 {strides = array<i32>} : memref<2x128x8x128xf32, #tpu.memory_space<vmem>>, vector<1x128x1x128xf32>,
    %broadcast_in_dim3A = arith.constant 0.000000e+00 : f32
    %broadcast_in_dim3A_206 = vector.broadcast %broadcast_in_dim3A : f32 to vector<128x128xf32>
    %swap3A_207 = arith.constant 1 : index
    %swap3A_208 = arith.constant 0 : index
    %swap3A_209 = arith.constant 3 : index
    %swap3A_210 = arith.constant 0 : index
    %swap3A_211 = vector.load %arg7[%swap3A_207, %swap3A_208, %swap3A_209, %swap3A_210] : memref<2x128x8x128xf32, #tpu.memory_space<vmem>>, vector<1x128x1x128xf32>
    %swap3A_212 = vector.shape_cast %swap3A_211 : vector<1x128x1x128xf32> to vector<128x128xf32>
    %swap3A_213 = vector.shape_cast %broadcast_in_dim3A_206 : vector<128x128xf32> to vector<1x128x1x128xf32>
    tpu.vector_store %arg7[%swap3A_207, %swap3A_208, %swap3A_209, %swap3A_210], %swap3A_213 {strides = array<i32>} : memref<2x128x8x128xf32, #tpu.memory_space<vmem>>, vector<1x128x1x128xf32>,
    %broadcast_in_dim3A_214 = arith.constant 0.000000e+00 : f32
    %broadcast_in_dim3A_215 = vector.broadcast %broadcast_in_dim3A_214 : f32 to vector<128x128xf32>
    %swap3A_216 = arith.constant 1 : index
    %swap3A_217 = arith.constant 0 : index
    %swap3A_218 = arith.constant 4 : index
    %swap3A_219 = arith.constant 0 : index
    %swap3A_220 = vector.load %arg7[%swap3A_216, %swap3A_217, %swap3A_218, %swap3A_219] : memref<2x128x8x128xf32, #tpu.memory_space<vmem>>, vector<1x128x1x128xf32>
    %swap3A_221 = vector.shape_cast %swap3A_220 : vector<1x128x1x128xf32> to vector<128x128xf32>
    %swap3A_222 = vector.shape_cast %broadcast_in_dim3A_215 : vector<128x128xf32> to vector<1x128x1x128xf32>
    tpu.vector_store %arg7[%swap3A_216, %swap3A_217, %swap3A_218, %swap3A_219], %swap3A_222 {strides = array<i32>} : memref<2x128x8x128xf32, #tpu.memory_space<vmem>>, vector<1x128x1x128xf32>,
    %broadcast_in_dim3A_223 = arith.constant 0.000000e+00 : f32
    %broadcast_in_dim3A_224 = vector.broadcast %broadcast_in_dim3A_223 : f32 to vector<128x128xf32>
    %swap3A_225 = arith.constant 1 : index
    %swap3A_226 = arith.constant 0 : index
    %swap3A_227 = arith.constant 5 : index
    %swap3A_228 = arith.constant 0 : index
    %swap3A_229 = vector.load %arg7[%swap3A_225, %swap3A_226, %swap3A_227, %swap3A_228] : memref<2x128x8x128xf32, #tpu.memory_space<vmem>>, vector<1x128x1x128xf32>
    %swap3A_230 = vector.shape_cast %swap3A_229 : vector<1x128x1x128xf32> to vector<128x128xf32>
    %swap3A_231 = vector.shape_cast %broadcast_in_dim3A_224 : vector<128x128xf32> to vector<1x128x1x128xf32>
    tpu.vector_store %arg7[%swap3A_225, %swap3A_226, %swap3A_227, %swap3A_228], %swap3A_231 {strides = array<i32>} : memref<2x128x8x128xf32, #tpu.memory_space<vmem>>, vector<1x128x1x128xf32>,
    %broadcast_in_dim3A_232 = arith.constant 0.000000e+00 : f32
    %broadcast_in_dim3A_233 = vector.broadcast %broadcast_in_dim3A_232 : f32 to vector<128x128xf32>
    %swap3A_234 = arith.constant 1 : index
    %swap3A_235 = arith.constant 0 : index
    %swap3A_236 = arith.constant 6 : index
    %swap3A_237 = arith.constant 0 : index
    %swap3A_238 = vector.load %arg7[%swap3A_234, %swap3A_235, %swap3A_236, %swap3A_237] : memref<2x128x8x128xf32, #tpu.memory_space<vmem>>, vector<1x128x1x128xf32>
    %swap3A_239 = vector.shape_cast %swap3A_238 : vector<1x128x1x128xf32> to vector<128x128xf32>
    %swap3A_240 = vector.shape_cast %broadcast_in_dim3A_233 : vector<128x128xf32> to vector<1x128x1x128xf32>
    tpu.vector_store %arg7[%swap3A_234, %swap3A_235, %swap3A_236, %swap3A_237], %swap3A_240 {strides = array<i32>} : memref<2x128x8x128xf32, #tpu.memory_space<vmem>>, vector<1x128x1x128xf32>,
    %broadcast_in_dim3A_241 = arith.constant 0.000000e+00 : f32
    %broadcast_in_dim3A_242 = vector.broadcast %broadcast_in_dim3A_241 : f32 to vector<128x128xf32>
    %swap3A_243 = arith.constant 1 : index
    %swap3A_244 = arith.constant 0 : index
    %swap3A_245 = arith.constant 7 : index
    %swap3A_246 = arith.constant 0 : index
    %swap3A_247 = vector.load %arg7[%swap3A_243, %swap3A_244, %swap3A_245, %swap3A_246] : memref<2x128x8x128xf32, #tpu.memory_space<vmem>>, vector<1x128x1x128xf32>
    %swap3A_248 = vector.shape_cast %swap3A_247 : vector<1x128x1x128xf32> to vector<128x128xf32>
    %swap3A_249 = vector.shape_cast %broadcast_in_dim3A_242 : vector<128x128xf32> to vector<1x128x1x128xf32>
    tpu.vector_store %arg7[%swap3A_243, %swap3A_244, %swap3A_245, %swap3A_246], %swap3A_249 {strides = array<i32>} : memref<2x128x8x128xf32, #tpu.memory_space<vmem>>, vector<1x128x1x128xf32>,
    %get3A_250 = arith.constant 2 : index
    %get3A_251 = arith.constant 0 : index
    %get3A_252 = arith.constant 0 : index
    %get3A_253 = vector.load %arg2[%get3A_250, %get3A_251, %get3A_252] : memref<4x128x128xf32, #tpu.memory_space<vmem>>, vector<1x128x128xf32>
    %get3A_254 = vector.shape_cast %get3A_253 : vector<1x128x128xf32> to vector<128x128xf32>
    %get3A_255 = arith.constant 3 : index
    %get3A_256 = arith.constant 0 : index
    %get3A_257 = arith.constant 0 : index
    %get3A_258 = vector.load %arg2[%get3A_255, %get3A_256, %get3A_257] : memref<4x128x128xf32, #tpu.memory_space<vmem>>, vector<1x128x128xf32>
    %get3A_259 = vector.shape_cast %get3A_258 : vector<1x128x128xf32> to vector<128x128xf32>
    %mul3A_260 = arith.mulf %get3A_259, %get3A_259 : vector<128x128xf32>
    %mul3A_261 = arith.mulf %get3A_254, %get3A_254 : vector<128x128xf32>
    %sub3A_262 = vector.broadcast %get3A_1 : f32 to vector<128x128xf32>
    %sub3A_263 = arith.subf %mul3A_261, %sub3A_262 : vector<128x128xf32>
    %swap3A_264 = arith.constant 0 : index
    %swap3A_265 = arith.constant 0 : index
    %swap3A_266 = vector.load %arg5[%swap3A_264, %swap3A_265] : memref<128x128xf32, #tpu.memory_space<vmem>>, vector<128x128xf32>
    tpu.vector_store %arg5[%swap3A_264, %swap3A_265], %sub3A_263 {strides = array<i32>} : memref<128x128xf32, #tpu.memory_space<vmem>>, vector<128x128xf32>,
    %swap3A_267 = arith.constant 0 : index
    %swap3A_268 = arith.constant 0 : index
    %swap3A_269 = vector.load %arg6[%swap3A_267, %swap3A_268] : memref<128x128xf32, #tpu.memory_space<vmem>>, vector<128x128xf32>
    tpu.vector_store %arg6[%swap3A_267, %swap3A_268], %mul3A_260 {strides = array<i32>} : memref<128x128xf32, #tpu.memory_space<vmem>>, vector<128x128xf32>,
    %log3A_270 = math.log %mul3A_260 : vector<128x128xf32>
    %mul3A_271 = vector.broadcast %get3A_4 : f32 to vector<128x128xf32>
    %mul3A_272 = arith.mulf %mul3A_271, %log3A_270 : vector<128x128xf32>
    %logistic3A_273 = arith.negf %mul3A_272 : vector<128x128xf32>
    %logistic3A_274 = math.exp %logistic3A_273 : vector<128x128xf32>
    %logistic3A_275 = arith.constant 1.000000e+00 : f32
    %logistic3A_276 = vector.broadcast %logistic3A_275 : f32 to vector<128x128xf32>
    %logistic3A_277 = arith.addf %logistic3A_276, %logistic3A_274 : vector<128x128xf32>
    %logistic3A_278 = arith.divf %logistic3A_276, %logistic3A_277 : vector<128x128xf32>
    %jit3A_279 = arith.constant 1.1920929E-7 : f32
    %jit3A_280 = arith.constant 0.99999988 : f32
    %max3A_281 = vector.broadcast %jit3A_279 : f32 to vector<128x128xf32>
    %max3A_282 = arith.maximumf %max3A_281, %logistic3A_278 : vector<128x128xf32>
    %min3A_283 = vector.broadcast %jit3A_280 : f32 to vector<128x128xf32>
    %min3A_284 = arith.minimumf %min3A_283, %max3A_282 : vector<128x128xf32>
    %log3A_285 = math.log %min3A_284 : vector<128x128xf32>
    %neg3A_286 = arith.constant 0.000000e+00 : f32
    %neg3A_287 = vector.broadcast %neg3A_286 : f32 to vector<128x128xf32>
    %neg3A_288 = arith.subf %neg3A_287, %min3A_284 : vector<128x128xf32>
    %log1p3A_289 = math.log1p %neg3A_288 : vector<128x128xf32>
    %sub3A_290 = arith.subf %log3A_285, %log1p3A_289 : vector<128x128xf32>
    %min3A_291 = arith.constant 0.000000e+00 : f32
    %min3A_292 = vector.broadcast %min3A_291 : f32 to vector<128x128xf32>
    %min3A_293 = arith.minimumf %sub3A_290, %min3A_292 : vector<128x128xf32>
    %mul3A_294 = arith.constant 1.000000e+01 : f32
    %mul3A_295 = vector.broadcast %mul3A_294 : f32 to vector<128x128xf32>
    %mul3A_296 = arith.mulf %mul3A_295, %min3A_293 : vector<128x128xf32>
    %exp3A_297 = math.exp %min3A_293 : vector<128x128xf32>
    %neg3A_298 = arith.constant 0.000000e+00 : f32
    %neg3A_299 = vector.broadcast %neg3A_298 : f32 to vector<128x128xf32>
    %neg3A_300 = arith.subf %neg3A_299, %sub3A_290 : vector<128x128xf32>
    %add3A_301 = arith.addf %neg3A_300, %min3A_293 : vector<128x128xf32>
    %exp3A_302 = math.exp %add3A_301 : vector<128x128xf32>
    %add3A_303 = arith.addf %exp3A_297, %exp3A_302 : vector<128x128xf32>
    %log3A_304 = math.log %add3A_303 : vector<128x128xf32>
    %mul3A_305 = arith.constant 1.000000e+01 : f32
    %mul3A_306 = vector.broadcast %mul3A_305 : f32 to vector<128x128xf32>
    %mul3A_307 = arith.mulf %mul3A_306, %log3A_304 : vector<128x128xf32>
    %sub3A_308 = arith.subf %mul3A_296, %mul3A_307 : vector<128x128xf32>
    %mul3A_309 = arith.constant 0.000000e+00 : f32
    %mul3A_310 = vector.broadcast %mul3A_309 : f32 to vector<128x128xf32>
    %mul3A_311 = arith.mulf %mul3A_310, %sub3A_290 : vector<128x128xf32>
    %add3A_312 = arith.constant 0.000000e+00 : f32
    %add3A_313 = vector.broadcast %add3A_312 : f32 to vector<128x128xf32>
    %add3A_314 = arith.addf %add3A_313, %mul3A_311 : vector<128x128xf32>
    %add3A_315 = arith.addf %add3A_314, %sub3A_308 : vector<128x128xf32>
    %swap3A_316 = arith.constant 0 : index
    %swap3A_317 = arith.constant 0 : index
    %swap3A_318 = arith.constant 0 : index
    %swap3A_319 = arith.constant 0 : index
    %swap3A_320 = vector.load %arg8[%swap3A_316, %swap3A_317, %swap3A_318, %swap3A_319] : memref<2x128x8x128xf32, #tpu.memory_space<vmem>>, vector<1x128x1x128xf32>
    %swap3A_321 = vector.shape_cast %swap3A_320 : vector<1x128x1x128xf32> to vector<128x128xf32>
    %swap3A_322 = vector.shape_cast %add3A_315 : vector<128x128xf32> to vector<1x128x1x128xf32>
    tpu.vector_store %arg8[%swap3A_316, %swap3A_317, %swap3A_318, %swap3A_319], %swap3A_322 {strides = array<i32>} : memref<2x128x8x128xf32, #tpu.memory_space<vmem>>, vector<1x128x1x128xf32>,
    %mul3A_323 = arith.constant 1.000000e+00 : f32
    %mul3A_324 = vector.broadcast %mul3A_323 : f32 to vector<128x128xf32>
    %mul3A_325 = arith.mulf %mul3A_324, %sub3A_290 : vector<128x128xf32>
    %add3A_326 = arith.constant 2.30258512 : f32
    %add3A_327 = vector.broadcast %add3A_326 : f32 to vector<128x128xf32>
    %add3A_328 = arith.addf %add3A_327, %mul3A_325 : vector<128x128xf32>
    %add3A_329 = arith.addf %add3A_328, %sub3A_308 : vector<128x128xf32>
    %swap3A_330 = arith.constant 0 : index
    %swap3A_331 = arith.constant 0 : index
    %swap3A_332 = arith.constant 1 : index
    %swap3A_333 = arith.constant 0 : index
    %swap3A_334 = vector.load %arg8[%swap3A_330, %swap3A_331, %swap3A_332, %swap3A_333] : memref<2x128x8x128xf32, #tpu.memory_space<vmem>>, vector<1x128x1x128xf32>
    %swap3A_335 = vector.shape_cast %swap3A_334 : vector<1x128x1x128xf32> to vector<128x128xf32>
    %swap3A_336 = vector.shape_cast %add3A_329 : vector<128x128xf32> to vector<1x128x1x128xf32>
    tpu.vector_store %arg8[%swap3A_330, %swap3A_331, %swap3A_332, %swap3A_333], %swap3A_336 {strides = array<i32>} : memref<2x128x8x128xf32, #tpu.memory_space<vmem>>, vector<1x128x1x128xf32>,
    %mul3A_337 = arith.constant 2.000000e+00 : f32
    %mul3A_338 = vector.broadcast %mul3A_337 : f32 to vector<128x128xf32>
    %mul3A_339 = arith.mulf %mul3A_338, %sub3A_290 : vector<128x128xf32>
    %add3A_340 = arith.constant 3.80666256 : f32
    %add3A_341 = vector.broadcast %add3A_340 : f32 to vector<128x128xf32>
    %add3A_342 = arith.addf %add3A_341, %mul3A_339 : vector<128x128xf32>
    %add3A_343 = arith.addf %add3A_342, %sub3A_308 : vector<128x128xf32>
    %swap3A_344 = arith.constant 0 : index
    %swap3A_345 = arith.constant 0 : index
    %swap3A_346 = arith.constant 2 : index
    %swap3A_347 = arith.constant 0 : index
    %swap3A_348 = vector.load %arg8[%swap3A_344, %swap3A_345, %swap3A_346, %swap3A_347] : memref<2x128x8x128xf32, #tpu.memory_space<vmem>>, vector<1x128x1x128xf32>
    %swap3A_349 = vector.shape_cast %swap3A_348 : vector<1x128x1x128xf32> to vector<128x128xf32>
    %swap3A_350 = vector.shape_cast %add3A_343 : vector<128x128xf32> to vector<1x128x1x128xf32>
    tpu.vector_store %arg8[%swap3A_344, %swap3A_345, %swap3A_346, %swap3A_347], %swap3A_350 {strides = array<i32>} : memref<2x128x8x128xf32, #tpu.memory_space<vmem>>, vector<1x128x1x128xf32>,
    %mul3A_351 = arith.constant 3.000000e+00 : f32
    %mul3A_352 = vector.broadcast %mul3A_351 : f32 to vector<128x128xf32>
    %mul3A_353 = arith.mulf %mul3A_352, %sub3A_290 : vector<128x128xf32>
    %add3A_354 = arith.constant 4.7874918 : f32
    %add3A_355 = vector.broadcast %add3A_354 : f32 to vector<128x128xf32>
    %add3A_356 = arith.addf %add3A_355, %mul3A_353 : vector<128x128xf32>
    %add3A_357 = arith.addf %add3A_356, %sub3A_308 : vector<128x128xf32>
    %swap3A_358 = arith.constant 0 : index
    %swap3A_359 = arith.constant 0 : index
    %swap3A_360 = arith.constant 3 : index
    %swap3A_361 = arith.constant 0 : index
    %swap3A_362 = vector.load %arg8[%swap3A_358, %swap3A_359, %swap3A_360, %swap3A_361] : memref<2x128x8x128xf32, #tpu.memory_space<vmem>>, vector<1x128x1x128xf32>
    %swap3A_363 = vector.shape_cast %swap3A_362 : vector<1x128x1x128xf32> to vector<128x128xf32>
    %swap3A_364 = vector.shape_cast %add3A_357 : vector<128x128xf32> to vector<1x128x1x128xf32>
    tpu.vector_store %arg8[%swap3A_358, %swap3A_359, %swap3A_360, %swap3A_361], %swap3A_364 {strides = array<i32>} : memref<2x128x8x128xf32, #tpu.memory_space<vmem>>, vector<1x128x1x128xf32>,
    %mul3A_365 = arith.constant 4.000000e+00 : f32
    %mul3A_366 = vector.broadcast %mul3A_365 : f32 to vector<128x128xf32>
    %mul3A_367 = arith.mulf %mul3A_366, %sub3A_290 : vector<128x128xf32>
    %add3A_368 = arith.constant 5.34710741 : f32
    %add3A_369 = vector.broadcast %add3A_368 : f32 to vector<128x128xf32>
    %add3A_370 = arith.addf %add3A_369, %mul3A_367 : vector<128x128xf32>
    %add3A_371 = arith.addf %add3A_370, %sub3A_308 : vector<128x128xf32>
    %swap3A_372 = arith.constant 0 : index
    %swap3A_373 = arith.constant 0 : index
    %swap3A_374 = arith.constant 4 : index
    %swap3A_375 = arith.constant 0 : index
    %swap3A_376 = vector.load %arg8[%swap3A_372, %swap3A_373, %swap3A_374, %swap3A_375] : memref<2x128x8x128xf32, #tpu.memory_space<vmem>>, vector<1x128x1x128xf32>
    %swap3A_377 = vector.shape_cast %swap3A_376 : vector<1x128x1x128xf32> to vector<128x128xf32>
    %swap3A_378 = vector.shape_cast %add3A_371 : vector<128x128xf32> to vector<1x128x1x128xf32>
    tpu.vector_store %arg8[%swap3A_372, %swap3A_373, %swap3A_374, %swap3A_375], %swap3A_378 {strides = array<i32>} : memref<2x128x8x128xf32, #tpu.memory_space<vmem>>, vector<1x128x1x128xf32>,
    %mul3A_379 = arith.constant 5.000000e+00 : f32
    %mul3A_380 = vector.broadcast %mul3A_379 : f32 to vector<128x128xf32>
    %mul3A_381 = arith.mulf %mul3A_380, %sub3A_290 : vector<128x128xf32>
    %add3A_382 = arith.constant 5.52942896 : f32
    %add3A_383 = vector.broadcast %add3A_382 : f32 to vector<128x128xf32>
    %add3A_384 = arith.addf %add3A_383, %mul3A_381 : vector<128x128xf32>
    %add3A_385 = arith.addf %add3A_384, %sub3A_308 : vector<128x128xf32>
    %swap3A_386 = arith.constant 0 : index
    %swap3A_387 = arith.constant 0 : index
    %swap3A_388 = arith.constant 5 : index
    %swap3A_389 = arith.constant 0 : index
    %swap3A_390 = vector.load %arg8[%swap3A_386, %swap3A_387, %swap3A_388, %swap3A_389] : memref<2x128x8x128xf32, #tpu.memory_space<vmem>>, vector<1x128x1x128xf32>
    %swap3A_391 = vector.shape_cast %swap3A_390 : vector<1x128x1x128xf32> to vector<128x128xf32>
    %swap3A_392 = vector.shape_cast %add3A_385 : vector<128x128xf32> to vector<1x128x1x128xf32>
    tpu.vector_store %arg8[%swap3A_386, %swap3A_387, %swap3A_388, %swap3A_389], %swap3A_392 {strides = array<i32>} : memref<2x128x8x128xf32, #tpu.memory_space<vmem>>, vector<1x128x1x128xf32>,
    %mul3A_393 = arith.constant 6.000000e+00 : f32
    %mul3A_394 = vector.broadcast %mul3A_393 : f32 to vector<128x128xf32>
    %mul3A_395 = arith.mulf %mul3A_394, %sub3A_290 : vector<128x128xf32>
    %add3A_396 = arith.constant 5.34710741 : f32
    %add3A_397 = vector.broadcast %add3A_396 : f32 to vector<128x128xf32>
    %add3A_398 = arith.addf %add3A_397, %mul3A_395 : vector<128x128xf32>
    %add3A_399 = arith.addf %add3A_398, %sub3A_308 : vector<128x128xf32>
    %swap3A_400 = arith.constant 0 : index
    %swap3A_401 = arith.constant 0 : index
    %swap3A_402 = arith.constant 6 : index
    %swap3A_403 = arith.constant 0 : index
    %swap3A_404 = vector.load %arg8[%swap3A_400, %swap3A_401, %swap3A_402, %swap3A_403] : memref<2x128x8x128xf32, #tpu.memory_space<vmem>>, vector<1x128x1x128xf32>
    %swap3A_405 = vector.shape_cast %swap3A_404 : vector<1x128x1x128xf32> to vector<128x128xf32>
    %swap3A_406 = vector.shape_cast %add3A_399 : vector<128x128xf32> to vector<1x128x1x128xf32>
    tpu.vector_store %arg8[%swap3A_400, %swap3A_401, %swap3A_402, %swap3A_403], %swap3A_406 {strides = array<i32>} : memref<2x128x8x128xf32, #tpu.memory_space<vmem>>, vector<1x128x1x128xf32>,
    %mul3A_407 = arith.constant 7.000000e+00 : f32
    %mul3A_408 = vector.broadcast %mul3A_407 : f32 to vector<128x128xf32>
    %mul3A_409 = arith.mulf %mul3A_408, %sub3A_290 : vector<128x128xf32>
    %add3A_410 = arith.constant 4.7874918 : f32
    %add3A_411 = vector.broadcast %add3A_410 : f32 to vector<128x128xf32>
    %add3A_412 = arith.addf %add3A_411, %mul3A_409 : vector<128x128xf32>
    %add3A_413 = arith.addf %add3A_412, %sub3A_308 : vector<128x128xf32>
    %swap3A_414 = arith.constant 0 : index
    %swap3A_415 = arith.constant 0 : index
    %swap3A_416 = arith.constant 7 : index
    %swap3A_417 = arith.constant 0 : index
    %swap3A_418 = vector.load %arg8[%swap3A_414, %swap3A_415, %swap3A_416, %swap3A_417] : memref<2x128x8x128xf32, #tpu.memory_space<vmem>>, vector<1x128x1x128xf32>
    %swap3A_419 = vector.shape_cast %swap3A_418 : vector<1x128x1x128xf32> to vector<128x128xf32>
    %swap3A_420 = vector.shape_cast %add3A_413 : vector<128x128xf32> to vector<1x128x1x128xf32>
    tpu.vector_store %arg8[%swap3A_414, %swap3A_415, %swap3A_416, %swap3A_417], %swap3A_420 {strides = array<i32>} : memref<2x128x8x128xf32, #tpu.memory_space<vmem>>, vector<1x128x1x128xf32>,
    %mul3A_421 = arith.constant 8.000000e+00 : f32
    %mul3A_422 = vector.broadcast %mul3A_421 : f32 to vector<128x128xf32>
    %mul3A_423 = arith.mulf %mul3A_422, %sub3A_290 : vector<128x128xf32>
    %add3A_424 = arith.constant 3.80666256 : f32
    %add3A_425 = vector.broadcast %add3A_424 : f32 to vector<128x128xf32>
    %add3A_426 = arith.addf %add3A_425, %mul3A_423 : vector<128x128xf32>
    %add3A_427 = arith.addf %add3A_426, %sub3A_308 : vector<128x128xf32>
    %swap3A_428 = arith.constant 1 : index
    %swap3A_429 = arith.constant 0 : index
    %swap3A_430 = arith.constant 0 : index
    %swap3A_431 = arith.constant 0 : index
    %swap3A_432 = vector.load %arg8[%swap3A_428, %swap3A_429, %swap3A_430, %swap3A_431] : memref<2x128x8x128xf32, #tpu.memory_space<vmem>>, vector<1x128x1x128xf32>
    %swap3A_433 = vector.shape_cast %swap3A_432 : vector<1x128x1x128xf32> to vector<128x128xf32>
    %swap3A_434 = vector.shape_cast %add3A_427 : vector<128x128xf32> to vector<1x128x1x128xf32>
    tpu.vector_store %arg8[%swap3A_428, %swap3A_429, %swap3A_430, %swap3A_431], %swap3A_434 {strides = array<i32>} : memref<2x128x8x128xf32, #tpu.memory_space<vmem>>, vector<1x128x1x128xf32>,
    %mul3A_435 = arith.constant 9.000000e+00 : f32
    %mul3A_436 = vector.broadcast %mul3A_435 : f32 to vector<128x128xf32>
    %mul3A_437 = arith.mulf %mul3A_436, %sub3A_290 : vector<128x128xf32>
    %add3A_438 = arith.constant 2.30258512 : f32
    %add3A_439 = vector.broadcast %add3A_438 : f32 to vector<128x128xf32>
    %add3A_440 = arith.addf %add3A_439, %mul3A_437 : vector<128x128xf32>
    %add3A_441 = arith.addf %add3A_440, %sub3A_308 : vector<128x128xf32>
    %swap3A_442 = arith.constant 1 : index
    %swap3A_443 = arith.constant 0 : index
    %swap3A_444 = arith.constant 1 : index
    %swap3A_445 = arith.constant 0 : index
    %swap3A_446 = vector.load %arg8[%swap3A_442, %swap3A_443, %swap3A_444, %swap3A_445] : memref<2x128x8x128xf32, #tpu.memory_space<vmem>>, vector<1x128x1x128xf32>
    %swap3A_447 = vector.shape_cast %swap3A_446 : vector<1x128x1x128xf32> to vector<128x128xf32>
    %swap3A_448 = vector.shape_cast %add3A_441 : vector<128x128xf32> to vector<1x128x1x128xf32>
    tpu.vector_store %arg8[%swap3A_442, %swap3A_443, %swap3A_444, %swap3A_445], %swap3A_448 {strides = array<i32>} : memref<2x128x8x128xf32, #tpu.memory_space<vmem>>, vector<1x128x1x128xf32>,
    %mul3A_449 = arith.constant 1.000000e+01 : f32
    %mul3A_450 = vector.broadcast %mul3A_449 : f32 to vector<128x128xf32>
    %mul3A_451 = arith.mulf %mul3A_450, %sub3A_290 : vector<128x128xf32>
    %add3A_452 = arith.constant 0.000000e+00 : f32
    %add3A_453 = vector.broadcast %add3A_452 : f32 to vector<128x128xf32>
    %add3A_454 = arith.addf %add3A_453, %mul3A_451 : vector<128x128xf32>
    %add3A_455 = arith.addf %add3A_454, %sub3A_308 : vector<128x128xf32>
    %swap3A_456 = arith.constant 1 : index
    %swap3A_457 = arith.constant 0 : index
    %swap3A_458 = arith.constant 2 : index
    %swap3A_459 = arith.constant 0 : index
    %swap3A_460 = vector.load %arg8[%swap3A_456, %swap3A_457, %swap3A_458, %swap3A_459] : memref<2x128x8x128xf32, #tpu.memory_space<vmem>>, vector<1x128x1x128xf32>
    %swap3A_461 = vector.shape_cast %swap3A_460 : vector<1x128x1x128xf32> to vector<128x128xf32>
    %swap3A_462 = vector.shape_cast %add3A_455 : vector<128x128xf32> to vector<1x128x1x128xf32>
    tpu.vector_store %arg8[%swap3A_456, %swap3A_457, %swap3A_458, %swap3A_459], %swap3A_462 {strides = array<i32>} : memref<2x128x8x128xf32, #tpu.memory_space<vmem>>, vector<1x128x1x128xf32>,
    %broadcast_in_dim3A_463 = arith.constant 0.000000e+00 : f32
    %broadcast_in_dim3A_464 = vector.broadcast %broadcast_in_dim3A_463 : f32 to vector<128x128xf32>
    %swap3A_465 = arith.constant 1 : index
    %swap3A_466 = arith.constant 0 : index
    %swap3A_467 = arith.constant 3 : index
    %swap3A_468 = arith.constant 0 : index
    %swap3A_469 = vector.load %arg8[%swap3A_465, %swap3A_466, %swap3A_467, %swap3A_468] : memref<2x128x8x128xf32, #tpu.memory_space<vmem>>, vector<1x128x1x128xf32>
    %swap3A_470 = vector.shape_cast %swap3A_469 : vector<1x128x1x128xf32> to vector<128x128xf32>
    %swap3A_471 = vector.shape_cast %broadcast_in_dim3A_464 : vector<128x128xf32> to vector<1x128x1x128xf32>
    tpu.vector_store %arg8[%swap3A_465, %swap3A_466, %swap3A_467, %swap3A_468], %swap3A_471 {strides = array<i32>} : memref<2x128x8x128xf32, #tpu.memory_space<vmem>>, vector<1x128x1x128xf32>,
    %broadcast_in_dim3A_472 = arith.constant 0.000000e+00 : f32
    %broadcast_in_dim3A_473 = vector.broadcast %broadcast_in_dim3A_472 : f32 to vector<128x128xf32>
    %swap3A_474 = arith.constant 1 : index
    %swap3A_475 = arith.constant 0 : index
    %swap3A_476 = arith.constant 4 : index
    %swap3A_477 = arith.constant 0 : index
    %swap3A_478 = vector.load %arg8[%swap3A_474, %swap3A_475, %swap3A_476, %swap3A_477] : memref<2x128x8x128xf32, #tpu.memory_space<vmem>>, vector<1x128x1x128xf32>
    %swap3A_479 = vector.shape_cast %swap3A_478 : vector<1x128x1x128xf32> to vector<128x128xf32>
    %swap3A_480 = vector.shape_cast %broadcast_in_dim3A_473 : vector<128x128xf32> to vector<1x128x1x128xf32>
    tpu.vector_store %arg8[%swap3A_474, %swap3A_475, %swap3A_476, %swap3A_477], %swap3A_480 {strides = array<i32>} : memref<2x128x8x128xf32, #tpu.memory_space<vmem>>, vector<1x128x1x128xf32>,
    %broadcast_in_dim3A_481 = arith.constant 0.000000e+00 : f32
    %broadcast_in_dim3A_482 = vector.broadcast %broadcast_in_dim3A_481 : f32 to vector<128x128xf32>
    %swap3A_483 = arith.constant 1 : index
    %swap3A_484 = arith.constant 0 : index
    %swap3A_485 = arith.constant 5 : index
    %swap3A_486 = arith.constant 0 : index
    %swap3A_487 = vector.load %arg8[%swap3A_483, %swap3A_484, %swap3A_485, %swap3A_486] : memref<2x128x8x128xf32, #tpu.memory_space<vmem>>, vector<1x128x1x128xf32>
    %swap3A_488 = vector.shape_cast %swap3A_487 : vector<1x128x1x128xf32> to vector<128x128xf32>
    %swap3A_489 = vector.shape_cast %broadcast_in_dim3A_482 : vector<128x128xf32> to vector<1x128x1x128xf32>
    tpu.vector_store %arg8[%swap3A_483, %swap3A_484, %swap3A_485, %swap3A_486], %swap3A_489 {strides = array<i32>} : memref<2x128x8x128xf32, #tpu.memory_space<vmem>>, vector<1x128x1x128xf32>,
    %broadcast_in_dim3A_490 = arith.constant 0.000000e+00 : f32
    %broadcast_in_dim3A_491 = vector.broadcast %broadcast_in_dim3A_490 : f32 to vector<128x128xf32>
    %swap3A_492 = arith.constant 1 : index
    %swap3A_493 = arith.constant 0 : index
    %swap3A_494 = arith.constant 6 : index
    %swap3A_495 = arith.constant 0 : index
    %swap3A_496 = vector.load %arg8[%swap3A_492, %swap3A_493, %swap3A_494, %swap3A_495] : memref<2x128x8x128xf32, #tpu.memory_space<vmem>>, vector<1x128x1x128xf32>
    %swap3A_497 = vector.shape_cast %swap3A_496 : vector<1x128x1x128xf32> to vector<128x128xf32>
    %swap3A_498 = vector.shape_cast %broadcast_in_dim3A_491 : vector<128x128xf32> to vector<1x128x1x128xf32>
    tpu.vector_store %arg8[%swap3A_492, %swap3A_493, %swap3A_494, %swap3A_495], %swap3A_498 {strides = array<i32>} : memref<2x128x8x128xf32, #tpu.memory_space<vmem>>, vector<1x128x1x128xf32>,
    %broadcast_in_dim3A_499 = arith.constant 0.000000e+00 : f32
    %broadcast_in_dim3A_500 = vector.broadcast %broadcast_in_dim3A_499 : f32 to vector<128x128xf32>
    %swap3A_501 = arith.constant 1 : index
    %swap3A_502 = arith.constant 0 : index
    %swap3A_503 = arith.constant 7 : index
    %swap3A_504 = arith.constant 0 : index
    %swap3A_505 = vector.load %arg8[%swap3A_501, %swap3A_502, %swap3A_503, %swap3A_504] : memref<2x128x8x128xf32, #tpu.memory_space<vmem>>, vector<1x128x1x128xf32>
    %swap3A_506 = vector.shape_cast %swap3A_505 : vector<1x128x1x128xf32> to vector<128x128xf32>
    %swap3A_507 = vector.shape_cast %broadcast_in_dim3A_500 : vector<128x128xf32> to vector<1x128x1x128xf32>
    tpu.vector_store %arg8[%swap3A_501, %swap3A_502, %swap3A_503, %swap3A_504], %swap3A_507 {strides = array<i32>} : memref<2x128x8x128xf32, #tpu.memory_space<vmem>>, vector<1x128x1x128xf32>,
    return
  }
}

</mosaic_0001>

<sc_bundles>
// kernel: kernel.5.cloned.1.call-start
scs
__scs_entry_jumppad:
0x0: {  	(pc) =	sbr.rel $0x88, $3  }
0x1: {  	(tag) =	ssettag $0x0;
	lr =	simm.s32 $0x1  }
0x2: {  	[smem:$0x3F9D] =	sst lr;
	_ =	strace $0xD0000000  }
0x3: {  	_ = 	snop  }
0x4: {  	_ = 	snop  }
0x5: {  	_ = 	snop  }
0x6: {  	_ = 	snop  }
0x7: {  	_ = 	snop  }
__scs_overlays_trampoline_lowered:
0x8: {  	[smem:$0x3FAC] =	sst s0  }
0x9: {  	[smem:$0x3FAD] =	sst s1  }
0xa: {  	[smem:$0x3FAE] =	sst s2  }
0xb: {  	[smem:$0x3FAF] =	sst s3  }
0xc: {  	[smem:$0x3FB0] =	sst s4  }
0xd: {  	[smem:$0x3FB1] =	sst s5  }
0xe: {  	[smem:$0x3FB2] =	sst s6  }
0xf: {  	[smem:$0x3FB3] =	sst s7  }
0x10: {  	[smem:$0x3FB4] =	sst s8  }
0x11: {  	[smem:$0x3FB5] =	sst s9;
	s0 =	simm.s32 @!p0 $0x0  }
0x12: {  	s1 =	sld [smem:$0x3F9B];
	s0 =	simm.s32 @p0 $0x1  }
0x13: {  	[smem:$0x3FB6] =	sst s0;
	s0 =	simm.s32 @!p1 $0x0  }
0x14: {  	s2 =	sld [smem:$0x3F9A];
	s0 =	simm.s32 @p1 $0x1  }
0x15: {  	[smem:$0x3FB7] =	sst s0;
	s0 =	simm.s32 @!p2 $0x0  }
0x16: {  	s3 =	sld [smem:$0x3FDB];
	s0 =	simm.s32 @p2 $0x1  }
0x17: {  	s4 =	simm.s32 $0x1BF5;
	[smem:$0x3FB9] =	sst s0  }
0x18: {  	s0 =	sld [smem:$0x3F9C];
	_ =	swait.ge [sflag:s4], $0x0  }
0x19: {  	s7 =	sld [smem:$0x3F9D]  }
0x1a: {  	s8 =	sadd.s32 $0xFFFFE003, lr  }
0x1b: {  	s9 =	sadd.s32 $0xFFFFFEF7, lr;
	s5 =	simm.s32 $0xFFFFFFFF;
	p2 =	slt.u32 s8, $0xFFFFF086  }
0x1c: {  	p1 =	slt.u32 s9, $0xF7A;
	s5 =	simm.s32 @!p2 $0x0  }
0x1d: {  	s5 =	simm.s32 @p1 $0x1;
	p0 =	seq.s32 s7, s2  }
0x1e: {  	s7 =	smul.u32 @!p0 $0xF7A, s2;
	p2 =	seq.s32 @!p0 s5, $0x0  }
0x1f: {  	s9 =	smul.u32 $0xF7A, s1;
	s8 =	simm.s32 @!p0 $0x1BF5;
	p2 =	por !p2, p0  }
0x20: {  	[sflag:s8] =	ssyncset.s32 @!p0 $0xFFFFF086;
	s6 =	sadd.s32 @!p0 s3, s7;
	s7 =	simm.s32 @!p0 $0x108  }
0x21: {  	s3 =	sadd.s32 s3, s9;
	s6 =	sadd.s32 @!p0 $0x88, s6;
	s7 =	simm.s32 @p2 $0x1082  }
0x22: {  	[simem:s7], [sflag:s8] =	dma.local @!p0 [hbm:s6], $0xF7A  }
0x23: {  	s9 =	sor.u32 $0xD0000000, s2;
	s6 =	simm.s32 $0x108;
	_ =	swait.ge @!p0 [sflag:s8], $0x0  }
0x24: {  	s3 =	sadd.s32 $0x88, s3;
	s6 =	simm.s32 @!p1 $0x1082;
	[sflag:s4] =	ssyncset.s32 $0xFFFFF086  }
0x25: {  	[simem:s6], [sflag:s4] =	dma.local [hbm:s3], $0xF7A  }
0x26: {  	[smem:$0x3F9D] =	sst s1;
	(tag) =	ssettag s2;
	_ =	strace s9  }
0x27: {  	s1 =	sld [smem:$0x3FAD]  }
0x28: {  	s2 =	sld [smem:$0x3FAE]  }
0x29: {  	s4 =	sld [smem:$0x3FB0]  }
0x2a: {  	p0 =	seq.s32 s5, $0x0;
	s5 =	sld [smem:$0x3FB1]  }
0x2b: {  	s6 =	sld [smem:$0x3FB2]  }
0x2c: {  	s7 =	sld [smem:$0x3FB3]  }
0x2d: {  	s3 =	simm.s32 $0x108;
	s8 =	sld [smem:$0x3FB4]  }
0x2e: {  	s3 =	simm.s32 @!p0 $0x1082;
	s9 =	sld [smem:$0x3FB5]  }
0x2f: {  	lr =	sadd.s32 s0, s3;
	s0 =	sld [smem:$0x3FAC]  }
0x30: {  	s3 =	sld [smem:$0x3FAF]  }
0x31: {  	[smem:$0x3FB8] =	sst s10  }
0x32: {  	s10 =	sld [smem:$0x3FB6];
	_ =	sdelay $0x3  }
0x33: {  	p0 =	seq.s32 s10, $0x1;
	s10 =	sld [smem:$0x3FB8];
	_ =	sdelay $0x3  }
0x34: {  	[smem:$0x3FB8] =	sst s10  }
0x35: {  	s10 =	sld [smem:$0x3FB7];
	_ =	sdelay $0x3  }
0x36: {  	p1 =	seq.s32 s10, $0x1;
	s10 =	sld [smem:$0x3FB8];
	_ =	sdelay $0x3  }
0x37: {  	[smem:$0x3FB8] =	sst s10  }
0x38: {  	s10 =	sld [smem:$0x3FB9]  }
0x39: {  	_ = 	snop;
	(pc) =	sbr.ind lr, $3  }
0x3a: {  	_ = 	snop  }
0x3b: {  	_ = 	snop  }
0x3c: {  	p2 =	seq.s32 s10, $0x1;
	s10 =	sld [smem:$0x3FB8]  }
0x3d: {  	_ =	shalt  }
0x3e: {  	_ =	shalt  }
0x3f: {  	_ =	shalt  }
0x40: {  	_ =	shalt  }
0x41: {  	_ =	shalt  }
0x42: {  	_ =	shalt  }
0x43: {  	_ =	shalt  }
0x44: {  	_ =	shalt  }
0x45: {  	_ =	shalt  }
0x46: {  	_ =	shalt  }
0x47: {  	_ =	shalt  }
0x48: {  	_ =	shalt  }
0x49: {  	_ =	shalt  }
0x4a: {  	_ =	shalt  }
0x4b: {  	_ =	shalt  }
0x4c: {  	_ =	shalt  }
0x4d: {  	_ =	shalt  }
0x4e: {  	_ =	shalt  }
0x4f: {  	_ =	shalt  }
0x50: {  	_ =	shalt  }
0x51: {  	_ =	shalt  }
0x52: {  	_ =	shalt  }
0x53: {  	_ =	shalt  }
0x54: {  	_ =	shalt  }
0x55: {  	_ =	shalt  }
0x56: {  	_ =	shalt  }
0x57: {  	_ =	shalt  }
0x58: {  	_ =	shalt  }
0x59: {  	_ =	shalt  }
0x5a: {  	_ =	shalt  }
0x5b: {  	_ =	shalt  }
0x5c: {  	_ =	shalt  }
0x5d: {  	_ =	shalt  }
0x5e: {  	_ =	shalt  }
0x5f: {  	_ =	shalt  }
0x60: {  	_ =	shalt  }
0x61: {  	_ =	shalt  }
0x62: {  	_ =	shalt  }
0x63: {  	_ =	shalt  }
0x64: {  	_ =	shalt  }
0x65: {  	_ =	shalt  }
0x66: {  	_ =	shalt  }
0x67: {  	_ =	shalt  }
0x68: {  	_ =	shalt  }
0x69: {  	_ =	shalt  }
0x6a: {  	_ =	shalt  }
0x6b: {  	_ =	shalt  }
0x6c: {  	_ =	shalt  }
0x6d: {  	_ =	shalt  }
0x6e: {  	_ =	shalt  }
0x6f: {  	_ =	shalt  }
0x70: {  	_ =	shalt  }
0x71: {  	_ =	shalt  }
0x72: {  	_ =	shalt  }
0x73: {  	_ =	shalt  }
0x74: {  	_ =	shalt  }
0x75: {  	_ =	shalt  }
0x76: {  	_ =	shalt  }
0x77: {  	_ =	shalt  }
0x78: {  	_ =	shalt  }
0x79: {  	_ =	shalt  }
0x7a: {  	_ =	shalt  }
0x7b: {  	_ =	shalt  }
0x7c: {  	_ =	shalt  }
0x7d: {  	_ =	shalt  }
0x7e: {  	_ =	shalt  }
0x7f: {  	_ =	shalt  }
0x80: {  	_ =	shalt  }
0x81: {  	_ =	shalt  }
0x82: {  	_ =	shalt  }
0x83: {  	_ =	shalt  }
0x84: {  	_ =	shalt  }
0x85: {  	_ =	shalt  }
0x86: {  	_ =	shalt  }
0x87: {  	_ =	shalt  }
.Lfunc_end0:
.L_simem_size_0:
called_computation_lowered:
.L_overlay_start_0:
0x88: {  	s2 =	sld [smem:$0x3FD9]  }
0x89: {  	s3 =	sld [smem:$0x3FFE];
	_ =	sdelay $0x1  }
0x8a: {  	s1 =	srdreg.scid  }
0x8b: {  	s0 =	sand.u32 $0x1, s1  }
0x8c: {  	s14 =	sshll.u32 s0, $0xA;
	s2 =	sadd.s32 s3, s2  }
0x8d: {  	s2 =	sadd.s32 s2, s14  }
0x8e: {  	[smem:$0x3FC4] =	sst s2  }
0x8f: {  	_ = 	snop  }
0x90: {  	s2 =	sld [smem:$0x3FD0];
	_ =	sdelay $0x1  }
0x91: {  	s15 =	sld [smem:$0x3FC9]  }
0x92: {  	s5 =	simm.s32 $0xA;
	s6 =	simm.s32 $0x10;
	s4 =	sld [smem:$0x3FC8]  }
0x93: {  	[smem:s6], [sflag:s5] =	dma.local [hbm:s2], $0x1  }
0x94: {  	_ =	swait.eq [sflag:s5], $0x1  }
0x95: {  	[sflag:s5] =	ssyncset.done $0x0  }
0x96: {  	[sflag:s5] =	ssyncadd.s32 $0xFFFFFFFF  }
0x97: {  	s16 =	sld [smem:$0x15];
	(tm) =	ssettm $0x1  }
0x98: {  	s17 =	sld [smem:$0x3FFB];
	_ =	sdelay $0x3  }
0x99: {  	_ =	strace s17  }
0x9a: {  	s5 =	sld [smem:$0x3FFC];
	_ =	sdelay $0x3  }
0x9b: {  	_ =	strace s5  }
0x9c: {  	s5 =	sld [smem:$0x3FFD];
	_ =	sdelay $0x3  }
0x9d: {  	_ =	strace s5  }
0x9e: {  	_ =	strace $0x8FFFFFFF  }
0x9f: {  	s18 =	sld [smem:$0x3FDB];
	_ =	sdelay $0x1  }
0xa0: {  	s19 =	simm.s32 $_scs_section_size  }
0xa1: {  	s7 =	simm.s32 $_size__tile_overlayer_lowered;
	s8 =	simm.s32 $_tile_overlayer_lowered  }
0xa2: {  	s22 =	simm.s32 $0x1BFF;
	s21 =	sshll.u32 s8, $0x1;
	s5 =	sadd.s32 s19, s18  }
0xa3: {  	s9 =	simm.s32 $0x0;
	s20 =	sshll.u32 s7, $0x1;
	s7 =	sadd.s32 s21, s5  }
0xa4: {  	[timem:s9], [sflag:s22] =	dma.local [hbm:s7], s20  }
0xa5: {  	_ =	swait.ge [sflag:s22], s20  }
0xa6: {  	s6 =	ssub.s32 $0x0, s20;
	[sflag:s22] =	ssyncset.done $0x0  }
0xa7: {  	[sflag:s22] =	ssyncadd.s32 s6;
	_ =	sdelay $0x1  }
0xa8: {  	s23 =	simm.s32 $0x1B8B  }
0xa9: {  	_ =	swait.ge [sflag:s23], $0x1  }
0xaa: {  	[sflag:s23] =	ssyncset.done $0x0  }
0xab: {  	s25 =	simm.s32 $0x1B8E;
	s24 =	sld [smem:$0x3FFE];
	[sflag:s23] =	ssyncadd.s32 $0xFFFFFFFF  }
0xac: {  	s26 =	simm.s32 $execute0_lowered;
	[smem:$0x3FD2] =	sst s25  }
0xad: {  	s7 =	sshll.u32 s26, $0x1;
	_ =	strace $0x80000046;
	[dreg:$0x1] =	wrdreg $0xFFFFFFFF  }
0xae: {  	s28 =	simm.s32 $_size_execute0_lowered;
	s5 =	sadd.s32 s5, s7;
	[dreg:$0x0] =	wrdreg $0x0  }
0xaf: {  	s7 =	sshll.u32 s28, $0x1;
	[dreg:$0x2] =	wrdreg s5  }
0xb0: {  	[dreg:$0x3] =	wrdreg s7  }
0xb1: {  	[dreg:$0x4] =	wrdreg $0xC0  }
0xb2: {  	_ =	task [dreg:s9], $0x5FFFF  }
0xb3: {  	[dreg:$0x1] =	wrdreg $0xFFFFFFFF  }
0xb4: {  	[dreg:$0x0] =	wrdreg $0x60  }
0xb5: {  	[dreg:$0x2] =	wrdreg s24  }
0xb6: {  	[dreg:$0x3] =	wrdreg s15  }
0xb7: {  	[dreg:$0x4] =	wrdreg s4  }
0xb8: {  	[dreg:$0x5] =	wrdreg s16  }
0xb9: {  	[dreg:$0x6] =	wrdreg $0x9  }
0xba: {  	_ =	task.clear_ibuf [dreg:s9], $0x7FFFF;
	_ =	strace $0x90000046  }
0xbb: {  	s29 =	simm.s32 $0x9;
	_ =	strace $0x80000048  }
0xbc: {  	_ =	swait.ge [sflag:s29], $0x1  }
0xbd: {  	[sflag:s29] =	ssyncadd.s32 $0xFFFFFFFF  }
0xbe: {  	_ =	strace $0x90000048  }
0xbf: {  	_ =	sfence  }
0xc0: {  	s30 =	sld [smem:$0x0];
	_ =	sdelay $0x2  }
0xc1: {  	s31 =	sshll.u32 s1, $0xD;
	s1 =	sshrl.u32 s1, $0x2  }
0xc2: {  	s3 =	sand.u32 $0x4000, s31;
	s1 =	sadd.s32 s1, s30  }
0xc3: {  	s0 =	sor.u32 s3, s0;
	s1 =	sshll.u32 s1, $0x11  }
0xc4: {  	s0 =	sor.u32 s1, s0  }
0xc5: {  	s0 =	sadd.s32 $0x8F2B, s0  }
0xc6: {  	[sflag:s0] =	ssyncadd.remote.s32 $0x1  }
0xc7: {  	_ =	sfence.sel $0xFFFF  }
0xc8: {  	[dreg:$0x0] =	wrdreg $0xFFFFFFFF;
	(pc) =	sbr.abs _section_cstart, $3  }
0xc9: {  	[dreg:$0x1] =	wrdreg $0xFFFFFFFF  }
0xca: {  	_ =	task.clear_ibuf [dreg:s9], $0x2FFFF;
	_ =	strace $0x9FFFFFFF  }
0xcb: {  	(tm) =	ssettm $0x7FFFFFFF  }
tec
execute0_lowered:
.L_overlay_start_1:
0x0: {  	(tag) =	ssettag $0x1  }
0x1: {  	s0 =	rddreg [dreg:$0x0]  }
0x2: {  	s3 =	rddreg [dreg:$0x1]  }
0x3: {  	s4 =	rddreg [dreg:$0x2]  }
0x4: {  	s5 =	rddreg [dreg:$0x3]  }
0x5: {  	s2 =	srdreg.scid;
	s1 =	stileid.u32;
	s17 =	simm.s32 $0x200  }
0x6: {  	s18 =	simm.s32 $0x280;
	s6 =	sand.u32 $0x1, s2;
	s2 =	simm.s32 $0x0  }
0x7: {  	s20 =	simm.s32 $0xA80;
	s21 =	simm.s32 $0x300;
	[smem:$0x7FF] =	sst s2  }
0x8: {  	s22 =	simm.s32 $0xB00;
	_ =	strace $0x80000047;
	[dreg:$0xa] =	wrdreg s17  }
0x9: {  	s23 =	simm.s32 $0x380;
	s24 =	simm.s32 $0xB80;
	[dreg:$0xb] =	wrdreg s18  }
0xa: {  	s25 =	simm.s32 $0x400;
	s26 =	simm.s32 $0x480;
	[dreg:$0xc] =	wrdreg s20  }
0xb: {  	s9 =	simm.s32 $0xC00;
	s13 =	simm.s32 $0x580;
	[dreg:$0xd] =	wrdreg s21  }
0xc: {  	s28 =	simm.s32 $0x900;
	s29 =	simm.s32 $0x1100;
	[dreg:$0xe] =	wrdreg s22  }
0xd: {  	s30 =	simm.s32 $0x980;
	s31 =	simm.s32 $0x1180;
	[dreg:$0xf] =	wrdreg s23  }
0xe: {  	s7 =	sshll.u32 s1, $0x7;
	s8 =	sshll.u32 s6, $0x6;
	[dreg:$0x10] =	wrdreg s24  }
0xf: {  	s19 =	ssub.s32 $0x2, s6;
	s7 =	sor.u32 s8, s7;
	[dreg:$0x11] =	wrdreg s25  }
0x10: {  	s6 =	sshrl.u32 s19, $0x1;
	s8 =	simm.s32 $0xA00;
	[dreg:$0x12] =	wrdreg s26  }
0x11: {  	s17 =	simm.s32 $0x680;
	s18 =	simm.s32 $0xE80;
	s20 =	simm.s32 $0xF00  }
0x12: {  	s21 =	simm.s32 $0x780;
	s22 =	simm.s32 $0xF80;
	s23 =	simm.s32 $0x800  }
0x13: {  	s24 =	simm.s32 $0x1000;
	s25 =	simm.s32 $0x880;
	s3 =	sadd.s32 s3, s7  }
0x14: {  	s26 =	simm.s32 $0x1080;
	s4 =	sadd.s32 s4, s7;
	[dreg:$0x5] =	wrdreg s3  }
0x15: {  	s3 =	sadd.s32 s5, s7;
	[dreg:$0x6] =	wrdreg s4;
	s4 =	sadd.s32 $0xC00, s0  }
0x16: {  	s5 =	ssub.s32 s19, s6;
	s6 =	simm.s32 $0x2;
	s14 =	sadd.s32 $0x800, s3  }
0x17: {  	s7 =	simm.s32 $0x80;
	s15 =	sadd.s32 $0x1000, s3;
	[dreg:$0x7] =	wrdreg s14  }
0x18: {  	s19 =	simm.s32 $0x700;
	s16 =	sadd.s32 $0x1800, s3;
	[dreg:$0x8] =	wrdreg s15  }
0x19: {  	s0 =	simm.s32 $0x1;
	s5 =	smax.u32 s5, $0x1;
	[dreg:$0x9] =	wrdreg s16  }
0x1a: {  	s14 =	simm.s32 $0xD80;
	s15 =	simm.s32 $0x600;
	s16 =	simm.s32 $0xE00  }
.LBB2_1:
0x1b: {  	s1 =	rddreg [dreg:$0x5]  }
0x1c: {  	[tilespmem:s2], [sflag:$0x2] =	stream.linear.gather [hbm4b:s1+s2], $0x200, $0x38;
	[tilespmem:$0x1200] =	vst v63  }
0x1d: {  	_ =	swait.ge [sflag:s6], $0x200  }
0x1e: {  	[sflag:s6] =	ssyncset.done $0x0  }
0x1f: {  	[sflag:s6] =	ssyncadd.s32 $0xFFFFFE00  }
0x20: {  	v0 =	vld [tilespmem:$0x0];
	_ =	sdelay $0x1  }
0x21: {  	v1 =	vld [tilespmem:$0x10];
	_ =	sdelay $0x1  }
0x22: {  	v2 =	vld [tilespmem:$0x20]  }
0x23: {  	v3 =	vshll.u32 v0, $0x1  }
0x24: {  	v4 =	vld [tilespmem:$0x30];
	v0 =	vand.u32 $0x7F, v0;
	v3 =	vand.u32 $0xFFFFFF00, v3  }
0x25: {  	v48 =	vshll.u32 v1, $0x1;
	v0 =	vor.u32 v0, v3  }
0x26: {  	v5 =	vld [tilespmem:$0x40];
	v1 =	vand.u32 $0x7F, v1;
	v3 =	vand.u32 $0xFFFFFF00, v48;
	[tilespmem:$0x200] =	vst v0;
	v0 =	vor.u32 $0x80, v0  }
0x27: {  	v50 =	vshll.u32 v2, $0x1;
	v49 =	vor.u32 v1, v3;
	[tilespmem:$0x400] =	vst v0  }
0x28: {  	v51 =	vld [tilespmem:$0x50];
	v2 =	vand.u32 $0x7F, v2;
	v1 =	vand.u32 $0xFFFFFF00, v50;
	[tilespmem:$0x210] =	vst v49;
	v0 =	vor.u32 $0x80, v49  }
0x29: {  	v53 =	vshll.u32 v4, $0x1;
	v52 =	vor.u32 v2, v1;
	[tilespmem:$0x410] =	vst v0  }
0x2a: {  	v55 =	vld [tilespmem:$0x60];
	v54 =	vand.u32 $0x7F, v4;
	v1 =	vand.u32 $0xFFFFFF00, v53;
	[tilespmem:$0x220] =	vst v52;
	v0 =	vor.u32 $0x80, v52  }
0x2b: {  	v57 =	vshll.u32 v5, $0x1;
	v56 =	vor.u32 v54, v1;
	[tilespmem:$0x420] =	vst v0  }
0x2c: {  	v59 =	vld [tilespmem:$0x70];
	v58 =	vand.u32 $0x7F, v5;
	v1 =	vand.u32 $0xFFFFFF00, v57;
	[tilespmem:$0x230] =	vst v56;
	v0 =	vor.u32 $0x80, v56  }
0x2d: {  	v61 =	vshll.u32 v51, $0x1;
	v60 =	vor.u32 v58, v1;
	[tilespmem:$0x430] =	vst v0  }
0x2e: {  	v63 =	vld [tilespmem:$0x80];
	v62 =	vand.u32 $0x7F, v51;
	v1 =	vand.u32 $0xFFFFFF00, v61;
	[tilespmem:$0x240] =	vst v60;
	v0 =	vor.u32 $0x80, v60  }
0x2f: {  	v9 =	vshll.u32 v55, $0x1;
	v8 =	vor.u32 v62, v1;
	[tilespmem:$0x440] =	vst v0  }
0x30: {  	v11 =	vld [tilespmem:$0x90];
	v10 =	vand.u32 $0x7F, v55;
	v1 =	vand.u32 $0xFFFFFF00, v9;
	[tilespmem:$0x250] =	vst v8;
	v0 =	vor.u32 $0x80, v8  }
0x31: {  	v13 =	vshll.u32 v59, $0x1;
	v12 =	vor.u32 v10, v1;
	[tilespmem:$0x450] =	vst v0  }
0x32: {  	v15 =	vld [tilespmem:$0xA0];
	v14 =	vand.u32 $0x7F, v59;
	v1 =	vand.u32 $0xFFFFFF00, v13;
	[tilespmem:$0x260] =	vst v12;
	v0 =	vor.u32 $0x80, v12  }
0x33: {  	v17 =	vshll.u32 v63, $0x1;
	v16 =	vor.u32 v14, v1;
	[tilespmem:$0x460] =	vst v0  }
0x34: {  	v19 =	vld [tilespmem:$0xB0];
	v18 =	vand.u32 $0x7F, v63;
	v1 =	vand.u32 $0xFFFFFF00, v17;
	[tilespmem:$0x270] =	vst v16;
	v0 =	vor.u32 $0x80, v16  }
0x35: {  	v21 =	vshll.u32 v11, $0x1;
	v20 =	vor.u32 v18, v1;
	[tilespmem:$0x470] =	vst v0  }
0x36: {  	v23 =	vld [tilespmem:$0xC0];
	v22 =	vand.u32 $0x7F, v11;
	v1 =	vand.u32 $0xFFFFFF00, v21;
	[tilespmem:$0x280] =	vst v20;
	v0 =	vor.u32 $0x80, v20  }
0x37: {  	v25 =	vshll.u32 v15, $0x1;
	v24 =	vor.u32 v22, v1;
	[tilespmem:$0x480] =	vst v0  }
0x38: {  	v27 =	vld [tilespmem:$0xD0];
	v26 =	vand.u32 $0x7F, v15;
	v1 =	vand.u32 $0xFFFFFF00, v25;
	[tilespmem:$0x290] =	vst v24;
	v0 =	vor.u32 $0x80, v24  }
0x39: {  	v29 =	vshll.u32 v19, $0x1;
	v28 =	vor.u32 v26, v1;
	[tilespmem:$0x490] =	vst v0  }
0x3a: {  	v31 =	vld [tilespmem:$0xE0];
	v30 =	vand.u32 $0x7F, v19;
	v1 =	vand.u32 $0xFFFFFF00, v29;
	[tilespmem:$0x2A0] =	vst v28;
	v0 =	vor.u32 $0x80, v28  }
0x3b: {  	v33 =	vshll.u32 v23, $0x1;
	v32 =	vor.u32 v30, v1;
	[tilespmem:$0x4A0] =	vst v0  }
0x3c: {  	v35 =	vld [tilespmem:$0xF0];
	v34 =	vand.u32 $0x7F, v23;
	v1 =	vand.u32 $0xFFFFFF00, v33;
	[tilespmem:$0x2B0] =	vst v32;
	v0 =	vor.u32 $0x80, v32  }
0x3d: {  	v37 =	vshll.u32 v27, $0x1;
	v36 =	vor.u32 v34, v1;
	[tilespmem:$0x4B0] =	vst v0  }
0x3e: {  	v39 =	vld [tilespmem:$0x100];
	v38 =	vand.u32 $0x7F, v27;
	v1 =	vand.u32 $0xFFFFFF00, v37;
	[tilespmem:$0x2C0] =	vst v36;
	v0 =	vor.u32 $0x80, v36  }
0x3f: {  	v41 =	vshll.u32 v31, $0x1;
	v40 =	vor.u32 v38, v1;
	[tilespmem:$0x4C0] =	vst v0  }
0x40: {  	v43 =	vld [tilespmem:$0x110];
	v42 =	vand.u32 $0x7F, v31;
	v1 =	vand.u32 $0xFFFFFF00, v41;
	[tilespmem:$0x2D0] =	vst v40;
	v0 =	vor.u32 $0x80, v40  }
0x41: {  	v45 =	vshll.u32 v35, $0x1;
	v44 =	vor.u32 v42, v1;
	[tilespmem:$0x4D0] =	vst v0  }
0x42: {  	v47 =	vld [tilespmem:$0x120];
	v46 =	vand.u32 $0x7F, v35;
	v1 =	vand.u32 $0xFFFFFF00, v45;
	[tilespmem:$0x2E0] =	vst v44;
	v0 =	vor.u32 $0x80, v44  }
0x43: {  	v49 =	vshll.u32 v39, $0x1;
	v48 =	vor.u32 v46, v1;
	[tilespmem:$0x4E0] =	vst v0  }
0x44: {  	v51 =	vld [tilespmem:$0x130];
	v50 =	vand.u32 $0x7F, v39;
	v1 =	vand.u32 $0xFFFFFF00, v49;
	[tilespmem:$0x2F0] =	vst v48;
	v0 =	vor.u32 $0x80, v48  }
0x45: {  	v53 =	vshll.u32 v43, $0x1;
	v52 =	vor.u32 v50, v1;
	[tilespmem:$0x4F0] =	vst v0  }
0x46: {  	v55 =	vld [tilespmem:$0x140];
	v54 =	vand.u32 $0x7F, v43;
	v1 =	vand.u32 $0xFFFFFF00, v53;
	[tilespmem:$0x300] =	vst v52;
	v0 =	vor.u32 $0x80, v52  }
0x47: {  	v57 =	vshll.u32 v47, $0x1;
	v56 =	vor.u32 v54, v1;
	[tilespmem:$0x500] =	vst v0  }
0x48: {  	v59 =	vld [tilespmem:$0x150];
	v58 =	vand.u32 $0x7F, v47;
	v1 =	vand.u32 $0xFFFFFF00, v57;
	[tilespmem:$0x310] =	vst v56;
	v0 =	vor.u32 $0x80, v56  }
0x49: {  	v61 =	vshll.u32 v51, $0x1;
	v60 =	vor.u32 v58, v1;
	[tilespmem:$0x510] =	vst v0  }
0x4a: {  	v63 =	vld [tilespmem:$0x160];
	v62 =	vand.u32 $0x7F, v51;
	v1 =	vand.u32 $0xFFFFFF00, v61;
	[tilespmem:$0x320] =	vst v60;
	v0 =	vor.u32 $0x80, v60  }
0x4b: {  	v9 =	vshll.u32 v55, $0x1;
	v8 =	vor.u32 v62, v1;
	[tilespmem:$0x520] =	vst v0  }
0x4c: {  	v11 =	vld [tilespmem:$0x170];
	v10 =	vand.u32 $0x7F, v55;
	v1 =	vand.u32 $0xFFFFFF00, v9;
	[tilespmem:$0x330] =	vst v8;
	v0 =	vor.u32 $0x80, v8  }
0x4d: {  	v13 =	vshll.u32 v59, $0x1;
	v12 =	vor.u32 v10, v1;
	[tilespmem:$0x530] =	vst v0  }
0x4e: {  	v15 =	vld [tilespmem:$0x180];
	v14 =	vand.u32 $0x7F, v59;
	v1 =	vand.u32 $0xFFFFFF00, v13;
	[tilespmem:$0x340] =	vst v12;
	v0 =	vor.u32 $0x80, v12  }
0x4f: {  	v17 =	vshll.u32 v63, $0x1;
	v16 =	vor.u32 v14, v1;
	[tilespmem:$0x540] =	vst v0  }
0x50: {  	v19 =	vld [tilespmem:$0x190];
	v18 =	vand.u32 $0x7F, v63;
	v1 =	vand.u32 $0xFFFFFF00, v17;
	[tilespmem:$0x350] =	vst v16;
	v0 =	vor.u32 $0x80, v16  }
0x51: {  	v21 =	vshll.u32 v11, $0x1;
	v20 =	vor.u32 v18, v1;
	[tilespmem:$0x550] =	vst v0  }
0x52: {  	v23 =	vld [tilespmem:$0x1A0];
	v22 =	vand.u32 $0x7F, v11;
	v1 =	vand.u32 $0xFFFFFF00, v21;
	[tilespmem:$0x360] =	vst v20;
	v0 =	vor.u32 $0x80, v20  }
0x53: {  	v25 =	vshll.u32 v15, $0x1;
	v24 =	vor.u32 v22, v1;
	[tilespmem:$0x560] =	vst v0  }
0x54: {  	v27 =	vld [tilespmem:$0x1B0];
	v26 =	vand.u32 $0x7F, v15;
	v1 =	vand.u32 $0xFFFFFF00, v25;
	[tilespmem:$0x370] =	vst v24;
	v0 =	vor.u32 $0x80, v24  }
0x55: {  	v29 =	vshll.u32 v19, $0x1;
	v28 =	vor.u32 v26, v1;
	[tilespmem:$0x570] =	vst v0  }
0x56: {  	v31 =	vld [tilespmem:$0x1C0];
	v30 =	vand.u32 $0x7F, v19;
	v1 =	vand.u32 $0xFFFFFF00, v29;
	[tilespmem:$0x380] =	vst v28;
	v0 =	vor.u32 $0x80, v28  }
0x57: {  	v33 =	vshll.u32 v23, $0x1;
	v32 =	vor.u32 v30, v1;
	[tilespmem:$0x580] =	vst v0  }
0x58: {  	v35 =	vld [tilespmem:$0x1D0];
	v34 =	vand.u32 $0x7F, v23;
	v1 =	vand.u32 $0xFFFFFF00, v33;
	[tilespmem:$0x390] =	vst v32;
	v0 =	vor.u32 $0x80, v32  }
0x59: {  	v37 =	vshll.u32 v27, $0x1;
	v36 =	vor.u32 v34, v1;
	[tilespmem:$0x590] =	vst v0  }
0x5a: {  	v39 =	vld [tilespmem:$0x1E0];
	v38 =	vand.u32 $0x7F, v27;
	v1 =	vand.u32 $0xFFFFFF00, v37;
	[tilespmem:$0x3A0] =	vst v36;
	v0 =	vor.u32 $0x80, v36  }
0x5b: {  	v41 =	vshll.u32 v31, $0x1;
	v40 =	vor.u32 v38, v1;
	[tilespmem:$0x5A0] =	vst v0  }
0x5c: {  	v43 =	vld [tilespmem:$0x1F0];
	v42 =	vand.u32 $0x7F, v31;
	v1 =	vand.u32 $0xFFFFFF00, v41;
	[tilespmem:$0x3B0] =	vst v40;
	v0 =	vor.u32 $0x80, v40  }
0x5d: {  	v45 =	vshll.u32 v35, $0x1;
	v44 =	vor.u32 v42, v1;
	[tilespmem:$0x5B0] =	vst v0  }
0x5e: {  	v46 =	vand.u32 $0x7F, v35;
	v1 =	vand.u32 $0xFFFFFF00, v45;
	[tilespmem:$0x3C0] =	vst v44;
	v0 =	vor.u32 $0x80, v44  }
0x5f: {  	v48 =	vshll.u32 v39, $0x1;
	v47 =	vor.u32 v46, v1;
	[tilespmem:$0x5C0] =	vst v0  }
0x60: {  	v49 =	vand.u32 $0x7F, v39;
	v1 =	vand.u32 $0xFFFFFF00, v48;
	[tilespmem:$0x3D0] =	vst v47;
	v0 =	vor.u32 $0x80, v47  }
0x61: {  	v51 =	vshll.u32 v43, $0x1;
	v50 =	vor.u32 v49, v1;
	[tilespmem:$0x5D0] =	vst v0  }
0x62: {  	v52 =	vand.u32 $0x7F, v43;
	v1 =	vand.u32 $0xFFFFFF00, v51;
	[tilespmem:$0x3E0] =	vst v50;
	v0 =	vor.u32 $0x80, v50  }
0x63: {  	v53 =	vor.u32 v52, v1;
	[tilespmem:$0x5E0] =	vst v0  }
0x64: {  	[tilespmem:$0x3F0] =	vst v53;
	v0 =	vor.u32 $0x80, v53  }
0x65: {  	s11 =	rddreg [dreg:$0x6];
	[tilespmem:$0x5F0] =	vst v0  }
0x66: {  	[tilespmem:s2], [sflag:$0x2] =	stream.linear.gather [hbm4b:s11+s2], $0x200, $0x38;
	[tilespmem:$0x1200] =	vst v63  }
0x67: {  	_ =	swait.ge [sflag:s6], $0x200  }
0x68: {  	[sflag:s6] =	ssyncset.done $0x0  }
0x69: {  	[sflag:s6] =	ssyncadd.s32 $0xFFFFFE00  }
0x6a: {  	v54 =	vld [tilespmem:$0x0];
	_ =	sdelay $0x1  }
0x6b: {  	v55 =	vld [tilespmem:$0x10];
	_ =	sdelay $0x1  }
0x6c: {  	v56 =	vld [tilespmem:$0x20]  }
0x6d: {  	v57 =	vshll.u32 v54, $0x1  }
0x6e: {  	v58 =	vld [tilespmem:$0x30];
	v0 =	vand.u32 $0x7F, v54;
	v3 =	vand.u32 $0xFFFFFF00, v57  }
0x6f: {  	v59 =	vshll.u32 v55, $0x1;
	v0 =	vor.u32 v0, v3  }
0x70: {  	v60 =	vld [tilespmem:$0x40];
	v1 =	vand.u32 $0x7F, v55;
	v3 =	vand.u32 $0xFFFFFF00, v59;
	[tilespmem:$0x600] =	vst v0;
	v0 =	vor.u32 $0x80, v0  }
0x71: {  	v62 =	vshll.u32 v56, $0x1;
	v61 =	vor.u32 v1, v3;
	[tilespmem:$0x800] =	vst v0  }
0x72: {  	v63 =	vld [tilespmem:$0x50];
	v2 =	vand.u32 $0x7F, v56;
	v1 =	vand.u32 $0xFFFFFF00, v62;
	[tilespmem:$0x610] =	vst v61;
	v0 =	vor.u32 $0x80, v61  }
0x73: {  	v9 =	vshll.u32 v58, $0x1;
	v8 =	vor.u32 v2, v1;
	[tilespmem:$0x810] =	vst v0  }
0x74: {  	v11 =	vld [tilespmem:$0x60];
	v10 =	vand.u32 $0x7F, v58;
	v1 =	vand.u32 $0xFFFFFF00, v9;
	[tilespmem:$0x620] =	vst v8;
	v0 =	vor.u32 $0x80, v8  }
0x75: {  	v13 =	vshll.u32 v60, $0x1;
	v12 =	vor.u32 v10, v1;
	[tilespmem:$0x820] =	vst v0  }
0x76: {  	v15 =	vld [tilespmem:$0x70];
	v14 =	vand.u32 $0x7F, v60;
	v1 =	vand.u32 $0xFFFFFF00, v13;
	[tilespmem:$0x630] =	vst v12;
	v0 =	vor.u32 $0x80, v12  }
0x77: {  	v17 =	vshll.u32 v63, $0x1;
	v16 =	vor.u32 v14, v1;
	[tilespmem:$0x830] =	vst v0  }
0x78: {  	v19 =	vld [tilespmem:$0x80];
	v18 =	vand.u32 $0x7F, v63;
	v1 =	vand.u32 $0xFFFFFF00, v17;
	[tilespmem:$0x640] =	vst v16;
	v0 =	vor.u32 $0x80, v16  }
0x79: {  	v21 =	vshll.u32 v11, $0x1;
	v20 =	vor.u32 v18, v1;
	[tilespmem:$0x840] =	vst v0  }
0x7a: {  	v23 =	vld [tilespmem:$0x90];
	v22 =	vand.u32 $0x7F, v11;
	v1 =	vand.u32 $0xFFFFFF00, v21;
	[tilespmem:$0x650] =	vst v20;
	v0 =	vor.u32 $0x80, v20  }
0x7b: {  	v25 =	vshll.u32 v15, $0x1;
	v24 =	vor.u32 v22, v1;
	[tilespmem:$0x850] =	vst v0  }
0x7c: {  	v27 =	vld [tilespmem:$0xA0];
	v26 =	vand.u32 $0x7F, v15;
	v1 =	vand.u32 $0xFFFFFF00, v25;
	[tilespmem:$0x660] =	vst v24;
	v0 =	vor.u32 $0x80, v24  }
0x7d: {  	v29 =	vshll.u32 v19, $0x1;
	v28 =	vor.u32 v26, v1;
	[tilespmem:$0x860] =	vst v0  }
0x7e: {  	v31 =	vld [tilespmem:$0xB0];
	v30 =	vand.u32 $0x7F, v19;
	v1 =	vand.u32 $0xFFFFFF00, v29;
	[tilespmem:$0x670] =	vst v28;
	v0 =	vor.u32 $0x80, v28  }
0x7f: {  	v33 =	vshll.u32 v23, $0x1;
	v32 =	vor.u32 v30, v1;
	[tilespmem:$0x870] =	vst v0  }
0x80: {  	v35 =	vld [tilespmem:$0xC0];
	v34 =	vand.u32 $0x7F, v23;
	v1 =	vand.u32 $0xFFFFFF00, v33;
	[tilespmem:$0x680] =	vst v32;
	v0 =	vor.u32 $0x80, v32  }
0x81: {  	v37 =	vshll.u32 v27, $0x1;
	v36 =	vor.u32 v34, v1;
	[tilespmem:$0x880] =	vst v0  }
0x82: {  	v39 =	vld [tilespmem:$0xD0];
	v38 =	vand.u32 $0x7F, v27;
	v1 =	vand.u32 $0xFFFFFF00, v37;
	[tilespmem:$0x690] =	vst v36;
	v0 =	vor.u32 $0x80, v36  }
0x83: {  	v41 =	vshll.u32 v31, $0x1;
	v40 =	vor.u32 v38, v1;
	[tilespmem:$0x890] =	vst v0  }
0x84: {  	v43 =	vld [tilespmem:$0xE0];
	v42 =	vand.u32 $0x7F, v31;
	v1 =	vand.u32 $0xFFFFFF00, v41;
	[tilespmem:$0x6A0] =	vst v40;
	v0 =	vor.u32 $0x80, v40  }
0x85: {  	v45 =	vshll.u32 v35, $0x1;
	v44 =	vor.u32 v42, v1;
	[tilespmem:$0x8A0] =	vst v0  }
0x86: {  	v47 =	vld [tilespmem:$0xF0];
	v46 =	vand.u32 $0x7F, v35;
	v1 =	vand.u32 $0xFFFFFF00, v45;
	[tilespmem:$0x6B0] =	vst v44;
	v0 =	vor.u32 $0x80, v44  }
0x87: {  	v49 =	vshll.u32 v39, $0x1;
	v48 =	vor.u32 v46, v1;
	[tilespmem:$0x8B0] =	vst v0  }
0x88: {  	v51 =	vld [tilespmem:$0x100];
	v50 =	vand.u32 $0x7F, v39;
	v1 =	vand.u32 $0xFFFFFF00, v49;
	[tilespmem:$0x6C0] =	vst v48;
	v0 =	vor.u32 $0x80, v48  }
0x89: {  	v53 =	vshll.u32 v43, $0x1;
	v52 =	vor.u32 v50, v1;
	[tilespmem:$0x8C0] =	vst v0  }
0x8a: {  	v54 =	vand.u32 $0x7F, v43;
	v55 =	vld [tilespmem:$0x110];
	v1 =	vand.u32 $0xFFFFFF00, v53;
	[tilespmem:$0x6D0] =	vst v52;
	v0 =	vor.u32 $0x80, v52  }
0x8b: {  	v57 =	vshll.u32 v47, $0x1;
	v56 =	vor.u32 v54, v1;
	[tilespmem:$0x8D0] =	vst v0  }
0x8c: {  	v58 =	vand.u32 $0x7F, v47;
	v59 =	vld [tilespmem:$0x120];
	v1 =	vand.u32 $0xFFFFFF00, v57;
	[tilespmem:$0x6E0] =	vst v56;
	v0 =	vor.u32 $0x80, v56  }
0x8d: {  	v61 =	vshll.u32 v51, $0x1;
	v60 =	vor.u32 v58, v1;
	[tilespmem:$0x8E0] =	vst v0  }
0x8e: {  	v63 =	vld [tilespmem:$0x130];
	v62 =	vand.u32 $0x7F, v51;
	v1 =	vand.u32 $0xFFFFFF00, v61;
	[tilespmem:$0x6F0] =	vst v60;
	v0 =	vor.u32 $0x80, v60  }
0x8f: {  	v7 =	vshll.u32 v55, $0x1;
	v6 =	vor.u32 v62, v1;
	[tilespmem:$0x8F0] =	vst v0  }
0x90: {  	v9 =	vld [tilespmem:$0x140];
	v8 =	vand.u32 $0x7F, v55;
	v1 =	vand.u32 $0xFFFFFF00, v7;
	[tilespmem:$0x700] =	vst v6;
	v0 =	vor.u32 $0x80, v6  }
0x91: {  	v11 =	vshll.u32 v59, $0x1;
	v10 =	vor.u32 v8, v1;
	[tilespmem:$0x900] =	vst v0  }
0x92: {  	v13 =	vld [tilespmem:$0x150];
	v12 =	vand.u32 $0x7F, v59;
	v1 =	vand.u32 $0xFFFFFF00, v11;
	[tilespmem:$0x710] =	vst v10;
	v0 =	vor.u32 $0x80, v10  }
0x93: {  	v15 =	vshll.u32 v63, $0x1;
	v14 =	vor.u32 v12, v1;
	[tilespmem:$0x910] =	vst v0  }
0x94: {  	v17 =	vld [tilespmem:$0x160];
	v16 =	vand.u32 $0x7F, v63;
	v1 =	vand.u32 $0xFFFFFF00, v15;
	[tilespmem:$0x720] =	vst v14;
	v0 =	vor.u32 $0x80, v14  }
0x95: {  	v19 =	vshll.u32 v9, $0x1;
	v18 =	vor.u32 v16, v1;
	[tilespmem:$0x920] =	vst v0  }
0x96: {  	v21 =	vld [tilespmem:$0x170];
	v20 =	vand.u32 $0x7F, v9;
	v1 =	vand.u32 $0xFFFFFF00, v19;
	[tilespmem:$0x730] =	vst v18;
	v0 =	vor.u32 $0x80, v18  }
0x97: {  	v23 =	vshll.u32 v13, $0x1;
	v22 =	vor.u32 v20, v1;
	[tilespmem:$0x930] =	vst v0  }
0x98: {  	v25 =	vld [tilespmem:$0x180];
	v24 =	vand.u32 $0x7F, v13;
	v1 =	vand.u32 $0xFFFFFF00, v23;
	[tilespmem:$0x740] =	vst v22;
	v0 =	vor.u32 $0x80, v22  }
0x99: {  	v27 =	vshll.u32 v17, $0x1;
	v26 =	vor.u32 v24, v1;
	[tilespmem:$0x940] =	vst v0  }
0x9a: {  	v29 =	vld [tilespmem:$0x190];
	v28 =	vand.u32 $0x7F, v17;
	v1 =	vand.u32 $0xFFFFFF00, v27;
	[tilespmem:$0x750] =	vst v26;
	v0 =	vor.u32 $0x80, v26  }
0x9b: {  	v31 =	vshll.u32 v21, $0x1;
	v30 =	vor.u32 v28, v1;
	[tilespmem:$0x950] =	vst v0  }
0x9c: {  	v33 =	vld [tilespmem:$0x1A0];
	v32 =	vand.u32 $0x7F, v21;
	v1 =	vand.u32 $0xFFFFFF00, v31;
	[tilespmem:$0x760] =	vst v30;
	v0 =	vor.u32 $0x80, v30  }
0x9d: {  	v35 =	vshll.u32 v25, $0x1;
	v34 =	vor.u32 v32, v1;
	[tilespmem:$0x960] =	vst v0  }
0x9e: {  	v37 =	vld [tilespmem:$0x1B0];
	v36 =	vand.u32 $0x7F, v25;
	v1 =	vand.u32 $0xFFFFFF00, v35;
	[tilespmem:$0x770] =	vst v34;
	v0 =	vor.u32 $0x80, v34  }
0x9f: {  	v39 =	vshll.u32 v29, $0x1;
	v38 =	vor.u32 v36, v1;
	[tilespmem:$0x970] =	vst v0  }
0xa0: {  	v41 =	vld [tilespmem:$0x1C0];
	v40 =	vand.u32 $0x7F, v29;
	v1 =	vand.u32 $0xFFFFFF00, v39;
	[tilespmem:$0x780] =	vst v38;
	v0 =	vor.u32 $0x80, v38  }
0xa1: {  	v43 =	vshll.u32 v33, $0x1;
	v42 =	vor.u32 v40, v1;
	[tilespmem:$0x980] =	vst v0  }
0xa2: {  	v45 =	vld [tilespmem:$0x1D0];
	v44 =	vand.u32 $0x7F, v33;
	v1 =	vand.u32 $0xFFFFFF00, v43;
	[tilespmem:$0x790] =	vst v42;
	v0 =	vor.u32 $0x80, v42  }
0xa3: {  	v47 =	vshll.u32 v37, $0x1;
	v46 =	vor.u32 v44, v1;
	[tilespmem:$0x990] =	vst v0  }
0xa4: {  	v49 =	vld [tilespmem:$0x1E0];
	v48 =	vand.u32 $0x7F, v37;
	v1 =	vand.u32 $0xFFFFFF00, v47;
	[tilespmem:$0x7A0] =	vst v46;
	v0 =	vor.u32 $0x80, v46  }
0xa5: {  	v51 =	vshll.u32 v41, $0x1;
	v50 =	vor.u32 v48, v1;
	[tilespmem:$0x9A0] =	vst v0  }
0xa6: {  	v53 =	vld [tilespmem:$0x1F0];
	v52 =	vand.u32 $0x7F, v41;
	v1 =	vand.u32 $0xFFFFFF00, v51;
	[tilespmem:$0x7B0] =	vst v50;
	v0 =	vor.u32 $0x80, v50  }
0xa7: {  	v55 =	vshll.u32 v45, $0x1;
	v54 =	vor.u32 v52, v1;
	[tilespmem:$0x9B0] =	vst v0  }
0xa8: {  	v56 =	vand.u32 $0x7F, v45;
	v1 =	vand.u32 $0xFFFFFF00, v55;
	[tilespmem:$0x7C0] =	vst v54;
	v0 =	vor.u32 $0x80, v54  }
0xa9: {  	v58 =	vshll.u32 v49, $0x1;
	v57 =	vor.u32 v56, v1;
	[tilespmem:$0x9C0] =	vst v0  }
0xaa: {  	v59 =	vand.u32 $0x7F, v49;
	v1 =	vand.u32 $0xFFFFFF00, v58;
	[tilespmem:$0x7D0] =	vst v57;
	v0 =	vor.u32 $0x80, v57  }
0xab: {  	v61 =	vshll.u32 v53, $0x1;
	v60 =	vor.u32 v59, v1;
	[tilespmem:$0x9D0] =	vst v0  }
0xac: {  	s12 =	rddreg [dreg:$0xa];
	v62 =	vand.u32 $0x7F, v53;
	v1 =	vand.u32 $0xFFFFFF00, v61;
	[tilespmem:$0x7E0] =	vst v60;
	v0 =	vor.u32 $0x80, v60  }
0xad: {  	s10 =	rddreg [dreg:$0xb];
	v63 =	vor.u32 v62, v1;
	[tilespmem:$0x9E0] =	vst v0  }
0xae: {  	s11 =	rddreg [dreg:$0xc];
	[tilespmem:$0x7F0] =	vst v63;
	v0 =	vor.u32 $0x80, v63  }
0xaf: {  	s1 =	rddreg [dreg:$0xd];
	[tilespmem:$0x9F0] =	vst v0  }
0xb0: {  	[tilespmem:s8], [sflag:$0x1] =	stream.indirect.gather [hbm4b:s4+s7], $0x1, s12, s7, $0xb8;
	[tilespmem:$0x1200] =	vst v63  }
0xb1: {  	s12 =	rddreg [dreg:$0x10]  }
0xb2: {  	[tilespmem:s11], [sflag:$0x1] =	stream.indirect.gather [hbm4b:s4+s7], $0x1, s10, s7, $0xb8;
	[tilespmem:$0x1200] =	vst v63  }
0xb3: {  	s10 =	rddreg [dreg:$0xe]  }
0xb4: {  	[tilespmem:s10], [sflag:$0x1] =	stream.indirect.gather [hbm4b:s4+s7], $0x1, s1, s7, $0xb8;
	[tilespmem:$0x1200] =	vst v63  }
0xb5: {  	s11 =	rddreg [dreg:$0xf]  }
0xb6: {  	[tilespmem:s12], [sflag:$0x1] =	stream.indirect.gather [hbm4b:s4+s7], $0x1, s11, s7, $0xb8;
	[tilespmem:$0x1200] =	vst v63  }
0xb7: {  	s10 =	rddreg [dreg:$0x11]  }
0xb8: {  	[tilespmem:s9], [sflag:$0x1] =	stream.indirect.gather [hbm4b:s4+s7], $0x1, s10, s7, $0xb8;
	[tilespmem:$0x1200] =	vst v63  }
0xb9: {  	s11 =	rddreg [dreg:$0x12];
	s12 =	simm.s32 $0xC80  }
0xba: {  	[tilespmem:s12], [sflag:$0x1] =	stream.indirect.gather [hbm4b:s4+s7], $0x1, s11, s7, $0xb8;
	[tilespmem:$0x1200] =	vst v63  }
0xbb: {  	s11 =	simm.s32 $0x500;
	s12 =	simm.s32 $0xD00  }
0xbc: {  	[tilespmem:s12], [sflag:$0x1] =	stream.indirect.gather [hbm4b:s4+s7], $0x1, s11, s7, $0xb8;
	[tilespmem:$0x1200] =	vst v63  }
0xbd: {  	_ = 	snop  }
0xbe: {  	[tilespmem:s14], [sflag:$0x1] =	stream.indirect.gather [hbm4b:s4+s7], $0x1, s13, s7, $0xb8;
	[tilespmem:$0x1200] =	vst v63  }
0xbf: {  	_ = 	snop  }
0xc0: {  	[tilespmem:s16], [sflag:$0x1] =	stream.indirect.gather [hbm4b:s4+s7], $0x1, s15, s7, $0xb8;
	[tilespmem:$0x1200] =	vst v63  }
0xc1: {  	_ = 	snop  }
0xc2: {  	[tilespmem:s18], [sflag:$0x1] =	stream.indirect.gather [hbm4b:s4+s7], $0x1, s17, s7, $0xb8;
	[tilespmem:$0x1200] =	vst v63  }
0xc3: {  	_ = 	snop  }
0xc4: {  	[tilespmem:s20], [sflag:$0x1] =	stream.indirect.gather [hbm4b:s4+s7], $0x1, s19, s7, $0xb8;
	[tilespmem:$0x1200] =	vst v63  }
0xc5: {  	_ = 	snop  }
0xc6: {  	[tilespmem:s22], [sflag:$0x1] =	stream.indirect.gather [hbm4b:s4+s7], $0x1, s21, s7, $0xb8;
	[tilespmem:$0x1200] =	vst v63  }
0xc7: {  	_ = 	snop  }
0xc8: {  	[tilespmem:s24], [sflag:$0x1] =	stream.indirect.gather [hbm4b:s4+s7], $0x1, s23, s7, $0xb8;
	[tilespmem:$0x1200] =	vst v63  }
0xc9: {  	_ = 	snop  }
0xca: {  	[tilespmem:s26], [sflag:$0x1] =	stream.indirect.gather [hbm4b:s4+s7], $0x1, s25, s7, $0xb8;
	[tilespmem:$0x1200] =	vst v63  }
0xcb: {  	_ = 	snop  }
0xcc: {  	[tilespmem:s29], [sflag:$0x1] =	stream.indirect.gather [hbm4b:s4+s7], $0x1, s28, s7, $0xb8;
	[tilespmem:$0x1200] =	vst v63  }
0xcd: {  	_ = 	snop  }
0xce: {  	[tilespmem:s31], [sflag:$0x1] =	stream.indirect.gather [hbm4b:s4+s7], $0x1, s30, s7, $0xb8;
	[tilespmem:$0x1200] =	vst v63  }
0xcf: {  	_ =	swait.ge [sflag:s0], $0x80  }
0xd0: {  	[sflag:s0] =	ssyncset.done $0x0  }
0xd1: {  	[sflag:s0] =	ssyncadd.s32 $0xFFFFFF80  }
0xd2: {  	_ =	swait.ge [sflag:s0], $0x80  }
0xd3: {  	[sflag:s0] =	ssyncset.done $0x0  }
0xd4: {  	[sflag:s0] =	ssyncadd.s32 $0xFFFFFF80  }
0xd5: {  	_ =	swait.ge [sflag:s0], $0x80  }
0xd6: {  	[sflag:s0] =	ssyncset.done $0x0  }
0xd7: {  	[sflag:s0] =	ssyncadd.s32 $0xFFFFFF80  }
0xd8: {  	_ =	swait.ge [sflag:s0], $0x80  }
0xd9: {  	[sflag:s0] =	ssyncset.done $0x0  }
0xda: {  	[sflag:s0] =	ssyncadd.s32 $0xFFFFFF80  }
0xdb: {  	_ =	swait.ge [sflag:s0], $0x80  }
0xdc: {  	[sflag:s0] =	ssyncset.done $0x0  }
0xdd: {  	[sflag:s0] =	ssyncadd.s32 $0xFFFFFF80  }
0xde: {  	_ =	swait.ge [sflag:s0], $0x80  }
0xdf: {  	[sflag:s0] =	ssyncset.done $0x0  }
0xe0: {  	[sflag:s0] =	ssyncadd.s32 $0xFFFFFF80  }
0xe1: {  	_ =	swait.ge [sflag:s0], $0x80  }
0xe2: {  	[sflag:s0] =	ssyncset.done $0x0  }
0xe3: {  	[sflag:s0] =	ssyncadd.s32 $0xFFFFFF80  }
0xe4: {  	_ =	swait.ge [sflag:s0], $0x80  }
0xe5: {  	[sflag:s0] =	ssyncset.done $0x0  }
0xe6: {  	[sflag:s0] =	ssyncadd.s32 $0xFFFFFF80  }
0xe7: {  	_ =	swait.ge [sflag:s0], $0x80  }
0xe8: {  	[sflag:s0] =	ssyncset.done $0x0  }
0xe9: {  	[sflag:s0] =	ssyncadd.s32 $0xFFFFFF80  }
0xea: {  	_ =	swait.ge [sflag:s0], $0x80  }
0xeb: {  	[sflag:s0] =	ssyncset.done $0x0  }
0xec: {  	[sflag:s0] =	ssyncadd.s32 $0xFFFFFF80  }
0xed: {  	_ =	swait.ge [sflag:s0], $0x80  }
0xee: {  	[sflag:s0] =	ssyncset.done $0x0  }
0xef: {  	[sflag:s0] =	ssyncadd.s32 $0xFFFFFF80  }
0xf0: {  	_ =	swait.ge [sflag:s0], $0x80  }
0xf1: {  	[sflag:s0] =	ssyncset.done $0x0  }
0xf2: {  	[sflag:s0] =	ssyncadd.s32 $0xFFFFFF80  }
0xf3: {  	_ =	swait.ge [sflag:s0], $0x80  }
0xf4: {  	[sflag:s0] =	ssyncset.done $0x0  }
0xf5: {  	[sflag:s0] =	ssyncadd.s32 $0xFFFFFF80  }
0xf6: {  	_ =	swait.ge [sflag:s0], $0x80  }
0xf7: {  	[sflag:s0] =	ssyncset.done $0x0  }
0xf8: {  	[sflag:s0] =	ssyncadd.s32 $0xFFFFFF80  }
0xf9: {  	_ =	swait.ge [sflag:s0], $0x80  }
0xfa: {  	[sflag:s0] =	ssyncset.done $0x0  }
0xfb: {  	[sflag:s0] =	ssyncadd.s32 $0xFFFFFF80  }
0xfc: {  	_ =	swait.ge [sflag:s0], $0x80  }
0xfd: {  	[sflag:s0] =	ssyncset.done $0x0  }
0xfe: {  	[sflag:s0] =	ssyncadd.s32 $0xFFFFFF80  }
0xff: {  	[hbm4b:s3+s2] =	stream.linear.scatter [tilespmem:s8], [sflag:$0x2], $0x200, $0x38;
	[tilespmem:$0x1200] =	vst v63  }
0x100: {  	_ =	swait.ge [sflag:s6], $0x200  }
0x101: {  	[sflag:s6] =	ssyncset.done $0x0  }
0x102: {  	s10 =	rddreg [dreg:$0x7];
	[sflag:s6] =	ssyncadd.s32 $0xFFFFFE00  }
0x103: {  	[hbm4b:s10+s2] =	stream.linear.scatter [tilespmem:s9], [sflag:$0x2], $0x200, $0x38;
	[tilespmem:$0x1200] =	vst v63  }
0x104: {  	_ =	swait.ge [sflag:s6], $0x200  }
0x105: {  	[sflag:s6] =	ssyncset.done $0x0  }
0x106: {  	s11 =	rddreg [dreg:$0x8];
	[sflag:s6] =	ssyncadd.s32 $0xFFFFFE00  }
0x107: {  	[hbm4b:s11+s2] =	stream.linear.scatter [tilespmem:s16], [sflag:$0x2], $0x200, $0x38;
	[tilespmem:$0x1200] =	vst v63  }
0x108: {  	_ =	swait.ge [sflag:s6], $0x200  }
0x109: {  	p0 =	sne.s32 s5, $0x1;
	[sflag:s6] =	ssyncset.done $0x0  }
.Ltmp0:
0x10a: {  	s12 =	rddreg [dreg:$0x9];
	[sflag:s6] =	ssyncadd.s32 $0xFFFFFE00;
	(pc) =	sbr.rel @p0 .LBB2_1-.Ltmp0, $4  }
0x10b: {  	[hbm4b:s12+s2] =	stream.linear.scatter [tilespmem:s24], [sflag:$0x2], $0x200, $0x38;
	[tilespmem:$0x1200] =	vst v63  }
0x10c: {  	_ =	swait.ge [sflag:s6], $0x200  }
0x10d: {  	[sflag:s6] =	ssyncset.done $0x0  }
0x10e: {  	s5 =	sadd.s32 $0xFFFFFFFF, s5;
	[sflag:s6] =	ssyncadd.s32 $0xFFFFFE00  }
0x10f: {  	_ =	sfence.sel $0x180000  }
0x110: {  	[bflag:$0x0] =	sbarrier.arrive $0xFFFF  }
0x111: {  	_ =	strace $0x90000047  }
0x112: {  	s0 =	stileid.u32;
	[bflag:$0x2] =	sbarrier.arrive $0xFFFF  }
0x113: {  	p0 =	sne.s32 s0, $0x0;
	s0 =	rddreg [dreg:$0x4]  }
0x114: {  	s0 =	sadd.s32 @!p0 $0x100000, s0  }
0x115: {  	[sflag:s0] =	ssyncadd.tile.s32 @!p0 $0x1;
	_ =	shalt  }
.Lfunc_end2:
_tile_overlayer_lowered:
.L_overlay_start_2:
0x116: {  	(tag) =	ssettag $0x2  }
0x117: {  	s0 =	rddreg [dreg:$0x0];
	s2 =	stileid.u32  }
0x118: {  	s1 =	rddreg [dreg:$0x1];
	p0 =	sne.s32 s2, $0x0  }
0x119: {  	s3 =	rddreg [dreg:$0x2];
	[bflag:$0x3] =	sbarrier.arrive $0xFFFF;
	s2 =	simm.s32 @!p0 $0x1C02  }
0x11a: {  	[timem:s3], [sflag:s2] =	dma.local @!p0 [hbm:s0], s1  }
0x11b: {  	s0 =	simm.s32 @!p0 $0x2  }
0x11c: {  	_ =	swait.ge @!p0 [sflag:s0], s1  }
0x11d: {  	s1 =	ssub.s32 @!p0 $0x0, s1;
	[sflag:s0] =	ssyncset.done @!p0 $0x0  }
0x11e: {  	[sflag:s0] =	ssyncadd.s32 @!p0 s1  }
0x11f: {  	[bflag:$0x3] =	sbarrier.arrive $0xFFFF  }
0x120: {  	_ =	shalt  }

</sc_bundles>
